<compile_context>
chip_gen: v7x
topology: tpu7x:2x2x1
jax: 0.10.2.dev20260603
libtpu: 0.0.44.dev20260713+nightly
codegen_flags: <defaults>
</compile_context>

<pallas_src>
import functools

import jax
import jax.numpy as jnp
from jax import lax
from jax.experimental import pallas as pl
from jax.experimental.pallas import tpu as pltpu
from jax.experimental.pallas import tpu_sc as plsc

_N = 10000
_NPAD = 10240
_E = 160000
_C = 128
_CHUNK = 128
_NCHUNKS = 1280
_EPAD = _NCHUNKS * _CHUNK
_NC, _NS = 2, 16
_NW = _NC * _NS
_CPW = _NCHUNKS // _NW
_ECH = 64
_NCH2 = _EPAD // _ECH
_CPT = _NCH2 // _NW
_RPT = _NPAD // _NS
_NREL = 3

_MESH = plsc.VectorSubcoreMesh(
    core_axis_name="c", subcore_axis_name="s", num_cores=_NC, num_subcores=_NS)



_NCR = _E // _CHUNK
_TAILR = _NCR - _CPW * (_NW - 1)
_EPW = _CPW * _CHUNK
_TAILE = _TAILR * _CHUNK
_DPW = _EPW // _ECH


def _sc_prep_body(ei_hbm, et_hbm, gidx_hbm, dstp_hbm, degp_hbm,
                  src_all, et_all, dst1, dst_all, g_all, ones_v, zv, dacc,
                  ssem):
    cid = lax.axis_index("c")
    sid = lax.axis_index("s")
    wid = cid * _NS + sid
    last = _NW - 1
    lo = wid * _EPW
    cnt2 = jnp.where(wid < last, _DPW, 2 * _TAILR)

    @pl.when(wid < last)
    def _():
        pltpu.sync_copy(ei_hbm.at[0, pl.ds(lo, _EPW)], src_all)
        pltpu.sync_copy(ei_hbm.at[1, pl.ds(lo, _EPW)], dst1)
        pltpu.sync_copy(et_hbm.at[pl.ds(lo, _EPW)], et_all)

    @pl.when(wid == last)
    def _():
        pltpu.sync_copy(ei_hbm.at[0, pl.ds(last * _EPW, _TAILE)],
                        src_all.at[pl.ds(0, _TAILE)])
        pltpu.sync_copy(ei_hbm.at[1, pl.ds(last * _EPW, _TAILE)],
                        dst1.at[pl.ds(0, _TAILE)])
        pltpu.sync_copy(et_hbm.at[pl.ds(last * _EPW, _TAILE)],
                        et_all.at[pl.ds(0, _TAILE)])

    def zstep(k, carry):
        zv[pl.ds(k * 16, 16)] = jnp.zeros((16,), jnp.float32)
        return carry
    lax.fori_loop(0, _RPT // 16, zstep, 0)
    for k in range(_ECH // 16):
        ones_v[pl.ds(k * 16, 16)] = jnp.ones((16,), jnp.float32)
    pltpu.sync_copy(zv, dacc.at[pl.ds(sid * _RPT, _RPT)])
    plsc.subcore_barrier()

    def step(j, carry):
        for k in range(_ECH // 16):
            sl = pl.ds(j * _ECH + k * 16, 16)
            g_all[sl] = et_all[sl] * _N + src_all[sl]
            dst_all[j, pl.ds(k * 16, 16)] = dst1[sl]
        pltpu.async_copy(ones_v, dacc.at[dst_all.at[j]], ssem, add=True)
        return carry
    lax.fori_loop(0, cnt2, step, 0)

    @pl.when(wid == last)
    def _():
        def padrow(j, carry):
            for k in range(_ECH // 16):
                sl = pl.ds(k * 16, 16)
                lane = lax.iota(jnp.int32, 16)
                v = j * 911 + k * 128 + lane * 8
                g_all[pl.ds(j * _ECH + k * 16, 16)] = lax.rem(v, _NREL * _N)
                dst_all[j, sl] = _N + lax.rem(j * 64 + k * 16 + lane,
                                              _NPAD - _N)
            return carry
        lax.fori_loop(2 * _TAILR, _DPW, padrow, 0)

    pltpu.sync_copy(g_all, gidx_hbm.at[pl.ds(lo, _EPW)])
    pltpu.sync_copy(dst_all, dstp_hbm.at[pl.ds(wid * _DPW, _DPW)])

    def drain(t, carry):
        pltpu.make_async_copy(ones_v, dacc.at[dst_all.at[t]], ssem).wait()
        return carry
    lax.fori_loop(0, cnt2, drain, 0)
    plsc.subcore_barrier()
    pltpu.sync_copy(dacc.at[pl.ds(sid * _RPT, _RPT)],
                    degp_hbm.at[cid, pl.ds(sid * _RPT, _RPT)])


_sc_prep = pl.kernel(
    _sc_prep_body,
    out_type=[jax.ShapeDtypeStruct((_EPAD,), jnp.int32),
              jax.ShapeDtypeStruct((_NCH2, _ECH), jnp.int32),
              jax.ShapeDtypeStruct((_NC, _NPAD), jnp.float32)],
    mesh=_MESH,
    scratch_types=[
        pltpu.VMEM((_EPW,), jnp.int32),
        pltpu.VMEM((_EPW,), jnp.int32),
        pltpu.VMEM((_EPW,), jnp.int32),
        pltpu.VMEM((_DPW, _ECH), jnp.int32),
        pltpu.VMEM((_EPW,), jnp.int32),
        pltpu.VMEM((_ECH,), jnp.float32),
        pltpu.VMEM((_RPT,), jnp.float32),
        pltpu.VMEM_SHARED((_NPAD,), jnp.float32),
        pltpu.SemaphoreType.DMA,
    ],
)


def _sc_edges_body(table_hbm, gidx_hbm, dst_hbm, parts_hbm,
                   gidx_all, dst_all, rows0, rows1, rows2, rows3, acc,
                   gsem0, gsem1, gsem2, gsem3, ssem0, ssem1, ssem2, ssem3):
    cid = lax.axis_index("c")
    sid = lax.axis_index("s")
    wid = cid * _NS + sid

    pltpu.async_copy(gidx_hbm.at[pl.ds(wid * _CPT * _ECH, _CPT * _ECH)],
                     gidx_all, ssem0)
    pltpu.async_copy(dst_hbm.at[pl.ds(wid * _CPT, _CPT)], dst_all, ssem1)

    def zrow(r, carry):
        for k in range(_C // 16):
            rows0[r, pl.ds(k * 16, 16)] = jnp.zeros((16,), jnp.float32)
        return carry
    lax.fori_loop(0, _ECH, zrow, 0)
    for i in range(_RPT // _ECH):
        pltpu.async_copy(rows0, acc.at[pl.ds(sid * _RPT + i * _ECH, _ECH)],
                         gsem0)
    for i in range(_RPT // _ECH):
        pltpu.make_async_copy(
            rows0, acc.at[pl.ds(sid * _RPT + i * _ECH, _ECH)], gsem0).wait()
    pltpu.make_async_copy(
        gidx_hbm.at[pl.ds(wid * _CPT * _ECH, _CPT * _ECH)], gidx_all,
        ssem0).wait()
    pltpu.make_async_copy(
        dst_hbm.at[pl.ds(wid * _CPT, _CPT)], dst_all, ssem1).wait()
    plsc.subcore_barrier()

    rows = (rows0, rows1, rows2, rows3)
    gsem = (gsem0, gsem1, gsem2, gsem3)
    ssem = (ssem0, ssem1, ssem2, ssem3)
    def gsl(c):
        return gidx_all.at[pl.ds(c * _ECH, _ECH)]
    for b in range(4):
        pltpu.async_copy(table_hbm.at[gsl(b)], rows[b], gsem[b])

    def quad(q, carry):
        base = 4 * q
        for b in range(4):
            c = base + b
            pltpu.make_async_copy(
                table_hbm.at[gsl(c)], rows[b], gsem[b]).wait()
            pltpu.async_copy(rows[b], acc.at[dst_all.at[c]], ssem[b],
                             add=True)

            @pl.when(c + 4 < _CPT)
            def _():
                pltpu.make_async_copy(
                    rows[b], acc.at[dst_all.at[c]], ssem[b]).wait()
                pltpu.async_copy(
                    table_hbm.at[gsl(c + 4)], rows[b], gsem[b])
        return carry
    lax.fori_loop(0, _CPT // 4, quad, 0)
    for b in range(4):
        pltpu.make_async_copy(
            rows[b], acc.at[dst_all.at[_CPT - 4 + b]], ssem[b]).wait()
    plsc.subcore_barrier()
    pltpu.sync_copy(acc.at[pl.ds(sid * _RPT, _RPT)],
                    parts_hbm.at[cid, pl.ds(sid * _RPT, _RPT)])


_sc_edges = pl.kernel(
    _sc_edges_body,
    out_type=jax.ShapeDtypeStruct((_NC, _NPAD, _C), jnp.float32),
    mesh=_MESH,
    scratch_types=[
        pltpu.VMEM((_CPT * _ECH,), jnp.int32),
        pltpu.VMEM((_CPT, _ECH), jnp.int32),
        pltpu.VMEM((_ECH, _C), jnp.float32),
        pltpu.VMEM((_ECH, _C), jnp.float32),
        pltpu.VMEM((_ECH, _C), jnp.float32),
        pltpu.VMEM((_ECH, _C), jnp.float32),
        pltpu.VMEM_SHARED((_NPAD, _C), jnp.float32),
        pltpu.SemaphoreType.DMA,
        pltpu.SemaphoreType.DMA,
        pltpu.SemaphoreType.DMA,
        pltpu.SemaphoreType.DMA,
        pltpu.SemaphoreType.DMA,
        pltpu.SemaphoreType.DMA,
        pltpu.SemaphoreType.DMA,
        pltpu.SemaphoreType.DMA,
    ],
)



def _dinv_body(degp_ref, dinv_ref):
    d = degp_ref[0:1, :] + degp_ref[1:2, :]
    r = jnp.where(d > 0, lax.rsqrt(jnp.maximum(d, 1e-30)), 0.0)
    dinv_ref[...] = jnp.reshape(r, (_NPAD, 1))


_tc_dinv = pl.pallas_call(
    _dinv_body,
    out_shape=jax.ShapeDtypeStruct((_NPAD, 1), jnp.float32),
)


def _lin1_body(x_ref, w_ref, b_ref, h_ref):
    h = jnp.dot(x_ref[...], w_ref[...], preferred_element_type=jnp.float32,
                precision=lax.Precision.HIGHEST)
    h_ref[...] = jnp.maximum(h + b_ref[...], 0.0)


_tc_lin1 = pl.pallas_call(
    _lin1_body,
    grid=(8,),
    in_specs=[
        pl.BlockSpec((1000, 256), lambda i: (i, 0)),
        pl.BlockSpec((256, _C), lambda i: (0, 0)),
        pl.BlockSpec((1, _C), lambda i: (0, 0)),
    ],
    out_specs=pl.BlockSpec((1000, _C), lambda i: (i, 0)),
    out_shape=jax.ShapeDtypeStruct((8000, _C), jnp.float32),
)


def _z_body(xin_ref, dinv_ref, w_ref, z_ref):
    xs = xin_ref[...] * dinv_ref[...]
    for i in range(_NREL):
        z_ref[i] = jnp.dot(xs, w_ref[i], preferred_element_type=jnp.float32,
                           precision=lax.Precision.HIGHEST)


_tc_z = pl.pallas_call(
    _z_body,
    grid=(5,),
    in_specs=[
        pl.BlockSpec((2000, _C), lambda b: (b, 0)),
        pl.BlockSpec((2000, 1), lambda b: (b, 0)),
        pl.BlockSpec((_NREL, _C, _C), lambda b: (0, 0, 0)),
    ],
    out_specs=pl.BlockSpec((_NREL, 2000, _C), lambda b: (0, b, 0)),
    out_shape=jax.ShapeDtypeStruct((_NREL, _N, _C), jnp.float32),
)


def _d_body(xin_ref, root_ref, b_ref, d_ref):
    d_ref[...] = jnp.dot(xin_ref[...], root_ref[...],
                         preferred_element_type=jnp.float32,
                         precision=lax.Precision.HIGHEST) + b_ref[...]


_tc_d = pl.pallas_call(
    _d_body,
    grid=(5,),
    in_specs=[
        pl.BlockSpec((2000, _C), lambda i: (i, 0)),
        pl.BlockSpec((_C, _C), lambda i: (0, 0)),
        pl.BlockSpec((1, _C), lambda i: (0, 0)),
    ],
    out_specs=pl.BlockSpec((2000, _C), lambda i: (i, 0)),
    out_shape=jax.ShapeDtypeStruct((_N, _C), jnp.float32),
)


_GROUPS = ((0, 8000), (8000, 8800), (8800, 9800), (9800, _N))


def _combine_body(parts_ref, d_ref, dinv_ref, out_ref, *, relu):
    agg = parts_ref[0][0:_N, :] + parts_ref[1][0:_N, :]
    u = d_ref[...] + dinv_ref[...] * agg
    if relu:
        u = jnp.maximum(u, 0.0)
    for a, b in _GROUPS:
        z = u[a:b, :]
        m = jnp.mean(z, axis=0, keepdims=True)
        v = jnp.mean((z - m) ** 2, axis=0, keepdims=True)
        out_ref[a:b, :] = (z - m) * lax.rsqrt(v + 1e-5)


def _make_combine(relu):
    return pl.pallas_call(
        functools.partial(_combine_body, relu=relu),
        out_shape=jax.ShapeDtypeStruct((_N, _C), jnp.float32),
    )


_tc_combine_relu = _make_combine(True)
_tc_combine_last = _make_combine(False)



def kernel(x, edge_index, edge_types, dis_emb, comp_emb, path_emb,
           lin1_W, lin1_b, root1, w1, b1, root2, w2, b2, root3, w3, b3):
    ei = edge_index.astype(jnp.int32)
    et1 = edge_types.astype(jnp.int32)

    gidx_flat, dst64, degp = _sc_prep(ei, et1)
    dinv_col = _tc_dinv(degp)[:_N]

    h = _tc_lin1(x, lin1_W, lin1_b.reshape(1, _C))
    xin = jnp.concatenate([h, dis_emb, comp_emb, path_emb], axis=0)

    layers = ((root1, w1, b1, True), (root2, w2, b2, True),
              (root3, w3, b3, False))
    for root, w, b, relu in layers:
        z = _tc_z(xin, dinv_col, w)
        parts = _sc_edges(z.reshape(_NREL * _N, _C), gidx_flat, dst64)
        d = _tc_d(xin, root, b.reshape(1, _C))
        if relu:
            xin = _tc_combine_relu(parts, d, dinv_col)
        else:
            xin = _tc_combine_last(parts, d, dinv_col)
    return xin

# --- scband reference (transcript-rebuilt; emitter-appended) ---
"""Pipeline reference for scband-ctdencoder-39127152066938 (READ-ONLY COPY).

The authoritative reference and input builder live on the scoring server;
editing this copy changes nothing except your own understanding.
"""

import jax, jax.numpy as jnp
import numpy as np

N_GENE = 8000
N_DIS = 800
N_COMP = 1000
N_PATH = 200
N = N_GENE + N_DIS + N_COMP + N_PATH
E = 160000
IN_C = 256
OUT_C = 128
HID = IN_C // 2  # 128
NUM_REL = 3


def _glorot(k, shape):
    fan = shape[-2] + shape[-1]
    a = float(np.sqrt(6.0 / fan))
    return jax.random.uniform(k, shape, minval=-a, maxval=a, dtype=jnp.float32)


def setup_inputs(seed: int = 0) -> dict:
    key = jax.random.key(seed)
    ks = jax.random.split(key, 20)
    x = jax.random.normal(ks[0], (N_GENE, IN_C), dtype=jnp.float32)
    edge_index = jax.random.randint(ks[1], (2, E), 0, N, dtype=jnp.int64)
    edge_types = jax.random.randint(ks[2], (E,), 0, NUM_REL, dtype=jnp.int64)
    dis_emb = jax.random.uniform(ks[3], (N_DIS, OUT_C), dtype=jnp.float32)
    comp_emb = jax.random.uniform(ks[4], (N_COMP, OUT_C), dtype=jnp.float32)
    path_emb = jax.random.uniform(ks[5], (N_PATH, OUT_C), dtype=jnp.float32)
    lin1_W = _glorot(ks[6], (IN_C, OUT_C))
    lin1_b = jnp.zeros((OUT_C,), dtype=jnp.float32)
    root1 = _glorot(ks[7], (OUT_C, HID))
    w1 = _glorot(ks[8], (NUM_REL, OUT_C, HID))
    b1 = jnp.zeros((HID,), dtype=jnp.float32)
    root2 = _glorot(ks[9], (HID, HID))
    w2 = _glorot(ks[10], (NUM_REL, HID, HID))
    b2 = jnp.zeros((HID,), dtype=jnp.float32)
    root3 = _glorot(ks[11], (HID, OUT_C))
    w3 = _glorot(ks[12], (NUM_REL, HID, OUT_C))
    b3 = jnp.zeros((OUT_C,), dtype=jnp.float32)
    return {
        'x': x, 'edge_index': edge_index, 'edge_types': edge_types,
        'dis_emb': dis_emb, 'comp_emb': comp_emb, 'path_emb': path_emb,
        'lin1_W': lin1_W, 'lin1_b': lin1_b,
        'root1': root1, 'w1': w1, 'b1': b1,
        'root2': root2, 'w2': w2, 'b2': b2,
        'root3': root3, 'w3': w3, 'b3': b3,
    }


def _bn(z, eps=1e-5):
    m = jnp.mean(z, axis=0)
    v = jnp.var(z, axis=0)
    return (z - m) / jnp.sqrt(v + eps)


def _bn_split(z):
    a = z[:N_GENE]
    b = z[N_GENE:N_GENE + N_DIS]
    c = z[N_GENE + N_DIS:N_GENE + N_DIS + N_COMP]
    d = z[N_GENE + N_DIS + N_COMP:]
    return jnp.concatenate([_bn(a), _bn(b), _bn(c), _bn(d)], axis=0)


def reference(x, edge_index, edge_types, dis_emb, comp_emb, path_emb,
              lin1_W, lin1_b, root1, w1, b1, root2, w2, b2, root3, w3, b3):
    src = edge_index[0]
    dst = edge_index[1]
    # gcn_norm (symmetric, no self-loops)
    ones = jnp.ones((E,), dtype=jnp.float32)
    deg = jax.ops.segment_sum(ones, dst, num_segments=N)
    dinv = jnp.where(deg > 0, 1.0 / jnp.sqrt(deg), 0.0)
    ew = dinv[src] * dinv[dst]

    def wrgcn(xin, root, weight, bias):
        out = xin @ root + bias
        for i in range(NUM_REL):
            wi = ew * (edge_types == i).astype(jnp.float32)
            h = jax.ops.segment_sum(wi[:, None] * xin[src], dst, num_segments=N)
            out = out + h @ weight[i]
        return out

    x0 = jnp.concatenate([jax.nn.relu(x @ lin1_W + lin1_b), dis_emb, comp_emb, path_emb], axis=0)
    x1 = _bn_split(jax.nn.relu(wrgcn(x0, root1, w1, b1)))
    x2 = _bn_split(jax.nn.relu(wrgcn(x1, root2, w2, b2)))
    x3 = _bn_split(wrgcn(x2, root3, w3, b3))
    # dropout treated as identity (deterministic/eval)
    return x3

if __name__ == "__main__":
    import jax
    _d = setup_inputs()
    print(jax.jit(kernel)(*tuple(_d.values())))

</pallas_src>

<mosaic_0001>
#map = affine_map<(d0, d1) -> (0, 0)>
#map1 = affine_map<(d0, d1) -> (0)>
module attributes {stable_mosaic.version = 14 : i64} {
  func.func @_sc_prep_body(%arg0: i32, %arg1: i32, %arg2: memref<2x160000xi32, #tpu.memory_space<hbm>>, %arg3: memref<160000xi32, #tpu.memory_space<hbm>>, %arg4: memref<163840xi32, #tpu.memory_space<hbm>>, %arg5: memref<2560x64xi32, #tpu.memory_space<hbm>>, %arg6: memref<2x10240xf32, #tpu.memory_space<hbm>>, %arg7: memref<5120xi32, #tpu.memory_space<vmem>>, %arg8: memref<5120xi32, #tpu.memory_space<vmem>>, %arg9: memref<5120xi32, #tpu.memory_space<vmem>>, %arg10: memref<80x64xi32, #tpu.memory_space<vmem>>, %arg11: memref<5120xi32, #tpu.memory_space<vmem>>, %arg12: memref<64xf32, #tpu.memory_space<vmem>>, %arg13: memref<640xf32, #tpu.memory_space<vmem>>, %arg14: memref<10240xf32, #tpu.memory_space<vmem_shared>>, %arg15: memref<!tpu.dma_semaphore, #tpu.memory_space<semaphore_mem>>) attributes {dimension_semantics = [#tpu.dimension_semantics<core_parallel>, #tpu.dimension_semantics<subcore_parallel>], iteration_bounds = array<i64: 2, 16>, scalar_prefetch = 0 : i64, scratch_operands = 9 : i64, tpu.core_type = #tpu.core_type<sc_vector_subcore>, window_params = [{transform_indices = #map}, {transform_indices = #map1}, {transform_indices = #map1}, {transform_indices = #map}, {transform_indices = #map}]} {
    %mul3A = arith.constant 16 : i32
    %mul3A_0 = arith.muli %arg0, %mul3A : i32
    %add3A = arith.addi %mul3A_0, %arg1 : i32
    %mul3A_1 = arith.constant 5120 : i32
    %mul3A_2 = arith.muli %add3A, %mul3A_1 : i32
    %lt3A = arith.constant 31 : i32
    %lt3A_3 = arith.cmpi slt, %add3A, %lt3A : i32
    %jit3A = arith.constant 80 : i32
    %jit3A_4 = arith.constant 20 : i32
    %select_n3A = arith.select %lt3A_3, %jit3A, %jit3A_4 : i32
    %lt3A_5 = arith.constant 31 : i32
    %lt3A_6 = arith.cmpi slt, %add3A, %lt3A_5 : i32
    %convert_element_type3A = arith.extui %lt3A_6 : i1 to i32
    %cond3A = arith.constant 0 : i32
    %cond3A_7 = arith.cmpi ne, %convert_element_type3A, %cond3A : i32
    scf.if %cond3A_7 {
      %run_scoped3A = arith.constant 0 : i32
      "tpu.region"() ({
        %run_scoped3A_73 = tpu.sem_alloc : memref<!tpu.dma_semaphore, #tpu.memory_space<semaphore_mem>>
        %dma_start3A = tpu.memref_slice %arg2[%run_scoped3A, %mul3A_2] : memref<2x160000xi32, #tpu.memory_space<hbm>> -> memref<1x5120xi32, #tpu.memory_space<hbm>>
        %dma_start3A_74 = tpu.memref_squeeze %dma_start3A : memref<1x5120xi32, #tpu.memory_space<hbm>> -> memref<5120xi32, #tpu.memory_space<hbm>>
        %dma_start3A_75 = tpu.memref_slice %arg2[%run_scoped3A, %mul3A_2] : memref<2x160000xi32, #tpu.memory_space<hbm>> -> memref<1x5120xi32, #tpu.memory_space<hbm>>
        %dma_start3A_76 = tpu.memref_squeeze %dma_start3A_75 : memref<1x5120xi32, #tpu.memory_space<hbm>> -> memref<5120xi32, #tpu.memory_space<hbm>>
        tpu.enqueue_dma source(%dma_start3A_76 : memref<5120xi32, #tpu.memory_space<hbm>>) target(%arg7 : memref<5120xi32, #tpu.memory_space<vmem>>) target_semaphore(%run_scoped3A_73 : memref<!tpu.dma_semaphore, #tpu.memory_space<semaphore_mem>>)
        %dma_wait3A = tpu.memref_slice %arg2[%run_scoped3A, %mul3A_2] : memref<2x160000xi32, #tpu.memory_space<hbm>> -> memref<1x5120xi32, #tpu.memory_space<hbm>>
        %dma_wait3A_77 = tpu.memref_squeeze %dma_wait3A : memref<1x5120xi32, #tpu.memory_space<hbm>> -> memref<5120xi32, #tpu.memory_space<hbm>>
        %dma_wait3A_78 = tpu.memref_slice %arg2[%run_scoped3A, %mul3A_2] : memref<2x160000xi32, #tpu.memory_space<hbm>> -> memref<1x5120xi32, #tpu.memory_space<hbm>>
        %dma_wait3A_79 = tpu.memref_squeeze %dma_wait3A_78 : memref<1x5120xi32, #tpu.memory_space<hbm>> -> memref<5120xi32, #tpu.memory_space<hbm>>
        tpu.wait_dma2 semaphore(%run_scoped3A_73 : memref<!tpu.dma_semaphore, #tpu.memory_space<semaphore_mem>>) src(%dma_wait3A_79 : memref<5120xi32, #tpu.memory_space<hbm>>) dst(%arg7 : memref<5120xi32, #tpu.memory_space<vmem>>)
        tpu.yield
      }) : () -> ()
      %run_scoped3A_72 = arith.constant 1 : i32
      "tpu.region"() ({
        %run_scoped3A_73 = tpu.sem_alloc : memref<!tpu.dma_semaphore, #tpu.memory_space<semaphore_mem>>
        %dma_start3A = tpu.memref_slice %arg2[%run_scoped3A_72, %mul3A_2] : memref<2x160000xi32, #tpu.memory_space<hbm>> -> memref<1x5120xi32, #tpu.memory_space<hbm>>
        %dma_start3A_74 = tpu.memref_squeeze %dma_start3A : memref<1x5120xi32, #tpu.memory_space<hbm>> -> memref<5120xi32, #tpu.memory_space<hbm>>
        %dma_start3A_75 = tpu.memref_slice %arg2[%run_scoped3A_72, %mul3A_2] : memref<2x160000xi32, #tpu.memory_space<hbm>> -> memref<1x5120xi32, #tpu.memory_space<hbm>>
        %dma_start3A_76 = tpu.memref_squeeze %dma_start3A_75 : memref<1x5120xi32, #tpu.memory_space<hbm>> -> memref<5120xi32, #tpu.memory_space<hbm>>
        tpu.enqueue_dma source(%dma_start3A_76 : memref<5120xi32, #tpu.memory_space<hbm>>) target(%arg9 : memref<5120xi32, #tpu.memory_space<vmem>>) target_semaphore(%run_scoped3A_73 : memref<!tpu.dma_semaphore, #tpu.memory_space<semaphore_mem>>)
        %dma_wait3A = tpu.memref_slice %arg2[%run_scoped3A_72, %mul3A_2] : memref<2x160000xi32, #tpu.memory_space<hbm>> -> memref<1x5120xi32, #tpu.memory_space<hbm>>
        %dma_wait3A_77 = tpu.memref_squeeze %dma_wait3A : memref<1x5120xi32, #tpu.memory_space<hbm>> -> memref<5120xi32, #tpu.memory_space<hbm>>
        %dma_wait3A_78 = tpu.memref_slice %arg2[%run_scoped3A_72, %mul3A_2] : memref<2x160000xi32, #tpu.memory_space<hbm>> -> memref<1x5120xi32, #tpu.memory_space<hbm>>
        %dma_wait3A_79 = tpu.memref_squeeze %dma_wait3A_78 : memref<1x5120xi32, #tpu.memory_space<hbm>> -> memref<5120xi32, #tpu.memory_space<hbm>>
        tpu.wait_dma2 semaphore(%run_scoped3A_73 : memref<!tpu.dma_semaphore, #tpu.memory_space<semaphore_mem>>) src(%dma_wait3A_79 : memref<5120xi32, #tpu.memory_space<hbm>>) dst(%arg9 : memref<5120xi32, #tpu.memory_space<vmem>>)
        tpu.yield
      }) : () -> ()
      "tpu.region"() ({
        %run_scoped3A_73 = tpu.sem_alloc : memref<!tpu.dma_semaphore, #tpu.memory_space<semaphore_mem>>
        %dma_start3A = tpu.memref_slice %arg3[%mul3A_2] : memref<160000xi32, #tpu.memory_space<hbm>> -> memref<5120xi32, #tpu.memory_space<hbm>>
        %dma_start3A_74 = tpu.memref_slice %arg3[%mul3A_2] : memref<160000xi32, #tpu.memory_space<hbm>> -> memref<5120xi32, #tpu.memory_space<hbm>>
        tpu.enqueue_dma source(%dma_start3A_74 : memref<5120xi32, #tpu.memory_space<hbm>>) target(%arg8 : memref<5120xi32, #tpu.memory_space<vmem>>) target_semaphore(%run_scoped3A_73 : memref<!tpu.dma_semaphore, #tpu.memory_space<semaphore_mem>>)
        %dma_wait3A = tpu.memref_slice %arg3[%mul3A_2] : memref<160000xi32, #tpu.memory_space<hbm>> -> memref<5120xi32, #tpu.memory_space<hbm>>
        %dma_wait3A_75 = tpu.memref_slice %arg3[%mul3A_2] : memref<160000xi32, #tpu.memory_space<hbm>> -> memref<5120xi32, #tpu.memory_space<hbm>>
        tpu.wait_dma2 semaphore(%run_scoped3A_73 : memref<!tpu.dma_semaphore, #tpu.memory_space<semaphore_mem>>) src(%dma_wait3A_75 : memref<5120xi32, #tpu.memory_space<hbm>>) dst(%arg8 : memref<5120xi32, #tpu.memory_space<vmem>>)
        tpu.yield
      }) : () -> ()
    } else {
    }
    %eq3A = arith.constant 31 : i32
    %eq3A_8 = arith.cmpi eq, %add3A, %eq3A : i32
    %convert_element_type3A_9 = arith.extui %eq3A_8 : i1 to i32
    %cond3A_10 = arith.constant 0 : i32
    %cond3A_11 = arith.cmpi ne, %convert_element_type3A_9, %cond3A_10 : i32
    scf.if %cond3A_11 {
      %run_scoped3A = arith.constant 0 : i32
      "tpu.region"() ({
        %run_scoped3A_73 = tpu.sem_alloc : memref<!tpu.dma_semaphore, #tpu.memory_space<semaphore_mem>>
        %dma_start3A = arith.constant 0 : i32
        %dma_start3A_74 = tpu.memref_slice %arg7[%dma_start3A] : memref<5120xi32, #tpu.memory_space<vmem>> -> memref<1280xi32, #tpu.memory_space<vmem>>
        %dma_start3A_75 = arith.constant 158720 : i32
        %dma_start3A_76 = tpu.memref_slice %arg2[%run_scoped3A, %dma_start3A_75] : memref<2x160000xi32, #tpu.memory_space<hbm>> -> memref<1x1280xi32, #tpu.memory_space<hbm>>
        %dma_start3A_77 = tpu.memref_squeeze %dma_start3A_76 : memref<1x1280xi32, #tpu.memory_space<hbm>> -> memref<1280xi32, #tpu.memory_space<hbm>>
        %dma_start3A_78 = arith.constant 0 : i32
        %dma_start3A_79 = tpu.memref_slice %arg7[%dma_start3A_78] : memref<5120xi32, #tpu.memory_space<vmem>> -> memref<1280xi32, #tpu.memory_space<vmem>>
        %dma_start3A_80 = arith.constant 158720 : i32
        %dma_start3A_81 = tpu.memref_slice %arg2[%run_scoped3A, %dma_start3A_80] : memref<2x160000xi32, #tpu.memory_space<hbm>> -> memref<1x1280xi32, #tpu.memory_space<hbm>>
        %dma_start3A_82 = tpu.memref_squeeze %dma_start3A_81 : memref<1x1280xi32, #tpu.memory_space<hbm>> -> memref<1280xi32, #tpu.memory_space<hbm>>
        tpu.enqueue_dma source(%dma_start3A_82 : memref<1280xi32, #tpu.memory_space<hbm>>) target(%dma_start3A_79 : memref<1280xi32, #tpu.memory_space<vmem>>) target_semaphore(%run_scoped3A_73 : memref<!tpu.dma_semaphore, #tpu.memory_space<semaphore_mem>>)
        %dma_wait3A = arith.constant 0 : i32
        %dma_wait3A_83 = tpu.memref_slice %arg7[%dma_wait3A] : memref<5120xi32, #tpu.memory_space<vmem>> -> memref<1280xi32, #tpu.memory_space<vmem>>
        %dma_wait3A_84 = arith.constant 158720 : i32
        %dma_wait3A_85 = tpu.memref_slice %arg2[%run_scoped3A, %dma_wait3A_84] : memref<2x160000xi32, #tpu.memory_space<hbm>> -> memref<1x1280xi32, #tpu.memory_space<hbm>>
        %dma_wait3A_86 = tpu.memref_squeeze %dma_wait3A_85 : memref<1x1280xi32, #tpu.memory_space<hbm>> -> memref<1280xi32, #tpu.memory_space<hbm>>
        %dma_wait3A_87 = arith.constant 0 : i32
        %dma_wait3A_88 = tpu.memref_slice %arg7[%dma_wait3A_87] : memref<5120xi32, #tpu.memory_space<vmem>> -> memref<1280xi32, #tpu.memory_space<vmem>>
        %dma_wait3A_89 = arith.constant 158720 : i32
        %dma_wait3A_90 = tpu.memref_slice %arg2[%run_scoped3A, %dma_wait3A_89] : memref<2x160000xi32, #tpu.memory_space<hbm>> -> memref<1x1280xi32, #tpu.memory_space<hbm>>
        %dma_wait3A_91 = tpu.memref_squeeze %dma_wait3A_90 : memref<1x1280xi32, #tpu.memory_space<hbm>> -> memref<1280xi32, #tpu.memory_space<hbm>>
        tpu.wait_dma2 semaphore(%run_scoped3A_73 : memref<!tpu.dma_semaphore, #tpu.memory_space<semaphore_mem>>) src(%dma_wait3A_91 : memref<1280xi32, #tpu.memory_space<hbm>>) dst(%dma_wait3A_88 : memref<1280xi32, #tpu.memory_space<vmem>>)
        tpu.yield
      }) : () -> ()
      %run_scoped3A_72 = arith.constant 1 : i32
      "tpu.region"() ({
        %run_scoped3A_73 = tpu.sem_alloc : memref<!tpu.dma_semaphore, #tpu.memory_space<semaphore_mem>>
        %dma_start3A = arith.constant 0 : i32
        %dma_start3A_74 = tpu.memref_slice %arg9[%dma_start3A] : memref<5120xi32, #tpu.memory_space<vmem>> -> memref<1280xi32, #tpu.memory_space<vmem>>
        %dma_start3A_75 = arith.constant 158720 : i32
        %dma_start3A_76 = tpu.memref_slice %arg2[%run_scoped3A_72, %dma_start3A_75] : memref<2x160000xi32, #tpu.memory_space<hbm>> -> memref<1x1280xi32, #tpu.memory_space<hbm>>
        %dma_start3A_77 = tpu.memref_squeeze %dma_start3A_76 : memref<1x1280xi32, #tpu.memory_space<hbm>> -> memref<1280xi32, #tpu.memory_space<hbm>>
        %dma_start3A_78 = arith.constant 0 : i32
        %dma_start3A_79 = tpu.memref_slice %arg9[%dma_start3A_78] : memref<5120xi32, #tpu.memory_space<vmem>> -> memref<1280xi32, #tpu.memory_space<vmem>>
        %dma_start3A_80 = arith.constant 158720 : i32
        %dma_start3A_81 = tpu.memref_slice %arg2[%run_scoped3A_72, %dma_start3A_80] : memref<2x160000xi32, #tpu.memory_space<hbm>> -> memref<1x1280xi32, #tpu.memory_space<hbm>>
        %dma_start3A_82 = tpu.memref_squeeze %dma_start3A_81 : memref<1x1280xi32, #tpu.memory_space<hbm>> -> memref<1280xi32, #tpu.memory_space<hbm>>
        tpu.enqueue_dma source(%dma_start3A_82 : memref<1280xi32, #tpu.memory_space<hbm>>) target(%dma_start3A_79 : memref<1280xi32, #tpu.memory_space<vmem>>) target_semaphore(%run_scoped3A_73 : memref<!tpu.dma_semaphore, #tpu.memory_space<semaphore_mem>>)
        %dma_wait3A = arith.constant 0 : i32
        %dma_wait3A_83 = tpu.memref_slice %arg9[%dma_wait3A] : memref<5120xi32, #tpu.memory_space<vmem>> -> memref<1280xi32, #tpu.memory_space<vmem>>
        %dma_wait3A_84 = arith.constant 158720 : i32
        %dma_wait3A_85 = tpu.memref_slice %arg2[%run_scoped3A_72, %dma_wait3A_84] : memref<2x160000xi32, #tpu.memory_space<hbm>> -> memref<1x1280xi32, #tpu.memory_space<hbm>>
        %dma_wait3A_86 = tpu.memref_squeeze %dma_wait3A_85 : memref<1x1280xi32, #tpu.memory_space<hbm>> -> memref<1280xi32, #tpu.memory_space<hbm>>
        %dma_wait3A_87 = arith.constant 0 : i32
        %dma_wait3A_88 = tpu.memref_slice %arg9[%dma_wait3A_87] : memref<5120xi32, #tpu.memory_space<vmem>> -> memref<1280xi32, #tpu.memory_space<vmem>>
        %dma_wait3A_89 = arith.constant 158720 : i32
        %dma_wait3A_90 = tpu.memref_slice %arg2[%run_scoped3A_72, %dma_wait3A_89] : memref<2x160000xi32, #tpu.memory_space<hbm>> -> memref<1x1280xi32, #tpu.memory_space<hbm>>
        %dma_wait3A_91 = tpu.memref_squeeze %dma_wait3A_90 : memref<1x1280xi32, #tpu.memory_space<hbm>> -> memref<1280xi32, #tpu.memory_space<hbm>>
        tpu.wait_dma2 semaphore(%run_scoped3A_73 : memref<!tpu.dma_semaphore, #tpu.memory_space<semaphore_mem>>) src(%dma_wait3A_91 : memref<1280xi32, #tpu.memory_space<hbm>>) dst(%dma_wait3A_88 : memref<1280xi32, #tpu.memory_space<vmem>>)
        tpu.yield
      }) : () -> ()
      "tpu.region"() ({
        %run_scoped3A_73 = tpu.sem_alloc : memref<!tpu.dma_semaphore, #tpu.memory_space<semaphore_mem>>
        %dma_start3A = arith.constant 0 : i32
        %dma_start3A_74 = tpu.memref_slice %arg8[%dma_start3A] : memref<5120xi32, #tpu.memory_space<vmem>> -> memref<1280xi32, #tpu.memory_space<vmem>>
        %dma_start3A_75 = arith.constant 158720 : i32
        %dma_start3A_76 = tpu.memref_slice %arg3[%dma_start3A_75] : memref<160000xi32, #tpu.memory_space<hbm>> -> memref<1280xi32, #tpu.memory_space<hbm>>
        %dma_start3A_77 = arith.constant 0 : i32
        %dma_start3A_78 = tpu.memref_slice %arg8[%dma_start3A_77] : memref<5120xi32, #tpu.memory_space<vmem>> -> memref<1280xi32, #tpu.memory_space<vmem>>
        %dma_start3A_79 = arith.constant 158720 : i32
        %dma_start3A_80 = tpu.memref_slice %arg3[%dma_start3A_79] : memref<160000xi32, #tpu.memory_space<hbm>> -> memref<1280xi32, #tpu.memory_space<hbm>>
        tpu.enqueue_dma source(%dma_start3A_80 : memref<1280xi32, #tpu.memory_space<hbm>>) target(%dma_start3A_78 : memref<1280xi32, #tpu.memory_space<vmem>>) target_semaphore(%run_scoped3A_73 : memref<!tpu.dma_semaphore, #tpu.memory_space<semaphore_mem>>)
        %dma_wait3A = arith.constant 0 : i32
        %dma_wait3A_81 = tpu.memref_slice %arg8[%dma_wait3A] : memref<5120xi32, #tpu.memory_space<vmem>> -> memref<1280xi32, #tpu.memory_space<vmem>>
        %dma_wait3A_82 = arith.constant 158720 : i32
        %dma_wait3A_83 = tpu.memref_slice %arg3[%dma_wait3A_82] : memref<160000xi32, #tpu.memory_space<hbm>> -> memref<1280xi32, #tpu.memory_space<hbm>>
        %dma_wait3A_84 = arith.constant 0 : i32
        %dma_wait3A_85 = tpu.memref_slice %arg8[%dma_wait3A_84] : memref<5120xi32, #tpu.memory_space<vmem>> -> memref<1280xi32, #tpu.memory_space<vmem>>
        %dma_wait3A_86 = arith.constant 158720 : i32
        %dma_wait3A_87 = tpu.memref_slice %arg3[%dma_wait3A_86] : memref<160000xi32, #tpu.memory_space<hbm>> -> memref<1280xi32, #tpu.memory_space<hbm>>
        tpu.wait_dma2 semaphore(%run_scoped3A_73 : memref<!tpu.dma_semaphore, #tpu.memory_space<semaphore_mem>>) src(%dma_wait3A_87 : memref<1280xi32, #tpu.memory_space<hbm>>) dst(%dma_wait3A_85 : memref<1280xi32, #tpu.memory_space<vmem>>)
        tpu.yield
      }) : () -> ()
    } else {
    }
    %scan3A = arith.constant 0 : i32
    %scan3A_12 = arith.constant 0 : i32
    %scan3A_13 = arith.constant 40 : i32
    %scan3A_14 = arith.addi %scan3A_12, %scan3A_13 : i32
    %scan3A_15 = arith.constant 1 : i32
    scf.for %scan3A_72 = %scan3A_12 to %scan3A_14 step %scan3A_15  : i32 {
      %broadcast_in_dim3A_73 = arith.constant 0.000000e+00 : f32
      %broadcast_in_dim3A_74 = vector.broadcast %broadcast_in_dim3A_73 : f32 to vector<16xf32>
      %mul3A_75 = arith.constant 16 : i32
      %mul3A_76 = arith.muli %scan3A_72, %mul3A_75 : i32
      %swap3A_77 = arith.index_cast %mul3A_76 : i32 to index
      %swap3A_78 = tpu.vector_load %arg13[%swap3A_77] {strides = array<i32>} : memref<640xf32, #tpu.memory_space<vmem>>, vector<16xf32>,
      %swap3A_79 = vector.shape_cast %swap3A_78 : vector<16xf32> to vector<16xf32>
      %swap3A_80 = vector.shape_cast %broadcast_in_dim3A_74 : vector<16xf32> to vector<16xf32>
      tpu.vector_store %arg13[%swap3A_77], %swap3A_80 {strides = array<i32>} : memref<640xf32, #tpu.memory_space<vmem>>, vector<16xf32>,
    }
    %scan3A_16 = arith.constant 40 : i32
    %broadcast_in_dim3A = arith.constant 1.000000e+00 : f32
    %broadcast_in_dim3A_17 = vector.broadcast %broadcast_in_dim3A : f32 to vector<16xf32>
    %swap3A = arith.constant 0 : index
    %swap3A_18 = tpu.vector_load %arg12[%swap3A] {strides = array<i32>} : memref<64xf32, #tpu.memory_space<vmem>>, vector<16xf32>,
    %swap3A_19 = vector.shape_cast %swap3A_18 : vector<16xf32> to vector<16xf32>
    %swap3A_20 = vector.shape_cast %broadcast_in_dim3A_17 : vector<16xf32> to vector<16xf32>
    tpu.vector_store %arg12[%swap3A], %swap3A_20 {strides = array<i32>} : memref<64xf32, #tpu.memory_space<vmem>>, vector<16xf32>,
    %broadcast_in_dim3A_21 = arith.constant 1.000000e+00 : f32
    %broadcast_in_dim3A_22 = vector.broadcast %broadcast_in_dim3A_21 : f32 to vector<16xf32>
    %swap3A_23 = arith.constant 16 : index
    %swap3A_24 = tpu.vector_load %arg12[%swap3A_23] {strides = array<i32>} : memref<64xf32, #tpu.memory_space<vmem>>, vector<16xf32>,
    %swap3A_25 = vector.shape_cast %swap3A_24 : vector<16xf32> to vector<16xf32>
    %swap3A_26 = vector.shape_cast %broadcast_in_dim3A_22 : vector<16xf32> to vector<16xf32>
    tpu.vector_store %arg12[%swap3A_23], %swap3A_26 {strides = array<i32>} : memref<64xf32, #tpu.memory_space<vmem>>, vector<16xf32>,
    %broadcast_in_dim3A_27 = arith.constant 1.000000e+00 : f32
    %broadcast_in_dim3A_28 = vector.broadcast %broadcast_in_dim3A_27 : f32 to vector<16xf32>
    %swap3A_29 = arith.constant 32 : index
    %swap3A_30 = tpu.vector_load %arg12[%swap3A_29] {strides = array<i32>} : memref<64xf32, #tpu.memory_space<vmem>>, vector<16xf32>,
    %swap3A_31 = vector.shape_cast %swap3A_30 : vector<16xf32> to vector<16xf32>
    %swap3A_32 = vector.shape_cast %broadcast_in_dim3A_28 : vector<16xf32> to vector<16xf32>
    tpu.vector_store %arg12[%swap3A_29], %swap3A_32 {strides = array<i32>} : memref<64xf32, #tpu.memory_space<vmem>>, vector<16xf32>,
    %broadcast_in_dim3A_33 = arith.constant 1.000000e+00 : f32
    %broadcast_in_dim3A_34 = vector.broadcast %broadcast_in_dim3A_33 : f32 to vector<16xf32>
    %swap3A_35 = arith.constant 48 : index
    %swap3A_36 = tpu.vector_load %arg12[%swap3A_35] {strides = array<i32>} : memref<64xf32, #tpu.memory_space<vmem>>, vector<16xf32>,
    %swap3A_37 = vector.shape_cast %swap3A_36 : vector<16xf32> to vector<16xf32>
    %swap3A_38 = vector.shape_cast %broadcast_in_dim3A_34 : vector<16xf32> to vector<16xf32>
    tpu.vector_store %arg12[%swap3A_35], %swap3A_38 {strides = array<i32>} : memref<64xf32, #tpu.memory_space<vmem>>, vector<16xf32>,
    %mul3A_39 = arith.constant 640 : i32
    %mul3A_40 = arith.muli %arg1, %mul3A_39 : i32
    "tpu.region"() ({
      %run_scoped3A = tpu.sem_alloc : memref<!tpu.dma_semaphore, #tpu.memory_space<semaphore_mem>>
      %dma_start3A = tpu.memref_slice %arg14[%mul3A_40] : memref<10240xf32, #tpu.memory_space<vmem_shared>> -> memref<640xf32, #tpu.memory_space<vmem_shared>>
      %dma_start3A_72 = tpu.memref_slice %arg14[%mul3A_40] : memref<10240xf32, #tpu.memory_space<vmem_shared>> -> memref<640xf32, #tpu.memory_space<vmem_shared>>
      tpu.enqueue_dma source(%arg13 : memref<640xf32, #tpu.memory_space<vmem>>) target(%dma_start3A_72 : memref<640xf32, #tpu.memory_space<vmem_shared>>) target_semaphore(%run_scoped3A : memref<!tpu.dma_semaphore, #tpu.memory_space<semaphore_mem>>)
      %dma_wait3A = tpu.memref_slice %arg14[%mul3A_40] : memref<10240xf32, #tpu.memory_space<vmem_shared>> -> memref<640xf32, #tpu.memory_space<vmem_shared>>
      %dma_wait3A_73 = tpu.memref_slice %arg14[%mul3A_40] : memref<10240xf32, #tpu.memory_space<vmem_shared>> -> memref<640xf32, #tpu.memory_space<vmem_shared>>
      tpu.wait_dma2 semaphore(%run_scoped3A : memref<!tpu.dma_semaphore, #tpu.memory_space<semaphore_mem>>) src(%arg13 : memref<640xf32, #tpu.memory_space<vmem>>) dst(%dma_wait3A_73 : memref<640xf32, #tpu.memory_space<vmem_shared>>)
      tpu.yield
    }) : () -> ()
    %barrier3A = arith.constant 0 : index
    tpu.barrier barrier_id(%barrier3A)
    %while3A = arith.constant 0 : i32
    %while3A_41 = arith.constant 0 : i32
    %while3A_42 = arith.subi %select_n3A, %while3A_41 : i32
    %while3A_43 = arith.addi %while3A_41, %while3A_42 : i32
    %while3A_44 = arith.constant 1 : i32
    %while3A_45 = arith.divsi %while3A_42, %while3A_44 : i32
    %while3A_46 = arith.muli %while3A_45, %while3A_44 : i32
    %while3A_47 = arith.addi %while3A_41, %while3A_46 : i32
    %while3A_48 = arith.constant 1 : i32
    scf.for %while3A_72 = %while3A_41 to %while3A_47 step %while3A_48  : i32 {
      %mul3A_73 = arith.constant 64 : i32
      %mul3A_74 = arith.muli %while3A_72, %mul3A_73 : i32
      %add3A_75 = arith.constant 0 : i32
      %add3A_76 = arith.addi %mul3A_74, %add3A_75 : i32
      %get3A = arith.index_cast %add3A_76 : i32 to index
      %get3A_77 = tpu.vector_load %arg8[%get3A] {strides = array<i32>} : memref<5120xi32, #tpu.memory_space<vmem>>, vector<16xi32>,
      %get3A_78 = vector.shape_cast %get3A_77 : vector<16xi32> to vector<16xi32>
      %mul3A_79 = arith.constant 10000 : i32
      %mul3A_80 = vector.broadcast %mul3A_79 : i32 to vector<16xi32>
      %mul3A_81 = arith.muli %get3A_78, %mul3A_80 : vector<16xi32>
      %get3A_82 = arith.index_cast %add3A_76 : i32 to index
      %get3A_83 = tpu.vector_load %arg7[%get3A_82] {strides = array<i32>} : memref<5120xi32, #tpu.memory_space<vmem>>, vector<16xi32>,
      %get3A_84 = vector.shape_cast %get3A_83 : vector<16xi32> to vector<16xi32>
      %add3A_85 = arith.addi %mul3A_81, %get3A_84 : vector<16xi32>
      %swap3A_86 = arith.index_cast %add3A_76 : i32 to index
      %swap3A_87 = tpu.vector_load %arg11[%swap3A_86] {strides = array<i32>} : memref<5120xi32, #tpu.memory_space<vmem>>, vector<16xi32>,
      %swap3A_88 = vector.shape_cast %swap3A_87 : vector<16xi32> to vector<16xi32>
      %swap3A_89 = vector.shape_cast %add3A_85 : vector<16xi32> to vector<16xi32>
      tpu.vector_store %arg11[%swap3A_86], %swap3A_89 {strides = array<i32>} : memref<5120xi32, #tpu.memory_space<vmem>>, vector<16xi32>,
      %get3A_90 = arith.index_cast %add3A_76 : i32 to index
      %get3A_91 = tpu.vector_load %arg9[%get3A_90] {strides = array<i32>} : memref<5120xi32, #tpu.memory_space<vmem>>, vector<16xi32>,
      %get3A_92 = vector.shape_cast %get3A_91 : vector<16xi32> to vector<16xi32>
      %swap3A_93 = arith.index_cast %while3A_72 : i32 to index
      %swap3A_94 = arith.constant 0 : index
      %swap3A_95 = tpu.vector_load %arg10[%swap3A_93, %swap3A_94] {strides = array<i32>} : memref<80x64xi32, #tpu.memory_space<vmem>>, vector<1x16xi32>,
      %swap3A_96 = vector.shape_cast %swap3A_95 : vector<1x16xi32> to vector<16xi32>
      %swap3A_97 = vector.shape_cast %get3A_92 : vector<16xi32> to vector<1x16xi32>
      tpu.vector_store %arg10[%swap3A_93, %swap3A_94], %swap3A_97 {strides = array<i32>} : memref<80x64xi32, #tpu.memory_space<vmem>>, vector<1x16xi32>,
      %mul3A_98 = arith.constant 64 : i32
      %mul3A_99 = arith.muli %while3A_72, %mul3A_98 : i32
      %add3A_100 = arith.constant 16 : i32
      %add3A_101 = arith.addi %mul3A_99, %add3A_100 : i32
      %get3A_102 = arith.index_cast %add3A_101 : i32 to index
      %get3A_103 = tpu.vector_load %arg8[%get3A_102] {strides = array<i32>} : memref<5120xi32, #tpu.memory_space<vmem>>, vector<16xi32>,
      %get3A_104 = vector.shape_cast %get3A_103 : vector<16xi32> to vector<16xi32>
      %mul3A_105 = arith.constant 10000 : i32
      %mul3A_106 = vector.broadcast %mul3A_105 : i32 to vector<16xi32>
      %mul3A_107 = arith.muli %get3A_104, %mul3A_106 : vector<16xi32>
      %get3A_108 = arith.index_cast %add3A_101 : i32 to index
      %get3A_109 = tpu.vector_load %arg7[%get3A_108] {strides = array<i32>} : memref<5120xi32, #tpu.memory_space<vmem>>, vector<16xi32>,
      %get3A_110 = vector.shape_cast %get3A_109 : vector<16xi32> to vector<16xi32>
      %add3A_111 = arith.addi %mul3A_107, %get3A_110 : vector<16xi32>
      %swap3A_112 = arith.index_cast %add3A_101 : i32 to index
      %swap3A_113 = tpu.vector_load %arg11[%swap3A_112] {strides = array<i32>} : memref<5120xi32, #tpu.memory_space<vmem>>, vector<16xi32>,
      %swap3A_114 = vector.shape_cast %swap3A_113 : vector<16xi32> to vector<16xi32>
      %swap3A_115 = vector.shape_cast %add3A_111 : vector<16xi32> to vector<16xi32>
      tpu.vector_store %arg11[%swap3A_112], %swap3A_115 {strides = array<i32>} : memref<5120xi32, #tpu.memory_space<vmem>>, vector<16xi32>,
      %get3A_116 = arith.index_cast %add3A_101 : i32 to index
      %get3A_117 = tpu.vector_load %arg9[%get3A_116] {strides = array<i32>} : memref<5120xi32, #tpu.memory_space<vmem>>, vector<16xi32>,
      %get3A_118 = vector.shape_cast %get3A_117 : vector<16xi32> to vector<16xi32>
      %swap3A_119 = arith.index_cast %while3A_72 : i32 to index
      %swap3A_120 = arith.constant 16 : index
      %swap3A_121 = tpu.vector_load %arg10[%swap3A_119, %swap3A_120] {strides = array<i32>} : memref<80x64xi32, #tpu.memory_space<vmem>>, vector<1x16xi32>,
      %swap3A_122 = vector.shape_cast %swap3A_121 : vector<1x16xi32> to vector<16xi32>
      %swap3A_123 = vector.shape_cast %get3A_118 : vector<16xi32> to vector<1x16xi32>
      tpu.vector_store %arg10[%swap3A_119, %swap3A_120], %swap3A_123 {strides = array<i32>} : memref<80x64xi32, #tpu.memory_space<vmem>>, vector<1x16xi32>,
      %mul3A_124 = arith.constant 64 : i32
      %mul3A_125 = arith.muli %while3A_72, %mul3A_124 : i32
      %add3A_126 = arith.constant 32 : i32
      %add3A_127 = arith.addi %mul3A_125, %add3A_126 : i32
      %get3A_128 = arith.index_cast %add3A_127 : i32 to index
      %get3A_129 = tpu.vector_load %arg8[%get3A_128] {strides = array<i32>} : memref<5120xi32, #tpu.memory_space<vmem>>, vector<16xi32>,
      %get3A_130 = vector.shape_cast %get3A_129 : vector<16xi32> to vector<16xi32>
      %mul3A_131 = arith.constant 10000 : i32
      %mul3A_132 = vector.broadcast %mul3A_131 : i32 to vector<16xi32>
      %mul3A_133 = arith.muli %get3A_130, %mul3A_132 : vector<16xi32>
      %get3A_134 = arith.index_cast %add3A_127 : i32 to index
      %get3A_135 = tpu.vector_load %arg7[%get3A_134] {strides = array<i32>} : memref<5120xi32, #tpu.memory_space<vmem>>, vector<16xi32>,
      %get3A_136 = vector.shape_cast %get3A_135 : vector<16xi32> to vector<16xi32>
      %add3A_137 = arith.addi %mul3A_133, %get3A_136 : vector<16xi32>
      %swap3A_138 = arith.index_cast %add3A_127 : i32 to index
      %swap3A_139 = tpu.vector_load %arg11[%swap3A_138] {strides = array<i32>} : memref<5120xi32, #tpu.memory_space<vmem>>, vector<16xi32>,
      %swap3A_140 = vector.shape_cast %swap3A_139 : vector<16xi32> to vector<16xi32>
      %swap3A_141 = vector.shape_cast %add3A_137 : vector<16xi32> to vector<16xi32>
      tpu.vector_store %arg11[%swap3A_138], %swap3A_141 {strides = array<i32>} : memref<5120xi32, #tpu.memory_space<vmem>>, vector<16xi32>,
      %get3A_142 = arith.index_cast %add3A_127 : i32 to index
      %get3A_143 = tpu.vector_load %arg9[%get3A_142] {strides = array<i32>} : memref<5120xi32, #tpu.memory_space<vmem>>, vector<16xi32>,
      %get3A_144 = vector.shape_cast %get3A_143 : vector<16xi32> to vector<16xi32>
      %swap3A_145 = arith.index_cast %while3A_72 : i32 to index
      %swap3A_146 = arith.constant 32 : index
      %swap3A_147 = tpu.vector_load %arg10[%swap3A_145, %swap3A_146] {strides = array<i32>} : memref<80x64xi32, #tpu.memory_space<vmem>>, vector<1x16xi32>,
      %swap3A_148 = vector.shape_cast %swap3A_147 : vector<1x16xi32> to vector<16xi32>
      %swap3A_149 = vector.shape_cast %get3A_144 : vector<16xi32> to vector<1x16xi32>
      tpu.vector_store %arg10[%swap3A_145, %swap3A_146], %swap3A_149 {strides = array<i32>} : memref<80x64xi32, #tpu.memory_space<vmem>>, vector<1x16xi32>,
      %mul3A_150 = arith.constant 64 : i32
      %mul3A_151 = arith.muli %while3A_72, %mul3A_150 : i32
      %add3A_152 = arith.constant 48 : i32
      %add3A_153 = arith.addi %mul3A_151, %add3A_152 : i32
      %get3A_154 = arith.index_cast %add3A_153 : i32 to index
      %get3A_155 = tpu.vector_load %arg8[%get3A_154] {strides = array<i32>} : memref<5120xi32, #tpu.memory_space<vmem>>, vector<16xi32>,
      %get3A_156 = vector.shape_cast %get3A_155 : vector<16xi32> to vector<16xi32>
      %mul3A_157 = arith.constant 10000 : i32
      %mul3A_158 = vector.broadcast %mul3A_157 : i32 to vector<16xi32>
      %mul3A_159 = arith.muli %get3A_156, %mul3A_158 : vector<16xi32>
      %get3A_160 = arith.index_cast %add3A_153 : i32 to index
      %get3A_161 = tpu.vector_load %arg7[%get3A_160] {strides = array<i32>} : memref<5120xi32, #tpu.memory_space<vmem>>, vector<16xi32>,
      %get3A_162 = vector.shape_cast %get3A_161 : vector<16xi32> to vector<16xi32>
      %add3A_163 = arith.addi %mul3A_159, %get3A_162 : vector<16xi32>
      %swap3A_164 = arith.index_cast %add3A_153 : i32 to index
      %swap3A_165 = tpu.vector_load %arg11[%swap3A_164] {strides = array<i32>} : memref<5120xi32, #tpu.memory_space<vmem>>, vector<16xi32>,
      %swap3A_166 = vector.shape_cast %swap3A_165 : vector<16xi32> to vector<16xi32>
      %swap3A_167 = vector.shape_cast %add3A_163 : vector<16xi32> to vector<16xi32>
      tpu.vector_store %arg11[%swap3A_164], %swap3A_167 {strides = array<i32>} : memref<5120xi32, #tpu.memory_space<vmem>>, vector<16xi32>,
      %get3A_168 = arith.index_cast %add3A_153 : i32 to index
      %get3A_169 = tpu.vector_load %arg9[%get3A_168] {strides = array<i32>} : memref<5120xi32, #tpu.memory_space<vmem>>, vector<16xi32>,
      %get3A_170 = vector.shape_cast %get3A_169 : vector<16xi32> to vector<16xi32>
      %swap3A_171 = arith.index_cast %while3A_72 : i32 to index
      %swap3A_172 = arith.constant 48 : index
      %swap3A_173 = tpu.vector_load %arg10[%swap3A_171, %swap3A_172] {strides = array<i32>} : memref<80x64xi32, #tpu.memory_space<vmem>>, vector<1x16xi32>,
      %swap3A_174 = vector.shape_cast %swap3A_173 : vector<1x16xi32> to vector<16xi32>
      %swap3A_175 = vector.shape_cast %get3A_170 : vector<16xi32> to vector<1x16xi32>
      tpu.vector_store %arg10[%swap3A_171, %swap3A_172], %swap3A_175 {strides = array<i32>} : memref<80x64xi32, #tpu.memory_space<vmem>>, vector<1x16xi32>,
      %dma_start3A = arith.constant 0 : i32
      %dma_start3A_176 = tpu.memref_slice %arg10[%while3A_72, %dma_start3A] : memref<80x64xi32, #tpu.memory_space<vmem>> -> memref<1x64xi32, #tpu.memory_space<vmem>>
      %dma_start3A_177 = tpu.memref_squeeze %dma_start3A_176 : memref<1x64xi32, #tpu.memory_space<vmem>> -> memref<64xi32, #tpu.memory_space<vmem>>
      %dma_start3A_178 = arith.constant 0 : i32
      %dma_start3A_179 = tpu.memref_slice %arg14[%dma_start3A_178] : memref<10240xf32, #tpu.memory_space<vmem_shared>> -> memref<10240xf32, #tpu.memory_space<vmem_shared>>
      tpu.enqueue_indirect_dma source(%arg12 : memref<64xf32, #tpu.memory_space<vmem>>) target(%dma_start3A_179 : memref<10240xf32, #tpu.memory_space<vmem_shared>>) offsets(%dma_start3A_177 : memref<64xi32, #tpu.memory_space<vmem>>) semaphore(%arg15 : memref<!tpu.dma_semaphore, #tpu.memory_space<semaphore_mem>>) {add = true}
    }
    %while3A_49 = arith.constant 1 : i32
    scf.for %while3A_72 = %while3A_47 to %while3A_43 step %while3A_49  : i32 {
      %mul3A_73 = arith.constant 64 : i32
      %mul3A_74 = arith.muli %while3A_72, %mul3A_73 : i32
      %add3A_75 = arith.constant 0 : i32
      %add3A_76 = arith.addi %mul3A_74, %add3A_75 : i32
      %get3A = arith.index_cast %add3A_76 : i32 to index
      %get3A_77 = tpu.vector_load %arg8[%get3A] {strides = array<i32>} : memref<5120xi32, #tpu.memory_space<vmem>>, vector<16xi32>,
      %get3A_78 = vector.shape_cast %get3A_77 : vector<16xi32> to vector<16xi32>
      %mul3A_79 = arith.constant 10000 : i32
      %mul3A_80 = vector.broadcast %mul3A_79 : i32 to vector<16xi32>
      %mul3A_81 = arith.muli %get3A_78, %mul3A_80 : vector<16xi32>
      %get3A_82 = arith.index_cast %add3A_76 : i32 to index
      %get3A_83 = tpu.vector_load %arg7[%get3A_82] {strides = array<i32>} : memref<5120xi32, #tpu.memory_space<vmem>>, vector<16xi32>,
      %get3A_84 = vector.shape_cast %get3A_83 : vector<16xi32> to vector<16xi32>
      %add3A_85 = arith.addi %mul3A_81, %get3A_84 : vector<16xi32>
      %swap3A_86 = arith.index_cast %add3A_76 : i32 to index
      %swap3A_87 = tpu.vector_load %arg11[%swap3A_86] {strides = array<i32>} : memref<5120xi32, #tpu.memory_space<vmem>>, vector<16xi32>,
      %swap3A_88 = vector.shape_cast %swap3A_87 : vector<16xi32> to vector<16xi32>
      %swap3A_89 = vector.shape_cast %add3A_85 : vector<16xi32> to vector<16xi32>
      tpu.vector_store %arg11[%swap3A_86], %swap3A_89 {strides = array<i32>} : memref<5120xi32, #tpu.memory_space<vmem>>, vector<16xi32>,
      %get3A_90 = arith.index_cast %add3A_76 : i32 to index
      %get3A_91 = tpu.vector_load %arg9[%get3A_90] {strides = array<i32>} : memref<5120xi32, #tpu.memory_space<vmem>>, vector<16xi32>,
      %get3A_92 = vector.shape_cast %get3A_91 : vector<16xi32> to vector<16xi32>
      %swap3A_93 = arith.index_cast %while3A_72 : i32 to index
      %swap3A_94 = arith.constant 0 : index
      %swap3A_95 = tpu.vector_load %arg10[%swap3A_93, %swap3A_94] {strides = array<i32>} : memref<80x64xi32, #tpu.memory_space<vmem>>, vector<1x16xi32>,
      %swap3A_96 = vector.shape_cast %swap3A_95 : vector<1x16xi32> to vector<16xi32>
      %swap3A_97 = vector.shape_cast %get3A_92 : vector<16xi32> to vector<1x16xi32>
      tpu.vector_store %arg10[%swap3A_93, %swap3A_94], %swap3A_97 {strides = array<i32>} : memref<80x64xi32, #tpu.memory_space<vmem>>, vector<1x16xi32>,
      %mul3A_98 = arith.constant 64 : i32
      %mul3A_99 = arith.muli %while3A_72, %mul3A_98 : i32
      %add3A_100 = arith.constant 16 : i32
      %add3A_101 = arith.addi %mul3A_99, %add3A_100 : i32
      %get3A_102 = arith.index_cast %add3A_101 : i32 to index
      %get3A_103 = tpu.vector_load %arg8[%get3A_102] {strides = array<i32>} : memref<5120xi32, #tpu.memory_space<vmem>>, vector<16xi32>,
      %get3A_104 = vector.shape_cast %get3A_103 : vector<16xi32> to vector<16xi32>
      %mul3A_105 = arith.constant 10000 : i32
      %mul3A_106 = vector.broadcast %mul3A_105 : i32 to vector<16xi32>
      %mul3A_107 = arith.muli %get3A_104, %mul3A_106 : vector<16xi32>
      %get3A_108 = arith.index_cast %add3A_101 : i32 to index
      %get3A_109 = tpu.vector_load %arg7[%get3A_108] {strides = array<i32>} : memref<5120xi32, #tpu.memory_space<vmem>>, vector<16xi32>,
      %get3A_110 = vector.shape_cast %get3A_109 : vector<16xi32> to vector<16xi32>
      %add3A_111 = arith.addi %mul3A_107, %get3A_110 : vector<16xi32>
      %swap3A_112 = arith.index_cast %add3A_101 : i32 to index
      %swap3A_113 = tpu.vector_load %arg11[%swap3A_112] {strides = array<i32>} : memref<5120xi32, #tpu.memory_space<vmem>>, vector<16xi32>,
      %swap3A_114 = vector.shape_cast %swap3A_113 : vector<16xi32> to vector<16xi32>
      %swap3A_115 = vector.shape_cast %add3A_111 : vector<16xi32> to vector<16xi32>
      tpu.vector_store %arg11[%swap3A_112], %swap3A_115 {strides = array<i32>} : memref<5120xi32, #tpu.memory_space<vmem>>, vector<16xi32>,
      %get3A_116 = arith.index_cast %add3A_101 : i32 to index
      %get3A_117 = tpu.vector_load %arg9[%get3A_116] {strides = array<i32>} : memref<5120xi32, #tpu.memory_space<vmem>>, vector<16xi32>,
      %get3A_118 = vector.shape_cast %get3A_117 : vector<16xi32> to vector<16xi32>
      %swap3A_119 = arith.index_cast %while3A_72 : i32 to index
      %swap3A_120 = arith.constant 16 : index
      %swap3A_121 = tpu.vector_load %arg10[%swap3A_119, %swap3A_120] {strides = array<i32>} : memref<80x64xi32, #tpu.memory_space<vmem>>, vector<1x16xi32>,
      %swap3A_122 = vector.shape_cast %swap3A_121 : vector<1x16xi32> to vector<16xi32>
      %swap3A_123 = vector.shape_cast %get3A_118 : vector<16xi32> to vector<1x16xi32>
      tpu.vector_store %arg10[%swap3A_119, %swap3A_120], %swap3A_123 {strides = array<i32>} : memref<80x64xi32, #tpu.memory_space<vmem>>, vector<1x16xi32>,
      %mul3A_124 = arith.constant 64 : i32
      %mul3A_125 = arith.muli %while3A_72, %mul3A_124 : i32
      %add3A_126 = arith.constant 32 : i32
      %add3A_127 = arith.addi %mul3A_125, %add3A_126 : i32
      %get3A_128 = arith.index_cast %add3A_127 : i32 to index
      %get3A_129 = tpu.vector_load %arg8[%get3A_128] {strides = array<i32>} : memref<5120xi32, #tpu.memory_space<vmem>>, vector<16xi32>,
      %get3A_130 = vector.shape_cast %get3A_129 : vector<16xi32> to vector<16xi32>
      %mul3A_131 = arith.constant 10000 : i32
      %mul3A_132 = vector.broadcast %mul3A_131 : i32 to vector<16xi32>
      %mul3A_133 = arith.muli %get3A_130, %mul3A_132 : vector<16xi32>
      %get3A_134 = arith.index_cast %add3A_127 : i32 to index
      %get3A_135 = tpu.vector_load %arg7[%get3A_134] {strides = array<i32>} : memref<5120xi32, #tpu.memory_space<vmem>>, vector<16xi32>,
      %get3A_136 = vector.shape_cast %get3A_135 : vector<16xi32> to vector<16xi32>
      %add3A_137 = arith.addi %mul3A_133, %get3A_136 : vector<16xi32>
      %swap3A_138 = arith.index_cast %add3A_127 : i32 to index
      %swap3A_139 = tpu.vector_load %arg11[%swap3A_138] {strides = array<i32>} : memref<5120xi32, #tpu.memory_space<vmem>>, vector<16xi32>,
      %swap3A_140 = vector.shape_cast %swap3A_139 : vector<16xi32> to vector<16xi32>
      %swap3A_141 = vector.shape_cast %add3A_137 : vector<16xi32> to vector<16xi32>
      tpu.vector_store %arg11[%swap3A_138], %swap3A_141 {strides = array<i32>} : memref<5120xi32, #tpu.memory_space<vmem>>, vector<16xi32>,
      %get3A_142 = arith.index_cast %add3A_127 : i32 to index
      %get3A_143 = tpu.vector_load %arg9[%get3A_142] {strides = array<i32>} : memref<5120xi32, #tpu.memory_space<vmem>>, vector<16xi32>,
      %get3A_144 = vector.shape_cast %get3A_143 : vector<16xi32> to vector<16xi32>
      %swap3A_145 = arith.index_cast %while3A_72 : i32 to index
      %swap3A_146 = arith.constant 32 : index
      %swap3A_147 = tpu.vector_load %arg10[%swap3A_145, %swap3A_146] {strides = array<i32>} : memref<80x64xi32, #tpu.memory_space<vmem>>, vector<1x16xi32>,
      %swap3A_148 = vector.shape_cast %swap3A_147 : vector<1x16xi32> to vector<16xi32>
      %swap3A_149 = vector.shape_cast %get3A_144 : vector<16xi32> to vector<1x16xi32>
      tpu.vector_store %arg10[%swap3A_145, %swap3A_146], %swap3A_149 {strides = array<i32>} : memref<80x64xi32, #tpu.memory_space<vmem>>, vector<1x16xi32>,
      %mul3A_150 = arith.constant 64 : i32
      %mul3A_151 = arith.muli %while3A_72, %mul3A_150 : i32
      %add3A_152 = arith.constant 48 : i32
      %add3A_153 = arith.addi %mul3A_151, %add3A_152 : i32
      %get3A_154 = arith.index_cast %add3A_153 : i32 to index
      %get3A_155 = tpu.vector_load %arg8[%get3A_154] {strides = array<i32>} : memref<5120xi32, #tpu.memory_space<vmem>>, vector<16xi32>,
      %get3A_156 = vector.shape_cast %get3A_155 : vector<16xi32> to vector<16xi32>
      %mul3A_157 = arith.constant 10000 : i32
      %mul3A_158 = vector.broadcast %mul3A_157 : i32 to vector<16xi32>
      %mul3A_159 = arith.muli %get3A_156, %mul3A_158 : vector<16xi32>
      %get3A_160 = arith.index_cast %add3A_153 : i32 to index
      %get3A_161 = tpu.vector_load %arg7[%get3A_160] {strides = array<i32>} : memref<5120xi32, #tpu.memory_space<vmem>>, vector<16xi32>,
      %get3A_162 = vector.shape_cast %get3A_161 : vector<16xi32> to vector<16xi32>
      %add3A_163 = arith.addi %mul3A_159, %get3A_162 : vector<16xi32>
      %swap3A_164 = arith.index_cast %add3A_153 : i32 to index
      %swap3A_165 = tpu.vector_load %arg11[%swap3A_164] {strides = array<i32>} : memref<5120xi32, #tpu.memory_space<vmem>>, vector<16xi32>,
      %swap3A_166 = vector.shape_cast %swap3A_165 : vector<16xi32> to vector<16xi32>
      %swap3A_167 = vector.shape_cast %add3A_163 : vector<16xi32> to vector<16xi32>
      tpu.vector_store %arg11[%swap3A_164], %swap3A_167 {strides = array<i32>} : memref<5120xi32, #tpu.memory_space<vmem>>, vector<16xi32>,
      %get3A_168 = arith.index_cast %add3A_153 : i32 to index
      %get3A_169 = tpu.vector_load %arg9[%get3A_168] {strides = array<i32>} : memref<5120xi32, #tpu.memory_space<vmem>>, vector<16xi32>,
      %get3A_170 = vector.shape_cast %get3A_169 : vector<16xi32> to vector<16xi32>
      %swap3A_171 = arith.index_cast %while3A_72 : i32 to index
      %swap3A_172 = arith.constant 48 : index
      %swap3A_173 = tpu.vector_load %arg10[%swap3A_171, %swap3A_172] {strides = array<i32>} : memref<80x64xi32, #tpu.memory_space<vmem>>, vector<1x16xi32>,
      %swap3A_174 = vector.shape_cast %swap3A_173 : vector<1x16xi32> to vector<16xi32>
      %swap3A_175 = vector.shape_cast %get3A_170 : vector<16xi32> to vector<1x16xi32>
      tpu.vector_store %arg10[%swap3A_171, %swap3A_172], %swap3A_175 {strides = array<i32>} : memref<80x64xi32, #tpu.memory_space<vmem>>, vector<1x16xi32>,
      %dma_start3A = arith.constant 0 : i32
      %dma_start3A_176 = tpu.memref_slice %arg10[%while3A_72, %dma_start3A] : memref<80x64xi32, #tpu.memory_space<vmem>> -> memref<1x64xi32, #tpu.memory_space<vmem>>
      %dma_start3A_177 = tpu.memref_squeeze %dma_start3A_176 : memref<1x64xi32, #tpu.memory_space<vmem>> -> memref<64xi32, #tpu.memory_space<vmem>>
      %dma_start3A_178 = arith.constant 0 : i32
      %dma_start3A_179 = tpu.memref_slice %arg14[%dma_start3A_178] : memref<10240xf32, #tpu.memory_space<vmem_shared>> -> memref<10240xf32, #tpu.memory_space<vmem_shared>>
      tpu.enqueue_indirect_dma source(%arg12 : memref<64xf32, #tpu.memory_space<vmem>>) target(%dma_start3A_179 : memref<10240xf32, #tpu.memory_space<vmem_shared>>) offsets(%dma_start3A_177 : memref<64xi32, #tpu.memory_space<vmem>>) semaphore(%arg15 : memref<!tpu.dma_semaphore, #tpu.memory_space<semaphore_mem>>) {add = true}
    }
    %eq3A_50 = arith.constant 31 : i32
    %eq3A_51 = arith.cmpi eq, %add3A, %eq3A_50 : i32
    %convert_element_type3A_52 = arith.extui %eq3A_51 : i1 to i32
    %cond3A_53 = arith.constant 0 : i32
    %cond3A_54 = arith.cmpi ne, %convert_element_type3A_52, %cond3A_53 : i32
    scf.if %cond3A_54 {
      %scan3A_72 = arith.constant 0 : i32
      %scan3A_73 = arith.constant 20 : i32
      %scan3A_74 = arith.constant 60 : i32
      %scan3A_75 = arith.addi %scan3A_73, %scan3A_74 : i32
      %scan3A_76 = arith.constant 1 : i32
      scf.for %scan3A_78 = %scan3A_73 to %scan3A_75 step %scan3A_76  : i32 {
        %iota3A = tpu.iota {dimensions = array<i32: 0>} : vector<16xi32>
        %mul3A_79 = arith.constant 911 : i32
        %mul3A_80 = arith.muli %scan3A_78, %mul3A_79 : i32
        %add3A_81 = arith.constant 0 : i32
        %add3A_82 = arith.addi %mul3A_80, %add3A_81 : i32
        %mul3A_83 = arith.constant 8 : i32
        %mul3A_84 = vector.broadcast %mul3A_83 : i32 to vector<16xi32>
        %mul3A_85 = arith.muli %iota3A, %mul3A_84 : vector<16xi32>
        %add3A_86 = vector.broadcast %add3A_82 : i32 to vector<16xi32>
        %add3A_87 = arith.addi %add3A_86, %mul3A_85 : vector<16xi32>
        %rem3A = arith.constant 30000 : i32
        %rem3A_88 = vector.broadcast %rem3A : i32 to vector<16xi32>
        %rem3A_89 = arith.remsi %add3A_87, %rem3A_88 : vector<16xi32>
        %mul3A_90 = arith.constant 64 : i32
        %mul3A_91 = arith.muli %scan3A_78, %mul3A_90 : i32
        %add3A_92 = arith.constant 0 : i32
        %add3A_93 = arith.addi %mul3A_91, %add3A_92 : i32
        %swap3A_94 = arith.index_cast %add3A_93 : i32 to index
        %swap3A_95 = tpu.vector_load %arg11[%swap3A_94] {strides = array<i32>} : memref<5120xi32, #tpu.memory_space<vmem>>, vector<16xi32>,
        %swap3A_96 = vector.shape_cast %swap3A_95 : vector<16xi32> to vector<16xi32>
        %swap3A_97 = vector.shape_cast %rem3A_89 : vector<16xi32> to vector<16xi32>
        tpu.vector_store %arg11[%swap3A_94], %swap3A_97 {strides = array<i32>} : memref<5120xi32, #tpu.memory_space<vmem>>, vector<16xi32>,
        %mul3A_98 = arith.constant 64 : i32
        %mul3A_99 = arith.muli %scan3A_78, %mul3A_98 : i32
        %add3A_100 = arith.constant 0 : i32
        %add3A_101 = arith.addi %mul3A_99, %add3A_100 : i32
        %add3A_102 = vector.broadcast %add3A_101 : i32 to vector<16xi32>
        %add3A_103 = arith.addi %add3A_102, %iota3A : vector<16xi32>
        %rem3A_104 = arith.constant 240 : i32
        %rem3A_105 = vector.broadcast %rem3A_104 : i32 to vector<16xi32>
        %rem3A_106 = arith.remsi %add3A_103, %rem3A_105 : vector<16xi32>
        %add3A_107 = arith.constant 10000 : i32
        %add3A_108 = vector.broadcast %add3A_107 : i32 to vector<16xi32>
        %add3A_109 = arith.addi %add3A_108, %rem3A_106 : vector<16xi32>
        %swap3A_110 = arith.index_cast %scan3A_78 : i32 to index
        %swap3A_111 = arith.constant 0 : index
        %swap3A_112 = tpu.vector_load %arg10[%swap3A_110, %swap3A_111] {strides = array<i32>} : memref<80x64xi32, #tpu.memory_space<vmem>>, vector<1x16xi32>,
        %swap3A_113 = vector.shape_cast %swap3A_112 : vector<1x16xi32> to vector<16xi32>
        %swap3A_114 = vector.shape_cast %add3A_109 : vector<16xi32> to vector<1x16xi32>
        tpu.vector_store %arg10[%swap3A_110, %swap3A_111], %swap3A_114 {strides = array<i32>} : memref<80x64xi32, #tpu.memory_space<vmem>>, vector<1x16xi32>,
        %iota3A_115 = tpu.iota {dimensions = array<i32: 0>} : vector<16xi32>
        %mul3A_116 = arith.constant 911 : i32
        %mul3A_117 = arith.muli %scan3A_78, %mul3A_116 : i32
        %add3A_118 = arith.constant 128 : i32
        %add3A_119 = arith.addi %mul3A_117, %add3A_118 : i32
        %mul3A_120 = arith.constant 8 : i32
        %mul3A_121 = vector.broadcast %mul3A_120 : i32 to vector<16xi32>
        %mul3A_122 = arith.muli %iota3A_115, %mul3A_121 : vector<16xi32>
        %add3A_123 = vector.broadcast %add3A_119 : i32 to vector<16xi32>
        %add3A_124 = arith.addi %add3A_123, %mul3A_122 : vector<16xi32>
        %rem3A_125 = arith.constant 30000 : i32
        %rem3A_126 = vector.broadcast %rem3A_125 : i32 to vector<16xi32>
        %rem3A_127 = arith.remsi %add3A_124, %rem3A_126 : vector<16xi32>
        %mul3A_128 = arith.constant 64 : i32
        %mul3A_129 = arith.muli %scan3A_78, %mul3A_128 : i32
        %add3A_130 = arith.constant 16 : i32
        %add3A_131 = arith.addi %mul3A_129, %add3A_130 : i32
        %swap3A_132 = arith.index_cast %add3A_131 : i32 to index
        %swap3A_133 = tpu.vector_load %arg11[%swap3A_132] {strides = array<i32>} : memref<5120xi32, #tpu.memory_space<vmem>>, vector<16xi32>,
        %swap3A_134 = vector.shape_cast %swap3A_133 : vector<16xi32> to vector<16xi32>
        %swap3A_135 = vector.shape_cast %rem3A_127 : vector<16xi32> to vector<16xi32>
        tpu.vector_store %arg11[%swap3A_132], %swap3A_135 {strides = array<i32>} : memref<5120xi32, #tpu.memory_space<vmem>>, vector<16xi32>,
        %mul3A_136 = arith.constant 64 : i32
        %mul3A_137 = arith.muli %scan3A_78, %mul3A_136 : i32
        %add3A_138 = arith.constant 16 : i32
        %add3A_139 = arith.addi %mul3A_137, %add3A_138 : i32
        %add3A_140 = vector.broadcast %add3A_139 : i32 to vector<16xi32>
        %add3A_141 = arith.addi %add3A_140, %iota3A_115 : vector<16xi32>
        %rem3A_142 = arith.constant 240 : i32
        %rem3A_143 = vector.broadcast %rem3A_142 : i32 to vector<16xi32>
        %rem3A_144 = arith.remsi %add3A_141, %rem3A_143 : vector<16xi32>
        %add3A_145 = arith.constant 10000 : i32
        %add3A_146 = vector.broadcast %add3A_145 : i32 to vector<16xi32>
        %add3A_147 = arith.addi %add3A_146, %rem3A_144 : vector<16xi32>
        %swap3A_148 = arith.index_cast %scan3A_78 : i32 to index
        %swap3A_149 = arith.constant 16 : index
        %swap3A_150 = tpu.vector_load %arg10[%swap3A_148, %swap3A_149] {strides = array<i32>} : memref<80x64xi32, #tpu.memory_space<vmem>>, vector<1x16xi32>,
        %swap3A_151 = vector.shape_cast %swap3A_150 : vector<1x16xi32> to vector<16xi32>
        %swap3A_152 = vector.shape_cast %add3A_147 : vector<16xi32> to vector<1x16xi32>
        tpu.vector_store %arg10[%swap3A_148, %swap3A_149], %swap3A_152 {strides = array<i32>} : memref<80x64xi32, #tpu.memory_space<vmem>>, vector<1x16xi32>,
        %iota3A_153 = tpu.iota {dimensions = array<i32: 0>} : vector<16xi32>
        %mul3A_154 = arith.constant 911 : i32
        %mul3A_155 = arith.muli %scan3A_78, %mul3A_154 : i32
        %add3A_156 = arith.constant 256 : i32
        %add3A_157 = arith.addi %mul3A_155, %add3A_156 : i32
        %mul3A_158 = arith.constant 8 : i32
        %mul3A_159 = vector.broadcast %mul3A_158 : i32 to vector<16xi32>
        %mul3A_160 = arith.muli %iota3A_153, %mul3A_159 : vector<16xi32>
        %add3A_161 = vector.broadcast %add3A_157 : i32 to vector<16xi32>
        %add3A_162 = arith.addi %add3A_161, %mul3A_160 : vector<16xi32>
        %rem3A_163 = arith.constant 30000 : i32
        %rem3A_164 = vector.broadcast %rem3A_163 : i32 to vector<16xi32>
        %rem3A_165 = arith.remsi %add3A_162, %rem3A_164 : vector<16xi32>
        %mul3A_166 = arith.constant 64 : i32
        %mul3A_167 = arith.muli %scan3A_78, %mul3A_166 : i32
        %add3A_168 = arith.constant 32 : i32
        %add3A_169 = arith.addi %mul3A_167, %add3A_168 : i32
        %swap3A_170 = arith.index_cast %add3A_169 : i32 to index
        %swap3A_171 = tpu.vector_load %arg11[%swap3A_170] {strides = array<i32>} : memref<5120xi32, #tpu.memory_space<vmem>>, vector<16xi32>,
        %swap3A_172 = vector.shape_cast %swap3A_171 : vector<16xi32> to vector<16xi32>
        %swap3A_173 = vector.shape_cast %rem3A_165 : vector<16xi32> to vector<16xi32>
        tpu.vector_store %arg11[%swap3A_170], %swap3A_173 {strides = array<i32>} : memref<5120xi32, #tpu.memory_space<vmem>>, vector<16xi32>,
        %mul3A_174 = arith.constant 64 : i32
        %mul3A_175 = arith.muli %scan3A_78, %mul3A_174 : i32
        %add3A_176 = arith.constant 32 : i32
        %add3A_177 = arith.addi %mul3A_175, %add3A_176 : i32
        %add3A_178 = vector.broadcast %add3A_177 : i32 to vector<16xi32>
        %add3A_179 = arith.addi %add3A_178, %iota3A_153 : vector<16xi32>
        %rem3A_180 = arith.constant 240 : i32
        %rem3A_181 = vector.broadcast %rem3A_180 : i32 to vector<16xi32>
        %rem3A_182 = arith.remsi %add3A_179, %rem3A_181 : vector<16xi32>
        %add3A_183 = arith.constant 10000 : i32
        %add3A_184 = vector.broadcast %add3A_183 : i32 to vector<16xi32>
        %add3A_185 = arith.addi %add3A_184, %rem3A_182 : vector<16xi32>
        %swap3A_186 = arith.index_cast %scan3A_78 : i32 to index
        %swap3A_187 = arith.constant 32 : index
        %swap3A_188 = tpu.vector_load %arg10[%swap3A_186, %swap3A_187] {strides = array<i32>} : memref<80x64xi32, #tpu.memory_space<vmem>>, vector<1x16xi32>,
        %swap3A_189 = vector.shape_cast %swap3A_188 : vector<1x16xi32> to vector<16xi32>
        %swap3A_190 = vector.shape_cast %add3A_185 : vector<16xi32> to vector<1x16xi32>
        tpu.vector_store %arg10[%swap3A_186, %swap3A_187], %swap3A_190 {strides = array<i32>} : memref<80x64xi32, #tpu.memory_space<vmem>>, vector<1x16xi32>,
        %iota3A_191 = tpu.iota {dimensions = array<i32: 0>} : vector<16xi32>
        %mul3A_192 = arith.constant 911 : i32
        %mul3A_193 = arith.muli %scan3A_78, %mul3A_192 : i32
        %add3A_194 = arith.constant 384 : i32
        %add3A_195 = arith.addi %mul3A_193, %add3A_194 : i32
        %mul3A_196 = arith.constant 8 : i32
        %mul3A_197 = vector.broadcast %mul3A_196 : i32 to vector<16xi32>
        %mul3A_198 = arith.muli %iota3A_191, %mul3A_197 : vector<16xi32>
        %add3A_199 = vector.broadcast %add3A_195 : i32 to vector<16xi32>
        %add3A_200 = arith.addi %add3A_199, %mul3A_198 : vector<16xi32>
        %rem3A_201 = arith.constant 30000 : i32
        %rem3A_202 = vector.broadcast %rem3A_201 : i32 to vector<16xi32>
        %rem3A_203 = arith.remsi %add3A_200, %rem3A_202 : vector<16xi32>
        %mul3A_204 = arith.constant 64 : i32
        %mul3A_205 = arith.muli %scan3A_78, %mul3A_204 : i32
        %add3A_206 = arith.constant 48 : i32
        %add3A_207 = arith.addi %mul3A_205, %add3A_206 : i32
        %swap3A_208 = arith.index_cast %add3A_207 : i32 to index
        %swap3A_209 = tpu.vector_load %arg11[%swap3A_208] {strides = array<i32>} : memref<5120xi32, #tpu.memory_space<vmem>>, vector<16xi32>,
        %swap3A_210 = vector.shape_cast %swap3A_209 : vector<16xi32> to vector<16xi32>
        %swap3A_211 = vector.shape_cast %rem3A_203 : vector<16xi32> to vector<16xi32>
        tpu.vector_store %arg11[%swap3A_208], %swap3A_211 {strides = array<i32>} : memref<5120xi32, #tpu.memory_space<vmem>>, vector<16xi32>,
        %mul3A_212 = arith.constant 64 : i32
        %mul3A_213 = arith.muli %scan3A_78, %mul3A_212 : i32
        %add3A_214 = arith.constant 48 : i32
        %add3A_215 = arith.addi %mul3A_213, %add3A_214 : i32
        %add3A_216 = vector.broadcast %add3A_215 : i32 to vector<16xi32>
        %add3A_217 = arith.addi %add3A_216, %iota3A_191 : vector<16xi32>
        %rem3A_218 = arith.constant 240 : i32
        %rem3A_219 = vector.broadcast %rem3A_218 : i32 to vector<16xi32>
        %rem3A_220 = arith.remsi %add3A_217, %rem3A_219 : vector<16xi32>
        %add3A_221 = arith.constant 10000 : i32
        %add3A_222 = vector.broadcast %add3A_221 : i32 to vector<16xi32>
        %add3A_223 = arith.addi %add3A_222, %rem3A_220 : vector<16xi32>
        %swap3A_224 = arith.index_cast %scan3A_78 : i32 to index
        %swap3A_225 = arith.constant 48 : index
        %swap3A_226 = tpu.vector_load %arg10[%swap3A_224, %swap3A_225] {strides = array<i32>} : memref<80x64xi32, #tpu.memory_space<vmem>>, vector<1x16xi32>,
        %swap3A_227 = vector.shape_cast %swap3A_226 : vector<1x16xi32> to vector<16xi32>
        %swap3A_228 = vector.shape_cast %add3A_223 : vector<16xi32> to vector<1x16xi32>
        tpu.vector_store %arg10[%swap3A_224, %swap3A_225], %swap3A_228 {strides = array<i32>} : memref<80x64xi32, #tpu.memory_space<vmem>>, vector<1x16xi32>,
      }
      %scan3A_77 = arith.constant 60 : i32
    } else {
    }
    "tpu.region"() ({
      %run_scoped3A = tpu.sem_alloc : memref<!tpu.dma_semaphore, #tpu.memory_space<semaphore_mem>>
      %dma_start3A = tpu.memref_slice %arg4[%mul3A_2] : memref<163840xi32, #tpu.memory_space<hbm>> -> memref<5120xi32, #tpu.memory_space<hbm>>
      %dma_start3A_72 = tpu.memref_slice %arg4[%mul3A_2] : memref<163840xi32, #tpu.memory_space<hbm>> -> memref<5120xi32, #tpu.memory_space<hbm>>
      tpu.enqueue_dma source(%arg11 : memref<5120xi32, #tpu.memory_space<vmem>>) target(%dma_start3A_72 : memref<5120xi32, #tpu.memory_space<hbm>>) target_semaphore(%run_scoped3A : memref<!tpu.dma_semaphore, #tpu.memory_space<semaphore_mem>>)
      %dma_wait3A = tpu.memref_slice %arg4[%mul3A_2] : memref<163840xi32, #tpu.memory_space<hbm>> -> memref<5120xi32, #tpu.memory_space<hbm>>
      %dma_wait3A_73 = tpu.memref_slice %arg4[%mul3A_2] : memref<163840xi32, #tpu.memory_space<hbm>> -> memref<5120xi32, #tpu.memory_space<hbm>>
      tpu.wait_dma2 semaphore(%run_scoped3A : memref<!tpu.dma_semaphore, #tpu.memory_space<semaphore_mem>>) src(%arg11 : memref<5120xi32, #tpu.memory_space<vmem>>) dst(%dma_wait3A_73 : memref<5120xi32, #tpu.memory_space<hbm>>)
      tpu.yield
    }) : () -> ()
    %mul3A_55 = arith.constant 80 : i32
    %mul3A_56 = arith.muli %add3A, %mul3A_55 : i32
    "tpu.region"() ({
      %run_scoped3A = tpu.sem_alloc : memref<!tpu.dma_semaphore, #tpu.memory_space<semaphore_mem>>
      %dma_start3A = arith.constant 0 : i32
      %dma_start3A_72 = tpu.memref_slice %arg5[%mul3A_56, %dma_start3A] : memref<2560x64xi32, #tpu.memory_space<hbm>> -> memref<80x64xi32, #tpu.memory_space<hbm>>
      %dma_start3A_73 = arith.constant 0 : i32
      %dma_start3A_74 = tpu.memref_slice %arg5[%mul3A_56, %dma_start3A_73] : memref<2560x64xi32, #tpu.memory_space<hbm>> -> memref<80x64xi32, #tpu.memory_space<hbm>>
      tpu.enqueue_dma source(%arg10 : memref<80x64xi32, #tpu.memory_space<vmem>>) target(%dma_start3A_74 : memref<80x64xi32, #tpu.memory_space<hbm>>) target_semaphore(%run_scoped3A : memref<!tpu.dma_semaphore, #tpu.memory_space<semaphore_mem>>)
      %dma_wait3A = arith.constant 0 : i32
      %dma_wait3A_75 = tpu.memref_slice %arg5[%mul3A_56, %dma_wait3A] : memref<2560x64xi32, #tpu.memory_space<hbm>> -> memref<80x64xi32, #tpu.memory_space<hbm>>
      %dma_wait3A_76 = arith.constant 0 : i32
      %dma_wait3A_77 = tpu.memref_slice %arg5[%mul3A_56, %dma_wait3A_76] : memref<2560x64xi32, #tpu.memory_space<hbm>> -> memref<80x64xi32, #tpu.memory_space<hbm>>
      tpu.wait_dma2 semaphore(%run_scoped3A : memref<!tpu.dma_semaphore, #tpu.memory_space<semaphore_mem>>) src(%arg10 : memref<80x64xi32, #tpu.memory_space<vmem>>) dst(%dma_wait3A_77 : memref<80x64xi32, #tpu.memory_space<hbm>>)
      tpu.yield
    }) : () -> ()
    %while3A_57 = arith.constant 0 : i32
    %while3A_58 = arith.constant 0 : i32
    %while3A_59 = arith.subi %select_n3A, %while3A_58 : i32
    %while3A_60 = arith.addi %while3A_58, %while3A_59 : i32
    %while3A_61 = arith.constant 1 : i32
    %while3A_62 = arith.divsi %while3A_59, %while3A_61 : i32
    %while3A_63 = arith.muli %while3A_62, %while3A_61 : i32
    %while3A_64 = arith.addi %while3A_58, %while3A_63 : i32
    %while3A_65 = arith.constant 1 : i32
    scf.for %while3A_72 = %while3A_58 to %while3A_64 step %while3A_65  : i32 {
      %dma_wait3A = arith.constant 0 : i32
      %dma_wait3A_73 = tpu.memref_slice %arg10[%while3A_72, %dma_wait3A] : memref<80x64xi32, #tpu.memory_space<vmem>> -> memref<1x64xi32, #tpu.memory_space<vmem>>
      %dma_wait3A_74 = tpu.memref_squeeze %dma_wait3A_73 : memref<1x64xi32, #tpu.memory_space<vmem>> -> memref<64xi32, #tpu.memory_space<vmem>>
      %dma_wait3A_75 = arith.constant 0 : i32
      %dma_wait3A_76 = tpu.memref_slice %arg14[%dma_wait3A_75] : memref<10240xf32, #tpu.memory_space<vmem_shared>> -> memref<10240xf32, #tpu.memory_space<vmem_shared>>
      tpu.wait_indirect_dma semaphore(%arg15 : memref<!tpu.dma_semaphore, #tpu.memory_space<semaphore_mem>>) src(%arg12 : memref<64xf32, #tpu.memory_space<vmem>>) dst(%dma_wait3A_76 : memref<10240xf32, #tpu.memory_space<vmem_shared>>)
    }
    %while3A_66 = arith.constant 1 : i32
    scf.for %while3A_72 = %while3A_64 to %while3A_60 step %while3A_66  : i32 {
      %dma_wait3A = arith.constant 0 : i32
      %dma_wait3A_73 = tpu.memref_slice %arg10[%while3A_72, %dma_wait3A] : memref<80x64xi32, #tpu.memory_space<vmem>> -> memref<1x64xi32, #tpu.memory_space<vmem>>
      %dma_wait3A_74 = tpu.memref_squeeze %dma_wait3A_73 : memref<1x64xi32, #tpu.memory_space<vmem>> -> memref<64xi32, #tpu.memory_space<vmem>>
      %dma_wait3A_75 = arith.constant 0 : i32
      %dma_wait3A_76 = tpu.memref_slice %arg14[%dma_wait3A_75] : memref<10240xf32, #tpu.memory_space<vmem_shared>> -> memref<10240xf32, #tpu.memory_space<vmem_shared>>
      tpu.wait_indirect_dma semaphore(%arg15 : memref<!tpu.dma_semaphore, #tpu.memory_space<semaphore_mem>>) src(%arg12 : memref<64xf32, #tpu.memory_space<vmem>>) dst(%dma_wait3A_76 : memref<10240xf32, #tpu.memory_space<vmem_shared>>)
    }
    %barrier3A_67 = arith.constant 0 : index
    tpu.barrier barrier_id(%barrier3A_67)
    %mul3A_68 = arith.constant 640 : i32
    %mul3A_69 = arith.muli %arg1, %mul3A_68 : i32
    %mul3A_70 = arith.constant 640 : i32
    %mul3A_71 = arith.muli %arg1, %mul3A_70 : i32
    "tpu.region"() ({
      %run_scoped3A = tpu.sem_alloc : memref<!tpu.dma_semaphore, #tpu.memory_space<semaphore_mem>>
      %dma_start3A = tpu.memref_slice %arg6[%arg0, %mul3A_71] : memref<2x10240xf32, #tpu.memory_space<hbm>> -> memref<1x640xf32, #tpu.memory_space<hbm>>
      %dma_start3A_72 = tpu.memref_squeeze %dma_start3A : memref<1x640xf32, #tpu.memory_space<hbm>> -> memref<640xf32, #tpu.memory_space<hbm>>
      %dma_start3A_73 = tpu.memref_slice %arg14[%mul3A_69] : memref<10240xf32, #tpu.memory_space<vmem_shared>> -> memref<640xf32, #tpu.memory_space<vmem_shared>>
      tpu.enqueue_dma source(%dma_start3A_73 : memref<640xf32, #tpu.memory_space<vmem_shared>>) target(%dma_start3A_72 : memref<640xf32, #tpu.memory_space<hbm>>) target_semaphore(%run_scoped3A : memref<!tpu.dma_semaphore, #tpu.memory_space<semaphore_mem>>)
      %dma_wait3A = tpu.memref_slice %arg6[%arg0, %mul3A_71] : memref<2x10240xf32, #tpu.memory_space<hbm>> -> memref<1x640xf32, #tpu.memory_space<hbm>>
      %dma_wait3A_74 = tpu.memref_squeeze %dma_wait3A : memref<1x640xf32, #tpu.memory_space<hbm>> -> memref<640xf32, #tpu.memory_space<hbm>>
      %dma_wait3A_75 = tpu.memref_slice %arg14[%mul3A_69] : memref<10240xf32, #tpu.memory_space<vmem_shared>> -> memref<640xf32, #tpu.memory_space<vmem_shared>>
      tpu.wait_dma2 semaphore(%run_scoped3A : memref<!tpu.dma_semaphore, #tpu.memory_space<semaphore_mem>>) src(%dma_wait3A_75 : memref<640xf32, #tpu.memory_space<vmem_shared>>) dst(%dma_wait3A_74 : memref<640xf32, #tpu.memory_space<hbm>>)
      tpu.yield
    }) : () -> ()
    return
  }
}

#map = affine_map<(d0, d1) -> (0, 0)>
#map1 = affine_map<(d0, d1) -> (0)>
#map2 = affine_map<(d0, d1) -> (0, 0, 0)>
module attributes {stable_mosaic.version = 14 : i64} {
  func.func @_sc_edges_body(%arg0: i32, %arg1: i32, %arg2: memref<30000x128xf32, #tpu.memory_space<hbm>>, %arg3: memref<163840xi32, #tpu.memory_space<hbm>>, %arg4: memref<2560x64xi32, #tpu.memory_space<hbm>>, %arg5: memref<2x10240x128xf32, #tpu.memory_space<hbm>>, %arg6: memref<5120xi32, #tpu.memory_space<vmem>>, %arg7: memref<80x64xi32, #tpu.memory_space<vmem>>, %arg8: memref<64x128xf32, #tpu.memory_space<vmem>>, %arg9: memref<64x128xf32, #tpu.memory_space<vmem>>, %arg10: memref<64x128xf32, #tpu.memory_space<vmem>>, %arg11: memref<64x128xf32, #tpu.memory_space<vmem>>, %arg12: memref<10240x128xf32, #tpu.memory_space<vmem_shared>>, %arg13: memref<!tpu.dma_semaphore, #tpu.memory_space<semaphore_mem>>, %arg14: memref<!tpu.dma_semaphore, #tpu.memory_space<semaphore_mem>>, %arg15: memref<!tpu.dma_semaphore, #tpu.memory_space<semaphore_mem>>, %arg16: memref<!tpu.dma_semaphore, #tpu.memory_space<semaphore_mem>>, %arg17: memref<!tpu.dma_semaphore, #tpu.memory_space<semaphore_mem>>, %arg18: memref<!tpu.dma_semaphore, #tpu.memory_space<semaphore_mem>>, %arg19: memref<!tpu.dma_semaphore, #tpu.memory_space<semaphore_mem>>, %arg20: memref<!tpu.dma_semaphore, #tpu.memory_space<semaphore_mem>>) attributes {dimension_semantics = [#tpu.dimension_semantics<core_parallel>, #tpu.dimension_semantics<subcore_parallel>], iteration_bounds = array<i64: 2, 16>, scalar_prefetch = 0 : i64, scratch_operands = 15 : i64, tpu.core_type = #tpu.core_type<sc_vector_subcore>, window_params = [{transform_indices = #map}, {transform_indices = #map1}, {transform_indices = #map}, {transform_indices = #map2}]} {
    %mul3A = arith.constant 16 : i32
    %mul3A_0 = arith.muli %arg0, %mul3A : i32
    %add3A = arith.addi %mul3A_0, %arg1 : i32
    %mul3A_1 = arith.constant 80 : i32
    %mul3A_2 = arith.muli %add3A, %mul3A_1 : i32
    %mul3A_3 = arith.constant 64 : i32
    %mul3A_4 = arith.muli %mul3A_2, %mul3A_3 : i32
    %dma_start3A = tpu.memref_slice %arg3[%mul3A_4] : memref<163840xi32, #tpu.memory_space<hbm>> -> memref<5120xi32, #tpu.memory_space<hbm>>
    %dma_start3A_5 = tpu.memref_slice %arg3[%mul3A_4] : memref<163840xi32, #tpu.memory_space<hbm>> -> memref<5120xi32, #tpu.memory_space<hbm>>
    tpu.enqueue_dma source(%dma_start3A_5 : memref<5120xi32, #tpu.memory_space<hbm>>) target(%arg6 : memref<5120xi32, #tpu.memory_space<vmem>>) target_semaphore(%arg17 : memref<!tpu.dma_semaphore, #tpu.memory_space<semaphore_mem>>)
    %mul3A_6 = arith.constant 80 : i32
    %mul3A_7 = arith.muli %add3A, %mul3A_6 : i32
    %dma_start3A_8 = arith.constant 0 : i32
    %dma_start3A_9 = tpu.memref_slice %arg4[%mul3A_7, %dma_start3A_8] : memref<2560x64xi32, #tpu.memory_space<hbm>> -> memref<80x64xi32, #tpu.memory_space<hbm>>
    %dma_start3A_10 = arith.constant 0 : i32
    %dma_start3A_11 = tpu.memref_slice %arg4[%mul3A_7, %dma_start3A_10] : memref<2560x64xi32, #tpu.memory_space<hbm>> -> memref<80x64xi32, #tpu.memory_space<hbm>>
    tpu.enqueue_dma source(%dma_start3A_11 : memref<80x64xi32, #tpu.memory_space<hbm>>) target(%arg7 : memref<80x64xi32, #tpu.memory_space<vmem>>) target_semaphore(%arg18 : memref<!tpu.dma_semaphore, #tpu.memory_space<semaphore_mem>>)
    %scan3A = arith.constant 0 : i32
    %scan3A_12 = arith.constant 0 : i32
    %scan3A_13 = arith.constant 64 : i32
    %scan3A_14 = arith.addi %scan3A_12, %scan3A_13 : i32
    %scan3A_15 = arith.constant 1 : i32
    scf.for %scan3A_247 = %scan3A_12 to %scan3A_14 step %scan3A_15  : i32 {
      %broadcast_in_dim3A = arith.constant 0.000000e+00 : f32
      %broadcast_in_dim3A_248 = vector.broadcast %broadcast_in_dim3A : f32 to vector<16xf32>
      %swap3A = arith.index_cast %scan3A_247 : i32 to index
      %swap3A_249 = arith.constant 0 : index
      %swap3A_250 = tpu.vector_load %arg8[%swap3A, %swap3A_249] {strides = array<i32>} : memref<64x128xf32, #tpu.memory_space<vmem>>, vector<1x16xf32>,
      %swap3A_251 = vector.shape_cast %swap3A_250 : vector<1x16xf32> to vector<16xf32>
      %swap3A_252 = vector.shape_cast %broadcast_in_dim3A_248 : vector<16xf32> to vector<1x16xf32>
      tpu.vector_store %arg8[%swap3A, %swap3A_249], %swap3A_252 {strides = array<i32>} : memref<64x128xf32, #tpu.memory_space<vmem>>, vector<1x16xf32>,
      %broadcast_in_dim3A_253 = arith.constant 0.000000e+00 : f32
      %broadcast_in_dim3A_254 = vector.broadcast %broadcast_in_dim3A_253 : f32 to vector<16xf32>
      %swap3A_255 = arith.index_cast %scan3A_247 : i32 to index
      %swap3A_256 = arith.constant 16 : index
      %swap3A_257 = tpu.vector_load %arg8[%swap3A_255, %swap3A_256] {strides = array<i32>} : memref<64x128xf32, #tpu.memory_space<vmem>>, vector<1x16xf32>,
      %swap3A_258 = vector.shape_cast %swap3A_257 : vector<1x16xf32> to vector<16xf32>
      %swap3A_259 = vector.shape_cast %broadcast_in_dim3A_254 : vector<16xf32> to vector<1x16xf32>
      tpu.vector_store %arg8[%swap3A_255, %swap3A_256], %swap3A_259 {strides = array<i32>} : memref<64x128xf32, #tpu.memory_space<vmem>>, vector<1x16xf32>,
      %broadcast_in_dim3A_260 = arith.constant 0.000000e+00 : f32
      %broadcast_in_dim3A_261 = vector.broadcast %broadcast_in_dim3A_260 : f32 to vector<16xf32>
      %swap3A_262 = arith.index_cast %scan3A_247 : i32 to index
      %swap3A_263 = arith.constant 32 : index
      %swap3A_264 = tpu.vector_load %arg8[%swap3A_262, %swap3A_263] {strides = array<i32>} : memref<64x128xf32, #tpu.memory_space<vmem>>, vector<1x16xf32>,
      %swap3A_265 = vector.shape_cast %swap3A_264 : vector<1x16xf32> to vector<16xf32>
      %swap3A_266 = vector.shape_cast %broadcast_in_dim3A_261 : vector<16xf32> to vector<1x16xf32>
      tpu.vector_store %arg8[%swap3A_262, %swap3A_263], %swap3A_266 {strides = array<i32>} : memref<64x128xf32, #tpu.memory_space<vmem>>, vector<1x16xf32>,
      %broadcast_in_dim3A_267 = arith.constant 0.000000e+00 : f32
      %broadcast_in_dim3A_268 = vector.broadcast %broadcast_in_dim3A_267 : f32 to vector<16xf32>
      %swap3A_269 = arith.index_cast %scan3A_247 : i32 to index
      %swap3A_270 = arith.constant 48 : index
      %swap3A_271 = tpu.vector_load %arg8[%swap3A_269, %swap3A_270] {strides = array<i32>} : memref<64x128xf32, #tpu.memory_space<vmem>>, vector<1x16xf32>,
      %swap3A_272 = vector.shape_cast %swap3A_271 : vector<1x16xf32> to vector<16xf32>
      %swap3A_273 = vector.shape_cast %broadcast_in_dim3A_268 : vector<16xf32> to vector<1x16xf32>
      tpu.vector_store %arg8[%swap3A_269, %swap3A_270], %swap3A_273 {strides = array<i32>} : memref<64x128xf32, #tpu.memory_space<vmem>>, vector<1x16xf32>,
      %broadcast_in_dim3A_274 = arith.constant 0.000000e+00 : f32
      %broadcast_in_dim3A_275 = vector.broadcast %broadcast_in_dim3A_274 : f32 to vector<16xf32>
      %swap3A_276 = arith.index_cast %scan3A_247 : i32 to index
      %swap3A_277 = arith.constant 64 : index
      %swap3A_278 = tpu.vector_load %arg8[%swap3A_276, %swap3A_277] {strides = array<i32>} : memref<64x128xf32, #tpu.memory_space<vmem>>, vector<1x16xf32>,
      %swap3A_279 = vector.shape_cast %swap3A_278 : vector<1x16xf32> to vector<16xf32>
      %swap3A_280 = vector.shape_cast %broadcast_in_dim3A_275 : vector<16xf32> to vector<1x16xf32>
      tpu.vector_store %arg8[%swap3A_276, %swap3A_277], %swap3A_280 {strides = array<i32>} : memref<64x128xf32, #tpu.memory_space<vmem>>, vector<1x16xf32>,
      %broadcast_in_dim3A_281 = arith.constant 0.000000e+00 : f32
      %broadcast_in_dim3A_282 = vector.broadcast %broadcast_in_dim3A_281 : f32 to vector<16xf32>
      %swap3A_283 = arith.index_cast %scan3A_247 : i32 to index
      %swap3A_284 = arith.constant 80 : index
      %swap3A_285 = tpu.vector_load %arg8[%swap3A_283, %swap3A_284] {strides = array<i32>} : memref<64x128xf32, #tpu.memory_space<vmem>>, vector<1x16xf32>,
      %swap3A_286 = vector.shape_cast %swap3A_285 : vector<1x16xf32> to vector<16xf32>
      %swap3A_287 = vector.shape_cast %broadcast_in_dim3A_282 : vector<16xf32> to vector<1x16xf32>
      tpu.vector_store %arg8[%swap3A_283, %swap3A_284], %swap3A_287 {strides = array<i32>} : memref<64x128xf32, #tpu.memory_space<vmem>>, vector<1x16xf32>,
      %broadcast_in_dim3A_288 = arith.constant 0.000000e+00 : f32
      %broadcast_in_dim3A_289 = vector.broadcast %broadcast_in_dim3A_288 : f32 to vector<16xf32>
      %swap3A_290 = arith.index_cast %scan3A_247 : i32 to index
      %swap3A_291 = arith.constant 96 : index
      %swap3A_292 = tpu.vector_load %arg8[%swap3A_290, %swap3A_291] {strides = array<i32>} : memref<64x128xf32, #tpu.memory_space<vmem>>, vector<1x16xf32>,
      %swap3A_293 = vector.shape_cast %swap3A_292 : vector<1x16xf32> to vector<16xf32>
      %swap3A_294 = vector.shape_cast %broadcast_in_dim3A_289 : vector<16xf32> to vector<1x16xf32>
      tpu.vector_store %arg8[%swap3A_290, %swap3A_291], %swap3A_294 {strides = array<i32>} : memref<64x128xf32, #tpu.memory_space<vmem>>, vector<1x16xf32>,
      %broadcast_in_dim3A_295 = arith.constant 0.000000e+00 : f32
      %broadcast_in_dim3A_296 = vector.broadcast %broadcast_in_dim3A_295 : f32 to vector<16xf32>
      %swap3A_297 = arith.index_cast %scan3A_247 : i32 to index
      %swap3A_298 = arith.constant 112 : index
      %swap3A_299 = tpu.vector_load %arg8[%swap3A_297, %swap3A_298] {strides = array<i32>} : memref<64x128xf32, #tpu.memory_space<vmem>>, vector<1x16xf32>,
      %swap3A_300 = vector.shape_cast %swap3A_299 : vector<1x16xf32> to vector<16xf32>
      %swap3A_301 = vector.shape_cast %broadcast_in_dim3A_296 : vector<16xf32> to vector<1x16xf32>
      tpu.vector_store %arg8[%swap3A_297, %swap3A_298], %swap3A_301 {strides = array<i32>} : memref<64x128xf32, #tpu.memory_space<vmem>>, vector<1x16xf32>,
    }
    %scan3A_16 = arith.constant 64 : i32
    %mul3A_17 = arith.constant 640 : i32
    %mul3A_18 = arith.muli %arg1, %mul3A_17 : i32
    %add3A_19 = arith.constant 0 : i32
    %add3A_20 = arith.addi %mul3A_18, %add3A_19 : i32
    %dma_start3A_21 = arith.constant 0 : i32
    %dma_start3A_22 = tpu.memref_slice %arg12[%add3A_20, %dma_start3A_21] : memref<10240x128xf32, #tpu.memory_space<vmem_shared>> -> memref<64x128xf32, #tpu.memory_space<vmem_shared>>
    %dma_start3A_23 = arith.constant 0 : i32
    %dma_start3A_24 = tpu.memref_slice %arg12[%add3A_20, %dma_start3A_23] : memref<10240x128xf32, #tpu.memory_space<vmem_shared>> -> memref<64x128xf32, #tpu.memory_space<vmem_shared>>
    tpu.enqueue_dma source(%arg8 : memref<64x128xf32, #tpu.memory_space<vmem>>) target(%dma_start3A_24 : memref<64x128xf32, #tpu.memory_space<vmem_shared>>) target_semaphore(%arg13 : memref<!tpu.dma_semaphore, #tpu.memory_space<semaphore_mem>>)
    %mul3A_25 = arith.constant 640 : i32
    %mul3A_26 = arith.muli %arg1, %mul3A_25 : i32
    %add3A_27 = arith.constant 64 : i32
    %add3A_28 = arith.addi %mul3A_26, %add3A_27 : i32
    %dma_start3A_29 = arith.constant 0 : i32
    %dma_start3A_30 = tpu.memref_slice %arg12[%add3A_28, %dma_start3A_29] : memref<10240x128xf32, #tpu.memory_space<vmem_shared>> -> memref<64x128xf32, #tpu.memory_space<vmem_shared>>
    %dma_start3A_31 = arith.constant 0 : i32
    %dma_start3A_32 = tpu.memref_slice %arg12[%add3A_28, %dma_start3A_31] : memref<10240x128xf32, #tpu.memory_space<vmem_shared>> -> memref<64x128xf32, #tpu.memory_space<vmem_shared>>
    tpu.enqueue_dma source(%arg8 : memref<64x128xf32, #tpu.memory_space<vmem>>) target(%dma_start3A_32 : memref<64x128xf32, #tpu.memory_space<vmem_shared>>) target_semaphore(%arg13 : memref<!tpu.dma_semaphore, #tpu.memory_space<semaphore_mem>>)
    %mul3A_33 = arith.constant 640 : i32
    %mul3A_34 = arith.muli %arg1, %mul3A_33 : i32
    %add3A_35 = arith.constant 128 : i32
    %add3A_36 = arith.addi %mul3A_34, %add3A_35 : i32
    %dma_start3A_37 = arith.constant 0 : i32
    %dma_start3A_38 = tpu.memref_slice %arg12[%add3A_36, %dma_start3A_37] : memref<10240x128xf32, #tpu.memory_space<vmem_shared>> -> memref<64x128xf32, #tpu.memory_space<vmem_shared>>
    %dma_start3A_39 = arith.constant 0 : i32
    %dma_start3A_40 = tpu.memref_slice %arg12[%add3A_36, %dma_start3A_39] : memref<10240x128xf32, #tpu.memory_space<vmem_shared>> -> memref<64x128xf32, #tpu.memory_space<vmem_shared>>
    tpu.enqueue_dma source(%arg8 : memref<64x128xf32, #tpu.memory_space<vmem>>) target(%dma_start3A_40 : memref<64x128xf32, #tpu.memory_space<vmem_shared>>) target_semaphore(%arg13 : memref<!tpu.dma_semaphore, #tpu.memory_space<semaphore_mem>>)
    %mul3A_41 = arith.constant 640 : i32
    %mul3A_42 = arith.muli %arg1, %mul3A_41 : i32
    %add3A_43 = arith.constant 192 : i32
    %add3A_44 = arith.addi %mul3A_42, %add3A_43 : i32
    %dma_start3A_45 = arith.constant 0 : i32
    %dma_start3A_46 = tpu.memref_slice %arg12[%add3A_44, %dma_start3A_45] : memref<10240x128xf32, #tpu.memory_space<vmem_shared>> -> memref<64x128xf32, #tpu.memory_space<vmem_shared>>
    %dma_start3A_47 = arith.constant 0 : i32
    %dma_start3A_48 = tpu.memref_slice %arg12[%add3A_44, %dma_start3A_47] : memref<10240x128xf32, #tpu.memory_space<vmem_shared>> -> memref<64x128xf32, #tpu.memory_space<vmem_shared>>
    tpu.enqueue_dma source(%arg8 : memref<64x128xf32, #tpu.memory_space<vmem>>) target(%dma_start3A_48 : memref<64x128xf32, #tpu.memory_space<vmem_shared>>) target_semaphore(%arg13 : memref<!tpu.dma_semaphore, #tpu.memory_space<semaphore_mem>>)
    %mul3A_49 = arith.constant 640 : i32
    %mul3A_50 = arith.muli %arg1, %mul3A_49 : i32
    %add3A_51 = arith.constant 256 : i32
    %add3A_52 = arith.addi %mul3A_50, %add3A_51 : i32
    %dma_start3A_53 = arith.constant 0 : i32
    %dma_start3A_54 = tpu.memref_slice %arg12[%add3A_52, %dma_start3A_53] : memref<10240x128xf32, #tpu.memory_space<vmem_shared>> -> memref<64x128xf32, #tpu.memory_space<vmem_shared>>
    %dma_start3A_55 = arith.constant 0 : i32
    %dma_start3A_56 = tpu.memref_slice %arg12[%add3A_52, %dma_start3A_55] : memref<10240x128xf32, #tpu.memory_space<vmem_shared>> -> memref<64x128xf32, #tpu.memory_space<vmem_shared>>
    tpu.enqueue_dma source(%arg8 : memref<64x128xf32, #tpu.memory_space<vmem>>) target(%dma_start3A_56 : memref<64x128xf32, #tpu.memory_space<vmem_shared>>) target_semaphore(%arg13 : memref<!tpu.dma_semaphore, #tpu.memory_space<semaphore_mem>>)
    %mul3A_57 = arith.constant 640 : i32
    %mul3A_58 = arith.muli %arg1, %mul3A_57 : i32
    %add3A_59 = arith.constant 320 : i32
    %add3A_60 = arith.addi %mul3A_58, %add3A_59 : i32
    %dma_start3A_61 = arith.constant 0 : i32
    %dma_start3A_62 = tpu.memref_slice %arg12[%add3A_60, %dma_start3A_61] : memref<10240x128xf32, #tpu.memory_space<vmem_shared>> -> memref<64x128xf32, #tpu.memory_space<vmem_shared>>
    %dma_start3A_63 = arith.constant 0 : i32
    %dma_start3A_64 = tpu.memref_slice %arg12[%add3A_60, %dma_start3A_63] : memref<10240x128xf32, #tpu.memory_space<vmem_shared>> -> memref<64x128xf32, #tpu.memory_space<vmem_shared>>
    tpu.enqueue_dma source(%arg8 : memref<64x128xf32, #tpu.memory_space<vmem>>) target(%dma_start3A_64 : memref<64x128xf32, #tpu.memory_space<vmem_shared>>) target_semaphore(%arg13 : memref<!tpu.dma_semaphore, #tpu.memory_space<semaphore_mem>>)
    %mul3A_65 = arith.constant 640 : i32
    %mul3A_66 = arith.muli %arg1, %mul3A_65 : i32
    %add3A_67 = arith.constant 384 : i32
    %add3A_68 = arith.addi %mul3A_66, %add3A_67 : i32
    %dma_start3A_69 = arith.constant 0 : i32
    %dma_start3A_70 = tpu.memref_slice %arg12[%add3A_68, %dma_start3A_69] : memref<10240x128xf32, #tpu.memory_space<vmem_shared>> -> memref<64x128xf32, #tpu.memory_space<vmem_shared>>
    %dma_start3A_71 = arith.constant 0 : i32
    %dma_start3A_72 = tpu.memref_slice %arg12[%add3A_68, %dma_start3A_71] : memref<10240x128xf32, #tpu.memory_space<vmem_shared>> -> memref<64x128xf32, #tpu.memory_space<vmem_shared>>
    tpu.enqueue_dma source(%arg8 : memref<64x128xf32, #tpu.memory_space<vmem>>) target(%dma_start3A_72 : memref<64x128xf32, #tpu.memory_space<vmem_shared>>) target_semaphore(%arg13 : memref<!tpu.dma_semaphore, #tpu.memory_space<semaphore_mem>>)
    %mul3A_73 = arith.constant 640 : i32
    %mul3A_74 = arith.muli %arg1, %mul3A_73 : i32
    %add3A_75 = arith.constant 448 : i32
    %add3A_76 = arith.addi %mul3A_74, %add3A_75 : i32
    %dma_start3A_77 = arith.constant 0 : i32
    %dma_start3A_78 = tpu.memref_slice %arg12[%add3A_76, %dma_start3A_77] : memref<10240x128xf32, #tpu.memory_space<vmem_shared>> -> memref<64x128xf32, #tpu.memory_space<vmem_shared>>
    %dma_start3A_79 = arith.constant 0 : i32
    %dma_start3A_80 = tpu.memref_slice %arg12[%add3A_76, %dma_start3A_79] : memref<10240x128xf32, #tpu.memory_space<vmem_shared>> -> memref<64x128xf32, #tpu.memory_space<vmem_shared>>
    tpu.enqueue_dma source(%arg8 : memref<64x128xf32, #tpu.memory_space<vmem>>) target(%dma_start3A_80 : memref<64x128xf32, #tpu.memory_space<vmem_shared>>) target_semaphore(%arg13 : memref<!tpu.dma_semaphore, #tpu.memory_space<semaphore_mem>>)
    %mul3A_81 = arith.constant 640 : i32
    %mul3A_82 = arith.muli %arg1, %mul3A_81 : i32
    %add3A_83 = arith.constant 512 : i32
    %add3A_84 = arith.addi %mul3A_82, %add3A_83 : i32
    %dma_start3A_85 = arith.constant 0 : i32
    %dma_start3A_86 = tpu.memref_slice %arg12[%add3A_84, %dma_start3A_85] : memref<10240x128xf32, #tpu.memory_space<vmem_shared>> -> memref<64x128xf32, #tpu.memory_space<vmem_shared>>
    %dma_start3A_87 = arith.constant 0 : i32
    %dma_start3A_88 = tpu.memref_slice %arg12[%add3A_84, %dma_start3A_87] : memref<10240x128xf32, #tpu.memory_space<vmem_shared>> -> memref<64x128xf32, #tpu.memory_space<vmem_shared>>
    tpu.enqueue_dma source(%arg8 : memref<64x128xf32, #tpu.memory_space<vmem>>) target(%dma_start3A_88 : memref<64x128xf32, #tpu.memory_space<vmem_shared>>) target_semaphore(%arg13 : memref<!tpu.dma_semaphore, #tpu.memory_space<semaphore_mem>>)
    %mul3A_89 = arith.constant 640 : i32
    %mul3A_90 = arith.muli %arg1, %mul3A_89 : i32
    %add3A_91 = arith.constant 576 : i32
    %add3A_92 = arith.addi %mul3A_90, %add3A_91 : i32
    %dma_start3A_93 = arith.constant 0 : i32
    %dma_start3A_94 = tpu.memref_slice %arg12[%add3A_92, %dma_start3A_93] : memref<10240x128xf32, #tpu.memory_space<vmem_shared>> -> memref<64x128xf32, #tpu.memory_space<vmem_shared>>
    %dma_start3A_95 = arith.constant 0 : i32
    %dma_start3A_96 = tpu.memref_slice %arg12[%add3A_92, %dma_start3A_95] : memref<10240x128xf32, #tpu.memory_space<vmem_shared>> -> memref<64x128xf32, #tpu.memory_space<vmem_shared>>
    tpu.enqueue_dma source(%arg8 : memref<64x128xf32, #tpu.memory_space<vmem>>) target(%dma_start3A_96 : memref<64x128xf32, #tpu.memory_space<vmem_shared>>) target_semaphore(%arg13 : memref<!tpu.dma_semaphore, #tpu.memory_space<semaphore_mem>>)
    %mul3A_97 = arith.constant 640 : i32
    %mul3A_98 = arith.muli %arg1, %mul3A_97 : i32
    %add3A_99 = arith.constant 0 : i32
    %add3A_100 = arith.addi %mul3A_98, %add3A_99 : i32
    %dma_wait3A = arith.constant 0 : i32
    %dma_wait3A_101 = tpu.memref_slice %arg12[%add3A_100, %dma_wait3A] : memref<10240x128xf32, #tpu.memory_space<vmem_shared>> -> memref<64x128xf32, #tpu.memory_space<vmem_shared>>
    %dma_wait3A_102 = arith.constant 0 : i32
    %dma_wait3A_103 = tpu.memref_slice %arg12[%add3A_100, %dma_wait3A_102] : memref<10240x128xf32, #tpu.memory_space<vmem_shared>> -> memref<64x128xf32, #tpu.memory_space<vmem_shared>>
    tpu.wait_dma2 semaphore(%arg13 : memref<!tpu.dma_semaphore, #tpu.memory_space<semaphore_mem>>) src(%arg8 : memref<64x128xf32, #tpu.memory_space<vmem>>) dst(%dma_wait3A_103 : memref<64x128xf32, #tpu.memory_space<vmem_shared>>)
    %mul3A_104 = arith.constant 640 : i32
    %mul3A_105 = arith.muli %arg1, %mul3A_104 : i32
    %add3A_106 = arith.constant 64 : i32
    %add3A_107 = arith.addi %mul3A_105, %add3A_106 : i32
    %dma_wait3A_108 = arith.constant 0 : i32
    %dma_wait3A_109 = tpu.memref_slice %arg12[%add3A_107, %dma_wait3A_108] : memref<10240x128xf32, #tpu.memory_space<vmem_shared>> -> memref<64x128xf32, #tpu.memory_space<vmem_shared>>
    %dma_wait3A_110 = arith.constant 0 : i32
    %dma_wait3A_111 = tpu.memref_slice %arg12[%add3A_107, %dma_wait3A_110] : memref<10240x128xf32, #tpu.memory_space<vmem_shared>> -> memref<64x128xf32, #tpu.memory_space<vmem_shared>>
    tpu.wait_dma2 semaphore(%arg13 : memref<!tpu.dma_semaphore, #tpu.memory_space<semaphore_mem>>) src(%arg8 : memref<64x128xf32, #tpu.memory_space<vmem>>) dst(%dma_wait3A_111 : memref<64x128xf32, #tpu.memory_space<vmem_shared>>)
    %mul3A_112 = arith.constant 640 : i32
    %mul3A_113 = arith.muli %arg1, %mul3A_112 : i32
    %add3A_114 = arith.constant 128 : i32
    %add3A_115 = arith.addi %mul3A_113, %add3A_114 : i32
    %dma_wait3A_116 = arith.constant 0 : i32
    %dma_wait3A_117 = tpu.memref_slice %arg12[%add3A_115, %dma_wait3A_116] : memref<10240x128xf32, #tpu.memory_space<vmem_shared>> -> memref<64x128xf32, #tpu.memory_space<vmem_shared>>
    %dma_wait3A_118 = arith.constant 0 : i32
    %dma_wait3A_119 = tpu.memref_slice %arg12[%add3A_115, %dma_wait3A_118] : memref<10240x128xf32, #tpu.memory_space<vmem_shared>> -> memref<64x128xf32, #tpu.memory_space<vmem_shared>>
    tpu.wait_dma2 semaphore(%arg13 : memref<!tpu.dma_semaphore, #tpu.memory_space<semaphore_mem>>) src(%arg8 : memref<64x128xf32, #tpu.memory_space<vmem>>) dst(%dma_wait3A_119 : memref<64x128xf32, #tpu.memory_space<vmem_shared>>)
    %mul3A_120 = arith.constant 640 : i32
    %mul3A_121 = arith.muli %arg1, %mul3A_120 : i32
    %add3A_122 = arith.constant 192 : i32
    %add3A_123 = arith.addi %mul3A_121, %add3A_122 : i32
    %dma_wait3A_124 = arith.constant 0 : i32
    %dma_wait3A_125 = tpu.memref_slice %arg12[%add3A_123, %dma_wait3A_124] : memref<10240x128xf32, #tpu.memory_space<vmem_shared>> -> memref<64x128xf32, #tpu.memory_space<vmem_shared>>
    %dma_wait3A_126 = arith.constant 0 : i32
    %dma_wait3A_127 = tpu.memref_slice %arg12[%add3A_123, %dma_wait3A_126] : memref<10240x128xf32, #tpu.memory_space<vmem_shared>> -> memref<64x128xf32, #tpu.memory_space<vmem_shared>>
    tpu.wait_dma2 semaphore(%arg13 : memref<!tpu.dma_semaphore, #tpu.memory_space<semaphore_mem>>) src(%arg8 : memref<64x128xf32, #tpu.memory_space<vmem>>) dst(%dma_wait3A_127 : memref<64x128xf32, #tpu.memory_space<vmem_shared>>)
    %mul3A_128 = arith.constant 640 : i32
    %mul3A_129 = arith.muli %arg1, %mul3A_128 : i32
    %add3A_130 = arith.constant 256 : i32
    %add3A_131 = arith.addi %mul3A_129, %add3A_130 : i32
    %dma_wait3A_132 = arith.constant 0 : i32
    %dma_wait3A_133 = tpu.memref_slice %arg12[%add3A_131, %dma_wait3A_132] : memref<10240x128xf32, #tpu.memory_space<vmem_shared>> -> memref<64x128xf32, #tpu.memory_space<vmem_shared>>
    %dma_wait3A_134 = arith.constant 0 : i32
    %dma_wait3A_135 = tpu.memref_slice %arg12[%add3A_131, %dma_wait3A_134] : memref<10240x128xf32, #tpu.memory_space<vmem_shared>> -> memref<64x128xf32, #tpu.memory_space<vmem_shared>>
    tpu.wait_dma2 semaphore(%arg13 : memref<!tpu.dma_semaphore, #tpu.memory_space<semaphore_mem>>) src(%arg8 : memref<64x128xf32, #tpu.memory_space<vmem>>) dst(%dma_wait3A_135 : memref<64x128xf32, #tpu.memory_space<vmem_shared>>)
    %mul3A_136 = arith.constant 640 : i32
    %mul3A_137 = arith.muli %arg1, %mul3A_136 : i32
    %add3A_138 = arith.constant 320 : i32
    %add3A_139 = arith.addi %mul3A_137, %add3A_138 : i32
    %dma_wait3A_140 = arith.constant 0 : i32
    %dma_wait3A_141 = tpu.memref_slice %arg12[%add3A_139, %dma_wait3A_140] : memref<10240x128xf32, #tpu.memory_space<vmem_shared>> -> memref<64x128xf32, #tpu.memory_space<vmem_shared>>
    %dma_wait3A_142 = arith.constant 0 : i32
    %dma_wait3A_143 = tpu.memref_slice %arg12[%add3A_139, %dma_wait3A_142] : memref<10240x128xf32, #tpu.memory_space<vmem_shared>> -> memref<64x128xf32, #tpu.memory_space<vmem_shared>>
    tpu.wait_dma2 semaphore(%arg13 : memref<!tpu.dma_semaphore, #tpu.memory_space<semaphore_mem>>) src(%arg8 : memref<64x128xf32, #tpu.memory_space<vmem>>) dst(%dma_wait3A_143 : memref<64x128xf32, #tpu.memory_space<vmem_shared>>)
    %mul3A_144 = arith.constant 640 : i32
    %mul3A_145 = arith.muli %arg1, %mul3A_144 : i32
    %add3A_146 = arith.constant 384 : i32
    %add3A_147 = arith.addi %mul3A_145, %add3A_146 : i32
    %dma_wait3A_148 = arith.constant 0 : i32
    %dma_wait3A_149 = tpu.memref_slice %arg12[%add3A_147, %dma_wait3A_148] : memref<10240x128xf32, #tpu.memory_space<vmem_shared>> -> memref<64x128xf32, #tpu.memory_space<vmem_shared>>
    %dma_wait3A_150 = arith.constant 0 : i32
    %dma_wait3A_151 = tpu.memref_slice %arg12[%add3A_147, %dma_wait3A_150] : memref<10240x128xf32, #tpu.memory_space<vmem_shared>> -> memref<64x128xf32, #tpu.memory_space<vmem_shared>>
    tpu.wait_dma2 semaphore(%arg13 : memref<!tpu.dma_semaphore, #tpu.memory_space<semaphore_mem>>) src(%arg8 : memref<64x128xf32, #tpu.memory_space<vmem>>) dst(%dma_wait3A_151 : memref<64x128xf32, #tpu.memory_space<vmem_shared>>)
    %mul3A_152 = arith.constant 640 : i32
    %mul3A_153 = arith.muli %arg1, %mul3A_152 : i32
    %add3A_154 = arith.constant 448 : i32
    %add3A_155 = arith.addi %mul3A_153, %add3A_154 : i32
    %dma_wait3A_156 = arith.constant 0 : i32
    %dma_wait3A_157 = tpu.memref_slice %arg12[%add3A_155, %dma_wait3A_156] : memref<10240x128xf32, #tpu.memory_space<vmem_shared>> -> memref<64x128xf32, #tpu.memory_space<vmem_shared>>
    %dma_wait3A_158 = arith.constant 0 : i32
    %dma_wait3A_159 = tpu.memref_slice %arg12[%add3A_155, %dma_wait3A_158] : memref<10240x128xf32, #tpu.memory_space<vmem_shared>> -> memref<64x128xf32, #tpu.memory_space<vmem_shared>>
    tpu.wait_dma2 semaphore(%arg13 : memref<!tpu.dma_semaphore, #tpu.memory_space<semaphore_mem>>) src(%arg8 : memref<64x128xf32, #tpu.memory_space<vmem>>) dst(%dma_wait3A_159 : memref<64x128xf32, #tpu.memory_space<vmem_shared>>)
    %mul3A_160 = arith.constant 640 : i32
    %mul3A_161 = arith.muli %arg1, %mul3A_160 : i32
    %add3A_162 = arith.constant 512 : i32
    %add3A_163 = arith.addi %mul3A_161, %add3A_162 : i32
    %dma_wait3A_164 = arith.constant 0 : i32
    %dma_wait3A_165 = tpu.memref_slice %arg12[%add3A_163, %dma_wait3A_164] : memref<10240x128xf32, #tpu.memory_space<vmem_shared>> -> memref<64x128xf32, #tpu.memory_space<vmem_shared>>
    %dma_wait3A_166 = arith.constant 0 : i32
    %dma_wait3A_167 = tpu.memref_slice %arg12[%add3A_163, %dma_wait3A_166] : memref<10240x128xf32, #tpu.memory_space<vmem_shared>> -> memref<64x128xf32, #tpu.memory_space<vmem_shared>>
    tpu.wait_dma2 semaphore(%arg13 : memref<!tpu.dma_semaphore, #tpu.memory_space<semaphore_mem>>) src(%arg8 : memref<64x128xf32, #tpu.memory_space<vmem>>) dst(%dma_wait3A_167 : memref<64x128xf32, #tpu.memory_space<vmem_shared>>)
    %mul3A_168 = arith.constant 640 : i32
    %mul3A_169 = arith.muli %arg1, %mul3A_168 : i32
    %add3A_170 = arith.constant 576 : i32
    %add3A_171 = arith.addi %mul3A_169, %add3A_170 : i32
    %dma_wait3A_172 = arith.constant 0 : i32
    %dma_wait3A_173 = tpu.memref_slice %arg12[%add3A_171, %dma_wait3A_172] : memref<10240x128xf32, #tpu.memory_space<vmem_shared>> -> memref<64x128xf32, #tpu.memory_space<vmem_shared>>
    %dma_wait3A_174 = arith.constant 0 : i32
    %dma_wait3A_175 = tpu.memref_slice %arg12[%add3A_171, %dma_wait3A_174] : memref<10240x128xf32, #tpu.memory_space<vmem_shared>> -> memref<64x128xf32, #tpu.memory_space<vmem_shared>>
    tpu.wait_dma2 semaphore(%arg13 : memref<!tpu.dma_semaphore, #tpu.memory_space<semaphore_mem>>) src(%arg8 : memref<64x128xf32, #tpu.memory_space<vmem>>) dst(%dma_wait3A_175 : memref<64x128xf32, #tpu.memory_space<vmem_shared>>)
    %mul3A_176 = arith.constant 80 : i32
    %mul3A_177 = arith.muli %add3A, %mul3A_176 : i32
    %mul3A_178 = arith.constant 64 : i32
    %mul3A_179 = arith.muli %mul3A_177, %mul3A_178 : i32
    %dma_wait3A_180 = tpu.memref_slice %arg3[%mul3A_179] : memref<163840xi32, #tpu.memory_space<hbm>> -> memref<5120xi32, #tpu.memory_space<hbm>>
    %dma_wait3A_181 = tpu.memref_slice %arg3[%mul3A_179] : memref<163840xi32, #tpu.memory_space<hbm>> -> memref<5120xi32, #tpu.memory_space<hbm>>
    tpu.wait_dma2 semaphore(%arg17 : memref<!tpu.dma_semaphore, #tpu.memory_space<semaphore_mem>>) src(%dma_wait3A_181 : memref<5120xi32, #tpu.memory_space<hbm>>) dst(%arg6 : memref<5120xi32, #tpu.memory_space<vmem>>)
    %mul3A_182 = arith.constant 80 : i32
    %mul3A_183 = arith.muli %add3A, %mul3A_182 : i32
    %dma_wait3A_184 = arith.constant 0 : i32
    %dma_wait3A_185 = tpu.memref_slice %arg4[%mul3A_183, %dma_wait3A_184] : memref<2560x64xi32, #tpu.memory_space<hbm>> -> memref<80x64xi32, #tpu.memory_space<hbm>>
    %dma_wait3A_186 = arith.constant 0 : i32
    %dma_wait3A_187 = tpu.memref_slice %arg4[%mul3A_183, %dma_wait3A_186] : memref<2560x64xi32, #tpu.memory_space<hbm>> -> memref<80x64xi32, #tpu.memory_space<hbm>>
    tpu.wait_dma2 semaphore(%arg18 : memref<!tpu.dma_semaphore, #tpu.memory_space<semaphore_mem>>) src(%dma_wait3A_187 : memref<80x64xi32, #tpu.memory_space<hbm>>) dst(%arg7 : memref<80x64xi32, #tpu.memory_space<vmem>>)
    %barrier3A = arith.constant 0 : index
    tpu.barrier barrier_id(%barrier3A)
    %dma_start3A_188 = arith.constant 0 : i32
    %dma_start3A_189 = tpu.memref_slice %arg6[%dma_start3A_188] : memref<5120xi32, #tpu.memory_space<vmem>> -> memref<64xi32, #tpu.memory_space<vmem>>
    %dma_start3A_190 = arith.constant 0 : i32
    %dma_start3A_191 = arith.constant 0 : i32
    %dma_start3A_192 = tpu.memref_slice %arg2[%dma_start3A_190, %dma_start3A_191] : memref<30000x128xf32, #tpu.memory_space<hbm>> -> memref<30000x128xf32, #tpu.memory_space<hbm>>
    tpu.enqueue_indirect_dma source(%dma_start3A_192 : memref<30000x128xf32, #tpu.memory_space<hbm>>) target(%arg8 : memref<64x128xf32, #tpu.memory_space<vmem>>) offsets(%dma_start3A_189 : memref<64xi32, #tpu.memory_space<vmem>>) semaphore(%arg13 : memref<!tpu.dma_semaphore, #tpu.memory_space<semaphore_mem>>)
    %dma_start3A_193 = arith.constant 64 : i32
    %dma_start3A_194 = tpu.memref_slice %arg6[%dma_start3A_193] : memref<5120xi32, #tpu.memory_space<vmem>> -> memref<64xi32, #tpu.memory_space<vmem>>
    %dma_start3A_195 = arith.constant 0 : i32
    %dma_start3A_196 = arith.constant 0 : i32
    %dma_start3A_197 = tpu.memref_slice %arg2[%dma_start3A_195, %dma_start3A_196] : memref<30000x128xf32, #tpu.memory_space<hbm>> -> memref<30000x128xf32, #tpu.memory_space<hbm>>
    tpu.enqueue_indirect_dma source(%dma_start3A_197 : memref<30000x128xf32, #tpu.memory_space<hbm>>) target(%arg9 : memref<64x128xf32, #tpu.memory_space<vmem>>) offsets(%dma_start3A_194 : memref<64xi32, #tpu.memory_space<vmem>>) semaphore(%arg14 : memref<!tpu.dma_semaphore, #tpu.memory_space<semaphore_mem>>)
    %dma_start3A_198 = arith.constant 128 : i32
    %dma_start3A_199 = tpu.memref_slice %arg6[%dma_start3A_198] : memref<5120xi32, #tpu.memory_space<vmem>> -> memref<64xi32, #tpu.memory_space<vmem>>
    %dma_start3A_200 = arith.constant 0 : i32
    %dma_start3A_201 = arith.constant 0 : i32
    %dma_start3A_202 = tpu.memref_slice %arg2[%dma_start3A_200, %dma_start3A_201] : memref<30000x128xf32, #tpu.memory_space<hbm>> -> memref<30000x128xf32, #tpu.memory_space<hbm>>
    tpu.enqueue_indirect_dma source(%dma_start3A_202 : memref<30000x128xf32, #tpu.memory_space<hbm>>) target(%arg10 : memref<64x128xf32, #tpu.memory_space<vmem>>) offsets(%dma_start3A_199 : memref<64xi32, #tpu.memory_space<vmem>>) semaphore(%arg15 : memref<!tpu.dma_semaphore, #tpu.memory_space<semaphore_mem>>)
    %dma_start3A_203 = arith.constant 192 : i32
    %dma_start3A_204 = tpu.memref_slice %arg6[%dma_start3A_203] : memref<5120xi32, #tpu.memory_space<vmem>> -> memref<64xi32, #tpu.memory_space<vmem>>
    %dma_start3A_205 = arith.constant 0 : i32
    %dma_start3A_206 = arith.constant 0 : i32
    %dma_start3A_207 = tpu.memref_slice %arg2[%dma_start3A_205, %dma_start3A_206] : memref<30000x128xf32, #tpu.memory_space<hbm>> -> memref<30000x128xf32, #tpu.memory_space<hbm>>
    tpu.enqueue_indirect_dma source(%dma_start3A_207 : memref<30000x128xf32, #tpu.memory_space<hbm>>) target(%arg11 : memref<64x128xf32, #tpu.memory_space<vmem>>) offsets(%dma_start3A_204 : memref<64xi32, #tpu.memory_space<vmem>>) semaphore(%arg16 : memref<!tpu.dma_semaphore, #tpu.memory_space<semaphore_mem>>)
    %scan3A_208 = arith.constant 0 : i32
    %scan3A_209 = arith.constant 0 : i32
    %scan3A_210 = arith.constant 20 : i32
    %scan3A_211 = arith.addi %scan3A_209, %scan3A_210 : i32
    %scan3A_212 = arith.constant 1 : i32
    scf.for %scan3A_247 = %scan3A_209 to %scan3A_211 step %scan3A_212  : i32 {
      %mul3A_248 = arith.constant 4 : i32
      %mul3A_249 = arith.muli %mul3A_248, %scan3A_247 : i32
      %add3A_250 = arith.constant 0 : i32
      %add3A_251 = arith.addi %mul3A_249, %add3A_250 : i32
      %mul3A_252 = arith.constant 64 : i32
      %mul3A_253 = arith.muli %add3A_251, %mul3A_252 : i32
      %dma_wait3A_254 = tpu.memref_slice %arg6[%mul3A_253] : memref<5120xi32, #tpu.memory_space<vmem>> -> memref<64xi32, #tpu.memory_space<vmem>>
      %dma_wait3A_255 = arith.constant 0 : i32
      %dma_wait3A_256 = arith.constant 0 : i32
      %dma_wait3A_257 = tpu.memref_slice %arg2[%dma_wait3A_255, %dma_wait3A_256] : memref<30000x128xf32, #tpu.memory_space<hbm>> -> memref<30000x128xf32, #tpu.memory_space<hbm>>
      tpu.wait_indirect_dma semaphore(%arg13 : memref<!tpu.dma_semaphore, #tpu.memory_space<semaphore_mem>>) src(%dma_wait3A_257 : memref<30000x128xf32, #tpu.memory_space<hbm>>) dst(%arg8 : memref<64x128xf32, #tpu.memory_space<vmem>>)
      %dma_start3A_258 = arith.constant 0 : i32
      %dma_start3A_259 = tpu.memref_slice %arg7[%add3A_251, %dma_start3A_258] : memref<80x64xi32, #tpu.memory_space<vmem>> -> memref<1x64xi32, #tpu.memory_space<vmem>>
      %dma_start3A_260 = tpu.memref_squeeze %dma_start3A_259 : memref<1x64xi32, #tpu.memory_space<vmem>> -> memref<64xi32, #tpu.memory_space<vmem>>
      %dma_start3A_261 = arith.constant 0 : i32
      %dma_start3A_262 = arith.constant 0 : i32
      %dma_start3A_263 = tpu.memref_slice %arg12[%dma_start3A_261, %dma_start3A_262] : memref<10240x128xf32, #tpu.memory_space<vmem_shared>> -> memref<10240x128xf32, #tpu.memory_space<vmem_shared>>
      tpu.enqueue_indirect_dma source(%arg8 : memref<64x128xf32, #tpu.memory_space<vmem>>) target(%dma_start3A_263 : memref<10240x128xf32, #tpu.memory_space<vmem_shared>>) offsets(%dma_start3A_260 : memref<64xi32, #tpu.memory_space<vmem>>) semaphore(%arg17 : memref<!tpu.dma_semaphore, #tpu.memory_space<semaphore_mem>>) {add = true}
      %add3A_264 = arith.constant 4 : i32
      %add3A_265 = arith.addi %add3A_251, %add3A_264 : i32
      %lt3A = arith.constant 80 : i32
      %lt3A_266 = arith.cmpi slt, %add3A_265, %lt3A : i32
      %convert_element_type3A = arith.extui %lt3A_266 : i1 to i32
      %cond3A = arith.constant 0 : i32
      %cond3A_267 = arith.cmpi ne, %convert_element_type3A, %cond3A : i32
      scf.if %cond3A_267 {
        %dma_wait3A_331 = arith.constant 0 : i32
        %dma_wait3A_332 = tpu.memref_slice %arg7[%add3A_251, %dma_wait3A_331] : memref<80x64xi32, #tpu.memory_space<vmem>> -> memref<1x64xi32, #tpu.memory_space<vmem>>
        %dma_wait3A_333 = tpu.memref_squeeze %dma_wait3A_332 : memref<1x64xi32, #tpu.memory_space<vmem>> -> memref<64xi32, #tpu.memory_space<vmem>>
        %dma_wait3A_334 = arith.constant 0 : i32
        %dma_wait3A_335 = arith.constant 0 : i32
        %dma_wait3A_336 = tpu.memref_slice %arg12[%dma_wait3A_334, %dma_wait3A_335] : memref<10240x128xf32, #tpu.memory_space<vmem_shared>> -> memref<10240x128xf32, #tpu.memory_space<vmem_shared>>
        tpu.wait_indirect_dma semaphore(%arg17 : memref<!tpu.dma_semaphore, #tpu.memory_space<semaphore_mem>>) src(%arg8 : memref<64x128xf32, #tpu.memory_space<vmem>>) dst(%dma_wait3A_336 : memref<10240x128xf32, #tpu.memory_space<vmem_shared>>)
        %add3A_337 = arith.constant 4 : i32
        %add3A_338 = arith.addi %add3A_251, %add3A_337 : i32
        %mul3A_339 = arith.constant 64 : i32
        %mul3A_340 = arith.muli %add3A_338, %mul3A_339 : i32
        %dma_start3A_341 = tpu.memref_slice %arg6[%mul3A_340] : memref<5120xi32, #tpu.memory_space<vmem>> -> memref<64xi32, #tpu.memory_space<vmem>>
        %dma_start3A_342 = arith.constant 0 : i32
        %dma_start3A_343 = arith.constant 0 : i32
        %dma_start3A_344 = tpu.memref_slice %arg2[%dma_start3A_342, %dma_start3A_343] : memref<30000x128xf32, #tpu.memory_space<hbm>> -> memref<30000x128xf32, #tpu.memory_space<hbm>>
        tpu.enqueue_indirect_dma source(%dma_start3A_344 : memref<30000x128xf32, #tpu.memory_space<hbm>>) target(%arg8 : memref<64x128xf32, #tpu.memory_space<vmem>>) offsets(%dma_start3A_341 : memref<64xi32, #tpu.memory_space<vmem>>) semaphore(%arg13 : memref<!tpu.dma_semaphore, #tpu.memory_space<semaphore_mem>>)
      } else {
      }
      %add3A_268 = arith.constant 1 : i32
      %add3A_269 = arith.addi %mul3A_249, %add3A_268 : i32
      %mul3A_270 = arith.constant 64 : i32
      %mul3A_271 = arith.muli %add3A_269, %mul3A_270 : i32
      %dma_wait3A_272 = tpu.memref_slice %arg6[%mul3A_271] : memref<5120xi32, #tpu.memory_space<vmem>> -> memref<64xi32, #tpu.memory_space<vmem>>
      %dma_wait3A_273 = arith.constant 0 : i32
      %dma_wait3A_274 = arith.constant 0 : i32
      %dma_wait3A_275 = tpu.memref_slice %arg2[%dma_wait3A_273, %dma_wait3A_274] : memref<30000x128xf32, #tpu.memory_space<hbm>> -> memref<30000x128xf32, #tpu.memory_space<hbm>>
      tpu.wait_indirect_dma semaphore(%arg14 : memref<!tpu.dma_semaphore, #tpu.memory_space<semaphore_mem>>) src(%dma_wait3A_275 : memref<30000x128xf32, #tpu.memory_space<hbm>>) dst(%arg9 : memref<64x128xf32, #tpu.memory_space<vmem>>)
      %dma_start3A_276 = arith.constant 0 : i32
      %dma_start3A_277 = tpu.memref_slice %arg7[%add3A_269, %dma_start3A_276] : memref<80x64xi32, #tpu.memory_space<vmem>> -> memref<1x64xi32, #tpu.memory_space<vmem>>
      %dma_start3A_278 = tpu.memref_squeeze %dma_start3A_277 : memref<1x64xi32, #tpu.memory_space<vmem>> -> memref<64xi32, #tpu.memory_space<vmem>>
      %dma_start3A_279 = arith.constant 0 : i32
      %dma_start3A_280 = arith.constant 0 : i32
      %dma_start3A_281 = tpu.memref_slice %arg12[%dma_start3A_279, %dma_start3A_280] : memref<10240x128xf32, #tpu.memory_space<vmem_shared>> -> memref<10240x128xf32, #tpu.memory_space<vmem_shared>>
      tpu.enqueue_indirect_dma source(%arg9 : memref<64x128xf32, #tpu.memory_space<vmem>>) target(%dma_start3A_281 : memref<10240x128xf32, #tpu.memory_space<vmem_shared>>) offsets(%dma_start3A_278 : memref<64xi32, #tpu.memory_space<vmem>>) semaphore(%arg18 : memref<!tpu.dma_semaphore, #tpu.memory_space<semaphore_mem>>) {add = true}
      %add3A_282 = arith.constant 4 : i32
      %add3A_283 = arith.addi %add3A_269, %add3A_282 : i32
      %lt3A_284 = arith.constant 80 : i32
      %lt3A_285 = arith.cmpi slt, %add3A_283, %lt3A_284 : i32
      %convert_element_type3A_286 = arith.extui %lt3A_285 : i1 to i32
      %cond3A_287 = arith.constant 0 : i32
      %cond3A_288 = arith.cmpi ne, %convert_element_type3A_286, %cond3A_287 : i32
      scf.if %cond3A_288 {
        %dma_wait3A_331 = arith.constant 0 : i32
        %dma_wait3A_332 = tpu.memref_slice %arg7[%add3A_269, %dma_wait3A_331] : memref<80x64xi32, #tpu.memory_space<vmem>> -> memref<1x64xi32, #tpu.memory_space<vmem>>
        %dma_wait3A_333 = tpu.memref_squeeze %dma_wait3A_332 : memref<1x64xi32, #tpu.memory_space<vmem>> -> memref<64xi32, #tpu.memory_space<vmem>>
        %dma_wait3A_334 = arith.constant 0 : i32
        %dma_wait3A_335 = arith.constant 0 : i32
        %dma_wait3A_336 = tpu.memref_slice %arg12[%dma_wait3A_334, %dma_wait3A_335] : memref<10240x128xf32, #tpu.memory_space<vmem_shared>> -> memref<10240x128xf32, #tpu.memory_space<vmem_shared>>
        tpu.wait_indirect_dma semaphore(%arg18 : memref<!tpu.dma_semaphore, #tpu.memory_space<semaphore_mem>>) src(%arg9 : memref<64x128xf32, #tpu.memory_space<vmem>>) dst(%dma_wait3A_336 : memref<10240x128xf32, #tpu.memory_space<vmem_shared>>)
        %add3A_337 = arith.constant 4 : i32
        %add3A_338 = arith.addi %add3A_269, %add3A_337 : i32
        %mul3A_339 = arith.constant 64 : i32
        %mul3A_340 = arith.muli %add3A_338, %mul3A_339 : i32
        %dma_start3A_341 = tpu.memref_slice %arg6[%mul3A_340] : memref<5120xi32, #tpu.memory_space<vmem>> -> memref<64xi32, #tpu.memory_space<vmem>>
        %dma_start3A_342 = arith.constant 0 : i32
        %dma_start3A_343 = arith.constant 0 : i32
        %dma_start3A_344 = tpu.memref_slice %arg2[%dma_start3A_342, %dma_start3A_343] : memref<30000x128xf32, #tpu.memory_space<hbm>> -> memref<30000x128xf32, #tpu.memory_space<hbm>>
        tpu.enqueue_indirect_dma source(%dma_start3A_344 : memref<30000x128xf32, #tpu.memory_space<hbm>>) target(%arg9 : memref<64x128xf32, #tpu.memory_space<vmem>>) offsets(%dma_start3A_341 : memref<64xi32, #tpu.memory_space<vmem>>) semaphore(%arg14 : memref<!tpu.dma_semaphore, #tpu.memory_space<semaphore_mem>>)
      } else {
      }
      %add3A_289 = arith.constant 2 : i32
      %add3A_290 = arith.addi %mul3A_249, %add3A_289 : i32
      %mul3A_291 = arith.constant 64 : i32
      %mul3A_292 = arith.muli %add3A_290, %mul3A_291 : i32
      %dma_wait3A_293 = tpu.memref_slice %arg6[%mul3A_292] : memref<5120xi32, #tpu.memory_space<vmem>> -> memref<64xi32, #tpu.memory_space<vmem>>
      %dma_wait3A_294 = arith.constant 0 : i32
      %dma_wait3A_295 = arith.constant 0 : i32
      %dma_wait3A_296 = tpu.memref_slice %arg2[%dma_wait3A_294, %dma_wait3A_295] : memref<30000x128xf32, #tpu.memory_space<hbm>> -> memref<30000x128xf32, #tpu.memory_space<hbm>>
      tpu.wait_indirect_dma semaphore(%arg15 : memref<!tpu.dma_semaphore, #tpu.memory_space<semaphore_mem>>) src(%dma_wait3A_296 : memref<30000x128xf32, #tpu.memory_space<hbm>>) dst(%arg10 : memref<64x128xf32, #tpu.memory_space<vmem>>)
      %dma_start3A_297 = arith.constant 0 : i32
      %dma_start3A_298 = tpu.memref_slice %arg7[%add3A_290, %dma_start3A_297] : memref<80x64xi32, #tpu.memory_space<vmem>> -> memref<1x64xi32, #tpu.memory_space<vmem>>
      %dma_start3A_299 = tpu.memref_squeeze %dma_start3A_298 : memref<1x64xi32, #tpu.memory_space<vmem>> -> memref<64xi32, #tpu.memory_space<vmem>>
      %dma_start3A_300 = arith.constant 0 : i32
      %dma_start3A_301 = arith.constant 0 : i32
      %dma_start3A_302 = tpu.memref_slice %arg12[%dma_start3A_300, %dma_start3A_301] : memref<10240x128xf32, #tpu.memory_space<vmem_shared>> -> memref<10240x128xf32, #tpu.memory_space<vmem_shared>>
      tpu.enqueue_indirect_dma source(%arg10 : memref<64x128xf32, #tpu.memory_space<vmem>>) target(%dma_start3A_302 : memref<10240x128xf32, #tpu.memory_space<vmem_shared>>) offsets(%dma_start3A_299 : memref<64xi32, #tpu.memory_space<vmem>>) semaphore(%arg19 : memref<!tpu.dma_semaphore, #tpu.memory_space<semaphore_mem>>) {add = true}
      %add3A_303 = arith.constant 4 : i32
      %add3A_304 = arith.addi %add3A_290, %add3A_303 : i32
      %lt3A_305 = arith.constant 80 : i32
      %lt3A_306 = arith.cmpi slt, %add3A_304, %lt3A_305 : i32
      %convert_element_type3A_307 = arith.extui %lt3A_306 : i1 to i32
      %cond3A_308 = arith.constant 0 : i32
      %cond3A_309 = arith.cmpi ne, %convert_element_type3A_307, %cond3A_308 : i32
      scf.if %cond3A_309 {
        %dma_wait3A_331 = arith.constant 0 : i32
        %dma_wait3A_332 = tpu.memref_slice %arg7[%add3A_290, %dma_wait3A_331] : memref<80x64xi32, #tpu.memory_space<vmem>> -> memref<1x64xi32, #tpu.memory_space<vmem>>
        %dma_wait3A_333 = tpu.memref_squeeze %dma_wait3A_332 : memref<1x64xi32, #tpu.memory_space<vmem>> -> memref<64xi32, #tpu.memory_space<vmem>>
        %dma_wait3A_334 = arith.constant 0 : i32
        %dma_wait3A_335 = arith.constant 0 : i32
        %dma_wait3A_336 = tpu.memref_slice %arg12[%dma_wait3A_334, %dma_wait3A_335] : memref<10240x128xf32, #tpu.memory_space<vmem_shared>> -> memref<10240x128xf32, #tpu.memory_space<vmem_shared>>
        tpu.wait_indirect_dma semaphore(%arg19 : memref<!tpu.dma_semaphore, #tpu.memory_space<semaphore_mem>>) src(%arg10 : memref<64x128xf32, #tpu.memory_space<vmem>>) dst(%dma_wait3A_336 : memref<10240x128xf32, #tpu.memory_space<vmem_shared>>)
        %add3A_337 = arith.constant 4 : i32
        %add3A_338 = arith.addi %add3A_290, %add3A_337 : i32
        %mul3A_339 = arith.constant 64 : i32
        %mul3A_340 = arith.muli %add3A_338, %mul3A_339 : i32
        %dma_start3A_341 = tpu.memref_slice %arg6[%mul3A_340] : memref<5120xi32, #tpu.memory_space<vmem>> -> memref<64xi32, #tpu.memory_space<vmem>>
        %dma_start3A_342 = arith.constant 0 : i32
        %dma_start3A_343 = arith.constant 0 : i32
        %dma_start3A_344 = tpu.memref_slice %arg2[%dma_start3A_342, %dma_start3A_343] : memref<30000x128xf32, #tpu.memory_space<hbm>> -> memref<30000x128xf32, #tpu.memory_space<hbm>>
        tpu.enqueue_indirect_dma source(%dma_start3A_344 : memref<30000x128xf32, #tpu.memory_space<hbm>>) target(%arg10 : memref<64x128xf32, #tpu.memory_space<vmem>>) offsets(%dma_start3A_341 : memref<64xi32, #tpu.memory_space<vmem>>) semaphore(%arg15 : memref<!tpu.dma_semaphore, #tpu.memory_space<semaphore_mem>>)
      } else {
      }
      %add3A_310 = arith.constant 3 : i32
      %add3A_311 = arith.addi %mul3A_249, %add3A_310 : i32
      %mul3A_312 = arith.constant 64 : i32
      %mul3A_313 = arith.muli %add3A_311, %mul3A_312 : i32
      %dma_wait3A_314 = tpu.memref_slice %arg6[%mul3A_313] : memref<5120xi32, #tpu.memory_space<vmem>> -> memref<64xi32, #tpu.memory_space<vmem>>
      %dma_wait3A_315 = arith.constant 0 : i32
      %dma_wait3A_316 = arith.constant 0 : i32
      %dma_wait3A_317 = tpu.memref_slice %arg2[%dma_wait3A_315, %dma_wait3A_316] : memref<30000x128xf32, #tpu.memory_space<hbm>> -> memref<30000x128xf32, #tpu.memory_space<hbm>>
      tpu.wait_indirect_dma semaphore(%arg16 : memref<!tpu.dma_semaphore, #tpu.memory_space<semaphore_mem>>) src(%dma_wait3A_317 : memref<30000x128xf32, #tpu.memory_space<hbm>>) dst(%arg11 : memref<64x128xf32, #tpu.memory_space<vmem>>)
      %dma_start3A_318 = arith.constant 0 : i32
      %dma_start3A_319 = tpu.memref_slice %arg7[%add3A_311, %dma_start3A_318] : memref<80x64xi32, #tpu.memory_space<vmem>> -> memref<1x64xi32, #tpu.memory_space<vmem>>
      %dma_start3A_320 = tpu.memref_squeeze %dma_start3A_319 : memref<1x64xi32, #tpu.memory_space<vmem>> -> memref<64xi32, #tpu.memory_space<vmem>>
      %dma_start3A_321 = arith.constant 0 : i32
      %dma_start3A_322 = arith.constant 0 : i32
      %dma_start3A_323 = tpu.memref_slice %arg12[%dma_start3A_321, %dma_start3A_322] : memref<10240x128xf32, #tpu.memory_space<vmem_shared>> -> memref<10240x128xf32, #tpu.memory_space<vmem_shared>>
      tpu.enqueue_indirect_dma source(%arg11 : memref<64x128xf32, #tpu.memory_space<vmem>>) target(%dma_start3A_323 : memref<10240x128xf32, #tpu.memory_space<vmem_shared>>) offsets(%dma_start3A_320 : memref<64xi32, #tpu.memory_space<vmem>>) semaphore(%arg20 : memref<!tpu.dma_semaphore, #tpu.memory_space<semaphore_mem>>) {add = true}
      %add3A_324 = arith.constant 4 : i32
      %add3A_325 = arith.addi %add3A_311, %add3A_324 : i32
      %lt3A_326 = arith.constant 80 : i32
      %lt3A_327 = arith.cmpi slt, %add3A_325, %lt3A_326 : i32
      %convert_element_type3A_328 = arith.extui %lt3A_327 : i1 to i32
      %cond3A_329 = arith.constant 0 : i32
      %cond3A_330 = arith.cmpi ne, %convert_element_type3A_328, %cond3A_329 : i32
      scf.if %cond3A_330 {
        %dma_wait3A_331 = arith.constant 0 : i32
        %dma_wait3A_332 = tpu.memref_slice %arg7[%add3A_311, %dma_wait3A_331] : memref<80x64xi32, #tpu.memory_space<vmem>> -> memref<1x64xi32, #tpu.memory_space<vmem>>
        %dma_wait3A_333 = tpu.memref_squeeze %dma_wait3A_332 : memref<1x64xi32, #tpu.memory_space<vmem>> -> memref<64xi32, #tpu.memory_space<vmem>>
        %dma_wait3A_334 = arith.constant 0 : i32
        %dma_wait3A_335 = arith.constant 0 : i32
        %dma_wait3A_336 = tpu.memref_slice %arg12[%dma_wait3A_334, %dma_wait3A_335] : memref<10240x128xf32, #tpu.memory_space<vmem_shared>> -> memref<10240x128xf32, #tpu.memory_space<vmem_shared>>
        tpu.wait_indirect_dma semaphore(%arg20 : memref<!tpu.dma_semaphore, #tpu.memory_space<semaphore_mem>>) src(%arg11 : memref<64x128xf32, #tpu.memory_space<vmem>>) dst(%dma_wait3A_336 : memref<10240x128xf32, #tpu.memory_space<vmem_shared>>)
        %add3A_337 = arith.constant 4 : i32
        %add3A_338 = arith.addi %add3A_311, %add3A_337 : i32
        %mul3A_339 = arith.constant 64 : i32
        %mul3A_340 = arith.muli %add3A_338, %mul3A_339 : i32
        %dma_start3A_341 = tpu.memref_slice %arg6[%mul3A_340] : memref<5120xi32, #tpu.memory_space<vmem>> -> memref<64xi32, #tpu.memory_space<vmem>>
        %dma_start3A_342 = arith.constant 0 : i32
        %dma_start3A_343 = arith.constant 0 : i32
        %dma_start3A_344 = tpu.memref_slice %arg2[%dma_start3A_342, %dma_start3A_343] : memref<30000x128xf32, #tpu.memory_space<hbm>> -> memref<30000x128xf32, #tpu.memory_space<hbm>>
        tpu.enqueue_indirect_dma source(%dma_start3A_344 : memref<30000x128xf32, #tpu.memory_space<hbm>>) target(%arg11 : memref<64x128xf32, #tpu.memory_space<vmem>>) offsets(%dma_start3A_341 : memref<64xi32, #tpu.memory_space<vmem>>) semaphore(%arg16 : memref<!tpu.dma_semaphore, #tpu.memory_space<semaphore_mem>>)
      } else {
      }
    }
    %scan3A_213 = arith.constant 20 : i32
    %dma_wait3A_214 = arith.constant 76 : i32
    %dma_wait3A_215 = arith.constant 0 : i32
    %dma_wait3A_216 = tpu.memref_slice %arg7[%dma_wait3A_214, %dma_wait3A_215] : memref<80x64xi32, #tpu.memory_space<vmem>> -> memref<1x64xi32, #tpu.memory_space<vmem>>
    %dma_wait3A_217 = tpu.memref_squeeze %dma_wait3A_216 : memref<1x64xi32, #tpu.memory_space<vmem>> -> memref<64xi32, #tpu.memory_space<vmem>>
    %dma_wait3A_218 = arith.constant 0 : i32
    %dma_wait3A_219 = arith.constant 0 : i32
    %dma_wait3A_220 = tpu.memref_slice %arg12[%dma_wait3A_218, %dma_wait3A_219] : memref<10240x128xf32, #tpu.memory_space<vmem_shared>> -> memref<10240x128xf32, #tpu.memory_space<vmem_shared>>
    tpu.wait_indirect_dma semaphore(%arg17 : memref<!tpu.dma_semaphore, #tpu.memory_space<semaphore_mem>>) src(%arg8 : memref<64x128xf32, #tpu.memory_space<vmem>>) dst(%dma_wait3A_220 : memref<10240x128xf32, #tpu.memory_space<vmem_shared>>)
    %dma_wait3A_221 = arith.constant 77 : i32
    %dma_wait3A_222 = arith.constant 0 : i32
    %dma_wait3A_223 = tpu.memref_slice %arg7[%dma_wait3A_221, %dma_wait3A_222] : memref<80x64xi32, #tpu.memory_space<vmem>> -> memref<1x64xi32, #tpu.memory_space<vmem>>
    %dma_wait3A_224 = tpu.memref_squeeze %dma_wait3A_223 : memref<1x64xi32, #tpu.memory_space<vmem>> -> memref<64xi32, #tpu.memory_space<vmem>>
    %dma_wait3A_225 = arith.constant 0 : i32
    %dma_wait3A_226 = arith.constant 0 : i32
    %dma_wait3A_227 = tpu.memref_slice %arg12[%dma_wait3A_225, %dma_wait3A_226] : memref<10240x128xf32, #tpu.memory_space<vmem_shared>> -> memref<10240x128xf32, #tpu.memory_space<vmem_shared>>
    tpu.wait_indirect_dma semaphore(%arg18 : memref<!tpu.dma_semaphore, #tpu.memory_space<semaphore_mem>>) src(%arg9 : memref<64x128xf32, #tpu.memory_space<vmem>>) dst(%dma_wait3A_227 : memref<10240x128xf32, #tpu.memory_space<vmem_shared>>)
    %dma_wait3A_228 = arith.constant 78 : i32
    %dma_wait3A_229 = arith.constant 0 : i32
    %dma_wait3A_230 = tpu.memref_slice %arg7[%dma_wait3A_228, %dma_wait3A_229] : memref<80x64xi32, #tpu.memory_space<vmem>> -> memref<1x64xi32, #tpu.memory_space<vmem>>
    %dma_wait3A_231 = tpu.memref_squeeze %dma_wait3A_230 : memref<1x64xi32, #tpu.memory_space<vmem>> -> memref<64xi32, #tpu.memory_space<vmem>>
    %dma_wait3A_232 = arith.constant 0 : i32
    %dma_wait3A_233 = arith.constant 0 : i32
    %dma_wait3A_234 = tpu.memref_slice %arg12[%dma_wait3A_232, %dma_wait3A_233] : memref<10240x128xf32, #tpu.memory_space<vmem_shared>> -> memref<10240x128xf32, #tpu.memory_space<vmem_shared>>
    tpu.wait_indirect_dma semaphore(%arg19 : memref<!tpu.dma_semaphore, #tpu.memory_space<semaphore_mem>>) src(%arg10 : memref<64x128xf32, #tpu.memory_space<vmem>>) dst(%dma_wait3A_234 : memref<10240x128xf32, #tpu.memory_space<vmem_shared>>)
    %dma_wait3A_235 = arith.constant 79 : i32
    %dma_wait3A_236 = arith.constant 0 : i32
    %dma_wait3A_237 = tpu.memref_slice %arg7[%dma_wait3A_235, %dma_wait3A_236] : memref<80x64xi32, #tpu.memory_space<vmem>> -> memref<1x64xi32, #tpu.memory_space<vmem>>
    %dma_wait3A_238 = tpu.memref_squeeze %dma_wait3A_237 : memref<1x64xi32, #tpu.memory_space<vmem>> -> memref<64xi32, #tpu.memory_space<vmem>>
    %dma_wait3A_239 = arith.constant 0 : i32
    %dma_wait3A_240 = arith.constant 0 : i32
    %dma_wait3A_241 = tpu.memref_slice %arg12[%dma_wait3A_239, %dma_wait3A_240] : memref<10240x128xf32, #tpu.memory_space<vmem_shared>> -> memref<10240x128xf32, #tpu.memory_space<vmem_shared>>
    tpu.wait_indirect_dma semaphore(%arg20 : memref<!tpu.dma_semaphore, #tpu.memory_space<semaphore_mem>>) src(%arg11 : memref<64x128xf32, #tpu.memory_space<vmem>>) dst(%dma_wait3A_241 : memref<10240x128xf32, #tpu.memory_space<vmem_shared>>)
    %barrier3A_242 = arith.constant 0 : index
    tpu.barrier barrier_id(%barrier3A_242)
    %mul3A_243 = arith.constant 640 : i32
    %mul3A_244 = arith.muli %arg1, %mul3A_243 : i32
    %mul3A_245 = arith.constant 640 : i32
    %mul3A_246 = arith.muli %arg1, %mul3A_245 : i32
    "tpu.region"() ({
      %run_scoped3A = tpu.sem_alloc : memref<!tpu.dma_semaphore, #tpu.memory_space<semaphore_mem>>
      %dma_start3A_247 = arith.constant 0 : i32
      %dma_start3A_248 = tpu.memref_slice %arg5[%arg0, %mul3A_246, %dma_start3A_247] : memref<2x10240x128xf32, #tpu.memory_space<hbm>> -> memref<1x640x128xf32, #tpu.memory_space<hbm>>
      %dma_start3A_249 = tpu.memref_squeeze %dma_start3A_248 : memref<1x640x128xf32, #tpu.memory_space<hbm>> -> memref<640x128xf32, #tpu.memory_space<hbm>>
      %dma_start3A_250 = arith.constant 0 : i32
      %dma_start3A_251 = tpu.memref_slice %arg12[%mul3A_244, %dma_start3A_250] : memref<10240x128xf32, #tpu.memory_space<vmem_shared>> -> memref<640x128xf32, #tpu.memory_space<vmem_shared>>
      tpu.enqueue_dma source(%dma_start3A_251 : memref<640x128xf32, #tpu.memory_space<vmem_shared>>) target(%dma_start3A_249 : memref<640x128xf32, #tpu.memory_space<hbm>>) target_semaphore(%run_scoped3A : memref<!tpu.dma_semaphore, #tpu.memory_space<semaphore_mem>>)
      %dma_wait3A_252 = arith.constant 0 : i32
      %dma_wait3A_253 = tpu.memref_slice %arg5[%arg0, %mul3A_246, %dma_wait3A_252] : memref<2x10240x128xf32, #tpu.memory_space<hbm>> -> memref<1x640x128xf32, #tpu.memory_space<hbm>>
      %dma_wait3A_254 = tpu.memref_squeeze %dma_wait3A_253 : memref<1x640x128xf32, #tpu.memory_space<hbm>> -> memref<640x128xf32, #tpu.memory_space<hbm>>
      %dma_wait3A_255 = arith.constant 0 : i32
      %dma_wait3A_256 = tpu.memref_slice %arg12[%mul3A_244, %dma_wait3A_255] : memref<10240x128xf32, #tpu.memory_space<vmem_shared>> -> memref<640x128xf32, #tpu.memory_space<vmem_shared>>
      tpu.wait_dma2 semaphore(%run_scoped3A : memref<!tpu.dma_semaphore, #tpu.memory_space<semaphore_mem>>) src(%dma_wait3A_256 : memref<640x128xf32, #tpu.memory_space<vmem_shared>>) dst(%dma_wait3A_254 : memref<640x128xf32, #tpu.memory_space<hbm>>)
      tpu.yield
    }) : () -> ()
    return
  }
}

#map = affine_map<(d0, d1) -> (0, 0)>
#map1 = affine_map<(d0, d1) -> (0)>
#map2 = affine_map<(d0, d1) -> (0, 0, 0)>
module attributes {stable_mosaic.version = 14 : i64} {
  func.func @_sc_edges_body(%arg0: i32, %arg1: i32, %arg2: memref<30000x128xf32, #tpu.memory_space<hbm>>, %arg3: memref<163840xi32, #tpu.memory_space<hbm>>, %arg4: memref<2560x64xi32, #tpu.memory_space<hbm>>, %arg5: memref<2x10240x128xf32, #tpu.memory_space<hbm>>, %arg6: memref<5120xi32, #tpu.memory_space<vmem>>, %arg7: memref<80x64xi32, #tpu.memory_space<vmem>>, %arg8: memref<64x128xf32, #tpu.memory_space<vmem>>, %arg9: memref<64x128xf32, #tpu.memory_space<vmem>>, %arg10: memref<64x128xf32, #tpu.memory_space<vmem>>, %arg11: memref<64x128xf32, #tpu.memory_space<vmem>>, %arg12: memref<10240x128xf32, #tpu.memory_space<vmem_shared>>, %arg13: memref<!tpu.dma_semaphore, #tpu.memory_space<semaphore_mem>>, %arg14: memref<!tpu.dma_semaphore, #tpu.memory_space<semaphore_mem>>, %arg15: memref<!tpu.dma_semaphore, #tpu.memory_space<semaphore_mem>>, %arg16: memref<!tpu.dma_semaphore, #tpu.memory_space<semaphore_mem>>, %arg17: memref<!tpu.dma_semaphore, #tpu.memory_space<semaphore_mem>>, %arg18: memref<!tpu.dma_semaphore, #tpu.memory_space<semaphore_mem>>, %arg19: memref<!tpu.dma_semaphore, #tpu.memory_space<semaphore_mem>>, %arg20: memref<!tpu.dma_semaphore, #tpu.memory_space<semaphore_mem>>) attributes {dimension_semantics = [#tpu.dimension_semantics<core_parallel>, #tpu.dimension_semantics<subcore_parallel>], iteration_bounds = array<i64: 2, 16>, scalar_prefetch = 0 : i64, scratch_operands = 15 : i64, tpu.core_type = #tpu.core_type<sc_vector_subcore>, window_params = [{transform_indices = #map}, {transform_indices = #map1}, {transform_indices = #map}, {transform_indices = #map2}]} {
    %mul3A = arith.constant 16 : i32
    %mul3A_0 = arith.muli %arg0, %mul3A : i32
    %add3A = arith.addi %mul3A_0, %arg1 : i32
    %mul3A_1 = arith.constant 80 : i32
    %mul3A_2 = arith.muli %add3A, %mul3A_1 : i32
    %mul3A_3 = arith.constant 64 : i32
    %mul3A_4 = arith.muli %mul3A_2, %mul3A_3 : i32
    %dma_start3A = tpu.memref_slice %arg3[%mul3A_4] : memref<163840xi32, #tpu.memory_space<hbm>> -> memref<5120xi32, #tpu.memory_space<hbm>>
    %dma_start3A_5 = tpu.memref_slice %arg3[%mul3A_4] : memref<163840xi32, #tpu.memory_space<hbm>> -> memref<5120xi32, #tpu.memory_space<hbm>>
    tpu.enqueue_dma source(%dma_start3A_5 : memref<5120xi32, #tpu.memory_space<hbm>>) target(%arg6 : memref<5120xi32, #tpu.memory_space<vmem>>) target_semaphore(%arg17 : memref<!tpu.dma_semaphore, #tpu.memory_space<semaphore_mem>>)
    %mul3A_6 = arith.constant 80 : i32
    %mul3A_7 = arith.muli %add3A, %mul3A_6 : i32
    %dma_start3A_8 = arith.constant 0 : i32
    %dma_start3A_9 = tpu.memref_slice %arg4[%mul3A_7, %dma_start3A_8] : memref<2560x64xi32, #tpu.memory_space<hbm>> -> memref<80x64xi32, #tpu.memory_space<hbm>>
    %dma_start3A_10 = arith.constant 0 : i32
    %dma_start3A_11 = tpu.memref_slice %arg4[%mul3A_7, %dma_start3A_10] : memref<2560x64xi32, #tpu.memory_space<hbm>> -> memref<80x64xi32, #tpu.memory_space<hbm>>
    tpu.enqueue_dma source(%dma_start3A_11 : memref<80x64xi32, #tpu.memory_space<hbm>>) target(%arg7 : memref<80x64xi32, #tpu.memory_space<vmem>>) target_semaphore(%arg18 : memref<!tpu.dma_semaphore, #tpu.memory_space<semaphore_mem>>)
    %scan3A = arith.constant 0 : i32
    %scan3A_12 = arith.constant 0 : i32
    %scan3A_13 = arith.constant 64 : i32
    %scan3A_14 = arith.addi %scan3A_12, %scan3A_13 : i32
    %scan3A_15 = arith.constant 1 : i32
    scf.for %scan3A_247 = %scan3A_12 to %scan3A_14 step %scan3A_15  : i32 {
      %broadcast_in_dim3A = arith.constant 0.000000e+00 : f32
      %broadcast_in_dim3A_248 = vector.broadcast %broadcast_in_dim3A : f32 to vector<16xf32>
      %swap3A = arith.index_cast %scan3A_247 : i32 to index
      %swap3A_249 = arith.constant 0 : index
      %swap3A_250 = tpu.vector_load %arg8[%swap3A, %swap3A_249] {strides = array<i32>} : memref<64x128xf32, #tpu.memory_space<vmem>>, vector<1x16xf32>,
      %swap3A_251 = vector.shape_cast %swap3A_250 : vector<1x16xf32> to vector<16xf32>
      %swap3A_252 = vector.shape_cast %broadcast_in_dim3A_248 : vector<16xf32> to vector<1x16xf32>
      tpu.vector_store %arg8[%swap3A, %swap3A_249], %swap3A_252 {strides = array<i32>} : memref<64x128xf32, #tpu.memory_space<vmem>>, vector<1x16xf32>,
      %broadcast_in_dim3A_253 = arith.constant 0.000000e+00 : f32
      %broadcast_in_dim3A_254 = vector.broadcast %broadcast_in_dim3A_253 : f32 to vector<16xf32>
      %swap3A_255 = arith.index_cast %scan3A_247 : i32 to index
      %swap3A_256 = arith.constant 16 : index
      %swap3A_257 = tpu.vector_load %arg8[%swap3A_255, %swap3A_256] {strides = array<i32>} : memref<64x128xf32, #tpu.memory_space<vmem>>, vector<1x16xf32>,
      %swap3A_258 = vector.shape_cast %swap3A_257 : vector<1x16xf32> to vector<16xf32>
      %swap3A_259 = vector.shape_cast %broadcast_in_dim3A_254 : vector<16xf32> to vector<1x16xf32>
      tpu.vector_store %arg8[%swap3A_255, %swap3A_256], %swap3A_259 {strides = array<i32>} : memref<64x128xf32, #tpu.memory_space<vmem>>, vector<1x16xf32>,
      %broadcast_in_dim3A_260 = arith.constant 0.000000e+00 : f32
      %broadcast_in_dim3A_261 = vector.broadcast %broadcast_in_dim3A_260 : f32 to vector<16xf32>
      %swap3A_262 = arith.index_cast %scan3A_247 : i32 to index
      %swap3A_263 = arith.constant 32 : index
      %swap3A_264 = tpu.vector_load %arg8[%swap3A_262, %swap3A_263] {strides = array<i32>} : memref<64x128xf32, #tpu.memory_space<vmem>>, vector<1x16xf32>,
      %swap3A_265 = vector.shape_cast %swap3A_264 : vector<1x16xf32> to vector<16xf32>
      %swap3A_266 = vector.shape_cast %broadcast_in_dim3A_261 : vector<16xf32> to vector<1x16xf32>
      tpu.vector_store %arg8[%swap3A_262, %swap3A_263], %swap3A_266 {strides = array<i32>} : memref<64x128xf32, #tpu.memory_space<vmem>>, vector<1x16xf32>,
      %broadcast_in_dim3A_267 = arith.constant 0.000000e+00 : f32
      %broadcast_in_dim3A_268 = vector.broadcast %broadcast_in_dim3A_267 : f32 to vector<16xf32>
      %swap3A_269 = arith.index_cast %scan3A_247 : i32 to index
      %swap3A_270 = arith.constant 48 : index
      %swap3A_271 = tpu.vector_load %arg8[%swap3A_269, %swap3A_270] {strides = array<i32>} : memref<64x128xf32, #tpu.memory_space<vmem>>, vector<1x16xf32>,
      %swap3A_272 = vector.shape_cast %swap3A_271 : vector<1x16xf32> to vector<16xf32>
      %swap3A_273 = vector.shape_cast %broadcast_in_dim3A_268 : vector<16xf32> to vector<1x16xf32>
      tpu.vector_store %arg8[%swap3A_269, %swap3A_270], %swap3A_273 {strides = array<i32>} : memref<64x128xf32, #tpu.memory_space<vmem>>, vector<1x16xf32>,
      %broadcast_in_dim3A_274 = arith.constant 0.000000e+00 : f32
      %broadcast_in_dim3A_275 = vector.broadcast %broadcast_in_dim3A_274 : f32 to vector<16xf32>
      %swap3A_276 = arith.index_cast %scan3A_247 : i32 to index
      %swap3A_277 = arith.constant 64 : index
      %swap3A_278 = tpu.vector_load %arg8[%swap3A_276, %swap3A_277] {strides = array<i32>} : memref<64x128xf32, #tpu.memory_space<vmem>>, vector<1x16xf32>,
      %swap3A_279 = vector.shape_cast %swap3A_278 : vector<1x16xf32> to vector<16xf32>
      %swap3A_280 = vector.shape_cast %broadcast_in_dim3A_275 : vector<16xf32> to vector<1x16xf32>
      tpu.vector_store %arg8[%swap3A_276, %swap3A_277], %swap3A_280 {strides = array<i32>} : memref<64x128xf32, #tpu.memory_space<vmem>>, vector<1x16xf32>,
      %broadcast_in_dim3A_281 = arith.constant 0.000000e+00 : f32
      %broadcast_in_dim3A_282 = vector.broadcast %broadcast_in_dim3A_281 : f32 to vector<16xf32>
      %swap3A_283 = arith.index_cast %scan3A_247 : i32 to index
      %swap3A_284 = arith.constant 80 : index
      %swap3A_285 = tpu.vector_load %arg8[%swap3A_283, %swap3A_284] {strides = array<i32>} : memref<64x128xf32, #tpu.memory_space<vmem>>, vector<1x16xf32>,
      %swap3A_286 = vector.shape_cast %swap3A_285 : vector<1x16xf32> to vector<16xf32>
      %swap3A_287 = vector.shape_cast %broadcast_in_dim3A_282 : vector<16xf32> to vector<1x16xf32>
      tpu.vector_store %arg8[%swap3A_283, %swap3A_284], %swap3A_287 {strides = array<i32>} : memref<64x128xf32, #tpu.memory_space<vmem>>, vector<1x16xf32>,
      %broadcast_in_dim3A_288 = arith.constant 0.000000e+00 : f32
      %broadcast_in_dim3A_289 = vector.broadcast %broadcast_in_dim3A_288 : f32 to vector<16xf32>
      %swap3A_290 = arith.index_cast %scan3A_247 : i32 to index
      %swap3A_291 = arith.constant 96 : index
      %swap3A_292 = tpu.vector_load %arg8[%swap3A_290, %swap3A_291] {strides = array<i32>} : memref<64x128xf32, #tpu.memory_space<vmem>>, vector<1x16xf32>,
      %swap3A_293 = vector.shape_cast %swap3A_292 : vector<1x16xf32> to vector<16xf32>
      %swap3A_294 = vector.shape_cast %broadcast_in_dim3A_289 : vector<16xf32> to vector<1x16xf32>
      tpu.vector_store %arg8[%swap3A_290, %swap3A_291], %swap3A_294 {strides = array<i32>} : memref<64x128xf32, #tpu.memory_space<vmem>>, vector<1x16xf32>,
      %broadcast_in_dim3A_295 = arith.constant 0.000000e+00 : f32
      %broadcast_in_dim3A_296 = vector.broadcast %broadcast_in_dim3A_295 : f32 to vector<16xf32>
      %swap3A_297 = arith.index_cast %scan3A_247 : i32 to index
      %swap3A_298 = arith.constant 112 : index
      %swap3A_299 = tpu.vector_load %arg8[%swap3A_297, %swap3A_298] {strides = array<i32>} : memref<64x128xf32, #tpu.memory_space<vmem>>, vector<1x16xf32>,
      %swap3A_300 = vector.shape_cast %swap3A_299 : vector<1x16xf32> to vector<16xf32>
      %swap3A_301 = vector.shape_cast %broadcast_in_dim3A_296 : vector<16xf32> to vector<1x16xf32>
      tpu.vector_store %arg8[%swap3A_297, %swap3A_298], %swap3A_301 {strides = array<i32>} : memref<64x128xf32, #tpu.memory_space<vmem>>, vector<1x16xf32>,
    }
    %scan3A_16 = arith.constant 64 : i32
    %mul3A_17 = arith.constant 640 : i32
    %mul3A_18 = arith.muli %arg1, %mul3A_17 : i32
    %add3A_19 = arith.constant 0 : i32
    %add3A_20 = arith.addi %mul3A_18, %add3A_19 : i32
    %dma_start3A_21 = arith.constant 0 : i32
    %dma_start3A_22 = tpu.memref_slice %arg12[%add3A_20, %dma_start3A_21] : memref<10240x128xf32, #tpu.memory_space<vmem_shared>> -> memref<64x128xf32, #tpu.memory_space<vmem_shared>>
    %dma_start3A_23 = arith.constant 0 : i32
    %dma_start3A_24 = tpu.memref_slice %arg12[%add3A_20, %dma_start3A_23] : memref<10240x128xf32, #tpu.memory_space<vmem_shared>> -> memref<64x128xf32, #tpu.memory_space<vmem_shared>>
    tpu.enqueue_dma source(%arg8 : memref<64x128xf32, #tpu.memory_space<vmem>>) target(%dma_start3A_24 : memref<64x128xf32, #tpu.memory_space<vmem_shared>>) target_semaphore(%arg13 : memref<!tpu.dma_semaphore, #tpu.memory_space<semaphore_mem>>)
    %mul3A_25 = arith.constant 640 : i32
    %mul3A_26 = arith.muli %arg1, %mul3A_25 : i32
    %add3A_27 = arith.constant 64 : i32
    %add3A_28 = arith.addi %mul3A_26, %add3A_27 : i32
    %dma_start3A_29 = arith.constant 0 : i32
    %dma_start3A_30 = tpu.memref_slice %arg12[%add3A_28, %dma_start3A_29] : memref<10240x128xf32, #tpu.memory_space<vmem_shared>> -> memref<64x128xf32, #tpu.memory_space<vmem_shared>>
    %dma_start3A_31 = arith.constant 0 : i32
    %dma_start3A_32 = tpu.memref_slice %arg12[%add3A_28, %dma_start3A_31] : memref<10240x128xf32, #tpu.memory_space<vmem_shared>> -> memref<64x128xf32, #tpu.memory_space<vmem_shared>>
    tpu.enqueue_dma source(%arg8 : memref<64x128xf32, #tpu.memory_space<vmem>>) target(%dma_start3A_32 : memref<64x128xf32, #tpu.memory_space<vmem_shared>>) target_semaphore(%arg13 : memref<!tpu.dma_semaphore, #tpu.memory_space<semaphore_mem>>)
    %mul3A_33 = arith.constant 640 : i32
    %mul3A_34 = arith.muli %arg1, %mul3A_33 : i32
    %add3A_35 = arith.constant 128 : i32
    %add3A_36 = arith.addi %mul3A_34, %add3A_35 : i32
    %dma_start3A_37 = arith.constant 0 : i32
    %dma_start3A_38 = tpu.memref_slice %arg12[%add3A_36, %dma_start3A_37] : memref<10240x128xf32, #tpu.memory_space<vmem_shared>> -> memref<64x128xf32, #tpu.memory_space<vmem_shared>>
    %dma_start3A_39 = arith.constant 0 : i32
    %dma_start3A_40 = tpu.memref_slice %arg12[%add3A_36, %dma_start3A_39] : memref<10240x128xf32, #tpu.memory_space<vmem_shared>> -> memref<64x128xf32, #tpu.memory_space<vmem_shared>>
    tpu.enqueue_dma source(%arg8 : memref<64x128xf32, #tpu.memory_space<vmem>>) target(%dma_start3A_40 : memref<64x128xf32, #tpu.memory_space<vmem_shared>>) target_semaphore(%arg13 : memref<!tpu.dma_semaphore, #tpu.memory_space<semaphore_mem>>)
    %mul3A_41 = arith.constant 640 : i32
    %mul3A_42 = arith.muli %arg1, %mul3A_41 : i32
    %add3A_43 = arith.constant 192 : i32
    %add3A_44 = arith.addi %mul3A_42, %add3A_43 : i32
    %dma_start3A_45 = arith.constant 0 : i32
    %dma_start3A_46 = tpu.memref_slice %arg12[%add3A_44, %dma_start3A_45] : memref<10240x128xf32, #tpu.memory_space<vmem_shared>> -> memref<64x128xf32, #tpu.memory_space<vmem_shared>>
    %dma_start3A_47 = arith.constant 0 : i32
    %dma_start3A_48 = tpu.memref_slice %arg12[%add3A_44, %dma_start3A_47] : memref<10240x128xf32, #tpu.memory_space<vmem_shared>> -> memref<64x128xf32, #tpu.memory_space<vmem_shared>>
    tpu.enqueue_dma source(%arg8 : memref<64x128xf32, #tpu.memory_space<vmem>>) target(%dma_start3A_48 : memref<64x128xf32, #tpu.memory_space<vmem_shared>>) target_semaphore(%arg13 : memref<!tpu.dma_semaphore, #tpu.memory_space<semaphore_mem>>)
    %mul3A_49 = arith.constant 640 : i32
    %mul3A_50 = arith.muli %arg1, %mul3A_49 : i32
    %add3A_51 = arith.constant 256 : i32
    %add3A_52 = arith.addi %mul3A_50, %add3A_51 : i32
    %dma_start3A_53 = arith.constant 0 : i32
    %dma_start3A_54 = tpu.memref_slice %arg12[%add3A_52, %dma_start3A_53] : memref<10240x128xf32, #tpu.memory_space<vmem_shared>> -> memref<64x128xf32, #tpu.memory_space<vmem_shared>>
    %dma_start3A_55 = arith.constant 0 : i32
    %dma_start3A_56 = tpu.memref_slice %arg12[%add3A_52, %dma_start3A_55] : memref<10240x128xf32, #tpu.memory_space<vmem_shared>> -> memref<64x128xf32, #tpu.memory_space<vmem_shared>>
    tpu.enqueue_dma source(%arg8 : memref<64x128xf32, #tpu.memory_space<vmem>>) target(%dma_start3A_56 : memref<64x128xf32, #tpu.memory_space<vmem_shared>>) target_semaphore(%arg13 : memref<!tpu.dma_semaphore, #tpu.memory_space<semaphore_mem>>)
    %mul3A_57 = arith.constant 640 : i32
    %mul3A_58 = arith.muli %arg1, %mul3A_57 : i32
    %add3A_59 = arith.constant 320 : i32
    %add3A_60 = arith.addi %mul3A_58, %add3A_59 : i32
    %dma_start3A_61 = arith.constant 0 : i32
    %dma_start3A_62 = tpu.memref_slice %arg12[%add3A_60, %dma_start3A_61] : memref<10240x128xf32, #tpu.memory_space<vmem_shared>> -> memref<64x128xf32, #tpu.memory_space<vmem_shared>>
    %dma_start3A_63 = arith.constant 0 : i32
    %dma_start3A_64 = tpu.memref_slice %arg12[%add3A_60, %dma_start3A_63] : memref<10240x128xf32, #tpu.memory_space<vmem_shared>> -> memref<64x128xf32, #tpu.memory_space<vmem_shared>>
    tpu.enqueue_dma source(%arg8 : memref<64x128xf32, #tpu.memory_space<vmem>>) target(%dma_start3A_64 : memref<64x128xf32, #tpu.memory_space<vmem_shared>>) target_semaphore(%arg13 : memref<!tpu.dma_semaphore, #tpu.memory_space<semaphore_mem>>)
    %mul3A_65 = arith.constant 640 : i32
    %mul3A_66 = arith.muli %arg1, %mul3A_65 : i32
    %add3A_67 = arith.constant 384 : i32
    %add3A_68 = arith.addi %mul3A_66, %add3A_67 : i32
    %dma_start3A_69 = arith.constant 0 : i32
    %dma_start3A_70 = tpu.memref_slice %arg12[%add3A_68, %dma_start3A_69] : memref<10240x128xf32, #tpu.memory_space<vmem_shared>> -> memref<64x128xf32, #tpu.memory_space<vmem_shared>>
    %dma_start3A_71 = arith.constant 0 : i32
    %dma_start3A_72 = tpu.memref_slice %arg12[%add3A_68, %dma_start3A_71] : memref<10240x128xf32, #tpu.memory_space<vmem_shared>> -> memref<64x128xf32, #tpu.memory_space<vmem_shared>>
    tpu.enqueue_dma source(%arg8 : memref<64x128xf32, #tpu.memory_space<vmem>>) target(%dma_start3A_72 : memref<64x128xf32, #tpu.memory_space<vmem_shared>>) target_semaphore(%arg13 : memref<!tpu.dma_semaphore, #tpu.memory_space<semaphore_mem>>)
    %mul3A_73 = arith.constant 640 : i32
    %mul3A_74 = arith.muli %arg1, %mul3A_73 : i32
    %add3A_75 = arith.constant 448 : i32
    %add3A_76 = arith.addi %mul3A_74, %add3A_75 : i32
    %dma_start3A_77 = arith.constant 0 : i32
    %dma_start3A_78 = tpu.memref_slice %arg12[%add3A_76, %dma_start3A_77] : memref<10240x128xf32, #tpu.memory_space<vmem_shared>> -> memref<64x128xf32, #tpu.memory_space<vmem_shared>>
    %dma_start3A_79 = arith.constant 0 : i32
    %dma_start3A_80 = tpu.memref_slice %arg12[%add3A_76, %dma_start3A_79] : memref<10240x128xf32, #tpu.memory_space<vmem_shared>> -> memref<64x128xf32, #tpu.memory_space<vmem_shared>>
    tpu.enqueue_dma source(%arg8 : memref<64x128xf32, #tpu.memory_space<vmem>>) target(%dma_start3A_80 : memref<64x128xf32, #tpu.memory_space<vmem_shared>>) target_semaphore(%arg13 : memref<!tpu.dma_semaphore, #tpu.memory_space<semaphore_mem>>)
    %mul3A_81 = arith.constant 640 : i32
    %mul3A_82 = arith.muli %arg1, %mul3A_81 : i32
    %add3A_83 = arith.constant 512 : i32
    %add3A_84 = arith.addi %mul3A_82, %add3A_83 : i32
    %dma_start3A_85 = arith.constant 0 : i32
    %dma_start3A_86 = tpu.memref_slice %arg12[%add3A_84, %dma_start3A_85] : memref<10240x128xf32, #tpu.memory_space<vmem_shared>> -> memref<64x128xf32, #tpu.memory_space<vmem_shared>>
    %dma_start3A_87 = arith.constant 0 : i32
    %dma_start3A_88 = tpu.memref_slice %arg12[%add3A_84, %dma_start3A_87] : memref<10240x128xf32, #tpu.memory_space<vmem_shared>> -> memref<64x128xf32, #tpu.memory_space<vmem_shared>>
    tpu.enqueue_dma source(%arg8 : memref<64x128xf32, #tpu.memory_space<vmem>>) target(%dma_start3A_88 : memref<64x128xf32, #tpu.memory_space<vmem_shared>>) target_semaphore(%arg13 : memref<!tpu.dma_semaphore, #tpu.memory_space<semaphore_mem>>)
    %mul3A_89 = arith.constant 640 : i32
    %mul3A_90 = arith.muli %arg1, %mul3A_89 : i32
    %add3A_91 = arith.constant 576 : i32
    %add3A_92 = arith.addi %mul3A_90, %add3A_91 : i32
    %dma_start3A_93 = arith.constant 0 : i32
    %dma_start3A_94 = tpu.memref_slice %arg12[%add3A_92, %dma_start3A_93] : memref<10240x128xf32, #tpu.memory_space<vmem_shared>> -> memref<64x128xf32, #tpu.memory_space<vmem_shared>>
    %dma_start3A_95 = arith.constant 0 : i32
    %dma_start3A_96 = tpu.memref_slice %arg12[%add3A_92, %dma_start3A_95] : memref<10240x128xf32, #tpu.memory_space<vmem_shared>> -> memref<64x128xf32, #tpu.memory_space<vmem_shared>>
    tpu.enqueue_dma source(%arg8 : memref<64x128xf32, #tpu.memory_space<vmem>>) target(%dma_start3A_96 : memref<64x128xf32, #tpu.memory_space<vmem_shared>>) target_semaphore(%arg13 : memref<!tpu.dma_semaphore, #tpu.memory_space<semaphore_mem>>)
    %mul3A_97 = arith.constant 640 : i32
    %mul3A_98 = arith.muli %arg1, %mul3A_97 : i32
    %add3A_99 = arith.constant 0 : i32
    %add3A_100 = arith.addi %mul3A_98, %add3A_99 : i32
    %dma_wait3A = arith.constant 0 : i32
    %dma_wait3A_101 = tpu.memref_slice %arg12[%add3A_100, %dma_wait3A] : memref<10240x128xf32, #tpu.memory_space<vmem_shared>> -> memref<64x128xf32, #tpu.memory_space<vmem_shared>>
    %dma_wait3A_102 = arith.constant 0 : i32
    %dma_wait3A_103 = tpu.memref_slice %arg12[%add3A_100, %dma_wait3A_102] : memref<10240x128xf32, #tpu.memory_space<vmem_shared>> -> memref<64x128xf32, #tpu.memory_space<vmem_shared>>
    tpu.wait_dma2 semaphore(%arg13 : memref<!tpu.dma_semaphore, #tpu.memory_space<semaphore_mem>>) src(%arg8 : memref<64x128xf32, #tpu.memory_space<vmem>>) dst(%dma_wait3A_103 : memref<64x128xf32, #tpu.memory_space<vmem_shared>>)
    %mul3A_104 = arith.constant 640 : i32
    %mul3A_105 = arith.muli %arg1, %mul3A_104 : i32
    %add3A_106 = arith.constant 64 : i32
    %add3A_107 = arith.addi %mul3A_105, %add3A_106 : i32
    %dma_wait3A_108 = arith.constant 0 : i32
    %dma_wait3A_109 = tpu.memref_slice %arg12[%add3A_107, %dma_wait3A_108] : memref<10240x128xf32, #tpu.memory_space<vmem_shared>> -> memref<64x128xf32, #tpu.memory_space<vmem_shared>>
    %dma_wait3A_110 = arith.constant 0 : i32
    %dma_wait3A_111 = tpu.memref_slice %arg12[%add3A_107, %dma_wait3A_110] : memref<10240x128xf32, #tpu.memory_space<vmem_shared>> -> memref<64x128xf32, #tpu.memory_space<vmem_shared>>
    tpu.wait_dma2 semaphore(%arg13 : memref<!tpu.dma_semaphore, #tpu.memory_space<semaphore_mem>>) src(%arg8 : memref<64x128xf32, #tpu.memory_space<vmem>>) dst(%dma_wait3A_111 : memref<64x128xf32, #tpu.memory_space<vmem_shared>>)
    %mul3A_112 = arith.constant 640 : i32
    %mul3A_113 = arith.muli %arg1, %mul3A_112 : i32
    %add3A_114 = arith.constant 128 : i32
    %add3A_115 = arith.addi %mul3A_113, %add3A_114 : i32
    %dma_wait3A_116 = arith.constant 0 : i32
    %dma_wait3A_117 = tpu.memref_slice %arg12[%add3A_115, %dma_wait3A_116] : memref<10240x128xf32, #tpu.memory_space<vmem_shared>> -> memref<64x128xf32, #tpu.memory_space<vmem_shared>>
    %dma_wait3A_118 = arith.constant 0 : i32
    %dma_wait3A_119 = tpu.memref_slice %arg12[%add3A_115, %dma_wait3A_118] : memref<10240x128xf32, #tpu.memory_space<vmem_shared>> -> memref<64x128xf32, #tpu.memory_space<vmem_shared>>
    tpu.wait_dma2 semaphore(%arg13 : memref<!tpu.dma_semaphore, #tpu.memory_space<semaphore_mem>>) src(%arg8 : memref<64x128xf32, #tpu.memory_space<vmem>>) dst(%dma_wait3A_119 : memref<64x128xf32, #tpu.memory_space<vmem_shared>>)
    %mul3A_120 = arith.constant 640 : i32
    %mul3A_121 = arith.muli %arg1, %mul3A_120 : i32
    %add3A_122 = arith.constant 192 : i32
    %add3A_123 = arith.addi %mul3A_121, %add3A_122 : i32
    %dma_wait3A_124 = arith.constant 0 : i32
    %dma_wait3A_125 = tpu.memref_slice %arg12[%add3A_123, %dma_wait3A_124] : memref<10240x128xf32, #tpu.memory_space<vmem_shared>> -> memref<64x128xf32, #tpu.memory_space<vmem_shared>>
    %dma_wait3A_126 = arith.constant 0 : i32
    %dma_wait3A_127 = tpu.memref_slice %arg12[%add3A_123, %dma_wait3A_126] : memref<10240x128xf32, #tpu.memory_space<vmem_shared>> -> memref<64x128xf32, #tpu.memory_space<vmem_shared>>
    tpu.wait_dma2 semaphore(%arg13 : memref<!tpu.dma_semaphore, #tpu.memory_space<semaphore_mem>>) src(%arg8 : memref<64x128xf32, #tpu.memory_space<vmem>>) dst(%dma_wait3A_127 : memref<64x128xf32, #tpu.memory_space<vmem_shared>>)
    %mul3A_128 = arith.constant 640 : i32
    %mul3A_129 = arith.muli %arg1, %mul3A_128 : i32
    %add3A_130 = arith.constant 256 : i32
    %add3A_131 = arith.addi %mul3A_129, %add3A_130 : i32
    %dma_wait3A_132 = arith.constant 0 : i32
    %dma_wait3A_133 = tpu.memref_slice %arg12[%add3A_131, %dma_wait3A_132] : memref<10240x128xf32, #tpu.memory_space<vmem_shared>> -> memref<64x128xf32, #tpu.memory_space<vmem_shared>>
    %dma_wait3A_134 = arith.constant 0 : i32
    %dma_wait3A_135 = tpu.memref_slice %arg12[%add3A_131, %dma_wait3A_134] : memref<10240x128xf32, #tpu.memory_space<vmem_shared>> -> memref<64x128xf32, #tpu.memory_space<vmem_shared>>
    tpu.wait_dma2 semaphore(%arg13 : memref<!tpu.dma_semaphore, #tpu.memory_space<semaphore_mem>>) src(%arg8 : memref<64x128xf32, #tpu.memory_space<vmem>>) dst(%dma_wait3A_135 : memref<64x128xf32, #tpu.memory_space<vmem_shared>>)
    %mul3A_136 = arith.constant 640 : i32
    %mul3A_137 = arith.muli %arg1, %mul3A_136 : i32
    %add3A_138 = arith.constant 320 : i32
    %add3A_139 = arith.addi %mul3A_137, %add3A_138 : i32
    %dma_wait3A_140 = arith.constant 0 : i32
    %dma_wait3A_141 = tpu.memref_slice %arg12[%add3A_139, %dma_wait3A_140] : memref<10240x128xf32, #tpu.memory_space<vmem_shared>> -> memref<64x128xf32, #tpu.memory_space<vmem_shared>>
    %dma_wait3A_142 = arith.constant 0 : i32
    %dma_wait3A_143 = tpu.memref_slice %arg12[%add3A_139, %dma_wait3A_142] : memref<10240x128xf32, #tpu.memory_space<vmem_shared>> -> memref<64x128xf32, #tpu.memory_space<vmem_shared>>
    tpu.wait_dma2 semaphore(%arg13 : memref<!tpu.dma_semaphore, #tpu.memory_space<semaphore_mem>>) src(%arg8 : memref<64x128xf32, #tpu.memory_space<vmem>>) dst(%dma_wait3A_143 : memref<64x128xf32, #tpu.memory_space<vmem_shared>>)
    %mul3A_144 = arith.constant 640 : i32
    %mul3A_145 = arith.muli %arg1, %mul3A_144 : i32
    %add3A_146 = arith.constant 384 : i32
    %add3A_147 = arith.addi %mul3A_145, %add3A_146 : i32
    %dma_wait3A_148 = arith.constant 0 : i32
    %dma_wait3A_149 = tpu.memref_slice %arg12[%add3A_147, %dma_wait3A_148] : memref<10240x128xf32, #tpu.memory_space<vmem_shared>> -> memref<64x128xf32, #tpu.memory_space<vmem_shared>>
    %dma_wait3A_150 = arith.constant 0 : i32
    %dma_wait3A_151 = tpu.memref_slice %arg12[%add3A_147, %dma_wait3A_150] : memref<10240x128xf32, #tpu.memory_space<vmem_shared>> -> memref<64x128xf32, #tpu.memory_space<vmem_shared>>
    tpu.wait_dma2 semaphore(%arg13 : memref<!tpu.dma_semaphore, #tpu.memory_space<semaphore_mem>>) src(%arg8 : memref<64x128xf32, #tpu.memory_space<vmem>>) dst(%dma_wait3A_151 : memref<64x128xf32, #tpu.memory_space<vmem_shared>>)
    %mul3A_152 = arith.constant 640 : i32
    %mul3A_153 = arith.muli %arg1, %mul3A_152 : i32
    %add3A_154 = arith.constant 448 : i32
    %add3A_155 = arith.addi %mul3A_153, %add3A_154 : i32
    %dma_wait3A_156 = arith.constant 0 : i32
    %dma_wait3A_157 = tpu.memref_slice %arg12[%add3A_155, %dma_wait3A_156] : memref<10240x128xf32, #tpu.memory_space<vmem_shared>> -> memref<64x128xf32, #tpu.memory_space<vmem_shared>>
    %dma_wait3A_158 = arith.constant 0 : i32
    %dma_wait3A_159 = tpu.memref_slice %arg12[%add3A_155, %dma_wait3A_158] : memref<10240x128xf32, #tpu.memory_space<vmem_shared>> -> memref<64x128xf32, #tpu.memory_space<vmem_shared>>
    tpu.wait_dma2 semaphore(%arg13 : memref<!tpu.dma_semaphore, #tpu.memory_space<semaphore_mem>>) src(%arg8 : memref<64x128xf32, #tpu.memory_space<vmem>>) dst(%dma_wait3A_159 : memref<64x128xf32, #tpu.memory_space<vmem_shared>>)
    %mul3A_160 = arith.constant 640 : i32
    %mul3A_161 = arith.muli %arg1, %mul3A_160 : i32
    %add3A_162 = arith.constant 512 : i32
    %add3A_163 = arith.addi %mul3A_161, %add3A_162 : i32
    %dma_wait3A_164 = arith.constant 0 : i32
    %dma_wait3A_165 = tpu.memref_slice %arg12[%add3A_163, %dma_wait3A_164] : memref<10240x128xf32, #tpu.memory_space<vmem_shared>> -> memref<64x128xf32, #tpu.memory_space<vmem_shared>>
    %dma_wait3A_166 = arith.constant 0 : i32
    %dma_wait3A_167 = tpu.memref_slice %arg12[%add3A_163, %dma_wait3A_166] : memref<10240x128xf32, #tpu.memory_space<vmem_shared>> -> memref<64x128xf32, #tpu.memory_space<vmem_shared>>
    tpu.wait_dma2 semaphore(%arg13 : memref<!tpu.dma_semaphore, #tpu.memory_space<semaphore_mem>>) src(%arg8 : memref<64x128xf32, #tpu.memory_space<vmem>>) dst(%dma_wait3A_167 : memref<64x128xf32, #tpu.memory_space<vmem_shared>>)
    %mul3A_168 = arith.constant 640 : i32
    %mul3A_169 = arith.muli %arg1, %mul3A_168 : i32
    %add3A_170 = arith.constant 576 : i32
    %add3A_171 = arith.addi %mul3A_169, %add3A_170 : i32
    %dma_wait3A_172 = arith.constant 0 : i32
    %dma_wait3A_173 = tpu.memref_slice %arg12[%add3A_171, %dma_wait3A_172] : memref<10240x128xf32, #tpu.memory_space<vmem_shared>> -> memref<64x128xf32, #tpu.memory_space<vmem_shared>>
    %dma_wait3A_174 = arith.constant 0 : i32
    %dma_wait3A_175 = tpu.memref_slice %arg12[%add3A_171, %dma_wait3A_174] : memref<10240x128xf32, #tpu.memory_space<vmem_shared>> -> memref<64x128xf32, #tpu.memory_space<vmem_shared>>
    tpu.wait_dma2 semaphore(%arg13 : memref<!tpu.dma_semaphore, #tpu.memory_space<semaphore_mem>>) src(%arg8 : memref<64x128xf32, #tpu.memory_space<vmem>>) dst(%dma_wait3A_175 : memref<64x128xf32, #tpu.memory_space<vmem_shared>>)
    %mul3A_176 = arith.constant 80 : i32
    %mul3A_177 = arith.muli %add3A, %mul3A_176 : i32
    %mul3A_178 = arith.constant 64 : i32
    %mul3A_179 = arith.muli %mul3A_177, %mul3A_178 : i32
    %dma_wait3A_180 = tpu.memref_slice %arg3[%mul3A_179] : memref<163840xi32, #tpu.memory_space<hbm>> -> memref<5120xi32, #tpu.memory_space<hbm>>
    %dma_wait3A_181 = tpu.memref_slice %arg3[%mul3A_179] : memref<163840xi32, #tpu.memory_space<hbm>> -> memref<5120xi32, #tpu.memory_space<hbm>>
    tpu.wait_dma2 semaphore(%arg17 : memref<!tpu.dma_semaphore, #tpu.memory_space<semaphore_mem>>) src(%dma_wait3A_181 : memref<5120xi32, #tpu.memory_space<hbm>>) dst(%arg6 : memref<5120xi32, #tpu.memory_space<vmem>>)
    %mul3A_182 = arith.constant 80 : i32
    %mul3A_183 = arith.muli %add3A, %mul3A_182 : i32
    %dma_wait3A_184 = arith.constant 0 : i32
    %dma_wait3A_185 = tpu.memref_slice %arg4[%mul3A_183, %dma_wait3A_184] : memref<2560x64xi32, #tpu.memory_space<hbm>> -> memref<80x64xi32, #tpu.memory_space<hbm>>
    %dma_wait3A_186 = arith.constant 0 : i32
    %dma_wait3A_187 = tpu.memref_slice %arg4[%mul3A_183, %dma_wait3A_186] : memref<2560x64xi32, #tpu.memory_space<hbm>> -> memref<80x64xi32, #tpu.memory_space<hbm>>
    tpu.wait_dma2 semaphore(%arg18 : memref<!tpu.dma_semaphore, #tpu.memory_space<semaphore_mem>>) src(%dma_wait3A_187 : memref<80x64xi32, #tpu.memory_space<hbm>>) dst(%arg7 : memref<80x64xi32, #tpu.memory_space<vmem>>)
    %barrier3A = arith.constant 0 : index
    tpu.barrier barrier_id(%barrier3A)
    %dma_start3A_188 = arith.constant 0 : i32
    %dma_start3A_189 = tpu.memref_slice %arg6[%dma_start3A_188] : memref<5120xi32, #tpu.memory_space<vmem>> -> memref<64xi32, #tpu.memory_space<vmem>>
    %dma_start3A_190 = arith.constant 0 : i32
    %dma_start3A_191 = arith.constant 0 : i32
    %dma_start3A_192 = tpu.memref_slice %arg2[%dma_start3A_190, %dma_start3A_191] : memref<30000x128xf32, #tpu.memory_space<hbm>> -> memref<30000x128xf32, #tpu.memory_space<hbm>>
    tpu.enqueue_indirect_dma source(%dma_start3A_192 : memref<30000x128xf32, #tpu.memory_space<hbm>>) target(%arg8 : memref<64x128xf32, #tpu.memory_space<vmem>>) offsets(%dma_start3A_189 : memref<64xi32, #tpu.memory_space<vmem>>) semaphore(%arg13 : memref<!tpu.dma_semaphore, #tpu.memory_space<semaphore_mem>>)
    %dma_start3A_193 = arith.constant 64 : i32
    %dma_start3A_194 = tpu.memref_slice %arg6[%dma_start3A_193] : memref<5120xi32, #tpu.memory_space<vmem>> -> memref<64xi32, #tpu.memory_space<vmem>>
    %dma_start3A_195 = arith.constant 0 : i32
    %dma_start3A_196 = arith.constant 0 : i32
    %dma_start3A_197 = tpu.memref_slice %arg2[%dma_start3A_195, %dma_start3A_196] : memref<30000x128xf32, #tpu.memory_space<hbm>> -> memref<30000x128xf32, #tpu.memory_space<hbm>>
    tpu.enqueue_indirect_dma source(%dma_start3A_197 : memref<30000x128xf32, #tpu.memory_space<hbm>>) target(%arg9 : memref<64x128xf32, #tpu.memory_space<vmem>>) offsets(%dma_start3A_194 : memref<64xi32, #tpu.memory_space<vmem>>) semaphore(%arg14 : memref<!tpu.dma_semaphore, #tpu.memory_space<semaphore_mem>>)
    %dma_start3A_198 = arith.constant 128 : i32
    %dma_start3A_199 = tpu.memref_slice %arg6[%dma_start3A_198] : memref<5120xi32, #tpu.memory_space<vmem>> -> memref<64xi32, #tpu.memory_space<vmem>>
    %dma_start3A_200 = arith.constant 0 : i32
    %dma_start3A_201 = arith.constant 0 : i32
    %dma_start3A_202 = tpu.memref_slice %arg2[%dma_start3A_200, %dma_start3A_201] : memref<30000x128xf32, #tpu.memory_space<hbm>> -> memref<30000x128xf32, #tpu.memory_space<hbm>>
    tpu.enqueue_indirect_dma source(%dma_start3A_202 : memref<30000x128xf32, #tpu.memory_space<hbm>>) target(%arg10 : memref<64x128xf32, #tpu.memory_space<vmem>>) offsets(%dma_start3A_199 : memref<64xi32, #tpu.memory_space<vmem>>) semaphore(%arg15 : memref<!tpu.dma_semaphore, #tpu.memory_space<semaphore_mem>>)
    %dma_start3A_203 = arith.constant 192 : i32
    %dma_start3A_204 = tpu.memref_slice %arg6[%dma_start3A_203] : memref<5120xi32, #tpu.memory_space<vmem>> -> memref<64xi32, #tpu.memory_space<vmem>>
    %dma_start3A_205 = arith.constant 0 : i32
    %dma_start3A_206 = arith.constant 0 : i32
    %dma_start3A_207 = tpu.memref_slice %arg2[%dma_start3A_205, %dma_start3A_206] : memref<30000x128xf32, #tpu.memory_space<hbm>> -> memref<30000x128xf32, #tpu.memory_space<hbm>>
    tpu.enqueue_indirect_dma source(%dma_start3A_207 : memref<30000x128xf32, #tpu.memory_space<hbm>>) target(%arg11 : memref<64x128xf32, #tpu.memory_space<vmem>>) offsets(%dma_start3A_204 : memref<64xi32, #tpu.memory_space<vmem>>) semaphore(%arg16 : memref<!tpu.dma_semaphore, #tpu.memory_space<semaphore_mem>>)
    %scan3A_208 = arith.constant 0 : i32
    %scan3A_209 = arith.constant 0 : i32
    %scan3A_210 = arith.constant 20 : i32
    %scan3A_211 = arith.addi %scan3A_209, %scan3A_210 : i32
    %scan3A_212 = arith.constant 1 : i32
    scf.for %scan3A_247 = %scan3A_209 to %scan3A_211 step %scan3A_212  : i32 {
      %mul3A_248 = arith.constant 4 : i32
      %mul3A_249 = arith.muli %mul3A_248, %scan3A_247 : i32
      %add3A_250 = arith.constant 0 : i32
      %add3A_251 = arith.addi %mul3A_249, %add3A_250 : i32
      %mul3A_252 = arith.constant 64 : i32
      %mul3A_253 = arith.muli %add3A_251, %mul3A_252 : i32
      %dma_wait3A_254 = tpu.memref_slice %arg6[%mul3A_253] : memref<5120xi32, #tpu.memory_space<vmem>> -> memref<64xi32, #tpu.memory_space<vmem>>
      %dma_wait3A_255 = arith.constant 0 : i32
      %dma_wait3A_256 = arith.constant 0 : i32
      %dma_wait3A_257 = tpu.memref_slice %arg2[%dma_wait3A_255, %dma_wait3A_256] : memref<30000x128xf32, #tpu.memory_space<hbm>> -> memref<30000x128xf32, #tpu.memory_space<hbm>>
      tpu.wait_indirect_dma semaphore(%arg13 : memref<!tpu.dma_semaphore, #tpu.memory_space<semaphore_mem>>) src(%dma_wait3A_257 : memref<30000x128xf32, #tpu.memory_space<hbm>>) dst(%arg8 : memref<64x128xf32, #tpu.memory_space<vmem>>)
      %dma_start3A_258 = arith.constant 0 : i32
      %dma_start3A_259 = tpu.memref_slice %arg7[%add3A_251, %dma_start3A_258] : memref<80x64xi32, #tpu.memory_space<vmem>> -> memref<1x64xi32, #tpu.memory_space<vmem>>
      %dma_start3A_260 = tpu.memref_squeeze %dma_start3A_259 : memref<1x64xi32, #tpu.memory_space<vmem>> -> memref<64xi32, #tpu.memory_space<vmem>>
      %dma_start3A_261 = arith.constant 0 : i32
      %dma_start3A_262 = arith.constant 0 : i32
      %dma_start3A_263 = tpu.memref_slice %arg12[%dma_start3A_261, %dma_start3A_262] : memref<10240x128xf32, #tpu.memory_space<vmem_shared>> -> memref<10240x128xf32, #tpu.memory_space<vmem_shared>>
      tpu.enqueue_indirect_dma source(%arg8 : memref<64x128xf32, #tpu.memory_space<vmem>>) target(%dma_start3A_263 : memref<10240x128xf32, #tpu.memory_space<vmem_shared>>) offsets(%dma_start3A_260 : memref<64xi32, #tpu.memory_space<vmem>>) semaphore(%arg17 : memref<!tpu.dma_semaphore, #tpu.memory_space<semaphore_mem>>) {add = true}
      %add3A_264 = arith.constant 4 : i32
      %add3A_265 = arith.addi %add3A_251, %add3A_264 : i32
      %lt3A = arith.constant 80 : i32
      %lt3A_266 = arith.cmpi slt, %add3A_265, %lt3A : i32
      %convert_element_type3A = arith.extui %lt3A_266 : i1 to i32
      %cond3A = arith.constant 0 : i32
      %cond3A_267 = arith.cmpi ne, %convert_element_type3A, %cond3A : i32
      scf.if %cond3A_267 {
        %dma_wait3A_331 = arith.constant 0 : i32
        %dma_wait3A_332 = tpu.memref_slice %arg7[%add3A_251, %dma_wait3A_331] : memref<80x64xi32, #tpu.memory_space<vmem>> -> memref<1x64xi32, #tpu.memory_space<vmem>>
        %dma_wait3A_333 = tpu.memref_squeeze %dma_wait3A_332 : memref<1x64xi32, #tpu.memory_space<vmem>> -> memref<64xi32, #tpu.memory_space<vmem>>
        %dma_wait3A_334 = arith.constant 0 : i32
        %dma_wait3A_335 = arith.constant 0 : i32
        %dma_wait3A_336 = tpu.memref_slice %arg12[%dma_wait3A_334, %dma_wait3A_335] : memref<10240x128xf32, #tpu.memory_space<vmem_shared>> -> memref<10240x128xf32, #tpu.memory_space<vmem_shared>>
        tpu.wait_indirect_dma semaphore(%arg17 : memref<!tpu.dma_semaphore, #tpu.memory_space<semaphore_mem>>) src(%arg8 : memref<64x128xf32, #tpu.memory_space<vmem>>) dst(%dma_wait3A_336 : memref<10240x128xf32, #tpu.memory_space<vmem_shared>>)
        %add3A_337 = arith.constant 4 : i32
        %add3A_338 = arith.addi %add3A_251, %add3A_337 : i32
        %mul3A_339 = arith.constant 64 : i32
        %mul3A_340 = arith.muli %add3A_338, %mul3A_339 : i32
        %dma_start3A_341 = tpu.memref_slice %arg6[%mul3A_340] : memref<5120xi32, #tpu.memory_space<vmem>> -> memref<64xi32, #tpu.memory_space<vmem>>
        %dma_start3A_342 = arith.constant 0 : i32
        %dma_start3A_343 = arith.constant 0 : i32
        %dma_start3A_344 = tpu.memref_slice %arg2[%dma_start3A_342, %dma_start3A_343] : memref<30000x128xf32, #tpu.memory_space<hbm>> -> memref<30000x128xf32, #tpu.memory_space<hbm>>
        tpu.enqueue_indirect_dma source(%dma_start3A_344 : memref<30000x128xf32, #tpu.memory_space<hbm>>) target(%arg8 : memref<64x128xf32, #tpu.memory_space<vmem>>) offsets(%dma_start3A_341 : memref<64xi32, #tpu.memory_space<vmem>>) semaphore(%arg13 : memref<!tpu.dma_semaphore, #tpu.memory_space<semaphore_mem>>)
      } else {
      }
      %add3A_268 = arith.constant 1 : i32
      %add3A_269 = arith.addi %mul3A_249, %add3A_268 : i32
      %mul3A_270 = arith.constant 64 : i32
      %mul3A_271 = arith.muli %add3A_269, %mul3A_270 : i32
      %dma_wait3A_272 = tpu.memref_slice %arg6[%mul3A_271] : memref<5120xi32, #tpu.memory_space<vmem>> -> memref<64xi32, #tpu.memory_space<vmem>>
      %dma_wait3A_273 = arith.constant 0 : i32
      %dma_wait3A_274 = arith.constant 0 : i32
      %dma_wait3A_275 = tpu.memref_slice %arg2[%dma_wait3A_273, %dma_wait3A_274] : memref<30000x128xf32, #tpu.memory_space<hbm>> -> memref<30000x128xf32, #tpu.memory_space<hbm>>
      tpu.wait_indirect_dma semaphore(%arg14 : memref<!tpu.dma_semaphore, #tpu.memory_space<semaphore_mem>>) src(%dma_wait3A_275 : memref<30000x128xf32, #tpu.memory_space<hbm>>) dst(%arg9 : memref<64x128xf32, #tpu.memory_space<vmem>>)
      %dma_start3A_276 = arith.constant 0 : i32
      %dma_start3A_277 = tpu.memref_slice %arg7[%add3A_269, %dma_start3A_276] : memref<80x64xi32, #tpu.memory_space<vmem>> -> memref<1x64xi32, #tpu.memory_space<vmem>>
      %dma_start3A_278 = tpu.memref_squeeze %dma_start3A_277 : memref<1x64xi32, #tpu.memory_space<vmem>> -> memref<64xi32, #tpu.memory_space<vmem>>
      %dma_start3A_279 = arith.constant 0 : i32
      %dma_start3A_280 = arith.constant 0 : i32
      %dma_start3A_281 = tpu.memref_slice %arg12[%dma_start3A_279, %dma_start3A_280] : memref<10240x128xf32, #tpu.memory_space<vmem_shared>> -> memref<10240x128xf32, #tpu.memory_space<vmem_shared>>
      tpu.enqueue_indirect_dma source(%arg9 : memref<64x128xf32, #tpu.memory_space<vmem>>) target(%dma_start3A_281 : memref<10240x128xf32, #tpu.memory_space<vmem_shared>>) offsets(%dma_start3A_278 : memref<64xi32, #tpu.memory_space<vmem>>) semaphore(%arg18 : memref<!tpu.dma_semaphore, #tpu.memory_space<semaphore_mem>>) {add = true}
      %add3A_282 = arith.constant 4 : i32
      %add3A_283 = arith.addi %add3A_269, %add3A_282 : i32
      %lt3A_284 = arith.constant 80 : i32
      %lt3A_285 = arith.cmpi slt, %add3A_283, %lt3A_284 : i32
      %convert_element_type3A_286 = arith.extui %lt3A_285 : i1 to i32
      %cond3A_287 = arith.constant 0 : i32
      %cond3A_288 = arith.cmpi ne, %convert_element_type3A_286, %cond3A_287 : i32
      scf.if %cond3A_288 {
        %dma_wait3A_331 = arith.constant 0 : i32
        %dma_wait3A_332 = tpu.memref_slice %arg7[%add3A_269, %dma_wait3A_331] : memref<80x64xi32, #tpu.memory_space<vmem>> -> memref<1x64xi32, #tpu.memory_space<vmem>>
        %dma_wait3A_333 = tpu.memref_squeeze %dma_wait3A_332 : memref<1x64xi32, #tpu.memory_space<vmem>> -> memref<64xi32, #tpu.memory_space<vmem>>
        %dma_wait3A_334 = arith.constant 0 : i32
        %dma_wait3A_335 = arith.constant 0 : i32
        %dma_wait3A_336 = tpu.memref_slice %arg12[%dma_wait3A_334, %dma_wait3A_335] : memref<10240x128xf32, #tpu.memory_space<vmem_shared>> -> memref<10240x128xf32, #tpu.memory_space<vmem_shared>>
        tpu.wait_indirect_dma semaphore(%arg18 : memref<!tpu.dma_semaphore, #tpu.memory_space<semaphore_mem>>) src(%arg9 : memref<64x128xf32, #tpu.memory_space<vmem>>) dst(%dma_wait3A_336 : memref<10240x128xf32, #tpu.memory_space<vmem_shared>>)
        %add3A_337 = arith.constant 4 : i32
        %add3A_338 = arith.addi %add3A_269, %add3A_337 : i32
        %mul3A_339 = arith.constant 64 : i32
        %mul3A_340 = arith.muli %add3A_338, %mul3A_339 : i32
        %dma_start3A_341 = tpu.memref_slice %arg6[%mul3A_340] : memref<5120xi32, #tpu.memory_space<vmem>> -> memref<64xi32, #tpu.memory_space<vmem>>
        %dma_start3A_342 = arith.constant 0 : i32
        %dma_start3A_343 = arith.constant 0 : i32
        %dma_start3A_344 = tpu.memref_slice %arg2[%dma_start3A_342, %dma_start3A_343] : memref<30000x128xf32, #tpu.memory_space<hbm>> -> memref<30000x128xf32, #tpu.memory_space<hbm>>
        tpu.enqueue_indirect_dma source(%dma_start3A_344 : memref<30000x128xf32, #tpu.memory_space<hbm>>) target(%arg9 : memref<64x128xf32, #tpu.memory_space<vmem>>) offsets(%dma_start3A_341 : memref<64xi32, #tpu.memory_space<vmem>>) semaphore(%arg14 : memref<!tpu.dma_semaphore, #tpu.memory_space<semaphore_mem>>)
      } else {
      }
      %add3A_289 = arith.constant 2 : i32
      %add3A_290 = arith.addi %mul3A_249, %add3A_289 : i32
      %mul3A_291 = arith.constant 64 : i32
      %mul3A_292 = arith.muli %add3A_290, %mul3A_291 : i32
      %dma_wait3A_293 = tpu.memref_slice %arg6[%mul3A_292] : memref<5120xi32, #tpu.memory_space<vmem>> -> memref<64xi32, #tpu.memory_space<vmem>>
      %dma_wait3A_294 = arith.constant 0 : i32
      %dma_wait3A_295 = arith.constant 0 : i32
      %dma_wait3A_296 = tpu.memref_slice %arg2[%dma_wait3A_294, %dma_wait3A_295] : memref<30000x128xf32, #tpu.memory_space<hbm>> -> memref<30000x128xf32, #tpu.memory_space<hbm>>
      tpu.wait_indirect_dma semaphore(%arg15 : memref<!tpu.dma_semaphore, #tpu.memory_space<semaphore_mem>>) src(%dma_wait3A_296 : memref<30000x128xf32, #tpu.memory_space<hbm>>) dst(%arg10 : memref<64x128xf32, #tpu.memory_space<vmem>>)
      %dma_start3A_297 = arith.constant 0 : i32
      %dma_start3A_298 = tpu.memref_slice %arg7[%add3A_290, %dma_start3A_297] : memref<80x64xi32, #tpu.memory_space<vmem>> -> memref<1x64xi32, #tpu.memory_space<vmem>>
      %dma_start3A_299 = tpu.memref_squeeze %dma_start3A_298 : memref<1x64xi32, #tpu.memory_space<vmem>> -> memref<64xi32, #tpu.memory_space<vmem>>
      %dma_start3A_300 = arith.constant 0 : i32
      %dma_start3A_301 = arith.constant 0 : i32
      %dma_start3A_302 = tpu.memref_slice %arg12[%dma_start3A_300, %dma_start3A_301] : memref<10240x128xf32, #tpu.memory_space<vmem_shared>> -> memref<10240x128xf32, #tpu.memory_space<vmem_shared>>
      tpu.enqueue_indirect_dma source(%arg10 : memref<64x128xf32, #tpu.memory_space<vmem>>) target(%dma_start3A_302 : memref<10240x128xf32, #tpu.memory_space<vmem_shared>>) offsets(%dma_start3A_299 : memref<64xi32, #tpu.memory_space<vmem>>) semaphore(%arg19 : memref<!tpu.dma_semaphore, #tpu.memory_space<semaphore_mem>>) {add = true}
      %add3A_303 = arith.constant 4 : i32
      %add3A_304 = arith.addi %add3A_290, %add3A_303 : i32
      %lt3A_305 = arith.constant 80 : i32
      %lt3A_306 = arith.cmpi slt, %add3A_304, %lt3A_305 : i32
      %convert_element_type3A_307 = arith.extui %lt3A_306 : i1 to i32
      %cond3A_308 = arith.constant 0 : i32
      %cond3A_309 = arith.cmpi ne, %convert_element_type3A_307, %cond3A_308 : i32
      scf.if %cond3A_309 {
        %dma_wait3A_331 = arith.constant 0 : i32
        %dma_wait3A_332 = tpu.memref_slice %arg7[%add3A_290, %dma_wait3A_331] : memref<80x64xi32, #tpu.memory_space<vmem>> -> memref<1x64xi32, #tpu.memory_space<vmem>>
        %dma_wait3A_333 = tpu.memref_squeeze %dma_wait3A_332 : memref<1x64xi32, #tpu.memory_space<vmem>> -> memref<64xi32, #tpu.memory_space<vmem>>
        %dma_wait3A_334 = arith.constant 0 : i32
        %dma_wait3A_335 = arith.constant 0 : i32
        %dma_wait3A_336 = tpu.memref_slice %arg12[%dma_wait3A_334, %dma_wait3A_335] : memref<10240x128xf32, #tpu.memory_space<vmem_shared>> -> memref<10240x128xf32, #tpu.memory_space<vmem_shared>>
        tpu.wait_indirect_dma semaphore(%arg19 : memref<!tpu.dma_semaphore, #tpu.memory_space<semaphore_mem>>) src(%arg10 : memref<64x128xf32, #tpu.memory_space<vmem>>) dst(%dma_wait3A_336 : memref<10240x128xf32, #tpu.memory_space<vmem_shared>>)
        %add3A_337 = arith.constant 4 : i32
        %add3A_338 = arith.addi %add3A_290, %add3A_337 : i32
        %mul3A_339 = arith.constant 64 : i32
        %mul3A_340 = arith.muli %add3A_338, %mul3A_339 : i32
        %dma_start3A_341 = tpu.memref_slice %arg6[%mul3A_340] : memref<5120xi32, #tpu.memory_space<vmem>> -> memref<64xi32, #tpu.memory_space<vmem>>
        %dma_start3A_342 = arith.constant 0 : i32
        %dma_start3A_343 = arith.constant 0 : i32
        %dma_start3A_344 = tpu.memref_slice %arg2[%dma_start3A_342, %dma_start3A_343] : memref<30000x128xf32, #tpu.memory_space<hbm>> -> memref<30000x128xf32, #tpu.memory_space<hbm>>
        tpu.enqueue_indirect_dma source(%dma_start3A_344 : memref<30000x128xf32, #tpu.memory_space<hbm>>) target(%arg10 : memref<64x128xf32, #tpu.memory_space<vmem>>) offsets(%dma_start3A_341 : memref<64xi32, #tpu.memory_space<vmem>>) semaphore(%arg15 : memref<!tpu.dma_semaphore, #tpu.memory_space<semaphore_mem>>)
      } else {
      }
      %add3A_310 = arith.constant 3 : i32
      %add3A_311 = arith.addi %mul3A_249, %add3A_310 : i32
      %mul3A_312 = arith.constant 64 : i32
      %mul3A_313 = arith.muli %add3A_311, %mul3A_312 : i32
      %dma_wait3A_314 = tpu.memref_slice %arg6[%mul3A_313] : memref<5120xi32, #tpu.memory_space<vmem>> -> memref<64xi32, #tpu.memory_space<vmem>>
      %dma_wait3A_315 = arith.constant 0 : i32
      %dma_wait3A_316 = arith.constant 0 : i32
      %dma_wait3A_317 = tpu.memref_slice %arg2[%dma_wait3A_315, %dma_wait3A_316] : memref<30000x128xf32, #tpu.memory_space<hbm>> -> memref<30000x128xf32, #tpu.memory_space<hbm>>
      tpu.wait_indirect_dma semaphore(%arg16 : memref<!tpu.dma_semaphore, #tpu.memory_space<semaphore_mem>>) src(%dma_wait3A_317 : memref<30000x128xf32, #tpu.memory_space<hbm>>) dst(%arg11 : memref<64x128xf32, #tpu.memory_space<vmem>>)
      %dma_start3A_318 = arith.constant 0 : i32
      %dma_start3A_319 = tpu.memref_slice %arg7[%add3A_311, %dma_start3A_318] : memref<80x64xi32, #tpu.memory_space<vmem>> -> memref<1x64xi32, #tpu.memory_space<vmem>>
      %dma_start3A_320 = tpu.memref_squeeze %dma_start3A_319 : memref<1x64xi32, #tpu.memory_space<vmem>> -> memref<64xi32, #tpu.memory_space<vmem>>
      %dma_start3A_321 = arith.constant 0 : i32
      %dma_start3A_322 = arith.constant 0 : i32
      %dma_start3A_323 = tpu.memref_slice %arg12[%dma_start3A_321, %dma_start3A_322] : memref<10240x128xf32, #tpu.memory_space<vmem_shared>> -> memref<10240x128xf32, #tpu.memory_space<vmem_shared>>
      tpu.enqueue_indirect_dma source(%arg11 : memref<64x128xf32, #tpu.memory_space<vmem>>) target(%dma_start3A_323 : memref<10240x128xf32, #tpu.memory_space<vmem_shared>>) offsets(%dma_start3A_320 : memref<64xi32, #tpu.memory_space<vmem>>) semaphore(%arg20 : memref<!tpu.dma_semaphore, #tpu.memory_space<semaphore_mem>>) {add = true}
      %add3A_324 = arith.constant 4 : i32
      %add3A_325 = arith.addi %add3A_311, %add3A_324 : i32
      %lt3A_326 = arith.constant 80 : i32
      %lt3A_327 = arith.cmpi slt, %add3A_325, %lt3A_326 : i32
      %convert_element_type3A_328 = arith.extui %lt3A_327 : i1 to i32
      %cond3A_329 = arith.constant 0 : i32
      %cond3A_330 = arith.cmpi ne, %convert_element_type3A_328, %cond3A_329 : i32
      scf.if %cond3A_330 {
        %dma_wait3A_331 = arith.constant 0 : i32
        %dma_wait3A_332 = tpu.memref_slice %arg7[%add3A_311, %dma_wait3A_331] : memref<80x64xi32, #tpu.memory_space<vmem>> -> memref<1x64xi32, #tpu.memory_space<vmem>>
        %dma_wait3A_333 = tpu.memref_squeeze %dma_wait3A_332 : memref<1x64xi32, #tpu.memory_space<vmem>> -> memref<64xi32, #tpu.memory_space<vmem>>
        %dma_wait3A_334 = arith.constant 0 : i32
        %dma_wait3A_335 = arith.constant 0 : i32
        %dma_wait3A_336 = tpu.memref_slice %arg12[%dma_wait3A_334, %dma_wait3A_335] : memref<10240x128xf32, #tpu.memory_space<vmem_shared>> -> memref<10240x128xf32, #tpu.memory_space<vmem_shared>>
        tpu.wait_indirect_dma semaphore(%arg20 : memref<!tpu.dma_semaphore, #tpu.memory_space<semaphore_mem>>) src(%arg11 : memref<64x128xf32, #tpu.memory_space<vmem>>) dst(%dma_wait3A_336 : memref<10240x128xf32, #tpu.memory_space<vmem_shared>>)
        %add3A_337 = arith.constant 4 : i32
        %add3A_338 = arith.addi %add3A_311, %add3A_337 : i32
        %mul3A_339 = arith.constant 64 : i32
        %mul3A_340 = arith.muli %add3A_338, %mul3A_339 : i32
        %dma_start3A_341 = tpu.memref_slice %arg6[%mul3A_340] : memref<5120xi32, #tpu.memory_space<vmem>> -> memref<64xi32, #tpu.memory_space<vmem>>
        %dma_start3A_342 = arith.constant 0 : i32
        %dma_start3A_343 = arith.constant 0 : i32
        %dma_start3A_344 = tpu.memref_slice %arg2[%dma_start3A_342, %dma_start3A_343] : memref<30000x128xf32, #tpu.memory_space<hbm>> -> memref<30000x128xf32, #tpu.memory_space<hbm>>
        tpu.enqueue_indirect_dma source(%dma_start3A_344 : memref<30000x128xf32, #tpu.memory_space<hbm>>) target(%arg11 : memref<64x128xf32, #tpu.memory_space<vmem>>) offsets(%dma_start3A_341 : memref<64xi32, #tpu.memory_space<vmem>>) semaphore(%arg16 : memref<!tpu.dma_semaphore, #tpu.memory_space<semaphore_mem>>)
      } else {
      }
    }
    %scan3A_213 = arith.constant 20 : i32
    %dma_wait3A_214 = arith.constant 76 : i32
    %dma_wait3A_215 = arith.constant 0 : i32
    %dma_wait3A_216 = tpu.memref_slice %arg7[%dma_wait3A_214, %dma_wait3A_215] : memref<80x64xi32, #tpu.memory_space<vmem>> -> memref<1x64xi32, #tpu.memory_space<vmem>>
    %dma_wait3A_217 = tpu.memref_squeeze %dma_wait3A_216 : memref<1x64xi32, #tpu.memory_space<vmem>> -> memref<64xi32, #tpu.memory_space<vmem>>
    %dma_wait3A_218 = arith.constant 0 : i32
    %dma_wait3A_219 = arith.constant 0 : i32
    %dma_wait3A_220 = tpu.memref_slice %arg12[%dma_wait3A_218, %dma_wait3A_219] : memref<10240x128xf32, #tpu.memory_space<vmem_shared>> -> memref<10240x128xf32, #tpu.memory_space<vmem_shared>>
    tpu.wait_indirect_dma semaphore(%arg17 : memref<!tpu.dma_semaphore, #tpu.memory_space<semaphore_mem>>) src(%arg8 : memref<64x128xf32, #tpu.memory_space<vmem>>) dst(%dma_wait3A_220 : memref<10240x128xf32, #tpu.memory_space<vmem_shared>>)
    %dma_wait3A_221 = arith.constant 77 : i32
    %dma_wait3A_222 = arith.constant 0 : i32
    %dma_wait3A_223 = tpu.memref_slice %arg7[%dma_wait3A_221, %dma_wait3A_222] : memref<80x64xi32, #tpu.memory_space<vmem>> -> memref<1x64xi32, #tpu.memory_space<vmem>>
    %dma_wait3A_224 = tpu.memref_squeeze %dma_wait3A_223 : memref<1x64xi32, #tpu.memory_space<vmem>> -> memref<64xi32, #tpu.memory_space<vmem>>
    %dma_wait3A_225 = arith.constant 0 : i32
    %dma_wait3A_226 = arith.constant 0 : i32
    %dma_wait3A_227 = tpu.memref_slice %arg12[%dma_wait3A_225, %dma_wait3A_226] : memref<10240x128xf32, #tpu.memory_space<vmem_shared>> -> memref<10240x128xf32, #tpu.memory_space<vmem_shared>>
    tpu.wait_indirect_dma semaphore(%arg18 : memref<!tpu.dma_semaphore, #tpu.memory_space<semaphore_mem>>) src(%arg9 : memref<64x128xf32, #tpu.memory_space<vmem>>) dst(%dma_wait3A_227 : memref<10240x128xf32, #tpu.memory_space<vmem_shared>>)
    %dma_wait3A_228 = arith.constant 78 : i32
    %dma_wait3A_229 = arith.constant 0 : i32
    %dma_wait3A_230 = tpu.memref_slice %arg7[%dma_wait3A_228, %dma_wait3A_229] : memref<80x64xi32, #tpu.memory_space<vmem>> -> memref<1x64xi32, #tpu.memory_space<vmem>>
    %dma_wait3A_231 = tpu.memref_squeeze %dma_wait3A_230 : memref<1x64xi32, #tpu.memory_space<vmem>> -> memref<64xi32, #tpu.memory_space<vmem>>
    %dma_wait3A_232 = arith.constant 0 : i32
    %dma_wait3A_233 = arith.constant 0 : i32
    %dma_wait3A_234 = tpu.memref_slice %arg12[%dma_wait3A_232, %dma_wait3A_233] : memref<10240x128xf32, #tpu.memory_space<vmem_shared>> -> memref<10240x128xf32, #tpu.memory_space<vmem_shared>>
    tpu.wait_indirect_dma semaphore(%arg19 : memref<!tpu.dma_semaphore, #tpu.memory_space<semaphore_mem>>) src(%arg10 : memref<64x128xf32, #tpu.memory_space<vmem>>) dst(%dma_wait3A_234 : memref<10240x128xf32, #tpu.memory_space<vmem_shared>>)
    %dma_wait3A_235 = arith.constant 79 : i32
    %dma_wait3A_236 = arith.constant 0 : i32
    %dma_wait3A_237 = tpu.memref_slice %arg7[%dma_wait3A_235, %dma_wait3A_236] : memref<80x64xi32, #tpu.memory_space<vmem>> -> memref<1x64xi32, #tpu.memory_space<vmem>>
    %dma_wait3A_238 = tpu.memref_squeeze %dma_wait3A_237 : memref<1x64xi32, #tpu.memory_space<vmem>> -> memref<64xi32, #tpu.memory_space<vmem>>
    %dma_wait3A_239 = arith.constant 0 : i32
    %dma_wait3A_240 = arith.constant 0 : i32
    %dma_wait3A_241 = tpu.memref_slice %arg12[%dma_wait3A_239, %dma_wait3A_240] : memref<10240x128xf32, #tpu.memory_space<vmem_shared>> -> memref<10240x128xf32, #tpu.memory_space<vmem_shared>>
    tpu.wait_indirect_dma semaphore(%arg20 : memref<!tpu.dma_semaphore, #tpu.memory_space<semaphore_mem>>) src(%arg11 : memref<64x128xf32, #tpu.memory_space<vmem>>) dst(%dma_wait3A_241 : memref<10240x128xf32, #tpu.memory_space<vmem_shared>>)
    %barrier3A_242 = arith.constant 0 : index
    tpu.barrier barrier_id(%barrier3A_242)
    %mul3A_243 = arith.constant 640 : i32
    %mul3A_244 = arith.muli %arg1, %mul3A_243 : i32
    %mul3A_245 = arith.constant 640 : i32
    %mul3A_246 = arith.muli %arg1, %mul3A_245 : i32
    "tpu.region"() ({
      %run_scoped3A = tpu.sem_alloc : memref<!tpu.dma_semaphore, #tpu.memory_space<semaphore_mem>>
      %dma_start3A_247 = arith.constant 0 : i32
      %dma_start3A_248 = tpu.memref_slice %arg5[%arg0, %mul3A_246, %dma_start3A_247] : memref<2x10240x128xf32, #tpu.memory_space<hbm>> -> memref<1x640x128xf32, #tpu.memory_space<hbm>>
      %dma_start3A_249 = tpu.memref_squeeze %dma_start3A_248 : memref<1x640x128xf32, #tpu.memory_space<hbm>> -> memref<640x128xf32, #tpu.memory_space<hbm>>
      %dma_start3A_250 = arith.constant 0 : i32
      %dma_start3A_251 = tpu.memref_slice %arg12[%mul3A_244, %dma_start3A_250] : memref<10240x128xf32, #tpu.memory_space<vmem_shared>> -> memref<640x128xf32, #tpu.memory_space<vmem_shared>>
      tpu.enqueue_dma source(%dma_start3A_251 : memref<640x128xf32, #tpu.memory_space<vmem_shared>>) target(%dma_start3A_249 : memref<640x128xf32, #tpu.memory_space<hbm>>) target_semaphore(%run_scoped3A : memref<!tpu.dma_semaphore, #tpu.memory_space<semaphore_mem>>)
      %dma_wait3A_252 = arith.constant 0 : i32
      %dma_wait3A_253 = tpu.memref_slice %arg5[%arg0, %mul3A_246, %dma_wait3A_252] : memref<2x10240x128xf32, #tpu.memory_space<hbm>> -> memref<1x640x128xf32, #tpu.memory_space<hbm>>
      %dma_wait3A_254 = tpu.memref_squeeze %dma_wait3A_253 : memref<1x640x128xf32, #tpu.memory_space<hbm>> -> memref<640x128xf32, #tpu.memory_space<hbm>>
      %dma_wait3A_255 = arith.constant 0 : i32
      %dma_wait3A_256 = tpu.memref_slice %arg12[%mul3A_244, %dma_wait3A_255] : memref<10240x128xf32, #tpu.memory_space<vmem_shared>> -> memref<640x128xf32, #tpu.memory_space<vmem_shared>>
      tpu.wait_dma2 semaphore(%run_scoped3A : memref<!tpu.dma_semaphore, #tpu.memory_space<semaphore_mem>>) src(%dma_wait3A_256 : memref<640x128xf32, #tpu.memory_space<vmem_shared>>) dst(%dma_wait3A_254 : memref<640x128xf32, #tpu.memory_space<hbm>>)
      tpu.yield
    }) : () -> ()
    return
  }
}

#map = affine_map<(d0, d1) -> (0, 0)>
#map1 = affine_map<(d0, d1) -> (0)>
#map2 = affine_map<(d0, d1) -> (0, 0, 0)>
module attributes {stable_mosaic.version = 14 : i64} {
  func.func @_sc_edges_body(%arg0: i32, %arg1: i32, %arg2: memref<30000x128xf32, #tpu.memory_space<hbm>>, %arg3: memref<163840xi32, #tpu.memory_space<hbm>>, %arg4: memref<2560x64xi32, #tpu.memory_space<hbm>>, %arg5: memref<2x10240x128xf32, #tpu.memory_space<hbm>>, %arg6: memref<5120xi32, #tpu.memory_space<vmem>>, %arg7: memref<80x64xi32, #tpu.memory_space<vmem>>, %arg8: memref<64x128xf32, #tpu.memory_space<vmem>>, %arg9: memref<64x128xf32, #tpu.memory_space<vmem>>, %arg10: memref<64x128xf32, #tpu.memory_space<vmem>>, %arg11: memref<64x128xf32, #tpu.memory_space<vmem>>, %arg12: memref<10240x128xf32, #tpu.memory_space<vmem_shared>>, %arg13: memref<!tpu.dma_semaphore, #tpu.memory_space<semaphore_mem>>, %arg14: memref<!tpu.dma_semaphore, #tpu.memory_space<semaphore_mem>>, %arg15: memref<!tpu.dma_semaphore, #tpu.memory_space<semaphore_mem>>, %arg16: memref<!tpu.dma_semaphore, #tpu.memory_space<semaphore_mem>>, %arg17: memref<!tpu.dma_semaphore, #tpu.memory_space<semaphore_mem>>, %arg18: memref<!tpu.dma_semaphore, #tpu.memory_space<semaphore_mem>>, %arg19: memref<!tpu.dma_semaphore, #tpu.memory_space<semaphore_mem>>, %arg20: memref<!tpu.dma_semaphore, #tpu.memory_space<semaphore_mem>>) attributes {dimension_semantics = [#tpu.dimension_semantics<core_parallel>, #tpu.dimension_semantics<subcore_parallel>], iteration_bounds = array<i64: 2, 16>, scalar_prefetch = 0 : i64, scratch_operands = 15 : i64, tpu.core_type = #tpu.core_type<sc_vector_subcore>, window_params = [{transform_indices = #map}, {transform_indices = #map1}, {transform_indices = #map}, {transform_indices = #map2}]} {
    %mul3A = arith.constant 16 : i32
    %mul3A_0 = arith.muli %arg0, %mul3A : i32
    %add3A = arith.addi %mul3A_0, %arg1 : i32
    %mul3A_1 = arith.constant 80 : i32
    %mul3A_2 = arith.muli %add3A, %mul3A_1 : i32
    %mul3A_3 = arith.constant 64 : i32
    %mul3A_4 = arith.muli %mul3A_2, %mul3A_3 : i32
    %dma_start3A = tpu.memref_slice %arg3[%mul3A_4] : memref<163840xi32, #tpu.memory_space<hbm>> -> memref<5120xi32, #tpu.memory_space<hbm>>
    %dma_start3A_5 = tpu.memref_slice %arg3[%mul3A_4] : memref<163840xi32, #tpu.memory_space<hbm>> -> memref<5120xi32, #tpu.memory_space<hbm>>
    tpu.enqueue_dma source(%dma_start3A_5 : memref<5120xi32, #tpu.memory_space<hbm>>) target(%arg6 : memref<5120xi32, #tpu.memory_space<vmem>>) target_semaphore(%arg17 : memref<!tpu.dma_semaphore, #tpu.memory_space<semaphore_mem>>)
    %mul3A_6 = arith.constant 80 : i32
    %mul3A_7 = arith.muli %add3A, %mul3A_6 : i32
    %dma_start3A_8 = arith.constant 0 : i32
    %dma_start3A_9 = tpu.memref_slice %arg4[%mul3A_7, %dma_start3A_8] : memref<2560x64xi32, #tpu.memory_space<hbm>> -> memref<80x64xi32, #tpu.memory_space<hbm>>
    %dma_start3A_10 = arith.constant 0 : i32
    %dma_start3A_11 = tpu.memref_slice %arg4[%mul3A_7, %dma_start3A_10] : memref<2560x64xi32, #tpu.memory_space<hbm>> -> memref<80x64xi32, #tpu.memory_space<hbm>>
    tpu.enqueue_dma source(%dma_start3A_11 : memref<80x64xi32, #tpu.memory_space<hbm>>) target(%arg7 : memref<80x64xi32, #tpu.memory_space<vmem>>) target_semaphore(%arg18 : memref<!tpu.dma_semaphore, #tpu.memory_space<semaphore_mem>>)
    %scan3A = arith.constant 0 : i32
    %scan3A_12 = arith.constant 0 : i32
    %scan3A_13 = arith.constant 64 : i32
    %scan3A_14 = arith.addi %scan3A_12, %scan3A_13 : i32
    %scan3A_15 = arith.constant 1 : i32
    scf.for %scan3A_247 = %scan3A_12 to %scan3A_14 step %scan3A_15  : i32 {
      %broadcast_in_dim3A = arith.constant 0.000000e+00 : f32
      %broadcast_in_dim3A_248 = vector.broadcast %broadcast_in_dim3A : f32 to vector<16xf32>
      %swap3A = arith.index_cast %scan3A_247 : i32 to index
      %swap3A_249 = arith.constant 0 : index
      %swap3A_250 = tpu.vector_load %arg8[%swap3A, %swap3A_249] {strides = array<i32>} : memref<64x128xf32, #tpu.memory_space<vmem>>, vector<1x16xf32>,
      %swap3A_251 = vector.shape_cast %swap3A_250 : vector<1x16xf32> to vector<16xf32>
      %swap3A_252 = vector.shape_cast %broadcast_in_dim3A_248 : vector<16xf32> to vector<1x16xf32>
      tpu.vector_store %arg8[%swap3A, %swap3A_249], %swap3A_252 {strides = array<i32>} : memref<64x128xf32, #tpu.memory_space<vmem>>, vector<1x16xf32>,
      %broadcast_in_dim3A_253 = arith.constant 0.000000e+00 : f32
      %broadcast_in_dim3A_254 = vector.broadcast %broadcast_in_dim3A_253 : f32 to vector<16xf32>
      %swap3A_255 = arith.index_cast %scan3A_247 : i32 to index
      %swap3A_256 = arith.constant 16 : index
      %swap3A_257 = tpu.vector_load %arg8[%swap3A_255, %swap3A_256] {strides = array<i32>} : memref<64x128xf32, #tpu.memory_space<vmem>>, vector<1x16xf32>,
      %swap3A_258 = vector.shape_cast %swap3A_257 : vector<1x16xf32> to vector<16xf32>
      %swap3A_259 = vector.shape_cast %broadcast_in_dim3A_254 : vector<16xf32> to vector<1x16xf32>
      tpu.vector_store %arg8[%swap3A_255, %swap3A_256], %swap3A_259 {strides = array<i32>} : memref<64x128xf32, #tpu.memory_space<vmem>>, vector<1x16xf32>,
      %broadcast_in_dim3A_260 = arith.constant 0.000000e+00 : f32
      %broadcast_in_dim3A_261 = vector.broadcast %broadcast_in_dim3A_260 : f32 to vector<16xf32>
      %swap3A_262 = arith.index_cast %scan3A_247 : i32 to index
      %swap3A_263 = arith.constant 32 : index
      %swap3A_264 = tpu.vector_load %arg8[%swap3A_262, %swap3A_263] {strides = array<i32>} : memref<64x128xf32, #tpu.memory_space<vmem>>, vector<1x16xf32>,
      %swap3A_265 = vector.shape_cast %swap3A_264 : vector<1x16xf32> to vector<16xf32>
      %swap3A_266 = vector.shape_cast %broadcast_in_dim3A_261 : vector<16xf32> to vector<1x16xf32>
      tpu.vector_store %arg8[%swap3A_262, %swap3A_263], %swap3A_266 {strides = array<i32>} : memref<64x128xf32, #tpu.memory_space<vmem>>, vector<1x16xf32>,
      %broadcast_in_dim3A_267 = arith.constant 0.000000e+00 : f32
      %broadcast_in_dim3A_268 = vector.broadcast %broadcast_in_dim3A_267 : f32 to vector<16xf32>
      %swap3A_269 = arith.index_cast %scan3A_247 : i32 to index
      %swap3A_270 = arith.constant 48 : index
      %swap3A_271 = tpu.vector_load %arg8[%swap3A_269, %swap3A_270] {strides = array<i32>} : memref<64x128xf32, #tpu.memory_space<vmem>>, vector<1x16xf32>,
      %swap3A_272 = vector.shape_cast %swap3A_271 : vector<1x16xf32> to vector<16xf32>
      %swap3A_273 = vector.shape_cast %broadcast_in_dim3A_268 : vector<16xf32> to vector<1x16xf32>
      tpu.vector_store %arg8[%swap3A_269, %swap3A_270], %swap3A_273 {strides = array<i32>} : memref<64x128xf32, #tpu.memory_space<vmem>>, vector<1x16xf32>,
      %broadcast_in_dim3A_274 = arith.constant 0.000000e+00 : f32
      %broadcast_in_dim3A_275 = vector.broadcast %broadcast_in_dim3A_274 : f32 to vector<16xf32>
      %swap3A_276 = arith.index_cast %scan3A_247 : i32 to index
      %swap3A_277 = arith.constant 64 : index
      %swap3A_278 = tpu.vector_load %arg8[%swap3A_276, %swap3A_277] {strides = array<i32>} : memref<64x128xf32, #tpu.memory_space<vmem>>, vector<1x16xf32>,
      %swap3A_279 = vector.shape_cast %swap3A_278 : vector<1x16xf32> to vector<16xf32>
      %swap3A_280 = vector.shape_cast %broadcast_in_dim3A_275 : vector<16xf32> to vector<1x16xf32>
      tpu.vector_store %arg8[%swap3A_276, %swap3A_277], %swap3A_280 {strides = array<i32>} : memref<64x128xf32, #tpu.memory_space<vmem>>, vector<1x16xf32>,
      %broadcast_in_dim3A_281 = arith.constant 0.000000e+00 : f32
      %broadcast_in_dim3A_282 = vector.broadcast %broadcast_in_dim3A_281 : f32 to vector<16xf32>
      %swap3A_283 = arith.index_cast %scan3A_247 : i32 to index
      %swap3A_284 = arith.constant 80 : index
      %swap3A_285 = tpu.vector_load %arg8[%swap3A_283, %swap3A_284] {strides = array<i32>} : memref<64x128xf32, #tpu.memory_space<vmem>>, vector<1x16xf32>,
      %swap3A_286 = vector.shape_cast %swap3A_285 : vector<1x16xf32> to vector<16xf32>
      %swap3A_287 = vector.shape_cast %broadcast_in_dim3A_282 : vector<16xf32> to vector<1x16xf32>
      tpu.vector_store %arg8[%swap3A_283, %swap3A_284], %swap3A_287 {strides = array<i32>} : memref<64x128xf32, #tpu.memory_space<vmem>>, vector<1x16xf32>,
      %broadcast_in_dim3A_288 = arith.constant 0.000000e+00 : f32
      %broadcast_in_dim3A_289 = vector.broadcast %broadcast_in_dim3A_288 : f32 to vector<16xf32>
      %swap3A_290 = arith.index_cast %scan3A_247 : i32 to index
      %swap3A_291 = arith.constant 96 : index
      %swap3A_292 = tpu.vector_load %arg8[%swap3A_290, %swap3A_291] {strides = array<i32>} : memref<64x128xf32, #tpu.memory_space<vmem>>, vector<1x16xf32>,
      %swap3A_293 = vector.shape_cast %swap3A_292 : vector<1x16xf32> to vector<16xf32>
      %swap3A_294 = vector.shape_cast %broadcast_in_dim3A_289 : vector<16xf32> to vector<1x16xf32>
      tpu.vector_store %arg8[%swap3A_290, %swap3A_291], %swap3A_294 {strides = array<i32>} : memref<64x128xf32, #tpu.memory_space<vmem>>, vector<1x16xf32>,
      %broadcast_in_dim3A_295 = arith.constant 0.000000e+00 : f32
      %broadcast_in_dim3A_296 = vector.broadcast %broadcast_in_dim3A_295 : f32 to vector<16xf32>
      %swap3A_297 = arith.index_cast %scan3A_247 : i32 to index
      %swap3A_298 = arith.constant 112 : index
      %swap3A_299 = tpu.vector_load %arg8[%swap3A_297, %swap3A_298] {strides = array<i32>} : memref<64x128xf32, #tpu.memory_space<vmem>>, vector<1x16xf32>,
      %swap3A_300 = vector.shape_cast %swap3A_299 : vector<1x16xf32> to vector<16xf32>
      %swap3A_301 = vector.shape_cast %broadcast_in_dim3A_296 : vector<16xf32> to vector<1x16xf32>
      tpu.vector_store %arg8[%swap3A_297, %swap3A_298], %swap3A_301 {strides = array<i32>} : memref<64x128xf32, #tpu.memory_space<vmem>>, vector<1x16xf32>,
    }
    %scan3A_16 = arith.constant 64 : i32
    %mul3A_17 = arith.constant 640 : i32
    %mul3A_18 = arith.muli %arg1, %mul3A_17 : i32
    %add3A_19 = arith.constant 0 : i32
    %add3A_20 = arith.addi %mul3A_18, %add3A_19 : i32
    %dma_start3A_21 = arith.constant 0 : i32
    %dma_start3A_22 = tpu.memref_slice %arg12[%add3A_20, %dma_start3A_21] : memref<10240x128xf32, #tpu.memory_space<vmem_shared>> -> memref<64x128xf32, #tpu.memory_space<vmem_shared>>
    %dma_start3A_23 = arith.constant 0 : i32
    %dma_start3A_24 = tpu.memref_slice %arg12[%add3A_20, %dma_start3A_23] : memref<10240x128xf32, #tpu.memory_space<vmem_shared>> -> memref<64x128xf32, #tpu.memory_space<vmem_shared>>
    tpu.enqueue_dma source(%arg8 : memref<64x128xf32, #tpu.memory_space<vmem>>) target(%dma_start3A_24 : memref<64x128xf32, #tpu.memory_space<vmem_shared>>) target_semaphore(%arg13 : memref<!tpu.dma_semaphore, #tpu.memory_space<semaphore_mem>>)
    %mul3A_25 = arith.constant 640 : i32
    %mul3A_26 = arith.muli %arg1, %mul3A_25 : i32
    %add3A_27 = arith.constant 64 : i32
    %add3A_28 = arith.addi %mul3A_26, %add3A_27 : i32
    %dma_start3A_29 = arith.constant 0 : i32
    %dma_start3A_30 = tpu.memref_slice %arg12[%add3A_28, %dma_start3A_29] : memref<10240x128xf32, #tpu.memory_space<vmem_shared>> -> memref<64x128xf32, #tpu.memory_space<vmem_shared>>
    %dma_start3A_31 = arith.constant 0 : i32
    %dma_start3A_32 = tpu.memref_slice %arg12[%add3A_28, %dma_start3A_31] : memref<10240x128xf32, #tpu.memory_space<vmem_shared>> -> memref<64x128xf32, #tpu.memory_space<vmem_shared>>
    tpu.enqueue_dma source(%arg8 : memref<64x128xf32, #tpu.memory_space<vmem>>) target(%dma_start3A_32 : memref<64x128xf32, #tpu.memory_space<vmem_shared>>) target_semaphore(%arg13 : memref<!tpu.dma_semaphore, #tpu.memory_space<semaphore_mem>>)
    %mul3A_33 = arith.constant 640 : i32
    %mul3A_34 = arith.muli %arg1, %mul3A_33 : i32
    %add3A_35 = arith.constant 128 : i32
    %add3A_36 = arith.addi %mul3A_34, %add3A_35 : i32
    %dma_start3A_37 = arith.constant 0 : i32
    %dma_start3A_38 = tpu.memref_slice %arg12[%add3A_36, %dma_start3A_37] : memref<10240x128xf32, #tpu.memory_space<vmem_shared>> -> memref<64x128xf32, #tpu.memory_space<vmem_shared>>
    %dma_start3A_39 = arith.constant 0 : i32
    %dma_start3A_40 = tpu.memref_slice %arg12[%add3A_36, %dma_start3A_39] : memref<10240x128xf32, #tpu.memory_space<vmem_shared>> -> memref<64x128xf32, #tpu.memory_space<vmem_shared>>
    tpu.enqueue_dma source(%arg8 : memref<64x128xf32, #tpu.memory_space<vmem>>) target(%dma_start3A_40 : memref<64x128xf32, #tpu.memory_space<vmem_shared>>) target_semaphore(%arg13 : memref<!tpu.dma_semaphore, #tpu.memory_space<semaphore_mem>>)
    %mul3A_41 = arith.constant 640 : i32
    %mul3A_42 = arith.muli %arg1, %mul3A_41 : i32
    %add3A_43 = arith.constant 192 : i32
    %add3A_44 = arith.addi %mul3A_42, %add3A_43 : i32
    %dma_start3A_45 = arith.constant 0 : i32
    %dma_start3A_46 = tpu.memref_slice %arg12[%add3A_44, %dma_start3A_45] : memref<10240x128xf32, #tpu.memory_space<vmem_shared>> -> memref<64x128xf32, #tpu.memory_space<vmem_shared>>
    %dma_start3A_47 = arith.constant 0 : i32
    %dma_start3A_48 = tpu.memref_slice %arg12[%add3A_44, %dma_start3A_47] : memref<10240x128xf32, #tpu.memory_space<vmem_shared>> -> memref<64x128xf32, #tpu.memory_space<vmem_shared>>
    tpu.enqueue_dma source(%arg8 : memref<64x128xf32, #tpu.memory_space<vmem>>) target(%dma_start3A_48 : memref<64x128xf32, #tpu.memory_space<vmem_shared>>) target_semaphore(%arg13 : memref<!tpu.dma_semaphore, #tpu.memory_space<semaphore_mem>>)
    %mul3A_49 = arith.constant 640 : i32
    %mul3A_50 = arith.muli %arg1, %mul3A_49 : i32
    %add3A_51 = arith.constant 256 : i32
    %add3A_52 = arith.addi %mul3A_50, %add3A_51 : i32
    %dma_start3A_53 = arith.constant 0 : i32
    %dma_start3A_54 = tpu.memref_slice %arg12[%add3A_52, %dma_start3A_53] : memref<10240x128xf32, #tpu.memory_space<vmem_shared>> -> memref<64x128xf32, #tpu.memory_space<vmem_shared>>
    %dma_start3A_55 = arith.constant 0 : i32
    %dma_start3A_56 = tpu.memref_slice %arg12[%add3A_52, %dma_start3A_55] : memref<10240x128xf32, #tpu.memory_space<vmem_shared>> -> memref<64x128xf32, #tpu.memory_space<vmem_shared>>
    tpu.enqueue_dma source(%arg8 : memref<64x128xf32, #tpu.memory_space<vmem>>) target(%dma_start3A_56 : memref<64x128xf32, #tpu.memory_space<vmem_shared>>) target_semaphore(%arg13 : memref<!tpu.dma_semaphore, #tpu.memory_space<semaphore_mem>>)
    %mul3A_57 = arith.constant 640 : i32
    %mul3A_58 = arith.muli %arg1, %mul3A_57 : i32
    %add3A_59 = arith.constant 320 : i32
    %add3A_60 = arith.addi %mul3A_58, %add3A_59 : i32
    %dma_start3A_61 = arith.constant 0 : i32
    %dma_start3A_62 = tpu.memref_slice %arg12[%add3A_60, %dma_start3A_61] : memref<10240x128xf32, #tpu.memory_space<vmem_shared>> -> memref<64x128xf32, #tpu.memory_space<vmem_shared>>
    %dma_start3A_63 = arith.constant 0 : i32
    %dma_start3A_64 = tpu.memref_slice %arg12[%add3A_60, %dma_start3A_63] : memref<10240x128xf32, #tpu.memory_space<vmem_shared>> -> memref<64x128xf32, #tpu.memory_space<vmem_shared>>
    tpu.enqueue_dma source(%arg8 : memref<64x128xf32, #tpu.memory_space<vmem>>) target(%dma_start3A_64 : memref<64x128xf32, #tpu.memory_space<vmem_shared>>) target_semaphore(%arg13 : memref<!tpu.dma_semaphore, #tpu.memory_space<semaphore_mem>>)
    %mul3A_65 = arith.constant 640 : i32
    %mul3A_66 = arith.muli %arg1, %mul3A_65 : i32
    %add3A_67 = arith.constant 384 : i32
    %add3A_68 = arith.addi %mul3A_66, %add3A_67 : i32
    %dma_start3A_69 = arith.constant 0 : i32
    %dma_start3A_70 = tpu.memref_slice %arg12[%add3A_68, %dma_start3A_69] : memref<10240x128xf32, #tpu.memory_space<vmem_shared>> -> memref<64x128xf32, #tpu.memory_space<vmem_shared>>
    %dma_start3A_71 = arith.constant 0 : i32
    %dma_start3A_72 = tpu.memref_slice %arg12[%add3A_68, %dma_start3A_71] : memref<10240x128xf32, #tpu.memory_space<vmem_shared>> -> memref<64x128xf32, #tpu.memory_space<vmem_shared>>
    tpu.enqueue_dma source(%arg8 : memref<64x128xf32, #tpu.memory_space<vmem>>) target(%dma_start3A_72 : memref<64x128xf32, #tpu.memory_space<vmem_shared>>) target_semaphore(%arg13 : memref<!tpu.dma_semaphore, #tpu.memory_space<semaphore_mem>>)
    %mul3A_73 = arith.constant 640 : i32
    %mul3A_74 = arith.muli %arg1, %mul3A_73 : i32
    %add3A_75 = arith.constant 448 : i32
    %add3A_76 = arith.addi %mul3A_74, %add3A_75 : i32
    %dma_start3A_77 = arith.constant 0 : i32
    %dma_start3A_78 = tpu.memref_slice %arg12[%add3A_76, %dma_start3A_77] : memref<10240x128xf32, #tpu.memory_space<vmem_shared>> -> memref<64x128xf32, #tpu.memory_space<vmem_shared>>
    %dma_start3A_79 = arith.constant 0 : i32
    %dma_start3A_80 = tpu.memref_slice %arg12[%add3A_76, %dma_start3A_79] : memref<10240x128xf32, #tpu.memory_space<vmem_shared>> -> memref<64x128xf32, #tpu.memory_space<vmem_shared>>
    tpu.enqueue_dma source(%arg8 : memref<64x128xf32, #tpu.memory_space<vmem>>) target(%dma_start3A_80 : memref<64x128xf32, #tpu.memory_space<vmem_shared>>) target_semaphore(%arg13 : memref<!tpu.dma_semaphore, #tpu.memory_space<semaphore_mem>>)
    %mul3A_81 = arith.constant 640 : i32
    %mul3A_82 = arith.muli %arg1, %mul3A_81 : i32
    %add3A_83 = arith.constant 512 : i32
    %add3A_84 = arith.addi %mul3A_82, %add3A_83 : i32
    %dma_start3A_85 = arith.constant 0 : i32
    %dma_start3A_86 = tpu.memref_slice %arg12[%add3A_84, %dma_start3A_85] : memref<10240x128xf32, #tpu.memory_space<vmem_shared>> -> memref<64x128xf32, #tpu.memory_space<vmem_shared>>
    %dma_start3A_87 = arith.constant 0 : i32
    %dma_start3A_88 = tpu.memref_slice %arg12[%add3A_84, %dma_start3A_87] : memref<10240x128xf32, #tpu.memory_space<vmem_shared>> -> memref<64x128xf32, #tpu.memory_space<vmem_shared>>
    tpu.enqueue_dma source(%arg8 : memref<64x128xf32, #tpu.memory_space<vmem>>) target(%dma_start3A_88 : memref<64x128xf32, #tpu.memory_space<vmem_shared>>) target_semaphore(%arg13 : memref<!tpu.dma_semaphore, #tpu.memory_space<semaphore_mem>>)
    %mul3A_89 = arith.constant 640 : i32
    %mul3A_90 = arith.muli %arg1, %mul3A_89 : i32
    %add3A_91 = arith.constant 576 : i32
    %add3A_92 = arith.addi %mul3A_90, %add3A_91 : i32
    %dma_start3A_93 = arith.constant 0 : i32
    %dma_start3A_94 = tpu.memref_slice %arg12[%add3A_92, %dma_start3A_93] : memref<10240x128xf32, #tpu.memory_space<vmem_shared>> -> memref<64x128xf32, #tpu.memory_space<vmem_shared>>
    %dma_start3A_95 = arith.constant 0 : i32
    %dma_start3A_96 = tpu.memref_slice %arg12[%add3A_92, %dma_start3A_95] : memref<10240x128xf32, #tpu.memory_space<vmem_shared>> -> memref<64x128xf32, #tpu.memory_space<vmem_shared>>
    tpu.enqueue_dma source(%arg8 : memref<64x128xf32, #tpu.memory_space<vmem>>) target(%dma_start3A_96 : memref<64x128xf32, #tpu.memory_space<vmem_shared>>) target_semaphore(%arg13 : memref<!tpu.dma_semaphore, #tpu.memory_space<semaphore_mem>>)
    %mul3A_97 = arith.constant 640 : i32
    %mul3A_98 = arith.muli %arg1, %mul3A_97 : i32
    %add3A_99 = arith.constant 0 : i32
    %add3A_100 = arith.addi %mul3A_98, %add3A_99 : i32
    %dma_wait3A = arith.constant 0 : i32
    %dma_wait3A_101 = tpu.memref_slice %arg12[%add3A_100, %dma_wait3A] : memref<10240x128xf32, #tpu.memory_space<vmem_shared>> -> memref<64x128xf32, #tpu.memory_space<vmem_shared>>
    %dma_wait3A_102 = arith.constant 0 : i32
    %dma_wait3A_103 = tpu.memref_slice %arg12[%add3A_100, %dma_wait3A_102] : memref<10240x128xf32, #tpu.memory_space<vmem_shared>> -> memref<64x128xf32, #tpu.memory_space<vmem_shared>>
    tpu.wait_dma2 semaphore(%arg13 : memref<!tpu.dma_semaphore, #tpu.memory_space<semaphore_mem>>) src(%arg8 : memref<64x128xf32, #tpu.memory_space<vmem>>) dst(%dma_wait3A_103 : memref<64x128xf32, #tpu.memory_space<vmem_shared>>)
    %mul3A_104 = arith.constant 640 : i32
    %mul3A_105 = arith.muli %arg1, %mul3A_104 : i32
    %add3A_106 = arith.constant 64 : i32
    %add3A_107 = arith.addi %mul3A_105, %add3A_106 : i32
    %dma_wait3A_108 = arith.constant 0 : i32
    %dma_wait3A_109 = tpu.memref_slice %arg12[%add3A_107, %dma_wait3A_108] : memref<10240x128xf32, #tpu.memory_space<vmem_shared>> -> memref<64x128xf32, #tpu.memory_space<vmem_shared>>
    %dma_wait3A_110 = arith.constant 0 : i32
    %dma_wait3A_111 = tpu.memref_slice %arg12[%add3A_107, %dma_wait3A_110] : memref<10240x128xf32, #tpu.memory_space<vmem_shared>> -> memref<64x128xf32, #tpu.memory_space<vmem_shared>>
    tpu.wait_dma2 semaphore(%arg13 : memref<!tpu.dma_semaphore, #tpu.memory_space<semaphore_mem>>) src(%arg8 : memref<64x128xf32, #tpu.memory_space<vmem>>) dst(%dma_wait3A_111 : memref<64x128xf32, #tpu.memory_space<vmem_shared>>)
    %mul3A_112 = arith.constant 640 : i32
    %mul3A_113 = arith.muli %arg1, %mul3A_112 : i32
    %add3A_114 = arith.constant 128 : i32
    %add3A_115 = arith.addi %mul3A_113, %add3A_114 : i32
    %dma_wait3A_116 = arith.constant 0 : i32
    %dma_wait3A_117 = tpu.memref_slice %arg12[%add3A_115, %dma_wait3A_116] : memref<10240x128xf32, #tpu.memory_space<vmem_shared>> -> memref<64x128xf32, #tpu.memory_space<vmem_shared>>
    %dma_wait3A_118 = arith.constant 0 : i32
    %dma_wait3A_119 = tpu.memref_slice %arg12[%add3A_115, %dma_wait3A_118] : memref<10240x128xf32, #tpu.memory_space<vmem_shared>> -> memref<64x128xf32, #tpu.memory_space<vmem_shared>>
    tpu.wait_dma2 semaphore(%arg13 : memref<!tpu.dma_semaphore, #tpu.memory_space<semaphore_mem>>) src(%arg8 : memref<64x128xf32, #tpu.memory_space<vmem>>) dst(%dma_wait3A_119 : memref<64x128xf32, #tpu.memory_space<vmem_shared>>)
    %mul3A_120 = arith.constant 640 : i32
    %mul3A_121 = arith.muli %arg1, %mul3A_120 : i32
    %add3A_122 = arith.constant 192 : i32
    %add3A_123 = arith.addi %mul3A_121, %add3A_122 : i32
    %dma_wait3A_124 = arith.constant 0 : i32
    %dma_wait3A_125 = tpu.memref_slice %arg12[%add3A_123, %dma_wait3A_124] : memref<10240x128xf32, #tpu.memory_space<vmem_shared>> -> memref<64x128xf32, #tpu.memory_space<vmem_shared>>
    %dma_wait3A_126 = arith.constant 0 : i32
    %dma_wait3A_127 = tpu.memref_slice %arg12[%add3A_123, %dma_wait3A_126] : memref<10240x128xf32, #tpu.memory_space<vmem_shared>> -> memref<64x128xf32, #tpu.memory_space<vmem_shared>>
    tpu.wait_dma2 semaphore(%arg13 : memref<!tpu.dma_semaphore, #tpu.memory_space<semaphore_mem>>) src(%arg8 : memref<64x128xf32, #tpu.memory_space<vmem>>) dst(%dma_wait3A_127 : memref<64x128xf32, #tpu.memory_space<vmem_shared>>)
    %mul3A_128 = arith.constant 640 : i32
    %mul3A_129 = arith.muli %arg1, %mul3A_128 : i32
    %add3A_130 = arith.constant 256 : i32
    %add3A_131 = arith.addi %mul3A_129, %add3A_130 : i32
    %dma_wait3A_132 = arith.constant 0 : i32
    %dma_wait3A_133 = tpu.memref_slice %arg12[%add3A_131, %dma_wait3A_132] : memref<10240x128xf32, #tpu.memory_space<vmem_shared>> -> memref<64x128xf32, #tpu.memory_space<vmem_shared>>
    %dma_wait3A_134 = arith.constant 0 : i32
    %dma_wait3A_135 = tpu.memref_slice %arg12[%add3A_131, %dma_wait3A_134] : memref<10240x128xf32, #tpu.memory_space<vmem_shared>> -> memref<64x128xf32, #tpu.memory_space<vmem_shared>>
    tpu.wait_dma2 semaphore(%arg13 : memref<!tpu.dma_semaphore, #tpu.memory_space<semaphore_mem>>) src(%arg8 : memref<64x128xf32, #tpu.memory_space<vmem>>) dst(%dma_wait3A_135 : memref<64x128xf32, #tpu.memory_space<vmem_shared>>)
    %mul3A_136 = arith.constant 640 : i32
    %mul3A_137 = arith.muli %arg1, %mul3A_136 : i32
    %add3A_138 = arith.constant 320 : i32
    %add3A_139 = arith.addi %mul3A_137, %add3A_138 : i32
    %dma_wait3A_140 = arith.constant 0 : i32
    %dma_wait3A_141 = tpu.memref_slice %arg12[%add3A_139, %dma_wait3A_140] : memref<10240x128xf32, #tpu.memory_space<vmem_shared>> -> memref<64x128xf32, #tpu.memory_space<vmem_shared>>
    %dma_wait3A_142 = arith.constant 0 : i32
    %dma_wait3A_143 = tpu.memref_slice %arg12[%add3A_139, %dma_wait3A_142] : memref<10240x128xf32, #tpu.memory_space<vmem_shared>> -> memref<64x128xf32, #tpu.memory_space<vmem_shared>>
    tpu.wait_dma2 semaphore(%arg13 : memref<!tpu.dma_semaphore, #tpu.memory_space<semaphore_mem>>) src(%arg8 : memref<64x128xf32, #tpu.memory_space<vmem>>) dst(%dma_wait3A_143 : memref<64x128xf32, #tpu.memory_space<vmem_shared>>)
    %mul3A_144 = arith.constant 640 : i32
    %mul3A_145 = arith.muli %arg1, %mul3A_144 : i32
    %add3A_146 = arith.constant 384 : i32
    %add3A_147 = arith.addi %mul3A_145, %add3A_146 : i32
    %dma_wait3A_148 = arith.constant 0 : i32
    %dma_wait3A_149 = tpu.memref_slice %arg12[%add3A_147, %dma_wait3A_148] : memref<10240x128xf32, #tpu.memory_space<vmem_shared>> -> memref<64x128xf32, #tpu.memory_space<vmem_shared>>
    %dma_wait3A_150 = arith.constant 0 : i32
    %dma_wait3A_151 = tpu.memref_slice %arg12[%add3A_147, %dma_wait3A_150] : memref<10240x128xf32, #tpu.memory_space<vmem_shared>> -> memref<64x128xf32, #tpu.memory_space<vmem_shared>>
    tpu.wait_dma2 semaphore(%arg13 : memref<!tpu.dma_semaphore, #tpu.memory_space<semaphore_mem>>) src(%arg8 : memref<64x128xf32, #tpu.memory_space<vmem>>) dst(%dma_wait3A_151 : memref<64x128xf32, #tpu.memory_space<vmem_shared>>)
    %mul3A_152 = arith.constant 640 : i32
    %mul3A_153 = arith.muli %arg1, %mul3A_152 : i32
    %add3A_154 = arith.constant 448 : i32
    %add3A_155 = arith.addi %mul3A_153, %add3A_154 : i32
    %dma_wait3A_156 = arith.constant 0 : i32
    %dma_wait3A_157 = tpu.memref_slice %arg12[%add3A_155, %dma_wait3A_156] : memref<10240x128xf32, #tpu.memory_space<vmem_shared>> -> memref<64x128xf32, #tpu.memory_space<vmem_shared>>
    %dma_wait3A_158 = arith.constant 0 : i32
    %dma_wait3A_159 = tpu.memref_slice %arg12[%add3A_155, %dma_wait3A_158] : memref<10240x128xf32, #tpu.memory_space<vmem_shared>> -> memref<64x128xf32, #tpu.memory_space<vmem_shared>>
    tpu.wait_dma2 semaphore(%arg13 : memref<!tpu.dma_semaphore, #tpu.memory_space<semaphore_mem>>) src(%arg8 : memref<64x128xf32, #tpu.memory_space<vmem>>) dst(%dma_wait3A_159 : memref<64x128xf32, #tpu.memory_space<vmem_shared>>)
    %mul3A_160 = arith.constant 640 : i32
    %mul3A_161 = arith.muli %arg1, %mul3A_160 : i32
    %add3A_162 = arith.constant 512 : i32
    %add3A_163 = arith.addi %mul3A_161, %add3A_162 : i32
    %dma_wait3A_164 = arith.constant 0 : i32
    %dma_wait3A_165 = tpu.memref_slice %arg12[%add3A_163, %dma_wait3A_164] : memref<10240x128xf32, #tpu.memory_space<vmem_shared>> -> memref<64x128xf32, #tpu.memory_space<vmem_shared>>
    %dma_wait3A_166 = arith.constant 0 : i32
    %dma_wait3A_167 = tpu.memref_slice %arg12[%add3A_163, %dma_wait3A_166] : memref<10240x128xf32, #tpu.memory_space<vmem_shared>> -> memref<64x128xf32, #tpu.memory_space<vmem_shared>>
    tpu.wait_dma2 semaphore(%arg13 : memref<!tpu.dma_semaphore, #tpu.memory_space<semaphore_mem>>) src(%arg8 : memref<64x128xf32, #tpu.memory_space<vmem>>) dst(%dma_wait3A_167 : memref<64x128xf32, #tpu.memory_space<vmem_shared>>)
    %mul3A_168 = arith.constant 640 : i32
    %mul3A_169 = arith.muli %arg1, %mul3A_168 : i32
    %add3A_170 = arith.constant 576 : i32
    %add3A_171 = arith.addi %mul3A_169, %add3A_170 : i32
    %dma_wait3A_172 = arith.constant 0 : i32
    %dma_wait3A_173 = tpu.memref_slice %arg12[%add3A_171, %dma_wait3A_172] : memref<10240x128xf32, #tpu.memory_space<vmem_shared>> -> memref<64x128xf32, #tpu.memory_space<vmem_shared>>
    %dma_wait3A_174 = arith.constant 0 : i32
    %dma_wait3A_175 = tpu.memref_slice %arg12[%add3A_171, %dma_wait3A_174] : memref<10240x128xf32, #tpu.memory_space<vmem_shared>> -> memref<64x128xf32, #tpu.memory_space<vmem_shared>>
    tpu.wait_dma2 semaphore(%arg13 : memref<!tpu.dma_semaphore, #tpu.memory_space<semaphore_mem>>) src(%arg8 : memref<64x128xf32, #tpu.memory_space<vmem>>) dst(%dma_wait3A_175 : memref<64x128xf32, #tpu.memory_space<vmem_shared>>)
    %mul3A_176 = arith.constant 80 : i32
    %mul3A_177 = arith.muli %add3A, %mul3A_176 : i32
    %mul3A_178 = arith.constant 64 : i32
    %mul3A_179 = arith.muli %mul3A_177, %mul3A_178 : i32
    %dma_wait3A_180 = tpu.memref_slice %arg3[%mul3A_179] : memref<163840xi32, #tpu.memory_space<hbm>> -> memref<5120xi32, #tpu.memory_space<hbm>>
    %dma_wait3A_181 = tpu.memref_slice %arg3[%mul3A_179] : memref<163840xi32, #tpu.memory_space<hbm>> -> memref<5120xi32, #tpu.memory_space<hbm>>
    tpu.wait_dma2 semaphore(%arg17 : memref<!tpu.dma_semaphore, #tpu.memory_space<semaphore_mem>>) src(%dma_wait3A_181 : memref<5120xi32, #tpu.memory_space<hbm>>) dst(%arg6 : memref<5120xi32, #tpu.memory_space<vmem>>)
    %mul3A_182 = arith.constant 80 : i32
    %mul3A_183 = arith.muli %add3A, %mul3A_182 : i32
    %dma_wait3A_184 = arith.constant 0 : i32
    %dma_wait3A_185 = tpu.memref_slice %arg4[%mul3A_183, %dma_wait3A_184] : memref<2560x64xi32, #tpu.memory_space<hbm>> -> memref<80x64xi32, #tpu.memory_space<hbm>>
    %dma_wait3A_186 = arith.constant 0 : i32
    %dma_wait3A_187 = tpu.memref_slice %arg4[%mul3A_183, %dma_wait3A_186] : memref<2560x64xi32, #tpu.memory_space<hbm>> -> memref<80x64xi32, #tpu.memory_space<hbm>>
    tpu.wait_dma2 semaphore(%arg18 : memref<!tpu.dma_semaphore, #tpu.memory_space<semaphore_mem>>) src(%dma_wait3A_187 : memref<80x64xi32, #tpu.memory_space<hbm>>) dst(%arg7 : memref<80x64xi32, #tpu.memory_space<vmem>>)
    %barrier3A = arith.constant 0 : index
    tpu.barrier barrier_id(%barrier3A)
    %dma_start3A_188 = arith.constant 0 : i32
    %dma_start3A_189 = tpu.memref_slice %arg6[%dma_start3A_188] : memref<5120xi32, #tpu.memory_space<vmem>> -> memref<64xi32, #tpu.memory_space<vmem>>
    %dma_start3A_190 = arith.constant 0 : i32
    %dma_start3A_191 = arith.constant 0 : i32
    %dma_start3A_192 = tpu.memref_slice %arg2[%dma_start3A_190, %dma_start3A_191] : memref<30000x128xf32, #tpu.memory_space<hbm>> -> memref<30000x128xf32, #tpu.memory_space<hbm>>
    tpu.enqueue_indirect_dma source(%dma_start3A_192 : memref<30000x128xf32, #tpu.memory_space<hbm>>) target(%arg8 : memref<64x128xf32, #tpu.memory_space<vmem>>) offsets(%dma_start3A_189 : memref<64xi32, #tpu.memory_space<vmem>>) semaphore(%arg13 : memref<!tpu.dma_semaphore, #tpu.memory_space<semaphore_mem>>)
    %dma_start3A_193 = arith.constant 64 : i32
    %dma_start3A_194 = tpu.memref_slice %arg6[%dma_start3A_193] : memref<5120xi32, #tpu.memory_space<vmem>> -> memref<64xi32, #tpu.memory_space<vmem>>
    %dma_start3A_195 = arith.constant 0 : i32
    %dma_start3A_196 = arith.constant 0 : i32
    %dma_start3A_197 = tpu.memref_slice %arg2[%dma_start3A_195, %dma_start3A_196] : memref<30000x128xf32, #tpu.memory_space<hbm>> -> memref<30000x128xf32, #tpu.memory_space<hbm>>
    tpu.enqueue_indirect_dma source(%dma_start3A_197 : memref<30000x128xf32, #tpu.memory_space<hbm>>) target(%arg9 : memref<64x128xf32, #tpu.memory_space<vmem>>) offsets(%dma_start3A_194 : memref<64xi32, #tpu.memory_space<vmem>>) semaphore(%arg14 : memref<!tpu.dma_semaphore, #tpu.memory_space<semaphore_mem>>)
    %dma_start3A_198 = arith.constant 128 : i32
    %dma_start3A_199 = tpu.memref_slice %arg6[%dma_start3A_198] : memref<5120xi32, #tpu.memory_space<vmem>> -> memref<64xi32, #tpu.memory_space<vmem>>
    %dma_start3A_200 = arith.constant 0 : i32
    %dma_start3A_201 = arith.constant 0 : i32
    %dma_start3A_202 = tpu.memref_slice %arg2[%dma_start3A_200, %dma_start3A_201] : memref<30000x128xf32, #tpu.memory_space<hbm>> -> memref<30000x128xf32, #tpu.memory_space<hbm>>
    tpu.enqueue_indirect_dma source(%dma_start3A_202 : memref<30000x128xf32, #tpu.memory_space<hbm>>) target(%arg10 : memref<64x128xf32, #tpu.memory_space<vmem>>) offsets(%dma_start3A_199 : memref<64xi32, #tpu.memory_space<vmem>>) semaphore(%arg15 : memref<!tpu.dma_semaphore, #tpu.memory_space<semaphore_mem>>)
    %dma_start3A_203 = arith.constant 192 : i32
    %dma_start3A_204 = tpu.memref_slice %arg6[%dma_start3A_203] : memref<5120xi32, #tpu.memory_space<vmem>> -> memref<64xi32, #tpu.memory_space<vmem>>
    %dma_start3A_205 = arith.constant 0 : i32
    %dma_start3A_206 = arith.constant 0 : i32
    %dma_start3A_207 = tpu.memref_slice %arg2[%dma_start3A_205, %dma_start3A_206] : memref<30000x128xf32, #tpu.memory_space<hbm>> -> memref<30000x128xf32, #tpu.memory_space<hbm>>
    tpu.enqueue_indirect_dma source(%dma_start3A_207 : memref<30000x128xf32, #tpu.memory_space<hbm>>) target(%arg11 : memref<64x128xf32, #tpu.memory_space<vmem>>) offsets(%dma_start3A_204 : memref<64xi32, #tpu.memory_space<vmem>>) semaphore(%arg16 : memref<!tpu.dma_semaphore, #tpu.memory_space<semaphore_mem>>)
    %scan3A_208 = arith.constant 0 : i32
    %scan3A_209 = arith.constant 0 : i32
    %scan3A_210 = arith.constant 20 : i32
    %scan3A_211 = arith.addi %scan3A_209, %scan3A_210 : i32
    %scan3A_212 = arith.constant 1 : i32
    scf.for %scan3A_247 = %scan3A_209 to %scan3A_211 step %scan3A_212  : i32 {
      %mul3A_248 = arith.constant 4 : i32
      %mul3A_249 = arith.muli %mul3A_248, %scan3A_247 : i32
      %add3A_250 = arith.constant 0 : i32
      %add3A_251 = arith.addi %mul3A_249, %add3A_250 : i32
      %mul3A_252 = arith.constant 64 : i32
      %mul3A_253 = arith.muli %add3A_251, %mul3A_252 : i32
      %dma_wait3A_254 = tpu.memref_slice %arg6[%mul3A_253] : memref<5120xi32, #tpu.memory_space<vmem>> -> memref<64xi32, #tpu.memory_space<vmem>>
      %dma_wait3A_255 = arith.constant 0 : i32
      %dma_wait3A_256 = arith.constant 0 : i32
      %dma_wait3A_257 = tpu.memref_slice %arg2[%dma_wait3A_255, %dma_wait3A_256] : memref<30000x128xf32, #tpu.memory_space<hbm>> -> memref<30000x128xf32, #tpu.memory_space<hbm>>
      tpu.wait_indirect_dma semaphore(%arg13 : memref<!tpu.dma_semaphore, #tpu.memory_space<semaphore_mem>>) src(%dma_wait3A_257 : memref<30000x128xf32, #tpu.memory_space<hbm>>) dst(%arg8 : memref<64x128xf32, #tpu.memory_space<vmem>>)
      %dma_start3A_258 = arith.constant 0 : i32
      %dma_start3A_259 = tpu.memref_slice %arg7[%add3A_251, %dma_start3A_258] : memref<80x64xi32, #tpu.memory_space<vmem>> -> memref<1x64xi32, #tpu.memory_space<vmem>>
      %dma_start3A_260 = tpu.memref_squeeze %dma_start3A_259 : memref<1x64xi32, #tpu.memory_space<vmem>> -> memref<64xi32, #tpu.memory_space<vmem>>
      %dma_start3A_261 = arith.constant 0 : i32
      %dma_start3A_262 = arith.constant 0 : i32
      %dma_start3A_263 = tpu.memref_slice %arg12[%dma_start3A_261, %dma_start3A_262] : memref<10240x128xf32, #tpu.memory_space<vmem_shared>> -> memref<10240x128xf32, #tpu.memory_space<vmem_shared>>
      tpu.enqueue_indirect_dma source(%arg8 : memref<64x128xf32, #tpu.memory_space<vmem>>) target(%dma_start3A_263 : memref<10240x128xf32, #tpu.memory_space<vmem_shared>>) offsets(%dma_start3A_260 : memref<64xi32, #tpu.memory_space<vmem>>) semaphore(%arg17 : memref<!tpu.dma_semaphore, #tpu.memory_space<semaphore_mem>>) {add = true}
      %add3A_264 = arith.constant 4 : i32
      %add3A_265 = arith.addi %add3A_251, %add3A_264 : i32
      %lt3A = arith.constant 80 : i32
      %lt3A_266 = arith.cmpi slt, %add3A_265, %lt3A : i32
      %convert_element_type3A = arith.extui %lt3A_266 : i1 to i32
      %cond3A = arith.constant 0 : i32
      %cond3A_267 = arith.cmpi ne, %convert_element_type3A, %cond3A : i32
      scf.if %cond3A_267 {
        %dma_wait3A_331 = arith.constant 0 : i32
        %dma_wait3A_332 = tpu.memref_slice %arg7[%add3A_251, %dma_wait3A_331] : memref<80x64xi32, #tpu.memory_space<vmem>> -> memref<1x64xi32, #tpu.memory_space<vmem>>
        %dma_wait3A_333 = tpu.memref_squeeze %dma_wait3A_332 : memref<1x64xi32, #tpu.memory_space<vmem>> -> memref<64xi32, #tpu.memory_space<vmem>>
        %dma_wait3A_334 = arith.constant 0 : i32
        %dma_wait3A_335 = arith.constant 0 : i32
        %dma_wait3A_336 = tpu.memref_slice %arg12[%dma_wait3A_334, %dma_wait3A_335] : memref<10240x128xf32, #tpu.memory_space<vmem_shared>> -> memref<10240x128xf32, #tpu.memory_space<vmem_shared>>
        tpu.wait_indirect_dma semaphore(%arg17 : memref<!tpu.dma_semaphore, #tpu.memory_space<semaphore_mem>>) src(%arg8 : memref<64x128xf32, #tpu.memory_space<vmem>>) dst(%dma_wait3A_336 : memref<10240x128xf32, #tpu.memory_space<vmem_shared>>)
        %add3A_337 = arith.constant 4 : i32
        %add3A_338 = arith.addi %add3A_251, %add3A_337 : i32
        %mul3A_339 = arith.constant 64 : i32
        %mul3A_340 = arith.muli %add3A_338, %mul3A_339 : i32
        %dma_start3A_341 = tpu.memref_slice %arg6[%mul3A_340] : memref<5120xi32, #tpu.memory_space<vmem>> -> memref<64xi32, #tpu.memory_space<vmem>>
        %dma_start3A_342 = arith.constant 0 : i32
        %dma_start3A_343 = arith.constant 0 : i32
        %dma_start3A_344 = tpu.memref_slice %arg2[%dma_start3A_342, %dma_start3A_343] : memref<30000x128xf32, #tpu.memory_space<hbm>> -> memref<30000x128xf32, #tpu.memory_space<hbm>>
        tpu.enqueue_indirect_dma source(%dma_start3A_344 : memref<30000x128xf32, #tpu.memory_space<hbm>>) target(%arg8 : memref<64x128xf32, #tpu.memory_space<vmem>>) offsets(%dma_start3A_341 : memref<64xi32, #tpu.memory_space<vmem>>) semaphore(%arg13 : memref<!tpu.dma_semaphore, #tpu.memory_space<semaphore_mem>>)
      } else {
      }
      %add3A_268 = arith.constant 1 : i32
      %add3A_269 = arith.addi %mul3A_249, %add3A_268 : i32
      %mul3A_270 = arith.constant 64 : i32
      %mul3A_271 = arith.muli %add3A_269, %mul3A_270 : i32
      %dma_wait3A_272 = tpu.memref_slice %arg6[%mul3A_271] : memref<5120xi32, #tpu.memory_space<vmem>> -> memref<64xi32, #tpu.memory_space<vmem>>
      %dma_wait3A_273 = arith.constant 0 : i32
      %dma_wait3A_274 = arith.constant 0 : i32
      %dma_wait3A_275 = tpu.memref_slice %arg2[%dma_wait3A_273, %dma_wait3A_274] : memref<30000x128xf32, #tpu.memory_space<hbm>> -> memref<30000x128xf32, #tpu.memory_space<hbm>>
      tpu.wait_indirect_dma semaphore(%arg14 : memref<!tpu.dma_semaphore, #tpu.memory_space<semaphore_mem>>) src(%dma_wait3A_275 : memref<30000x128xf32, #tpu.memory_space<hbm>>) dst(%arg9 : memref<64x128xf32, #tpu.memory_space<vmem>>)
      %dma_start3A_276 = arith.constant 0 : i32
      %dma_start3A_277 = tpu.memref_slice %arg7[%add3A_269, %dma_start3A_276] : memref<80x64xi32, #tpu.memory_space<vmem>> -> memref<1x64xi32, #tpu.memory_space<vmem>>
      %dma_start3A_278 = tpu.memref_squeeze %dma_start3A_277 : memref<1x64xi32, #tpu.memory_space<vmem>> -> memref<64xi32, #tpu.memory_space<vmem>>
      %dma_start3A_279 = arith.constant 0 : i32
      %dma_start3A_280 = arith.constant 0 : i32
      %dma_start3A_281 = tpu.memref_slice %arg12[%dma_start3A_279, %dma_start3A_280] : memref<10240x128xf32, #tpu.memory_space<vmem_shared>> -> memref<10240x128xf32, #tpu.memory_space<vmem_shared>>
      tpu.enqueue_indirect_dma source(%arg9 : memref<64x128xf32, #tpu.memory_space<vmem>>) target(%dma_start3A_281 : memref<10240x128xf32, #tpu.memory_space<vmem_shared>>) offsets(%dma_start3A_278 : memref<64xi32, #tpu.memory_space<vmem>>) semaphore(%arg18 : memref<!tpu.dma_semaphore, #tpu.memory_space<semaphore_mem>>) {add = true}
      %add3A_282 = arith.constant 4 : i32
      %add3A_283 = arith.addi %add3A_269, %add3A_282 : i32
      %lt3A_284 = arith.constant 80 : i32
      %lt3A_285 = arith.cmpi slt, %add3A_283, %lt3A_284 : i32
      %convert_element_type3A_286 = arith.extui %lt3A_285 : i1 to i32
      %cond3A_287 = arith.constant 0 : i32
      %cond3A_288 = arith.cmpi ne, %convert_element_type3A_286, %cond3A_287 : i32
      scf.if %cond3A_288 {
        %dma_wait3A_331 = arith.constant 0 : i32
        %dma_wait3A_332 = tpu.memref_slice %arg7[%add3A_269, %dma_wait3A_331] : memref<80x64xi32, #tpu.memory_space<vmem>> -> memref<1x64xi32, #tpu.memory_space<vmem>>
        %dma_wait3A_333 = tpu.memref_squeeze %dma_wait3A_332 : memref<1x64xi32, #tpu.memory_space<vmem>> -> memref<64xi32, #tpu.memory_space<vmem>>
        %dma_wait3A_334 = arith.constant 0 : i32
        %dma_wait3A_335 = arith.constant 0 : i32
        %dma_wait3A_336 = tpu.memref_slice %arg12[%dma_wait3A_334, %dma_wait3A_335] : memref<10240x128xf32, #tpu.memory_space<vmem_shared>> -> memref<10240x128xf32, #tpu.memory_space<vmem_shared>>
        tpu.wait_indirect_dma semaphore(%arg18 : memref<!tpu.dma_semaphore, #tpu.memory_space<semaphore_mem>>) src(%arg9 : memref<64x128xf32, #tpu.memory_space<vmem>>) dst(%dma_wait3A_336 : memref<10240x128xf32, #tpu.memory_space<vmem_shared>>)
        %add3A_337 = arith.constant 4 : i32
        %add3A_338 = arith.addi %add3A_269, %add3A_337 : i32
        %mul3A_339 = arith.constant 64 : i32
        %mul3A_340 = arith.muli %add3A_338, %mul3A_339 : i32
        %dma_start3A_341 = tpu.memref_slice %arg6[%mul3A_340] : memref<5120xi32, #tpu.memory_space<vmem>> -> memref<64xi32, #tpu.memory_space<vmem>>
        %dma_start3A_342 = arith.constant 0 : i32
        %dma_start3A_343 = arith.constant 0 : i32
        %dma_start3A_344 = tpu.memref_slice %arg2[%dma_start3A_342, %dma_start3A_343] : memref<30000x128xf32, #tpu.memory_space<hbm>> -> memref<30000x128xf32, #tpu.memory_space<hbm>>
        tpu.enqueue_indirect_dma source(%dma_start3A_344 : memref<30000x128xf32, #tpu.memory_space<hbm>>) target(%arg9 : memref<64x128xf32, #tpu.memory_space<vmem>>) offsets(%dma_start3A_341 : memref<64xi32, #tpu.memory_space<vmem>>) semaphore(%arg14 : memref<!tpu.dma_semaphore, #tpu.memory_space<semaphore_mem>>)
      } else {
      }
      %add3A_289 = arith.constant 2 : i32
      %add3A_290 = arith.addi %mul3A_249, %add3A_289 : i32
      %mul3A_291 = arith.constant 64 : i32
      %mul3A_292 = arith.muli %add3A_290, %mul3A_291 : i32
      %dma_wait3A_293 = tpu.memref_slice %arg6[%mul3A_292] : memref<5120xi32, #tpu.memory_space<vmem>> -> memref<64xi32, #tpu.memory_space<vmem>>
      %dma_wait3A_294 = arith.constant 0 : i32
      %dma_wait3A_295 = arith.constant 0 : i32
      %dma_wait3A_296 = tpu.memref_slice %arg2[%dma_wait3A_294, %dma_wait3A_295] : memref<30000x128xf32, #tpu.memory_space<hbm>> -> memref<30000x128xf32, #tpu.memory_space<hbm>>
      tpu.wait_indirect_dma semaphore(%arg15 : memref<!tpu.dma_semaphore, #tpu.memory_space<semaphore_mem>>) src(%dma_wait3A_296 : memref<30000x128xf32, #tpu.memory_space<hbm>>) dst(%arg10 : memref<64x128xf32, #tpu.memory_space<vmem>>)
      %dma_start3A_297 = arith.constant 0 : i32
      %dma_start3A_298 = tpu.memref_slice %arg7[%add3A_290, %dma_start3A_297] : memref<80x64xi32, #tpu.memory_space<vmem>> -> memref<1x64xi32, #tpu.memory_space<vmem>>
      %dma_start3A_299 = tpu.memref_squeeze %dma_start3A_298 : memref<1x64xi32, #tpu.memory_space<vmem>> -> memref<64xi32, #tpu.memory_space<vmem>>
      %dma_start3A_300 = arith.constant 0 : i32
      %dma_start3A_301 = arith.constant 0 : i32
      %dma_start3A_302 = tpu.memref_slice %arg12[%dma_start3A_300, %dma_start3A_301] : memref<10240x128xf32, #tpu.memory_space<vmem_shared>> -> memref<10240x128xf32, #tpu.memory_space<vmem_shared>>
      tpu.enqueue_indirect_dma source(%arg10 : memref<64x128xf32, #tpu.memory_space<vmem>>) target(%dma_start3A_302 : memref<10240x128xf32, #tpu.memory_space<vmem_shared>>) offsets(%dma_start3A_299 : memref<64xi32, #tpu.memory_space<vmem>>) semaphore(%arg19 : memref<!tpu.dma_semaphore, #tpu.memory_space<semaphore_mem>>) {add = true}
      %add3A_303 = arith.constant 4 : i32
      %add3A_304 = arith.addi %add3A_290, %add3A_303 : i32
      %lt3A_305 = arith.constant 80 : i32
      %lt3A_306 = arith.cmpi slt, %add3A_304, %lt3A_305 : i32
      %convert_element_type3A_307 = arith.extui %lt3A_306 : i1 to i32
      %cond3A_308 = arith.constant 0 : i32
      %cond3A_309 = arith.cmpi ne, %convert_element_type3A_307, %cond3A_308 : i32
      scf.if %cond3A_309 {
        %dma_wait3A_331 = arith.constant 0 : i32
        %dma_wait3A_332 = tpu.memref_slice %arg7[%add3A_290, %dma_wait3A_331] : memref<80x64xi32, #tpu.memory_space<vmem>> -> memref<1x64xi32, #tpu.memory_space<vmem>>
        %dma_wait3A_333 = tpu.memref_squeeze %dma_wait3A_332 : memref<1x64xi32, #tpu.memory_space<vmem>> -> memref<64xi32, #tpu.memory_space<vmem>>
        %dma_wait3A_334 = arith.constant 0 : i32
        %dma_wait3A_335 = arith.constant 0 : i32
        %dma_wait3A_336 = tpu.memref_slice %arg12[%dma_wait3A_334, %dma_wait3A_335] : memref<10240x128xf32, #tpu.memory_space<vmem_shared>> -> memref<10240x128xf32, #tpu.memory_space<vmem_shared>>
        tpu.wait_indirect_dma semaphore(%arg19 : memref<!tpu.dma_semaphore, #tpu.memory_space<semaphore_mem>>) src(%arg10 : memref<64x128xf32, #tpu.memory_space<vmem>>) dst(%dma_wait3A_336 : memref<10240x128xf32, #tpu.memory_space<vmem_shared>>)
        %add3A_337 = arith.constant 4 : i32
        %add3A_338 = arith.addi %add3A_290, %add3A_337 : i32
        %mul3A_339 = arith.constant 64 : i32
        %mul3A_340 = arith.muli %add3A_338, %mul3A_339 : i32
        %dma_start3A_341 = tpu.memref_slice %arg6[%mul3A_340] : memref<5120xi32, #tpu.memory_space<vmem>> -> memref<64xi32, #tpu.memory_space<vmem>>
        %dma_start3A_342 = arith.constant 0 : i32
        %dma_start3A_343 = arith.constant 0 : i32
        %dma_start3A_344 = tpu.memref_slice %arg2[%dma_start3A_342, %dma_start3A_343] : memref<30000x128xf32, #tpu.memory_space<hbm>> -> memref<30000x128xf32, #tpu.memory_space<hbm>>
        tpu.enqueue_indirect_dma source(%dma_start3A_344 : memref<30000x128xf32, #tpu.memory_space<hbm>>) target(%arg10 : memref<64x128xf32, #tpu.memory_space<vmem>>) offsets(%dma_start3A_341 : memref<64xi32, #tpu.memory_space<vmem>>) semaphore(%arg15 : memref<!tpu.dma_semaphore, #tpu.memory_space<semaphore_mem>>)
      } else {
      }
      %add3A_310 = arith.constant 3 : i32
      %add3A_311 = arith.addi %mul3A_249, %add3A_310 : i32
      %mul3A_312 = arith.constant 64 : i32
      %mul3A_313 = arith.muli %add3A_311, %mul3A_312 : i32
      %dma_wait3A_314 = tpu.memref_slice %arg6[%mul3A_313] : memref<5120xi32, #tpu.memory_space<vmem>> -> memref<64xi32, #tpu.memory_space<vmem>>
      %dma_wait3A_315 = arith.constant 0 : i32
      %dma_wait3A_316 = arith.constant 0 : i32
      %dma_wait3A_317 = tpu.memref_slice %arg2[%dma_wait3A_315, %dma_wait3A_316] : memref<30000x128xf32, #tpu.memory_space<hbm>> -> memref<30000x128xf32, #tpu.memory_space<hbm>>
      tpu.wait_indirect_dma semaphore(%arg16 : memref<!tpu.dma_semaphore, #tpu.memory_space<semaphore_mem>>) src(%dma_wait3A_317 : memref<30000x128xf32, #tpu.memory_space<hbm>>) dst(%arg11 : memref<64x128xf32, #tpu.memory_space<vmem>>)
      %dma_start3A_318 = arith.constant 0 : i32
      %dma_start3A_319 = tpu.memref_slice %arg7[%add3A_311, %dma_start3A_318] : memref<80x64xi32, #tpu.memory_space<vmem>> -> memref<1x64xi32, #tpu.memory_space<vmem>>
      %dma_start3A_320 = tpu.memref_squeeze %dma_start3A_319 : memref<1x64xi32, #tpu.memory_space<vmem>> -> memref<64xi32, #tpu.memory_space<vmem>>
      %dma_start3A_321 = arith.constant 0 : i32
      %dma_start3A_322 = arith.constant 0 : i32
      %dma_start3A_323 = tpu.memref_slice %arg12[%dma_start3A_321, %dma_start3A_322] : memref<10240x128xf32, #tpu.memory_space<vmem_shared>> -> memref<10240x128xf32, #tpu.memory_space<vmem_shared>>
      tpu.enqueue_indirect_dma source(%arg11 : memref<64x128xf32, #tpu.memory_space<vmem>>) target(%dma_start3A_323 : memref<10240x128xf32, #tpu.memory_space<vmem_shared>>) offsets(%dma_start3A_320 : memref<64xi32, #tpu.memory_space<vmem>>) semaphore(%arg20 : memref<!tpu.dma_semaphore, #tpu.memory_space<semaphore_mem>>) {add = true}
      %add3A_324 = arith.constant 4 : i32
      %add3A_325 = arith.addi %add3A_311, %add3A_324 : i32
      %lt3A_326 = arith.constant 80 : i32
      %lt3A_327 = arith.cmpi slt, %add3A_325, %lt3A_326 : i32
      %convert_element_type3A_328 = arith.extui %lt3A_327 : i1 to i32
      %cond3A_329 = arith.constant 0 : i32
      %cond3A_330 = arith.cmpi ne, %convert_element_type3A_328, %cond3A_329 : i32
      scf.if %cond3A_330 {
        %dma_wait3A_331 = arith.constant 0 : i32
        %dma_wait3A_332 = tpu.memref_slice %arg7[%add3A_311, %dma_wait3A_331] : memref<80x64xi32, #tpu.memory_space<vmem>> -> memref<1x64xi32, #tpu.memory_space<vmem>>
        %dma_wait3A_333 = tpu.memref_squeeze %dma_wait3A_332 : memref<1x64xi32, #tpu.memory_space<vmem>> -> memref<64xi32, #tpu.memory_space<vmem>>
        %dma_wait3A_334 = arith.constant 0 : i32
        %dma_wait3A_335 = arith.constant 0 : i32
        %dma_wait3A_336 = tpu.memref_slice %arg12[%dma_wait3A_334, %dma_wait3A_335] : memref<10240x128xf32, #tpu.memory_space<vmem_shared>> -> memref<10240x128xf32, #tpu.memory_space<vmem_shared>>
        tpu.wait_indirect_dma semaphore(%arg20 : memref<!tpu.dma_semaphore, #tpu.memory_space<semaphore_mem>>) src(%arg11 : memref<64x128xf32, #tpu.memory_space<vmem>>) dst(%dma_wait3A_336 : memref<10240x128xf32, #tpu.memory_space<vmem_shared>>)
        %add3A_337 = arith.constant 4 : i32
        %add3A_338 = arith.addi %add3A_311, %add3A_337 : i32
        %mul3A_339 = arith.constant 64 : i32
        %mul3A_340 = arith.muli %add3A_338, %mul3A_339 : i32
        %dma_start3A_341 = tpu.memref_slice %arg6[%mul3A_340] : memref<5120xi32, #tpu.memory_space<vmem>> -> memref<64xi32, #tpu.memory_space<vmem>>
        %dma_start3A_342 = arith.constant 0 : i32
        %dma_start3A_343 = arith.constant 0 : i32
        %dma_start3A_344 = tpu.memref_slice %arg2[%dma_start3A_342, %dma_start3A_343] : memref<30000x128xf32, #tpu.memory_space<hbm>> -> memref<30000x128xf32, #tpu.memory_space<hbm>>
        tpu.enqueue_indirect_dma source(%dma_start3A_344 : memref<30000x128xf32, #tpu.memory_space<hbm>>) target(%arg11 : memref<64x128xf32, #tpu.memory_space<vmem>>) offsets(%dma_start3A_341 : memref<64xi32, #tpu.memory_space<vmem>>) semaphore(%arg16 : memref<!tpu.dma_semaphore, #tpu.memory_space<semaphore_mem>>)
      } else {
      }
    }
    %scan3A_213 = arith.constant 20 : i32
    %dma_wait3A_214 = arith.constant 76 : i32
    %dma_wait3A_215 = arith.constant 0 : i32
    %dma_wait3A_216 = tpu.memref_slice %arg7[%dma_wait3A_214, %dma_wait3A_215] : memref<80x64xi32, #tpu.memory_space<vmem>> -> memref<1x64xi32, #tpu.memory_space<vmem>>
    %dma_wait3A_217 = tpu.memref_squeeze %dma_wait3A_216 : memref<1x64xi32, #tpu.memory_space<vmem>> -> memref<64xi32, #tpu.memory_space<vmem>>
    %dma_wait3A_218 = arith.constant 0 : i32
    %dma_wait3A_219 = arith.constant 0 : i32
    %dma_wait3A_220 = tpu.memref_slice %arg12[%dma_wait3A_218, %dma_wait3A_219] : memref<10240x128xf32, #tpu.memory_space<vmem_shared>> -> memref<10240x128xf32, #tpu.memory_space<vmem_shared>>
    tpu.wait_indirect_dma semaphore(%arg17 : memref<!tpu.dma_semaphore, #tpu.memory_space<semaphore_mem>>) src(%arg8 : memref<64x128xf32, #tpu.memory_space<vmem>>) dst(%dma_wait3A_220 : memref<10240x128xf32, #tpu.memory_space<vmem_shared>>)
    %dma_wait3A_221 = arith.constant 77 : i32
    %dma_wait3A_222 = arith.constant 0 : i32
    %dma_wait3A_223 = tpu.memref_slice %arg7[%dma_wait3A_221, %dma_wait3A_222] : memref<80x64xi32, #tpu.memory_space<vmem>> -> memref<1x64xi32, #tpu.memory_space<vmem>>
    %dma_wait3A_224 = tpu.memref_squeeze %dma_wait3A_223 : memref<1x64xi32, #tpu.memory_space<vmem>> -> memref<64xi32, #tpu.memory_space<vmem>>
    %dma_wait3A_225 = arith.constant 0 : i32
    %dma_wait3A_226 = arith.constant 0 : i32
    %dma_wait3A_227 = tpu.memref_slice %arg12[%dma_wait3A_225, %dma_wait3A_226] : memref<10240x128xf32, #tpu.memory_space<vmem_shared>> -> memref<10240x128xf32, #tpu.memory_space<vmem_shared>>
    tpu.wait_indirect_dma semaphore(%arg18 : memref<!tpu.dma_semaphore, #tpu.memory_space<semaphore_mem>>) src(%arg9 : memref<64x128xf32, #tpu.memory_space<vmem>>) dst(%dma_wait3A_227 : memref<10240x128xf32, #tpu.memory_space<vmem_shared>>)
    %dma_wait3A_228 = arith.constant 78 : i32
    %dma_wait3A_229 = arith.constant 0 : i32
    %dma_wait3A_230 = tpu.memref_slice %arg7[%dma_wait3A_228, %dma_wait3A_229] : memref<80x64xi32, #tpu.memory_space<vmem>> -> memref<1x64xi32, #tpu.memory_space<vmem>>
    %dma_wait3A_231 = tpu.memref_squeeze %dma_wait3A_230 : memref<1x64xi32, #tpu.memory_space<vmem>> -> memref<64xi32, #tpu.memory_space<vmem>>
    %dma_wait3A_232 = arith.constant 0 : i32
    %dma_wait3A_233 = arith.constant 0 : i32
    %dma_wait3A_234 = tpu.memref_slice %arg12[%dma_wait3A_232, %dma_wait3A_233] : memref<10240x128xf32, #tpu.memory_space<vmem_shared>> -> memref<10240x128xf32, #tpu.memory_space<vmem_shared>>
    tpu.wait_indirect_dma semaphore(%arg19 : memref<!tpu.dma_semaphore, #tpu.memory_space<semaphore_mem>>) src(%arg10 : memref<64x128xf32, #tpu.memory_space<vmem>>) dst(%dma_wait3A_234 : memref<10240x128xf32, #tpu.memory_space<vmem_shared>>)
    %dma_wait3A_235 = arith.constant 79 : i32
    %dma_wait3A_236 = arith.constant 0 : i32
    %dma_wait3A_237 = tpu.memref_slice %arg7[%dma_wait3A_235, %dma_wait3A_236] : memref<80x64xi32, #tpu.memory_space<vmem>> -> memref<1x64xi32, #tpu.memory_space<vmem>>
    %dma_wait3A_238 = tpu.memref_squeeze %dma_wait3A_237 : memref<1x64xi32, #tpu.memory_space<vmem>> -> memref<64xi32, #tpu.memory_space<vmem>>
    %dma_wait3A_239 = arith.constant 0 : i32
    %dma_wait3A_240 = arith.constant 0 : i32
    %dma_wait3A_241 = tpu.memref_slice %arg12[%dma_wait3A_239, %dma_wait3A_240] : memref<10240x128xf32, #tpu.memory_space<vmem_shared>> -> memref<10240x128xf32, #tpu.memory_space<vmem_shared>>
    tpu.wait_indirect_dma semaphore(%arg20 : memref<!tpu.dma_semaphore, #tpu.memory_space<semaphore_mem>>) src(%arg11 : memref<64x128xf32, #tpu.memory_space<vmem>>) dst(%dma_wait3A_241 : memref<10240x128xf32, #tpu.memory_space<vmem_shared>>)
    %barrier3A_242 = arith.constant 0 : index
    tpu.barrier barrier_id(%barrier3A_242)
    %mul3A_243 = arith.constant 640 : i32
    %mul3A_244 = arith.muli %arg1, %mul3A_243 : i32
    %mul3A_245 = arith.constant 640 : i32
    %mul3A_246 = arith.muli %arg1, %mul3A_245 : i32
    "tpu.region"() ({
      %run_scoped3A = tpu.sem_alloc : memref<!tpu.dma_semaphore, #tpu.memory_space<semaphore_mem>>
      %dma_start3A_247 = arith.constant 0 : i32
      %dma_start3A_248 = tpu.memref_slice %arg5[%arg0, %mul3A_246, %dma_start3A_247] : memref<2x10240x128xf32, #tpu.memory_space<hbm>> -> memref<1x640x128xf32, #tpu.memory_space<hbm>>
      %dma_start3A_249 = tpu.memref_squeeze %dma_start3A_248 : memref<1x640x128xf32, #tpu.memory_space<hbm>> -> memref<640x128xf32, #tpu.memory_space<hbm>>
      %dma_start3A_250 = arith.constant 0 : i32
      %dma_start3A_251 = tpu.memref_slice %arg12[%mul3A_244, %dma_start3A_250] : memref<10240x128xf32, #tpu.memory_space<vmem_shared>> -> memref<640x128xf32, #tpu.memory_space<vmem_shared>>
      tpu.enqueue_dma source(%dma_start3A_251 : memref<640x128xf32, #tpu.memory_space<vmem_shared>>) target(%dma_start3A_249 : memref<640x128xf32, #tpu.memory_space<hbm>>) target_semaphore(%run_scoped3A : memref<!tpu.dma_semaphore, #tpu.memory_space<semaphore_mem>>)
      %dma_wait3A_252 = arith.constant 0 : i32
      %dma_wait3A_253 = tpu.memref_slice %arg5[%arg0, %mul3A_246, %dma_wait3A_252] : memref<2x10240x128xf32, #tpu.memory_space<hbm>> -> memref<1x640x128xf32, #tpu.memory_space<hbm>>
      %dma_wait3A_254 = tpu.memref_squeeze %dma_wait3A_253 : memref<1x640x128xf32, #tpu.memory_space<hbm>> -> memref<640x128xf32, #tpu.memory_space<hbm>>
      %dma_wait3A_255 = arith.constant 0 : i32
      %dma_wait3A_256 = tpu.memref_slice %arg12[%mul3A_244, %dma_wait3A_255] : memref<10240x128xf32, #tpu.memory_space<vmem_shared>> -> memref<640x128xf32, #tpu.memory_space<vmem_shared>>
      tpu.wait_dma2 semaphore(%run_scoped3A : memref<!tpu.dma_semaphore, #tpu.memory_space<semaphore_mem>>) src(%dma_wait3A_256 : memref<640x128xf32, #tpu.memory_space<vmem_shared>>) dst(%dma_wait3A_254 : memref<640x128xf32, #tpu.memory_space<hbm>>)
      tpu.yield
    }) : () -> ()
    return
  }
}

module attributes {stable_mosaic.version = 14 : i64} {
  func.func @_dinv_body(%arg0: memref<2x10240xf32, #tpu.memory_space<vmem>>, %arg1: memref<10240x1xf32, #tpu.memory_space<vmem>>) attributes {dimension_semantics = [], scalar_prefetch = 0 : i64, scratch_operands = 0 : i64, tpu.core_type = #tpu.core_type<tc>} {
    %get3A = arith.constant 0 : index
    %get3A_0 = arith.constant 0 : index
    %get3A_1 = vector.load %arg0[%get3A, %get3A_0] : memref<2x10240xf32, #tpu.memory_space<vmem>>, vector<1x10240xf32>
    %get3A_2 = arith.constant 1 : index
    %get3A_3 = arith.constant 0 : index
    %get3A_4 = vector.load %arg0[%get3A_2, %get3A_3] : memref<2x10240xf32, #tpu.memory_space<vmem>>, vector<1x10240xf32>
    %add3A = arith.addf %get3A_1, %get3A_4 : vector<1x10240xf32>
    %gt3A = arith.constant 0.000000e+00 : f32
    %gt3A_5 = vector.broadcast %gt3A : f32 to vector<1x10240xf32>
    %gt3A_6 = arith.cmpf ogt, %add3A, %gt3A_5 : vector<1x10240xf32>
    %max3A = arith.constant 1.000000e-30 : f32
    %max3A_7 = vector.broadcast %max3A : f32 to vector<1x10240xf32>
    %max3A_8 = arith.maximumf %add3A, %max3A_7 : vector<1x10240xf32>
    %rsqrt3A = math.rsqrt %max3A_8 : vector<1x10240xf32>
    %jit3A = arith.constant 0.000000e+00 : f32
    %broadcast_in_dim3A = vector.broadcast %jit3A : f32 to vector<1x10240xf32>
    %select_n3A = arith.select %gt3A_6, %rsqrt3A, %broadcast_in_dim3A : vector<1x10240xi1>, vector<1x10240xf32>
    %reshape3A = vector.shape_cast %select_n3A : vector<1x10240xf32> to vector<10240x1xf32>
    %swap3A = arith.constant 0 : index
    %swap3A_9 = arith.constant 0 : index
    %swap3A_10 = vector.load %arg1[%swap3A, %swap3A_9] : memref<10240x1xf32, #tpu.memory_space<vmem>>, vector<10240x1xf32>
    tpu.vector_store %arg1[%swap3A, %swap3A_9], %reshape3A {strides = array<i32>} : memref<10240x1xf32, #tpu.memory_space<vmem>>, vector<10240x1xf32>,
    return
  }
}

module attributes {stable_mosaic.version = 14 : i64} {
  func.func @_z_body(%arg0: i32, %arg1: memref<2000x128xf32, #tpu.memory_space<vmem>>, %arg2: memref<2000x1xf32, #tpu.memory_space<vmem>>, %arg3: memref<3x128x128xf32, #tpu.memory_space<vmem>>, %arg4: memref<3x2000x128xf32, #tpu.memory_space<vmem>>) attributes {dimension_semantics = [#tpu.dimension_semantics<arbitrary>], iteration_bounds = array<i64: 5>, scalar_prefetch = 0 : i64, scratch_operands = 0 : i64, tpu.core_type = #tpu.core_type<tc>, window_params = [{transform_indices = @transform_0, window_bounds = array<i64: 2000, 128>}, {transform_indices = @transform_1, window_bounds = array<i64: 2000, 1>}, {pipeline_mode = #tpu.pipeline_mode<synchronous>, transform_indices = @transform_2, window_bounds = array<i64: 3, 128, 128>}, {transform_indices = @transform_3, window_bounds = array<i64: 3, 2000, 128>}]} {
    %get3A = arith.constant 0 : index
    %get3A_0 = arith.constant 0 : index
    %get3A_1 = vector.load %arg1[%get3A, %get3A_0] : memref<2000x128xf32, #tpu.memory_space<vmem>>, vector<2000x128xf32>
    %get3A_2 = arith.constant 0 : index
    %get3A_3 = arith.constant 0 : index
    %get3A_4 = vector.load %arg2[%get3A_2, %get3A_3] : memref<2000x1xf32, #tpu.memory_space<vmem>>, vector<2000x1xf32>
    %mul3A = vector.broadcast %get3A_4 : vector<2000x1xf32> to vector<2000x128xf32>
    %mul3A_5 = arith.mulf %get3A_1, %mul3A : vector<2000x128xf32>
    %get3A_6 = arith.constant 0 : index
    %get3A_7 = arith.constant 0 : index
    %get3A_8 = arith.constant 0 : index
    %get3A_9 = vector.load %arg3[%get3A_6, %get3A_7, %get3A_8] : memref<3x128x128xf32, #tpu.memory_space<vmem>>, vector<1x128x128xf32>
    %get3A_10 = vector.shape_cast %get3A_9 : vector<1x128x128xf32> to vector<128x128xf32>
    %dot_general3A = arith.constant dense<0.000000e+00> : vector<2000x128xf32>
    %dot_general3A_11 = tpu.matmul %mul3A_5, %get3A_10, %dot_general3A {dimension_numbers = #tpu.dot_dimension_numbers<[1], [0], [0], [1], [0, 0, 1, 1], [], []>, precision = #tpu.contract_precision<fp32>, transpose_lhs_hint = false} : vector<2000x128xf32>, vector<128x128xf32>, vector<2000x128xf32> -> vector<2000x128xf32>
    %swap3A = arith.constant 0 : index
    %swap3A_12 = arith.constant 0 : index
    %swap3A_13 = arith.constant 0 : index
    %swap3A_14 = vector.load %arg4[%swap3A, %swap3A_12, %swap3A_13] : memref<3x2000x128xf32, #tpu.memory_space<vmem>>, vector<1x2000x128xf32>
    %swap3A_15 = vector.shape_cast %swap3A_14 : vector<1x2000x128xf32> to vector<2000x128xf32>
    %swap3A_16 = vector.shape_cast %dot_general3A_11 : vector<2000x128xf32> to vector<1x2000x128xf32>
    tpu.vector_store %arg4[%swap3A, %swap3A_12, %swap3A_13], %swap3A_16 {strides = array<i32>} : memref<3x2000x128xf32, #tpu.memory_space<vmem>>, vector<1x2000x128xf32>,
    %get3A_17 = arith.constant 1 : index
    %get3A_18 = arith.constant 0 : index
    %get3A_19 = arith.constant 0 : index
    %get3A_20 = vector.load %arg3[%get3A_17, %get3A_18, %get3A_19] : memref<3x128x128xf32, #tpu.memory_space<vmem>>, vector<1x128x128xf32>
    %get3A_21 = vector.shape_cast %get3A_20 : vector<1x128x128xf32> to vector<128x128xf32>
    %dot_general3A_22 = arith.constant dense<0.000000e+00> : vector<2000x128xf32>
    %dot_general3A_23 = tpu.matmul %mul3A_5, %get3A_21, %dot_general3A_22 {dimension_numbers = #tpu.dot_dimension_numbers<[1], [0], [0], [1], [0, 0, 1, 1], [], []>, precision = #tpu.contract_precision<fp32>, transpose_lhs_hint = false} : vector<2000x128xf32>, vector<128x128xf32>, vector<2000x128xf32> -> vector<2000x128xf32>
    %swap3A_24 = arith.constant 1 : index
    %swap3A_25 = arith.constant 0 : index
    %swap3A_26 = arith.constant 0 : index
    %swap3A_27 = vector.load %arg4[%swap3A_24, %swap3A_25, %swap3A_26] : memref<3x2000x128xf32, #tpu.memory_space<vmem>>, vector<1x2000x128xf32>
    %swap3A_28 = vector.shape_cast %swap3A_27 : vector<1x2000x128xf32> to vector<2000x128xf32>
    %swap3A_29 = vector.shape_cast %dot_general3A_23 : vector<2000x128xf32> to vector<1x2000x128xf32>
    tpu.vector_store %arg4[%swap3A_24, %swap3A_25, %swap3A_26], %swap3A_29 {strides = array<i32>} : memref<3x2000x128xf32, #tpu.memory_space<vmem>>, vector<1x2000x128xf32>,
    %get3A_30 = arith.constant 2 : index
    %get3A_31 = arith.constant 0 : index
    %get3A_32 = arith.constant 0 : index
    %get3A_33 = vector.load %arg3[%get3A_30, %get3A_31, %get3A_32] : memref<3x128x128xf32, #tpu.memory_space<vmem>>, vector<1x128x128xf32>
    %get3A_34 = vector.shape_cast %get3A_33 : vector<1x128x128xf32> to vector<128x128xf32>
    %dot_general3A_35 = arith.constant dense<0.000000e+00> : vector<2000x128xf32>
    %dot_general3A_36 = tpu.matmul %mul3A_5, %get3A_34, %dot_general3A_35 {dimension_numbers = #tpu.dot_dimension_numbers<[1], [0], [0], [1], [0, 0, 1, 1], [], []>, precision = #tpu.contract_precision<fp32>, transpose_lhs_hint = false} : vector<2000x128xf32>, vector<128x128xf32>, vector<2000x128xf32> -> vector<2000x128xf32>
    %swap3A_37 = arith.constant 2 : index
    %swap3A_38 = arith.constant 0 : index
    %swap3A_39 = arith.constant 0 : index
    %swap3A_40 = vector.load %arg4[%swap3A_37, %swap3A_38, %swap3A_39] : memref<3x2000x128xf32, #tpu.memory_space<vmem>>, vector<1x2000x128xf32>
    %swap3A_41 = vector.shape_cast %swap3A_40 : vector<1x2000x128xf32> to vector<2000x128xf32>
    %swap3A_42 = vector.shape_cast %dot_general3A_36 : vector<2000x128xf32> to vector<1x2000x128xf32>
    tpu.vector_store %arg4[%swap3A_37, %swap3A_38, %swap3A_39], %swap3A_42 {strides = array<i32>} : memref<3x2000x128xf32, #tpu.memory_space<vmem>>, vector<1x2000x128xf32>,
    return
  }
  func.func @transform_0(%arg0: i32) -> (i32, i32) {
    %c0_i32 = arith.constant 0 : i32
    %c0_i32_0 = arith.constant 0 : i32
    return %arg0, %c0_i32 : i32, i32
  }
  func.func @transform_1(%arg0: i32) -> (i32, i32) {
    %c0_i32 = arith.constant 0 : i32
    %c0_i32_0 = arith.constant 0 : i32
    return %arg0, %c0_i32 : i32, i32
  }
  func.func @transform_2(%arg0: i32) -> (i32, i32, i32) {
    %c0_i32 = arith.constant 0 : i32
    %c0_i32_0 = arith.constant 0 : i32
    %c0_i32_1 = arith.constant 0 : i32
    %c0_i32_2 = arith.constant 0 : i32
    return %c0_i32, %c0_i32_0, %c0_i32_1 : i32, i32, i32
  }
  func.func @transform_3(%arg0: i32) -> (i32, i32, i32) {
    %c0_i32 = arith.constant 0 : i32
    %c0_i32_0 = arith.constant 0 : i32
    %c0_i32_1 = arith.constant 0 : i32
    return %c0_i32, %arg0, %c0_i32_0 : i32, i32, i32
  }
}

module attributes {stable_mosaic.version = 14 : i64} {
  func.func @_lin1_body(%arg0: i32, %arg1: memref<1000x256xf32, #tpu.memory_space<vmem>>, %arg2: memref<256x128xf32, #tpu.memory_space<vmem>>, %arg3: memref<1x128xf32, #tpu.memory_space<vmem>>, %arg4: memref<1000x128xf32, #tpu.memory_space<vmem>>) attributes {dimension_semantics = [#tpu.dimension_semantics<arbitrary>], iteration_bounds = array<i64: 8>, scalar_prefetch = 0 : i64, scratch_operands = 0 : i64, tpu.core_type = #tpu.core_type<tc>, window_params = [{transform_indices = @transform_0, window_bounds = array<i64: 1000, 256>}, {pipeline_mode = #tpu.pipeline_mode<synchronous>, transform_indices = @transform_1, window_bounds = array<i64: 256, 128>}, {pipeline_mode = #tpu.pipeline_mode<synchronous>, transform_indices = @transform_2, window_bounds = array<i64: 1, 128>}, {transform_indices = @transform_3, window_bounds = array<i64: 1000, 128>}]} {
    %get3A = arith.constant 0 : index
    %get3A_0 = arith.constant 0 : index
    %get3A_1 = vector.load %arg1[%get3A, %get3A_0] : memref<1000x256xf32, #tpu.memory_space<vmem>>, vector<1000x256xf32>
    %get3A_2 = arith.constant 0 : index
    %get3A_3 = arith.constant 0 : index
    %get3A_4 = vector.load %arg2[%get3A_2, %get3A_3] : memref<256x128xf32, #tpu.memory_space<vmem>>, vector<256x128xf32>
    %dot_general3A = arith.constant dense<0.000000e+00> : vector<1000x128xf32>
    %dot_general3A_5 = tpu.matmul %get3A_1, %get3A_4, %dot_general3A {dimension_numbers = #tpu.dot_dimension_numbers<[1], [0], [0], [1], [0, 0, 1, 1], [], []>, precision = #tpu.contract_precision<fp32>, transpose_lhs_hint = false} : vector<1000x256xf32>, vector<256x128xf32>, vector<1000x128xf32> -> vector<1000x128xf32>
    %get3A_6 = arith.constant 0 : index
    %get3A_7 = arith.constant 0 : index
    %get3A_8 = vector.load %arg3[%get3A_6, %get3A_7] : memref<1x128xf32, #tpu.memory_space<vmem>>, vector<1x128xf32>
    %add3A = vector.broadcast %get3A_8 : vector<1x128xf32> to vector<1000x128xf32>
    %add3A_9 = arith.addf %dot_general3A_5, %add3A : vector<1000x128xf32>
    %max3A = arith.constant 0.000000e+00 : f32
    %max3A_10 = vector.broadcast %max3A : f32 to vector<1000x128xf32>
    %max3A_11 = arith.maximumf %add3A_9, %max3A_10 : vector<1000x128xf32>
    %swap3A = arith.constant 0 : index
    %swap3A_12 = arith.constant 0 : index
    %swap3A_13 = vector.load %arg4[%swap3A, %swap3A_12] : memref<1000x128xf32, #tpu.memory_space<vmem>>, vector<1000x128xf32>
    tpu.vector_store %arg4[%swap3A, %swap3A_12], %max3A_11 {strides = array<i32>} : memref<1000x128xf32, #tpu.memory_space<vmem>>, vector<1000x128xf32>,
    return
  }
  func.func @transform_0(%arg0: i32) -> (i32, i32) {
    %c0_i32 = arith.constant 0 : i32
    %c0_i32_0 = arith.constant 0 : i32
    return %arg0, %c0_i32 : i32, i32
  }
  func.func @transform_1(%arg0: i32) -> (i32, i32) {
    %c0_i32 = arith.constant 0 : i32
    %c0_i32_0 = arith.constant 0 : i32
    %c0_i32_1 = arith.constant 0 : i32
    return %c0_i32, %c0_i32_0 : i32, i32
  }
  func.func @transform_2(%arg0: i32) -> (i32, i32) {
    %c0_i32 = arith.constant 0 : i32
    %c0_i32_0 = arith.constant 0 : i32
    %c0_i32_1 = arith.constant 0 : i32
    return %c0_i32, %c0_i32_0 : i32, i32
  }
  func.func @transform_3(%arg0: i32) -> (i32, i32) {
    %c0_i32 = arith.constant 0 : i32
    %c0_i32_0 = arith.constant 0 : i32
    return %arg0, %c0_i32 : i32, i32
  }
}

module attributes {stable_mosaic.version = 14 : i64} {
  func.func @_d_body(%arg0: i32, %arg1: memref<2000x128xf32, #tpu.memory_space<vmem>>, %arg2: memref<128x128xf32, #tpu.memory_space<vmem>>, %arg3: memref<1x128xf32, #tpu.memory_space<vmem>>, %arg4: memref<2000x128xf32, #tpu.memory_space<vmem>>) attributes {dimension_semantics = [#tpu.dimension_semantics<arbitrary>], iteration_bounds = array<i64: 5>, scalar_prefetch = 0 : i64, scratch_operands = 0 : i64, tpu.core_type = #tpu.core_type<tc>, window_params = [{transform_indices = @transform_0, window_bounds = array<i64: 2000, 128>}, {pipeline_mode = #tpu.pipeline_mode<synchronous>, transform_indices = @transform_1, window_bounds = array<i64: 128, 128>}, {pipeline_mode = #tpu.pipeline_mode<synchronous>, transform_indices = @transform_2, window_bounds = array<i64: 1, 128>}, {transform_indices = @transform_3, window_bounds = array<i64: 2000, 128>}]} {
    %get3A = arith.constant 0 : index
    %get3A_0 = arith.constant 0 : index
    %get3A_1 = vector.load %arg1[%get3A, %get3A_0] : memref<2000x128xf32, #tpu.memory_space<vmem>>, vector<2000x128xf32>
    %get3A_2 = arith.constant 0 : index
    %get3A_3 = arith.constant 0 : index
    %get3A_4 = vector.load %arg2[%get3A_2, %get3A_3] : memref<128x128xf32, #tpu.memory_space<vmem>>, vector<128x128xf32>
    %dot_general3A = arith.constant dense<0.000000e+00> : vector<2000x128xf32>
    %dot_general3A_5 = tpu.matmul %get3A_1, %get3A_4, %dot_general3A {dimension_numbers = #tpu.dot_dimension_numbers<[1], [0], [0], [1], [0, 0, 1, 1], [], []>, precision = #tpu.contract_precision<fp32>, transpose_lhs_hint = false} : vector<2000x128xf32>, vector<128x128xf32>, vector<2000x128xf32> -> vector<2000x128xf32>
    %get3A_6 = arith.constant 0 : index
    %get3A_7 = arith.constant 0 : index
    %get3A_8 = vector.load %arg3[%get3A_6, %get3A_7] : memref<1x128xf32, #tpu.memory_space<vmem>>, vector<1x128xf32>
    %add3A = vector.broadcast %get3A_8 : vector<1x128xf32> to vector<2000x128xf32>
    %add3A_9 = arith.addf %dot_general3A_5, %add3A : vector<2000x128xf32>
    %swap3A = arith.constant 0 : index
    %swap3A_10 = arith.constant 0 : index
    %swap3A_11 = vector.load %arg4[%swap3A, %swap3A_10] : memref<2000x128xf32, #tpu.memory_space<vmem>>, vector<2000x128xf32>
    tpu.vector_store %arg4[%swap3A, %swap3A_10], %add3A_9 {strides = array<i32>} : memref<2000x128xf32, #tpu.memory_space<vmem>>, vector<2000x128xf32>,
    return
  }
  func.func @transform_0(%arg0: i32) -> (i32, i32) {
    %c0_i32 = arith.constant 0 : i32
    %c0_i32_0 = arith.constant 0 : i32
    return %arg0, %c0_i32 : i32, i32
  }
  func.func @transform_1(%arg0: i32) -> (i32, i32) {
    %c0_i32 = arith.constant 0 : i32
    %c0_i32_0 = arith.constant 0 : i32
    %c0_i32_1 = arith.constant 0 : i32
    return %c0_i32, %c0_i32_0 : i32, i32
  }
  func.func @transform_2(%arg0: i32) -> (i32, i32) {
    %c0_i32 = arith.constant 0 : i32
    %c0_i32_0 = arith.constant 0 : i32
    %c0_i32_1 = arith.constant 0 : i32
    return %c0_i32, %c0_i32_0 : i32, i32
  }
  func.func @transform_3(%arg0: i32) -> (i32, i32) {
    %c0_i32 = arith.constant 0 : i32
    %c0_i32_0 = arith.constant 0 : i32
    return %arg0, %c0_i32 : i32, i32
  }
}

module attributes {stable_mosaic.version = 14 : i64} {
  func.func @_combine_body(%arg0: memref<2x10240x128xf32, #tpu.memory_space<vmem>>, %arg1: memref<10000x128xf32, #tpu.memory_space<vmem>>, %arg2: memref<10000x1xf32, #tpu.memory_space<vmem>>, %arg3: memref<10000x128xf32, #tpu.memory_space<vmem>>) attributes {dimension_semantics = [], scalar_prefetch = 0 : i64, scratch_operands = 0 : i64, tpu.core_type = #tpu.core_type<tc>} {
    %get3A = arith.constant 0 : index
    %get3A_0 = arith.constant 0 : index
    %get3A_1 = arith.constant 0 : index
    %get3A_2 = vector.load %arg0[%get3A, %get3A_0, %get3A_1] : memref<2x10240x128xf32, #tpu.memory_space<vmem>>, vector<1x10240x128xf32>
    %get3A_3 = vector.shape_cast %get3A_2 : vector<1x10240x128xf32> to vector<10240x128xf32>
    %slice3A = vector.extract_strided_slice %get3A_3 {offsets = [0, 0], sizes = [10000, 128], strides = [1, 1]} : vector<10240x128xf32> to vector<10000x128xf32>
    %get3A_4 = arith.constant 1 : index
    %get3A_5 = arith.constant 0 : index
    %get3A_6 = arith.constant 0 : index
    %get3A_7 = vector.load %arg0[%get3A_4, %get3A_5, %get3A_6] : memref<2x10240x128xf32, #tpu.memory_space<vmem>>, vector<1x10240x128xf32>
    %get3A_8 = vector.shape_cast %get3A_7 : vector<1x10240x128xf32> to vector<10240x128xf32>
    %slice3A_9 = vector.extract_strided_slice %get3A_8 {offsets = [0, 0], sizes = [10000, 128], strides = [1, 1]} : vector<10240x128xf32> to vector<10000x128xf32>
    %add3A = arith.addf %slice3A, %slice3A_9 : vector<10000x128xf32>
    %get3A_10 = arith.constant 0 : index
    %get3A_11 = arith.constant 0 : index
    %get3A_12 = vector.load %arg1[%get3A_10, %get3A_11] : memref<10000x128xf32, #tpu.memory_space<vmem>>, vector<10000x128xf32>
    %get3A_13 = arith.constant 0 : index
    %get3A_14 = arith.constant 0 : index
    %get3A_15 = vector.load %arg2[%get3A_13, %get3A_14] : memref<10000x1xf32, #tpu.memory_space<vmem>>, vector<10000x1xf32>
    %mul3A = vector.broadcast %get3A_15 : vector<10000x1xf32> to vector<10000x128xf32>
    %mul3A_16 = arith.mulf %mul3A, %add3A : vector<10000x128xf32>
    %add3A_17 = arith.addf %get3A_12, %mul3A_16 : vector<10000x128xf32>
    %max3A = arith.constant 0.000000e+00 : f32
    %max3A_18 = vector.broadcast %max3A : f32 to vector<10000x128xf32>
    %max3A_19 = arith.maximumf %add3A_17, %max3A_18 : vector<10000x128xf32>
    %slice3A_20 = vector.extract_strided_slice %max3A_19 {offsets = [0, 0], sizes = [8000, 128], strides = [1, 1]} : vector<10000x128xf32> to vector<8000x128xf32>
    %reduce_sum3A = arith.constant dense<0.000000e+00> : vector<128xf32>
    %reduce_sum3A_21 = vector.multi_reduction <add>, %slice3A_20, %reduce_sum3A [0] : vector<8000x128xf32> to vector<128xf32>
    %broadcast_in_dim3A = vector.shape_cast %reduce_sum3A_21 : vector<128xf32> to vector<1x128xf32>
    %div3A = arith.constant 8.000000e+03 : f32
    %div3A_22 = vector.broadcast %div3A : f32 to vector<1x128xf32>
    %div3A_23 = arith.divf %broadcast_in_dim3A, %div3A_22 : vector<1x128xf32>
    %sub3A = vector.broadcast %div3A_23 : vector<1x128xf32> to vector<8000x128xf32>
    %sub3A_24 = arith.subf %slice3A_20, %sub3A : vector<8000x128xf32>
    %integer_pow3A = arith.mulf %sub3A_24, %sub3A_24 : vector<8000x128xf32>
    %reduce_sum3A_25 = arith.constant dense<0.000000e+00> : vector<128xf32>
    %reduce_sum3A_26 = vector.multi_reduction <add>, %integer_pow3A, %reduce_sum3A_25 [0] : vector<8000x128xf32> to vector<128xf32>
    %broadcast_in_dim3A_27 = vector.shape_cast %reduce_sum3A_26 : vector<128xf32> to vector<1x128xf32>
    %div3A_28 = arith.constant 8.000000e+03 : f32
    %div3A_29 = vector.broadcast %div3A_28 : f32 to vector<1x128xf32>
    %div3A_30 = arith.divf %broadcast_in_dim3A_27, %div3A_29 : vector<1x128xf32>
    %sub3A_31 = vector.broadcast %div3A_23 : vector<1x128xf32> to vector<8000x128xf32>
    %sub3A_32 = arith.subf %slice3A_20, %sub3A_31 : vector<8000x128xf32>
    %add3A_33 = arith.constant 9.99999974E-6 : f32
    %add3A_34 = vector.broadcast %add3A_33 : f32 to vector<1x128xf32>
    %add3A_35 = arith.addf %div3A_30, %add3A_34 : vector<1x128xf32>
    %rsqrt3A = math.rsqrt %add3A_35 : vector<1x128xf32>
    %mul3A_36 = vector.broadcast %rsqrt3A : vector<1x128xf32> to vector<8000x128xf32>
    %mul3A_37 = arith.mulf %sub3A_32, %mul3A_36 : vector<8000x128xf32>
    %swap3A = arith.constant 0 : index
    %swap3A_38 = arith.constant 0 : index
    %swap3A_39 = vector.load %arg3[%swap3A, %swap3A_38] : memref<10000x128xf32, #tpu.memory_space<vmem>>, vector<8000x128xf32>
    tpu.vector_store %arg3[%swap3A, %swap3A_38], %mul3A_37 {strides = array<i32>} : memref<10000x128xf32, #tpu.memory_space<vmem>>, vector<8000x128xf32>,
    %slice3A_40 = vector.extract_strided_slice %max3A_19 {offsets = [8000, 0], sizes = [800, 128], strides = [1, 1]} : vector<10000x128xf32> to vector<800x128xf32>
    %reduce_sum3A_41 = arith.constant dense<0.000000e+00> : vector<128xf32>
    %reduce_sum3A_42 = vector.multi_reduction <add>, %slice3A_40, %reduce_sum3A_41 [0] : vector<800x128xf32> to vector<128xf32>
    %broadcast_in_dim3A_43 = vector.shape_cast %reduce_sum3A_42 : vector<128xf32> to vector<1x128xf32>
    %div3A_44 = arith.constant 8.000000e+02 : f32
    %div3A_45 = vector.broadcast %div3A_44 : f32 to vector<1x128xf32>
    %div3A_46 = arith.divf %broadcast_in_dim3A_43, %div3A_45 : vector<1x128xf32>
    %sub3A_47 = vector.broadcast %div3A_46 : vector<1x128xf32> to vector<800x128xf32>
    %sub3A_48 = arith.subf %slice3A_40, %sub3A_47 : vector<800x128xf32>
    %integer_pow3A_49 = arith.mulf %sub3A_48, %sub3A_48 : vector<800x128xf32>
    %reduce_sum3A_50 = arith.constant dense<0.000000e+00> : vector<128xf32>
    %reduce_sum3A_51 = vector.multi_reduction <add>, %integer_pow3A_49, %reduce_sum3A_50 [0] : vector<800x128xf32> to vector<128xf32>
    %broadcast_in_dim3A_52 = vector.shape_cast %reduce_sum3A_51 : vector<128xf32> to vector<1x128xf32>
    %div3A_53 = arith.constant 8.000000e+02 : f32
    %div3A_54 = vector.broadcast %div3A_53 : f32 to vector<1x128xf32>
    %div3A_55 = arith.divf %broadcast_in_dim3A_52, %div3A_54 : vector<1x128xf32>
    %sub3A_56 = vector.broadcast %div3A_46 : vector<1x128xf32> to vector<800x128xf32>
    %sub3A_57 = arith.subf %slice3A_40, %sub3A_56 : vector<800x128xf32>
    %add3A_58 = arith.constant 9.99999974E-6 : f32
    %add3A_59 = vector.broadcast %add3A_58 : f32 to vector<1x128xf32>
    %add3A_60 = arith.addf %div3A_55, %add3A_59 : vector<1x128xf32>
    %rsqrt3A_61 = math.rsqrt %add3A_60 : vector<1x128xf32>
    %mul3A_62 = vector.broadcast %rsqrt3A_61 : vector<1x128xf32> to vector<800x128xf32>
    %mul3A_63 = arith.mulf %sub3A_57, %mul3A_62 : vector<800x128xf32>
    %swap3A_64 = arith.constant 8000 : index
    %swap3A_65 = arith.constant 0 : index
    %swap3A_66 = vector.load %arg3[%swap3A_64, %swap3A_65] : memref<10000x128xf32, #tpu.memory_space<vmem>>, vector<800x128xf32>
    tpu.vector_store %arg3[%swap3A_64, %swap3A_65], %mul3A_63 {strides = array<i32>} : memref<10000x128xf32, #tpu.memory_space<vmem>>, vector<800x128xf32>,
    %slice3A_67 = vector.extract_strided_slice %max3A_19 {offsets = [8800, 0], sizes = [1000, 128], strides = [1, 1]} : vector<10000x128xf32> to vector<1000x128xf32>
    %reduce_sum3A_68 = arith.constant dense<0.000000e+00> : vector<128xf32>
    %reduce_sum3A_69 = vector.multi_reduction <add>, %slice3A_67, %reduce_sum3A_68 [0] : vector<1000x128xf32> to vector<128xf32>
    %broadcast_in_dim3A_70 = vector.shape_cast %reduce_sum3A_69 : vector<128xf32> to vector<1x128xf32>
    %div3A_71 = arith.constant 1.000000e+03 : f32
    %div3A_72 = vector.broadcast %div3A_71 : f32 to vector<1x128xf32>
    %div3A_73 = arith.divf %broadcast_in_dim3A_70, %div3A_72 : vector<1x128xf32>
    %sub3A_74 = vector.broadcast %div3A_73 : vector<1x128xf32> to vector<1000x128xf32>
    %sub3A_75 = arith.subf %slice3A_67, %sub3A_74 : vector<1000x128xf32>
    %integer_pow3A_76 = arith.mulf %sub3A_75, %sub3A_75 : vector<1000x128xf32>
    %reduce_sum3A_77 = arith.constant dense<0.000000e+00> : vector<128xf32>
    %reduce_sum3A_78 = vector.multi_reduction <add>, %integer_pow3A_76, %reduce_sum3A_77 [0] : vector<1000x128xf32> to vector<128xf32>
    %broadcast_in_dim3A_79 = vector.shape_cast %reduce_sum3A_78 : vector<128xf32> to vector<1x128xf32>
    %div3A_80 = arith.constant 1.000000e+03 : f32
    %div3A_81 = vector.broadcast %div3A_80 : f32 to vector<1x128xf32>
    %div3A_82 = arith.divf %broadcast_in_dim3A_79, %div3A_81 : vector<1x128xf32>
    %sub3A_83 = vector.broadcast %div3A_73 : vector<1x128xf32> to vector<1000x128xf32>
    %sub3A_84 = arith.subf %slice3A_67, %sub3A_83 : vector<1000x128xf32>
    %add3A_85 = arith.constant 9.99999974E-6 : f32
    %add3A_86 = vector.broadcast %add3A_85 : f32 to vector<1x128xf32>
    %add3A_87 = arith.addf %div3A_82, %add3A_86 : vector<1x128xf32>
    %rsqrt3A_88 = math.rsqrt %add3A_87 : vector<1x128xf32>
    %mul3A_89 = vector.broadcast %rsqrt3A_88 : vector<1x128xf32> to vector<1000x128xf32>
    %mul3A_90 = arith.mulf %sub3A_84, %mul3A_89 : vector<1000x128xf32>
    %swap3A_91 = arith.constant 8800 : index
    %swap3A_92 = arith.constant 0 : index
    %swap3A_93 = vector.load %arg3[%swap3A_91, %swap3A_92] : memref<10000x128xf32, #tpu.memory_space<vmem>>, vector<1000x128xf32>
    tpu.vector_store %arg3[%swap3A_91, %swap3A_92], %mul3A_90 {strides = array<i32>} : memref<10000x128xf32, #tpu.memory_space<vmem>>, vector<1000x128xf32>,
    %slice3A_94 = vector.extract_strided_slice %max3A_19 {offsets = [9800, 0], sizes = [200, 128], strides = [1, 1]} : vector<10000x128xf32> to vector<200x128xf32>
    %reduce_sum3A_95 = arith.constant dense<0.000000e+00> : vector<128xf32>
    %reduce_sum3A_96 = vector.multi_reduction <add>, %slice3A_94, %reduce_sum3A_95 [0] : vector<200x128xf32> to vector<128xf32>
    %broadcast_in_dim3A_97 = vector.shape_cast %reduce_sum3A_96 : vector<128xf32> to vector<1x128xf32>
    %div3A_98 = arith.constant 2.000000e+02 : f32
    %div3A_99 = vector.broadcast %div3A_98 : f32 to vector<1x128xf32>
    %div3A_100 = arith.divf %broadcast_in_dim3A_97, %div3A_99 : vector<1x128xf32>
    %sub3A_101 = vector.broadcast %div3A_100 : vector<1x128xf32> to vector<200x128xf32>
    %sub3A_102 = arith.subf %slice3A_94, %sub3A_101 : vector<200x128xf32>
    %integer_pow3A_103 = arith.mulf %sub3A_102, %sub3A_102 : vector<200x128xf32>
    %reduce_sum3A_104 = arith.constant dense<0.000000e+00> : vector<128xf32>
    %reduce_sum3A_105 = vector.multi_reduction <add>, %integer_pow3A_103, %reduce_sum3A_104 [0] : vector<200x128xf32> to vector<128xf32>
    %broadcast_in_dim3A_106 = vector.shape_cast %reduce_sum3A_105 : vector<128xf32> to vector<1x128xf32>
    %div3A_107 = arith.constant 2.000000e+02 : f32
    %div3A_108 = vector.broadcast %div3A_107 : f32 to vector<1x128xf32>
    %div3A_109 = arith.divf %broadcast_in_dim3A_106, %div3A_108 : vector<1x128xf32>
    %sub3A_110 = vector.broadcast %div3A_100 : vector<1x128xf32> to vector<200x128xf32>
    %sub3A_111 = arith.subf %slice3A_94, %sub3A_110 : vector<200x128xf32>
    %add3A_112 = arith.constant 9.99999974E-6 : f32
    %add3A_113 = vector.broadcast %add3A_112 : f32 to vector<1x128xf32>
    %add3A_114 = arith.addf %div3A_109, %add3A_113 : vector<1x128xf32>
    %rsqrt3A_115 = math.rsqrt %add3A_114 : vector<1x128xf32>
    %mul3A_116 = vector.broadcast %rsqrt3A_115 : vector<1x128xf32> to vector<200x128xf32>
    %mul3A_117 = arith.mulf %sub3A_111, %mul3A_116 : vector<200x128xf32>
    %swap3A_118 = arith.constant 9800 : index
    %swap3A_119 = arith.constant 0 : index
    %swap3A_120 = vector.load %arg3[%swap3A_118, %swap3A_119] : memref<10000x128xf32, #tpu.memory_space<vmem>>, vector<200x128xf32>
    tpu.vector_store %arg3[%swap3A_118, %swap3A_119], %mul3A_117 {strides = array<i32>} : memref<10000x128xf32, #tpu.memory_space<vmem>>, vector<200x128xf32>,
    return
  }
}

module attributes {stable_mosaic.version = 14 : i64} {
  func.func @_combine_body(%arg0: memref<2x10240x128xf32, #tpu.memory_space<vmem>>, %arg1: memref<10000x128xf32, #tpu.memory_space<vmem>>, %arg2: memref<10000x1xf32, #tpu.memory_space<vmem>>, %arg3: memref<10000x128xf32, #tpu.memory_space<vmem>>) attributes {dimension_semantics = [], scalar_prefetch = 0 : i64, scratch_operands = 0 : i64, tpu.core_type = #tpu.core_type<tc>} {
    %get3A = arith.constant 0 : index
    %get3A_0 = arith.constant 0 : index
    %get3A_1 = arith.constant 0 : index
    %get3A_2 = vector.load %arg0[%get3A, %get3A_0, %get3A_1] : memref<2x10240x128xf32, #tpu.memory_space<vmem>>, vector<1x10240x128xf32>
    %get3A_3 = vector.shape_cast %get3A_2 : vector<1x10240x128xf32> to vector<10240x128xf32>
    %slice3A = vector.extract_strided_slice %get3A_3 {offsets = [0, 0], sizes = [10000, 128], strides = [1, 1]} : vector<10240x128xf32> to vector<10000x128xf32>
    %get3A_4 = arith.constant 1 : index
    %get3A_5 = arith.constant 0 : index
    %get3A_6 = arith.constant 0 : index
    %get3A_7 = vector.load %arg0[%get3A_4, %get3A_5, %get3A_6] : memref<2x10240x128xf32, #tpu.memory_space<vmem>>, vector<1x10240x128xf32>
    %get3A_8 = vector.shape_cast %get3A_7 : vector<1x10240x128xf32> to vector<10240x128xf32>
    %slice3A_9 = vector.extract_strided_slice %get3A_8 {offsets = [0, 0], sizes = [10000, 128], strides = [1, 1]} : vector<10240x128xf32> to vector<10000x128xf32>
    %add3A = arith.addf %slice3A, %slice3A_9 : vector<10000x128xf32>
    %get3A_10 = arith.constant 0 : index
    %get3A_11 = arith.constant 0 : index
    %get3A_12 = vector.load %arg1[%get3A_10, %get3A_11] : memref<10000x128xf32, #tpu.memory_space<vmem>>, vector<10000x128xf32>
    %get3A_13 = arith.constant 0 : index
    %get3A_14 = arith.constant 0 : index
    %get3A_15 = vector.load %arg2[%get3A_13, %get3A_14] : memref<10000x1xf32, #tpu.memory_space<vmem>>, vector<10000x1xf32>
    %mul3A = vector.broadcast %get3A_15 : vector<10000x1xf32> to vector<10000x128xf32>
    %mul3A_16 = arith.mulf %mul3A, %add3A : vector<10000x128xf32>
    %add3A_17 = arith.addf %get3A_12, %mul3A_16 : vector<10000x128xf32>
    %slice3A_18 = vector.extract_strided_slice %add3A_17 {offsets = [0, 0], sizes = [8000, 128], strides = [1, 1]} : vector<10000x128xf32> to vector<8000x128xf32>
    %reduce_sum3A = arith.constant dense<0.000000e+00> : vector<128xf32>
    %reduce_sum3A_19 = vector.multi_reduction <add>, %slice3A_18, %reduce_sum3A [0] : vector<8000x128xf32> to vector<128xf32>
    %broadcast_in_dim3A = vector.shape_cast %reduce_sum3A_19 : vector<128xf32> to vector<1x128xf32>
    %div3A = arith.constant 8.000000e+03 : f32
    %div3A_20 = vector.broadcast %div3A : f32 to vector<1x128xf32>
    %div3A_21 = arith.divf %broadcast_in_dim3A, %div3A_20 : vector<1x128xf32>
    %sub3A = vector.broadcast %div3A_21 : vector<1x128xf32> to vector<8000x128xf32>
    %sub3A_22 = arith.subf %slice3A_18, %sub3A : vector<8000x128xf32>
    %integer_pow3A = arith.mulf %sub3A_22, %sub3A_22 : vector<8000x128xf32>
    %reduce_sum3A_23 = arith.constant dense<0.000000e+00> : vector<128xf32>
    %reduce_sum3A_24 = vector.multi_reduction <add>, %integer_pow3A, %reduce_sum3A_23 [0] : vector<8000x128xf32> to vector<128xf32>
    %broadcast_in_dim3A_25 = vector.shape_cast %reduce_sum3A_24 : vector<128xf32> to vector<1x128xf32>
    %div3A_26 = arith.constant 8.000000e+03 : f32
    %div3A_27 = vector.broadcast %div3A_26 : f32 to vector<1x128xf32>
    %div3A_28 = arith.divf %broadcast_in_dim3A_25, %div3A_27 : vector<1x128xf32>
    %sub3A_29 = vector.broadcast %div3A_21 : vector<1x128xf32> to vector<8000x128xf32>
    %sub3A_30 = arith.subf %slice3A_18, %sub3A_29 : vector<8000x128xf32>
    %add3A_31 = arith.constant 9.99999974E-6 : f32
    %add3A_32 = vector.broadcast %add3A_31 : f32 to vector<1x128xf32>
    %add3A_33 = arith.addf %div3A_28, %add3A_32 : vector<1x128xf32>
    %rsqrt3A = math.rsqrt %add3A_33 : vector<1x128xf32>
    %mul3A_34 = vector.broadcast %rsqrt3A : vector<1x128xf32> to vector<8000x128xf32>
    %mul3A_35 = arith.mulf %sub3A_30, %mul3A_34 : vector<8000x128xf32>
    %swap3A = arith.constant 0 : index
    %swap3A_36 = arith.constant 0 : index
    %swap3A_37 = vector.load %arg3[%swap3A, %swap3A_36] : memref<10000x128xf32, #tpu.memory_space<vmem>>, vector<8000x128xf32>
    tpu.vector_store %arg3[%swap3A, %swap3A_36], %mul3A_35 {strides = array<i32>} : memref<10000x128xf32, #tpu.memory_space<vmem>>, vector<8000x128xf32>,
    %slice3A_38 = vector.extract_strided_slice %add3A_17 {offsets = [8000, 0], sizes = [800, 128], strides = [1, 1]} : vector<10000x128xf32> to vector<800x128xf32>
    %reduce_sum3A_39 = arith.constant dense<0.000000e+00> : vector<128xf32>
    %reduce_sum3A_40 = vector.multi_reduction <add>, %slice3A_38, %reduce_sum3A_39 [0] : vector<800x128xf32> to vector<128xf32>
    %broadcast_in_dim3A_41 = vector.shape_cast %reduce_sum3A_40 : vector<128xf32> to vector<1x128xf32>
    %div3A_42 = arith.constant 8.000000e+02 : f32
    %div3A_43 = vector.broadcast %div3A_42 : f32 to vector<1x128xf32>
    %div3A_44 = arith.divf %broadcast_in_dim3A_41, %div3A_43 : vector<1x128xf32>
    %sub3A_45 = vector.broadcast %div3A_44 : vector<1x128xf32> to vector<800x128xf32>
    %sub3A_46 = arith.subf %slice3A_38, %sub3A_45 : vector<800x128xf32>
    %integer_pow3A_47 = arith.mulf %sub3A_46, %sub3A_46 : vector<800x128xf32>
    %reduce_sum3A_48 = arith.constant dense<0.000000e+00> : vector<128xf32>
    %reduce_sum3A_49 = vector.multi_reduction <add>, %integer_pow3A_47, %reduce_sum3A_48 [0] : vector<800x128xf32> to vector<128xf32>
    %broadcast_in_dim3A_50 = vector.shape_cast %reduce_sum3A_49 : vector<128xf32> to vector<1x128xf32>
    %div3A_51 = arith.constant 8.000000e+02 : f32
    %div3A_52 = vector.broadcast %div3A_51 : f32 to vector<1x128xf32>
    %div3A_53 = arith.divf %broadcast_in_dim3A_50, %div3A_52 : vector<1x128xf32>
    %sub3A_54 = vector.broadcast %div3A_44 : vector<1x128xf32> to vector<800x128xf32>
    %sub3A_55 = arith.subf %slice3A_38, %sub3A_54 : vector<800x128xf32>
    %add3A_56 = arith.constant 9.99999974E-6 : f32
    %add3A_57 = vector.broadcast %add3A_56 : f32 to vector<1x128xf32>
    %add3A_58 = arith.addf %div3A_53, %add3A_57 : vector<1x128xf32>
    %rsqrt3A_59 = math.rsqrt %add3A_58 : vector<1x128xf32>
    %mul3A_60 = vector.broadcast %rsqrt3A_59 : vector<1x128xf32> to vector<800x128xf32>
    %mul3A_61 = arith.mulf %sub3A_55, %mul3A_60 : vector<800x128xf32>
    %swap3A_62 = arith.constant 8000 : index
    %swap3A_63 = arith.constant 0 : index
    %swap3A_64 = vector.load %arg3[%swap3A_62, %swap3A_63] : memref<10000x128xf32, #tpu.memory_space<vmem>>, vector<800x128xf32>
    tpu.vector_store %arg3[%swap3A_62, %swap3A_63], %mul3A_61 {strides = array<i32>} : memref<10000x128xf32, #tpu.memory_space<vmem>>, vector<800x128xf32>,
    %slice3A_65 = vector.extract_strided_slice %add3A_17 {offsets = [8800, 0], sizes = [1000, 128], strides = [1, 1]} : vector<10000x128xf32> to vector<1000x128xf32>
    %reduce_sum3A_66 = arith.constant dense<0.000000e+00> : vector<128xf32>
    %reduce_sum3A_67 = vector.multi_reduction <add>, %slice3A_65, %reduce_sum3A_66 [0] : vector<1000x128xf32> to vector<128xf32>
    %broadcast_in_dim3A_68 = vector.shape_cast %reduce_sum3A_67 : vector<128xf32> to vector<1x128xf32>
    %div3A_69 = arith.constant 1.000000e+03 : f32
    %div3A_70 = vector.broadcast %div3A_69 : f32 to vector<1x128xf32>
    %div3A_71 = arith.divf %broadcast_in_dim3A_68, %div3A_70 : vector<1x128xf32>
    %sub3A_72 = vector.broadcast %div3A_71 : vector<1x128xf32> to vector<1000x128xf32>
    %sub3A_73 = arith.subf %slice3A_65, %sub3A_72 : vector<1000x128xf32>
    %integer_pow3A_74 = arith.mulf %sub3A_73, %sub3A_73 : vector<1000x128xf32>
    %reduce_sum3A_75 = arith.constant dense<0.000000e+00> : vector<128xf32>
    %reduce_sum3A_76 = vector.multi_reduction <add>, %integer_pow3A_74, %reduce_sum3A_75 [0] : vector<1000x128xf32> to vector<128xf32>
    %broadcast_in_dim3A_77 = vector.shape_cast %reduce_sum3A_76 : vector<128xf32> to vector<1x128xf32>
    %div3A_78 = arith.constant 1.000000e+03 : f32
    %div3A_79 = vector.broadcast %div3A_78 : f32 to vector<1x128xf32>
    %div3A_80 = arith.divf %broadcast_in_dim3A_77, %div3A_79 : vector<1x128xf32>
    %sub3A_81 = vector.broadcast %div3A_71 : vector<1x128xf32> to vector<1000x128xf32>
    %sub3A_82 = arith.subf %slice3A_65, %sub3A_81 : vector<1000x128xf32>
    %add3A_83 = arith.constant 9.99999974E-6 : f32
    %add3A_84 = vector.broadcast %add3A_83 : f32 to vector<1x128xf32>
    %add3A_85 = arith.addf %div3A_80, %add3A_84 : vector<1x128xf32>
    %rsqrt3A_86 = math.rsqrt %add3A_85 : vector<1x128xf32>
    %mul3A_87 = vector.broadcast %rsqrt3A_86 : vector<1x128xf32> to vector<1000x128xf32>
    %mul3A_88 = arith.mulf %sub3A_82, %mul3A_87 : vector<1000x128xf32>
    %swap3A_89 = arith.constant 8800 : index
    %swap3A_90 = arith.constant 0 : index
    %swap3A_91 = vector.load %arg3[%swap3A_89, %swap3A_90] : memref<10000x128xf32, #tpu.memory_space<vmem>>, vector<1000x128xf32>
    tpu.vector_store %arg3[%swap3A_89, %swap3A_90], %mul3A_88 {strides = array<i32>} : memref<10000x128xf32, #tpu.memory_space<vmem>>, vector<1000x128xf32>,
    %slice3A_92 = vector.extract_strided_slice %add3A_17 {offsets = [9800, 0], sizes = [200, 128], strides = [1, 1]} : vector<10000x128xf32> to vector<200x128xf32>
    %reduce_sum3A_93 = arith.constant dense<0.000000e+00> : vector<128xf32>
    %reduce_sum3A_94 = vector.multi_reduction <add>, %slice3A_92, %reduce_sum3A_93 [0] : vector<200x128xf32> to vector<128xf32>
    %broadcast_in_dim3A_95 = vector.shape_cast %reduce_sum3A_94 : vector<128xf32> to vector<1x128xf32>
    %div3A_96 = arith.constant 2.000000e+02 : f32
    %div3A_97 = vector.broadcast %div3A_96 : f32 to vector<1x128xf32>
    %div3A_98 = arith.divf %broadcast_in_dim3A_95, %div3A_97 : vector<1x128xf32>
    %sub3A_99 = vector.broadcast %div3A_98 : vector<1x128xf32> to vector<200x128xf32>
    %sub3A_100 = arith.subf %slice3A_92, %sub3A_99 : vector<200x128xf32>
    %integer_pow3A_101 = arith.mulf %sub3A_100, %sub3A_100 : vector<200x128xf32>
    %reduce_sum3A_102 = arith.constant dense<0.000000e+00> : vector<128xf32>
    %reduce_sum3A_103 = vector.multi_reduction <add>, %integer_pow3A_101, %reduce_sum3A_102 [0] : vector<200x128xf32> to vector<128xf32>
    %broadcast_in_dim3A_104 = vector.shape_cast %reduce_sum3A_103 : vector<128xf32> to vector<1x128xf32>
    %div3A_105 = arith.constant 2.000000e+02 : f32
    %div3A_106 = vector.broadcast %div3A_105 : f32 to vector<1x128xf32>
    %div3A_107 = arith.divf %broadcast_in_dim3A_104, %div3A_106 : vector<1x128xf32>
    %sub3A_108 = vector.broadcast %div3A_98 : vector<1x128xf32> to vector<200x128xf32>
    %sub3A_109 = arith.subf %slice3A_92, %sub3A_108 : vector<200x128xf32>
    %add3A_110 = arith.constant 9.99999974E-6 : f32
    %add3A_111 = vector.broadcast %add3A_110 : f32 to vector<1x128xf32>
    %add3A_112 = arith.addf %div3A_107, %add3A_111 : vector<1x128xf32>
    %rsqrt3A_113 = math.rsqrt %add3A_112 : vector<1x128xf32>
    %mul3A_114 = vector.broadcast %rsqrt3A_113 : vector<1x128xf32> to vector<200x128xf32>
    %mul3A_115 = arith.mulf %sub3A_109, %mul3A_114 : vector<200x128xf32>
    %swap3A_116 = arith.constant 9800 : index
    %swap3A_117 = arith.constant 0 : index
    %swap3A_118 = vector.load %arg3[%swap3A_116, %swap3A_117] : memref<10000x128xf32, #tpu.memory_space<vmem>>, vector<200x128xf32>
    tpu.vector_store %arg3[%swap3A_116, %swap3A_117], %mul3A_115 {strides = array<i32>} : memref<10000x128xf32, #tpu.memory_space<vmem>>, vector<200x128xf32>,
    return
  }
}

</mosaic_0001>

<sc_bundles>
// kernel: kernel.17.cloned.1.call-start
scs
__scs_entry_jumppad:
0x0: {  	(pc) =	sbr.rel $0x88, $3  }
0x1: {  	(tag) =	ssettag $0x0;
	lr =	simm.s32 $0x1  }
0x2: {  	[smem:$0x3F90] =	sst lr;
	_ =	strace $0xD0000000  }
0x3: {  	_ = 	snop  }
0x4: {  	_ = 	snop  }
0x5: {  	_ = 	snop  }
0x6: {  	_ = 	snop  }
0x7: {  	_ = 	snop  }
__scs_overlays_trampoline_lowered:
0x8: {  	[smem:$0x3F9F] =	sst s0  }
0x9: {  	[smem:$0x3FA0] =	sst s1  }
0xa: {  	[smem:$0x3FA1] =	sst s2  }
0xb: {  	[smem:$0x3FA2] =	sst s3  }
0xc: {  	[smem:$0x3FA3] =	sst s4  }
0xd: {  	[smem:$0x3FA4] =	sst s5  }
0xe: {  	[smem:$0x3FA5] =	sst s6  }
0xf: {  	[smem:$0x3FA6] =	sst s7  }
0x10: {  	[smem:$0x3FA7] =	sst s8  }
0x11: {  	[smem:$0x3FA8] =	sst s9;
	s0 =	simm.s32 @!p0 $0x0  }
0x12: {  	s1 =	sld [smem:$0x3F8E];
	s0 =	simm.s32 @p0 $0x1  }
0x13: {  	[smem:$0x3FA9] =	sst s0;
	s0 =	simm.s32 @!p1 $0x0  }
0x14: {  	s2 =	sld [smem:$0x3F8D];
	s0 =	simm.s32 @p1 $0x1  }
0x15: {  	[smem:$0x3FAA] =	sst s0;
	s0 =	simm.s32 @!p2 $0x0  }
0x16: {  	s3 =	sld [smem:$0x3FDB];
	s0 =	simm.s32 @p2 $0x1  }
0x17: {  	s4 =	simm.s32 $0x1BF5;
	[smem:$0x3FAC] =	sst s0  }
0x18: {  	s0 =	sld [smem:$0x3F8F];
	_ =	swait.ge [sflag:s4], $0x0  }
0x19: {  	s7 =	sld [smem:$0x3F90]  }
0x1a: {  	s8 =	sadd.s32 $0xFFFFE003, lr  }
0x1b: {  	s9 =	sadd.s32 $0xFFFFFEF7, lr;
	s5 =	simm.s32 $0xFFFFFFFF;
	p2 =	slt.u32 s8, $0xFFFFF086  }
0x1c: {  	p1 =	slt.u32 s9, $0xF7A;
	s5 =	simm.s32 @!p2 $0x0  }
0x1d: {  	s5 =	simm.s32 @p1 $0x1;
	p0 =	seq.s32 s7, s2  }
0x1e: {  	s7 =	smul.u32 @!p0 $0xF7A, s2;
	p2 =	seq.s32 @!p0 s5, $0x0  }
0x1f: {  	s9 =	smul.u32 $0xF7A, s1;
	s8 =	simm.s32 @!p0 $0x1BF5;
	p2 =	por !p2, p0  }
0x20: {  	[sflag:s8] =	ssyncset.s32 @!p0 $0xFFFFF086;
	s6 =	sadd.s32 @!p0 s3, s7;
	s7 =	simm.s32 @!p0 $0x108  }
0x21: {  	s3 =	sadd.s32 s3, s9;
	s6 =	sadd.s32 @!p0 $0x88, s6;
	s7 =	simm.s32 @p2 $0x1082  }
0x22: {  	[simem:s7], [sflag:s8] =	dma.local @!p0 [hbm:s6], $0xF7A  }
0x23: {  	s9 =	sor.u32 $0xD0000000, s2;
	s6 =	simm.s32 $0x108;
	_ =	swait.ge @!p0 [sflag:s8], $0x0  }
0x24: {  	s3 =	sadd.s32 $0x88, s3;
	s6 =	simm.s32 @!p1 $0x1082;
	[sflag:s4] =	ssyncset.s32 $0xFFFFF086  }
0x25: {  	[simem:s6], [sflag:s4] =	dma.local [hbm:s3], $0xF7A  }
0x26: {  	[smem:$0x3F90] =	sst s1;
	(tag) =	ssettag s2;
	_ =	strace s9  }
0x27: {  	s1 =	sld [smem:$0x3FA0]  }
0x28: {  	s2 =	sld [smem:$0x3FA1]  }
0x29: {  	s4 =	sld [smem:$0x3FA3]  }
0x2a: {  	p0 =	seq.s32 s5, $0x0;
	s5 =	sld [smem:$0x3FA4]  }
0x2b: {  	s6 =	sld [smem:$0x3FA5]  }
0x2c: {  	s7 =	sld [smem:$0x3FA6]  }
0x2d: {  	s3 =	simm.s32 $0x108;
	s8 =	sld [smem:$0x3FA7]  }
0x2e: {  	s3 =	simm.s32 @!p0 $0x1082;
	s9 =	sld [smem:$0x3FA8]  }
0x2f: {  	lr =	sadd.s32 s0, s3;
	s0 =	sld [smem:$0x3F9F]  }
0x30: {  	s3 =	sld [smem:$0x3FA2]  }
0x31: {  	[smem:$0x3FAB] =	sst s10  }
0x32: {  	s10 =	sld [smem:$0x3FA9];
	_ =	sdelay $0x3  }
0x33: {  	p0 =	seq.s32 s10, $0x1;
	s10 =	sld [smem:$0x3FAB];
	_ =	sdelay $0x3  }
0x34: {  	[smem:$0x3FAB] =	sst s10  }
0x35: {  	s10 =	sld [smem:$0x3FAA];
	_ =	sdelay $0x3  }
0x36: {  	p1 =	seq.s32 s10, $0x1;
	s10 =	sld [smem:$0x3FAB];
	_ =	sdelay $0x3  }
0x37: {  	[smem:$0x3FAB] =	sst s10  }
0x38: {  	s10 =	sld [smem:$0x3FAC]  }
0x39: {  	_ = 	snop;
	(pc) =	sbr.ind lr, $3  }
0x3a: {  	_ = 	snop  }
0x3b: {  	_ = 	snop  }
0x3c: {  	p2 =	seq.s32 s10, $0x1;
	s10 =	sld [smem:$0x3FAB]  }
0x3d: {  	_ =	shalt  }
0x3e: {  	_ =	shalt  }
0x3f: {  	_ =	shalt  }
0x40: {  	_ =	shalt  }
0x41: {  	_ =	shalt  }
0x42: {  	_ =	shalt  }
0x43: {  	_ =	shalt  }
0x44: {  	_ =	shalt  }
0x45: {  	_ =	shalt  }
0x46: {  	_ =	shalt  }
0x47: {  	_ =	shalt  }
0x48: {  	_ =	shalt  }
0x49: {  	_ =	shalt  }
0x4a: {  	_ =	shalt  }
0x4b: {  	_ =	shalt  }
0x4c: {  	_ =	shalt  }
0x4d: {  	_ =	shalt  }
0x4e: {  	_ =	shalt  }
0x4f: {  	_ =	shalt  }
0x50: {  	_ =	shalt  }
0x51: {  	_ =	shalt  }
0x52: {  	_ =	shalt  }
0x53: {  	_ =	shalt  }
0x54: {  	_ =	shalt  }
0x55: {  	_ =	shalt  }
0x56: {  	_ =	shalt  }
0x57: {  	_ =	shalt  }
0x58: {  	_ =	shalt  }
0x59: {  	_ =	shalt  }
0x5a: {  	_ =	shalt  }
0x5b: {  	_ =	shalt  }
0x5c: {  	_ =	shalt  }
0x5d: {  	_ =	shalt  }
0x5e: {  	_ =	shalt  }
0x5f: {  	_ =	shalt  }
0x60: {  	_ =	shalt  }
0x61: {  	_ =	shalt  }
0x62: {  	_ =	shalt  }
0x63: {  	_ =	shalt  }
0x64: {  	_ =	shalt  }
0x65: {  	_ =	shalt  }
0x66: {  	_ =	shalt  }
0x67: {  	_ =	shalt  }
0x68: {  	_ =	shalt  }
0x69: {  	_ =	shalt  }
0x6a: {  	_ =	shalt  }
0x6b: {  	_ =	shalt  }
0x6c: {  	_ =	shalt  }
0x6d: {  	_ =	shalt  }
0x6e: {  	_ =	shalt  }
0x6f: {  	_ =	shalt  }
0x70: {  	_ =	shalt  }
0x71: {  	_ =	shalt  }
0x72: {  	_ =	shalt  }
0x73: {  	_ =	shalt  }
0x74: {  	_ =	shalt  }
0x75: {  	_ =	shalt  }
0x76: {  	_ =	shalt  }
0x77: {  	_ =	shalt  }
0x78: {  	_ =	shalt  }
0x79: {  	_ =	shalt  }
0x7a: {  	_ =	shalt  }
0x7b: {  	_ =	shalt  }
0x7c: {  	_ =	shalt  }
0x7d: {  	_ =	shalt  }
0x7e: {  	_ =	shalt  }
0x7f: {  	_ =	shalt  }
0x80: {  	_ =	shalt  }
0x81: {  	_ =	shalt  }
0x82: {  	_ =	shalt  }
0x83: {  	_ =	shalt  }
0x84: {  	_ =	shalt  }
0x85: {  	_ =	shalt  }
0x86: {  	_ =	shalt  }
0x87: {  	_ =	shalt  }
.Lfunc_end0:
.L_simem_size_0:
called_computation_lowered:
.L_overlay_start_0:
0x88: {  	s2 =	sld [smem:$0x3FD9]  }
0x89: {  	s3 =	sld [smem:$0x3FFE];
	_ =	sdelay $0x1  }
0x8a: {  	s1 =	srdreg.scid  }
0x8b: {  	s0 =	sand.u32 $0x1, s1  }
0x8c: {  	s17 =	sshll.u32 s0, $0xA;
	s2 =	sadd.s32 s3, s2  }
0x8d: {  	s2 =	sadd.s32 s2, s17  }
0x8e: {  	[smem:$0x3FB7] =	sst s2  }
0x8f: {  	_ = 	snop  }
0x90: {  	s2 =	sld [smem:$0x3FC8]  }
0x91: {  	s18 =	sld [smem:$0x3FC7]  }
0x92: {  	s4 =	sld [smem:$0x3FD0];
	(tm) =	ssettm $0x1  }
0x93: {  	s5 =	sld [smem:$0x3FFB];
	_ =	sdelay $0x3  }
0x94: {  	_ =	strace s5  }
0x95: {  	s5 =	sld [smem:$0x3FFC];
	_ =	sdelay $0x3  }
0x96: {  	_ =	strace s5  }
0x97: {  	s5 =	sld [smem:$0x3FFD];
	_ =	sdelay $0x3  }
0x98: {  	_ =	strace s5  }
0x99: {  	_ =	strace $0x8FFFFFFF  }
0x9a: {  	s19 =	sld [smem:$0x3FDB];
	_ =	sdelay $0x1  }
0x9b: {  	s6 =	simm.s32 $_scs_section_size  }
0x9c: {  	s7 =	simm.s32 $_size__tile_overlayer_lowered;
	s8 =	simm.s32 $_tile_overlayer_lowered  }
0x9d: {  	s22 =	simm.s32 $0x1BFF;
	s21 =	sshll.u32 s8, $0x1;
	s5 =	sadd.s32 s6, s19  }
0x9e: {  	s9 =	simm.s32 $0x0;
	s20 =	sshll.u32 s7, $0x1;
	s7 =	sadd.s32 s21, s5  }
0x9f: {  	[timem:s9], [sflag:s22] =	dma.local [hbm:s7], s20  }
0xa0: {  	_ =	swait.ge [sflag:s22], s20  }
0xa1: {  	s6 =	ssub.s32 $0x0, s20;
	[sflag:s22] =	ssyncset.done $0x0  }
0xa2: {  	[sflag:s22] =	ssyncadd.s32 s6;
	_ =	sdelay $0x1  }
0xa3: {  	s23 =	simm.s32 $0x1B8B  }
0xa4: {  	_ =	swait.ge [sflag:s23], $0x1  }
0xa5: {  	[sflag:s23] =	ssyncset.done $0x0  }
0xa6: {  	s25 =	simm.s32 $0x1B8E;
	s24 =	sld [smem:$0x3FFE];
	[sflag:s23] =	ssyncadd.s32 $0xFFFFFFFF  }
0xa7: {  	s26 =	simm.s32 $execute0_lowered;
	[smem:$0x3FD2] =	sst s25  }
0xa8: {  	s7 =	sshll.u32 s26, $0x1;
	_ =	strace $0x80000046;
	[dreg:$0x1] =	wrdreg $0xFFFFFFFF  }
0xa9: {  	s28 =	simm.s32 $_size_execute0_lowered;
	s5 =	sadd.s32 s5, s7;
	[dreg:$0x0] =	wrdreg $0x0  }
0xaa: {  	s7 =	sshll.u32 s28, $0x1;
	[dreg:$0x2] =	wrdreg s5  }
0xab: {  	[dreg:$0x3] =	wrdreg s7  }
0xac: {  	[dreg:$0x4] =	wrdreg $0xC0  }
0xad: {  	_ =	task [dreg:s9], $0x5FFFF  }
0xae: {  	[dreg:$0x1] =	wrdreg $0xFFFFFFFF  }
0xaf: {  	[dreg:$0x0] =	wrdreg $0x60  }
0xb0: {  	[dreg:$0x2] =	wrdreg s2  }
0xb1: {  	[dreg:$0x3] =	wrdreg s18  }
0xb2: {  	[dreg:$0x4] =	wrdreg s24  }
0xb3: {  	[dreg:$0x5] =	wrdreg s4  }
0xb4: {  	[dreg:$0x6] =	wrdreg $0x7B000  }
0xb5: {  	[dreg:$0x7] =	wrdreg $0x9  }
0xb6: {  	_ =	task.clear_ibuf [dreg:s9], $0x8FFFF;
	_ =	strace $0x90000046  }
0xb7: {  	s29 =	simm.s32 $0x9;
	_ =	strace $0x80000048  }
0xb8: {  	_ =	swait.ge [sflag:s29], $0x1  }
0xb9: {  	[sflag:s29] =	ssyncadd.s32 $0xFFFFFFFF  }
0xba: {  	_ =	strace $0x90000048  }
0xbb: {  	_ =	sfence  }
0xbc: {  	s30 =	sld [smem:$0x0];
	_ =	sdelay $0x2  }
0xbd: {  	s31 =	sshll.u32 s1, $0xD;
	s1 =	sshrl.u32 s1, $0x2  }
0xbe: {  	s3 =	sand.u32 $0x4000, s31;
	s1 =	sadd.s32 s1, s30  }
0xbf: {  	s0 =	sor.u32 s3, s0;
	s1 =	sshll.u32 s1, $0x11  }
0xc0: {  	s0 =	sor.u32 s1, s0  }
0xc1: {  	s0 =	sadd.s32 $0x8F2B, s0  }
0xc2: {  	[sflag:s0] =	ssyncadd.remote.s32 $0x1  }
0xc3: {  	_ =	sfence.sel $0xFFFF  }
0xc4: {  	[dreg:$0x0] =	wrdreg $0xFFFFFFFF;
	(pc) =	sbr.abs _section_cstart, $3  }
0xc5: {  	[dreg:$0x1] =	wrdreg $0xFFFFFFFF  }
0xc6: {  	_ =	task.clear_ibuf [dreg:s9], $0x2FFFF;
	_ =	strace $0x9FFFFFFF  }
0xc7: {  	(tm) =	ssettm $0x7FFFFFFF  }
tec
execute0_lowered:
.L_overlay_start_1:
0x0: {  	(tag) =	ssettag $0x1  }
0x1: {  	s1 =	rddreg [dreg:$0x0]  }
0x2: {  	s10 =	rddreg [dreg:$0x1]  }
0x3: {  	s0 =	srdreg.scid;
	s5 =	rddreg [dreg:$0x2]  }
0x4: {  	s3 =	stileid.u32;
	s13 =	rddreg [dreg:$0x3];
	s29 =	simm.s32 $0x0  }
0x5: {  	s18 =	simm.s32 $0x40;
	s19 =	simm.s32 $0x7800;
	s21 =	simm.s32 $0x3C00  }
0x6: {  	s22 =	simm.s32 $0x1;
	s23 =	simm.s32 $0x20;
	s25 =	simm.s32 $0x0  }
0x7: {  	s4 =	sand.u32 $0x1, s0;
	s6 =	smul.u32 $0x500, s3;
	[smem:$0x7FF] =	sst s29  }
0x8: {  	s9 =	smul.u32 $0xA00, s3;
	s2 =	sshll.u32 s4, $0x4;
	s8 =	sshll.u32 s4, $0x7  }
0x9: {  	s30 =	ssub.s32 $0x2, s4;
	s4 =	simm.s32 $0x14;
	s16 =	sor.u32 s3, s2  }
0xa: {  	s2 =	rddreg [dreg:$0x4];
	_ =	strace $0x80000047;
	s6 =	sor.u32 s8, s6  }
0xb: {  	s31 =	sshrl.u32 s30, $0x1;
	s8 =	sadd.s32 $0x9B00, s1;
	s11 =	sshrl.u32 s9, $0x2  }
0xc: {  	s9 =	sadd.s32 $0x9B10, s1;
	s7 =	smul.u32 $0x280, s16;
	s6 =	sshrl.u32 s6, $0x3  }
0xd: {  	s14 =	smul.u32 $0x500, s16;
	p0 =	seq.s32 s16, $0x1F;
	s17 =	ssub.s32 s30, s31  }
0xe: {  	s11 =	sadd.s32 s11, s2;
	p1 =	sne.s32 s16, $0x1F;
	s15 =	sadd.s32 s6, s5  }
0xf: {  	s4 =	simm.s32 @!p0 $0x50;
	[dreg:$0x6] =	wrdreg s11;
	s12 =	sadd.s32 s7, s5  }
0x10: {  	s5 =	sadd.s32 s1, s14;
	s7 =	sadd.s32 s10, s7;
	s10 =	sadd.s32 $0x4D80, s10  }
0x11: {  	v0 =	vlaneseq.u32;
	s13 =	sadd.s32 s13, s14;
	s14 =	sadd.s32 $0x3600, s15;
	s15 =	smax.u32 s17, $0x1  }
0x12: {  	v1 =	vimm.f32 $0.0e+00;
	v2 =	vimm.f32 $1.000000000e+00;
	v3 =	vmul.u32 $0x8, v0;
	s17 =	simm.s32 $0x2;
	s6 =	sadd.s32 $0x10, s5;
	s12 =	sadd.s32 $0x4000, s12  }
.LBB2_1:
0x13: {  	s1 =	simm.s32 @p0 $0x80  }
0x14: {  	s16 =	simm.s32 @p0 $0x100;
	s20 =	simm.s32 @p0 $0x0;
	s24 =	simm.s32 @p0 $0x2  }
0x15: {  	[tilespmem:s20], [sflag:$0x2] =	stream.strided.gather @p0 [hbm4b:s8+s1], $0x500, s16, s1, $0x38;
	[tilespmem:$0x7D80] =	vst v63  }
0x16: {  	_ =	swait.ge @p0 [sflag:s24], $0x500  }
0x17: {  	[sflag:s24] =	ssyncset.done @p0 $0x0  }
0x18: {  	s26 =	simm.s32 @p0 $0x2800;
	[sflag:s24] =	ssyncadd.s32 @p0 $0xFFFFFB00  }
0x19: {  	[tilespmem:s26], [sflag:$0x2] =	stream.strided.gather @p0 [hbm4b:s9+s1], $0x500, s16, s1, $0x38;
	[tilespmem:$0x7D80] =	vst v63  }
0x1a: {  	_ =	swait.ge @p0 [sflag:s24], $0x500  }
0x1b: {  	[sflag:s24] =	ssyncset.done @p0 $0x0  }
0x1c: {  	s1 =	simm.s32 @p0 $0x1400;
	[sflag:s24] =	ssyncadd.s32 @p0 $0xFFFFFB00  }
0x1d: {  	[tilespmem:s1], [sflag:$0x2] =	stream.linear.gather @p0 [hbm4b:s10+s20], $0x500, $0x38;
	[tilespmem:$0x7D80] =	vst v63  }
0x1e: {  	_ =	swait.ge @p0 [sflag:s24], $0x500  }
0x1f: {  	s16 =	simm.s32 @!p0 $0x100;
	s1 =	simm.s32 @!p0 $0x80;
	[sflag:s24] =	ssyncset.done @p0 $0x0  }
0x20: {  	s20 =	simm.s32 @!p0 $0x0;
	[sflag:s24] =	ssyncadd.s32 @p0 $0xFFFFFB00;
	s24 =	simm.s32 @!p0 $0x2  }
0x21: {  	[tilespmem:s20], [sflag:$0x2] =	stream.strided.gather @!p0 [hbm4b:s5+s1], $0x1400, s16, s1, $0x38;
	[tilespmem:$0x7D80] =	vst v63  }
0x22: {  	_ =	swait.ge @!p0 [sflag:s24], $0x1400  }
0x23: {  	[sflag:s24] =	ssyncset.done @!p0 $0x0  }
0x24: {  	s26 =	simm.s32 @!p0 $0x2800;
	[sflag:s24] =	ssyncadd.s32 @!p0 $0xFFFFEC00  }
0x25: {  	[tilespmem:s26], [sflag:$0x2] =	stream.strided.gather @!p0 [hbm4b:s6+s1], $0x1400, s16, s1, $0x38;
	[tilespmem:$0x7D80] =	vst v63  }
0x26: {  	_ =	swait.ge @!p0 [sflag:s24], $0x1400  }
0x27: {  	[sflag:s24] =	ssyncset.done @!p0 $0x0  }
0x28: {  	s1 =	simm.s32 @!p0 $0x1400;
	[sflag:s24] =	ssyncadd.s32 @!p0 $0xFFFFEC00  }
0x29: {  	[tilespmem:s1], [sflag:$0x2] =	stream.linear.gather @!p0 [hbm4b:s7+s20], $0x1400, $0x38;
	[tilespmem:$0x7D80] =	vst v63  }
0x2a: {  	_ =	swait.ge @!p0 [sflag:s24], $0x1400  }
0x2b: {  	[sflag:s24] =	ssyncset.done @!p0 $0x0  }
0x2c: {  	[sflag:s24] =	ssyncadd.s32 @!p0 $0xFFFFEC00  }
0x2d: {  	[tilespmem:$0x7880] =	vst v1  }
0x2e: {  	[tilespmem:$0x7890] =	vst v1  }
0x2f: {  	[tilespmem:$0x78A0] =	vst v1  }
0x30: {  	[tilespmem:$0x78B0] =	vst v1  }
0x31: {  	[tilespmem:$0x78C0] =	vst v1  }
0x32: {  	[tilespmem:$0x78D0] =	vst v1  }
0x33: {  	[tilespmem:$0x78E0] =	vst v1  }
0x34: {  	[tilespmem:$0x78F0] =	vst v1  }
0x35: {  	[tilespmem:$0x7900] =	vst v1  }
0x36: {  	[tilespmem:$0x7910] =	vst v1  }
0x37: {  	[tilespmem:$0x7920] =	vst v1  }
0x38: {  	[tilespmem:$0x7930] =	vst v1  }
0x39: {  	[tilespmem:$0x7940] =	vst v1  }
0x3a: {  	[tilespmem:$0x7950] =	vst v1  }
0x3b: {  	[tilespmem:$0x7960] =	vst v1  }
0x3c: {  	[tilespmem:$0x7970] =	vst v1  }
0x3d: {  	[tilespmem:$0x7980] =	vst v1  }
0x3e: {  	[tilespmem:$0x7990] =	vst v1  }
0x3f: {  	[tilespmem:$0x79A0] =	vst v1  }
0x40: {  	[tilespmem:$0x79B0] =	vst v1  }
0x41: {  	[tilespmem:$0x79C0] =	vst v1  }
0x42: {  	[tilespmem:$0x79D0] =	vst v1  }
0x43: {  	[tilespmem:$0x79E0] =	vst v1  }
0x44: {  	[tilespmem:$0x79F0] =	vst v1  }
0x45: {  	[tilespmem:$0x7A00] =	vst v1  }
0x46: {  	[tilespmem:$0x7A10] =	vst v1  }
0x47: {  	[tilespmem:$0x7A20] =	vst v1  }
0x48: {  	[tilespmem:$0x7A30] =	vst v1  }
0x49: {  	[tilespmem:$0x7A40] =	vst v1  }
0x4a: {  	[tilespmem:$0x7A50] =	vst v1  }
0x4b: {  	[tilespmem:$0x7A60] =	vst v1  }
0x4c: {  	[tilespmem:$0x7A70] =	vst v1  }
0x4d: {  	[tilespmem:$0x7A80] =	vst v1  }
0x4e: {  	[tilespmem:$0x7A90] =	vst v1  }
0x4f: {  	[tilespmem:$0x7AA0] =	vst v1  }
0x50: {  	[tilespmem:$0x7AB0] =	vst v1  }
0x51: {  	[tilespmem:$0x7AC0] =	vst v1  }
0x52: {  	[tilespmem:$0x7AD0] =	vst v1  }
0x53: {  	[tilespmem:$0x7AE0] =	vst v1  }
0x54: {  	[tilespmem:$0x7AF0] =	vst v1  }
0x55: {  	[tilespmem:$0x7800] =	vst v2  }
0x56: {  	[tilespmem:$0x7810] =	vst v2  }
0x57: {  	[tilespmem:$0x7820] =	vst v2  }
0x58: {  	s0 =	simm.s32 $0x7880;
	[tilespmem:$0x7830] =	vst v2  }
0x59: {  	[spmem:s11] =	stream.linear.scatter [tilespmem:s0], [sflag:$0x2], $0x280, $0x38;
	[tilespmem:$0x7D80] =	vst v63  }
0x5a: {  	_ =	swait.ge [sflag:s17], $0x280  }
0x5b: {  	[sflag:s17] =	ssyncset.done $0x0  }
0x5c: {  	[sflag:s17] =	ssyncadd.s32 $0xFFFFFD80  }
0x5d: {  	s20 =	simm.s32 $0x1420;
	[bflag:$0x0] =	sbarrier.arrive $0xFFFF  }
0x5e: {  	v4 =	vld [tilespmem:s20+$0xFFFFFFE0];
	_ =	sdelay $0x1  }
0x5f: {  	v5 =	vld [tilespmem:s23+$0xFFFFFFE0];
	_ =	sdelay $0x2  }
0x60: {  	v4 =	vmul.u32 $0x2710, v4;
	_ =	sdelay $0x1  }
0x61: {  	s24 =	simm.s32 $0x6420;
	v4 =	vadd.s32 v5, v4  }
0x62: {  	s26 =	simm.s32 $0x2820;
	[tilespmem:s24+$0xFFFFFFE0] =	vst v4  }
0x63: {  	v4 =	vld [tilespmem:s26+$0xFFFFFFE0];
	_ =	sdelay $0x4  }
0x64: {  	[tilespmem:s21+$0x0] =	vst v4  }
0x65: {  	v4 =	vld [tilespmem:s20+$0xFFFFFFF0];
	_ =	sdelay $0x1  }
0x66: {  	v5 =	vld [tilespmem:s23+$0xFFFFFFF0];
	_ =	sdelay $0x2  }
0x67: {  	v4 =	vmul.u32 $0x2710, v4;
	_ =	sdelay $0x1  }
0x68: {  	v4 =	vadd.s32 v5, v4  }
0x69: {  	[tilespmem:s24+$0xFFFFFFF0] =	vst v4  }
0x6a: {  	v4 =	vld [tilespmem:s26+$0xFFFFFFF0];
	_ =	sdelay $0x4  }
0x6b: {  	[tilespmem:s21+$0x10] =	vst v4  }
0x6c: {  	v4 =	vld [tilespmem:s20+$0x0];
	_ =	sdelay $0x1  }
0x6d: {  	v5 =	vld [tilespmem:s23+$0x0];
	_ =	sdelay $0x2  }
0x6e: {  	v4 =	vmul.u32 $0x2710, v4;
	_ =	sdelay $0x1  }
0x6f: {  	v4 =	vadd.s32 v5, v4  }
0x70: {  	[tilespmem:s24+$0x0] =	vst v4  }
0x71: {  	v4 =	vld [tilespmem:s26+$0x0];
	_ =	sdelay $0x4  }
0x72: {  	[tilespmem:s21+$0x20] =	vst v4  }
0x73: {  	v4 =	vld [tilespmem:s20+$0x10];
	_ =	sdelay $0x1  }
0x74: {  	v5 =	vld [tilespmem:s23+$0x10];
	_ =	sdelay $0x2  }
0x75: {  	v4 =	vmul.u32 $0x2710, v4;
	_ =	sdelay $0x1  }
0x76: {  	v4 =	vadd.s32 v5, v4  }
0x77: {  	[tilespmem:s24+$0x10] =	vst v4  }
0x78: {  	p2 =	sne.s32 s4, $0x1;
	v4 =	vld [tilespmem:s26+$0x10]  }
.Ltmp0:
0x79: {  	_ = 	snop;
	(pc) =	sbr.rel @!p2 .LBB2_3-.Ltmp0, $4  }
0x7a: {  	_ = 	snop  }
0x7b: {  	s28 =	simm.s32 $0x2860  }
0x7c: {  	s29 =	simm.s32 $0x6460;
	s30 =	simm.s32 $0x3C80;
	s31 =	simm.s32 $0x1460  }
0x7d: {  	s16 =	simm.s32 $0x3C00;
	s1 =	simm.s32 $0x60;
	s26 =	sadd.s32 $0xFFFFFFFF, s4;
	[tilespmem:s21+$0x30] =	vst v4  }
.LBB2_2:
0x7e: {  	[spmem:s2] =	stream.indirect.scatter.add.f32 [tilespmem:s19], [sflag:$0x1], $0x1, s16, s18, $0xb8;
	[tilespmem:$0x7D80] =	vst v63  }
0x7f: {  	p3 =	sne.s32 s26, $0x1;
	s26 =	sadd.s32 $0xFFFFFFFF, s26;
	s16 =	smov.u32 s30;
	v4 =	vld [tilespmem:s31+$0xFFFFFFE0]  }
0x80: {  	_ = 	snop  }
0x81: {  	v5 =	vld [tilespmem:s1+$0xFFFFFFE0];
	_ =	sdelay $0x2  }
0x82: {  	v4 =	vmul.u32 $0x2710, v4;
	_ =	sdelay $0x1  }
0x83: {  	v4 =	vadd.s32 v5, v4  }
0x84: {  	[tilespmem:s29+$0xFFFFFFE0] =	vst v4  }
0x85: {  	v4 =	vld [tilespmem:s28+$0xFFFFFFE0];
	_ =	sdelay $0x4  }
0x86: {  	[tilespmem:s30+$0x0] =	vst v4  }
0x87: {  	v4 =	vld [tilespmem:s31+$0xFFFFFFF0];
	_ =	sdelay $0x1  }
0x88: {  	v5 =	vld [tilespmem:s1+$0xFFFFFFF0];
	_ =	sdelay $0x2  }
0x89: {  	v4 =	vmul.u32 $0x2710, v4;
	_ =	sdelay $0x1  }
0x8a: {  	v4 =	vadd.s32 v5, v4  }
0x8b: {  	[tilespmem:s29+$0xFFFFFFF0] =	vst v4  }
0x8c: {  	v4 =	vld [tilespmem:s28+$0xFFFFFFF0];
	_ =	sdelay $0x4  }
0x8d: {  	[tilespmem:s30+$0x10] =	vst v4  }
0x8e: {  	v4 =	vld [tilespmem:s31+$0x0];
	_ =	sdelay $0x1  }
0x8f: {  	v5 =	vld [tilespmem:s1+$0x0];
	_ =	sdelay $0x2  }
0x90: {  	v4 =	vmul.u32 $0x2710, v4;
	_ =	sdelay $0x1  }
0x91: {  	v4 =	vadd.s32 v5, v4  }
0x92: {  	[tilespmem:s29+$0x0] =	vst v4  }
0x93: {  	v4 =	vld [tilespmem:s28+$0x0];
	_ =	sdelay $0x4  }
0x94: {  	[tilespmem:s30+$0x20] =	vst v4  }
0x95: {  	v4 =	vld [tilespmem:s31+$0x10]  }
0x96: {  	v5 =	vld [tilespmem:s1+$0x10];
	_ =	sdelay $0x3  }
0x97: {  	v4 =	vmul.u32 $0x2710, v4;
	_ =	sdelay $0x1  }
0x98: {  	v4 =	vadd.s32 v5, v4  }
0x99: {  	[tilespmem:s29+$0x10] =	vst v4  }
0x9a: {  	v4 =	vld [tilespmem:s28+$0x10]  }
.Ltmp1:
0x9b: {  	(pc) =	sbr.rel @p3 .LBB2_2-.Ltmp1, $3  }
0x9c: {  	_ =	sdelay $0x1  }
0x9d: {  	s29 =	sadd.s32 $0x40, s29;
	s28 =	sadd.s32 $0x40, s28  }
0x9e: {  	s30 =	sadd.s32 $0x80, s30;
	s31 =	sadd.s32 $0x40, s31;
	s1 =	sadd.s32 $0x40, s1;
	[tilespmem:s16+$0x30] =	vst v4  }
.LBB2_3:
.Ltmp2:
0x9f: {  	(pc) =	sbr.rel @p1 .LBB2_7-.Ltmp2, $2  }
0xa0: {  	_ =	sdelay $0x2  }
0xa1: {  	[spmem:s2] =	stream.indirect.scatter.add.f32 [tilespmem:s19], [sflag:$0x1], $0x1, s16, s18, $0xb8;
	[tilespmem:$0x7D80] =	vst v63  }
0xa2: {  	s11 =	smov.u32 s5  }
0xa3: {  	s5 =	smov.u32 s15;
	s15 =	smov.u32 s14;
	s14 =	smov.u32 s13  }
0xa4: {  	s13 =	smov.u32 s12;
	s12 =	smov.u32 s10;
	s1 =	simm.s32 $0x500  }
0xa5: {  	s10 =	smov.u32 s9;
	s9 =	smov.u32 s8;
	s3 =	simm.s32 $0x510;
	v4 =	vor.u32 s1, v0  }
0xa6: {  	s8 =	smov.u32 s7;
	s7 =	smov.u32 s6;
	s6 =	simm.s32 $0x472C;
	v6 =	vor.u32 s3, v0;
	v5 =	vmulhi.u32 $0x88888889, v4  }
0xa7: {  	s16 =	simm.s32 $0x47AC;
	v8 =	vadd.s32 s6, v3;
	v7 =	vmulhi.u32 $0x88888889, v6  }
0xa8: {  	s26 =	simm.s32 $0x540;
	v9 =	vadd.s32 s16, v3;
	v11 =	vmulhi.u32 $0x45E7B273, v8  }
0xa9: {  	s20 =	simm.s32 $0x520;
	s0 =	simm.s32 $0x550;
	v16 =	vor.u32 s26, v0;
	v12 =	vmulhi.u32 $0x45E7B273, v9  }
0xaa: {  	s16 =	simm.s32 $0x482C;
	v13 =	vor.u32 s20, v0;
	v17 =	vor.u32 s0, v0;
	v18 =	vmulhi.u32 $0x88888889, v16  }
0xab: {  	s6 =	simm.s32 $0x530;
	v10 =	vadd.s32 s16, v3;
	v20 =	vmulhi.u32 $0x88888889, v17;
	v5 =	vshrl.u32 v5, $0x7  }
0xac: {  	v19 =	vor.u32 s6, v0;
	v18 =	vshrl.u32 v18, $0x7;
	v5 =	vmul.u32 $0xF0, v5  }
0xad: {  	v7 =	vshrl.u32 v7, $0x7;
	v20 =	vshrl.u32 v20, $0x7;
	v18 =	vmul.u32 $0xF0, v18  }
0xae: {  	v4 =	vsub.s32 v4, v5;
	v5 =	vmul.u32 $0xF0, v7;
	v7 =	vmulhi.u32 $0x88888889, v13  }
0xaf: {  	v61 =	vmul.u32 $0xF0, v20;
	v14 =	vadd.s32 $0x2710, v4;
	v4 =	vmulhi.u32 $0x45E7B273, v10  }
0xb0: {  	v16 =	vsub.s32 v16, v18;
	v5 =	vsub.s32 v6, v5;
	v6 =	vshrl.u32 v11, $0xD  }
0xb1: {  	s24 =	simm.s32 $0x4ABB;
	v11 =	vadd.s32 $0x2710, v5;
	v5 =	vmul.u32 $0x7530, v6;
	v4 =	vshrl.u32 v4, $0xD  }
0xb2: {  	v6 =	vshrl.u32 v7, $0x7;
	v7 =	vadd.s32 s24, v3;
	v15 =	vmul.u32 $0x7530, v4  }
0xb3: {  	s20 =	simm.s32 $0x4B3B;
	v4 =	vshrl.u32 v12, $0xD;
	v12 =	vmul.u32 $0xF0, v6;
	v22 =	vmulhi.u32 $0x45E7B273, v7  }
0xb4: {  	v8 =	vsub.s32 v8, v5;
	v6 =	vmul.u32 $0x7530, v4;
	v5 =	vadd.s32 s20, v3  }
0xb5: {  	s26 =	simm.s32 $0x48AC;
	v12 =	vsub.s32 v13, v12;
	v10 =	vsub.s32 v10, v15;
	v15 =	vmulhi.u32 $0x45E7B273, v5  }
0xb6: {  	s24 =	simm.s32 $0x560;
	v13 =	vadd.s32 s26, v3;
	v21 =	vadd.s32 $0x2710, v12;
	v12 =	vmulhi.u32 $0x88888889, v19  }
0xb7: {  	s3 =	simm.s32 $0x4BBB;
	s26 =	simm.s32 $0x6930;
	v9 =	vsub.s32 v9, v6;
	v6 =	vor.u32 s24, v0;
	v62 =	vmulhi.u32 $0x45E7B273, v13  }
0xb8: {  	s29 =	simm.s32 $0x4630;
	v4 =	vadd.s32 s3, v3;
	[tilespmem:s26+$0xFFFFFFD0] =	vst v8;
	v8 =	vadd.s32 $0x2710, v16;
	v16 =	vmulhi.u32 $0x88888889, v6  }
0xb9: {  	[tilespmem:s29+$0xFFFFFFD0] =	vst v14;
	v14 =	vmulhi.u32 $0x45E7B273, v4;
	v12 =	vshrl.u32 v12, $0x7  }
0xba: {  	v63 =	vshrl.u32 v22, $0xD;
	[tilespmem:s26+$0xFFFFFFE0] =	vst v9;
	v23 =	vmul.u32 $0xF0, v12;
	v12 =	vsub.s32 v17, v61  }
0xbb: {  	v17 =	vshrl.u32 v62, $0xD;
	[tilespmem:s29+$0xFFFFFFE0] =	vst v11;
	v11 =	vshrl.u32 v14, $0xD;
	v14 =	vshrl.u32 v16, $0x7  }
0xbc: {  	v9 =	vadd.s32 $0x2710, v12;
	v17 =	vmul.u32 $0x7530, v17;
	v12 =	vmul.u32 $0x7530, v63  }
0xbd: {  	s31 =	simm.s32 $0x4C3B;
	s28 =	simm.s32 $0x46B0;
	s30 =	simm.s32 $0x6970;
	[tilespmem:s26+$0xFFFFFFF0] =	vst v10;
	v10 =	vmul.u32 $0x7530, v11;
	v11 =	vmul.u32 $0xF0, v14;
	v16 =	vsub.s32 v19, v23  }
0xbe: {  	s1 =	simm.s32 $0x570;
	s16 =	simm.s32 $0x4FCA;
	s20 =	simm.s32 $0x5B0;
	v14 =	vshrl.u32 v15, $0xD;
	[tilespmem:s29+$0xFFFFFFF0] =	vst v21;
	v15 =	vsub.s32 v13, v17;
	v13 =	vadd.s32 $0x2710, v16  }
.LBB2_5:
0xbf: {  	s24 =	sadd.s32 $0xFFFFFE80, s16;
	s0 =	sadd.s32 $0xFFFFFFD0, s20  }
0xc0: {  	s3 =	sadd.s32 $0xFFFFFF00, s16;
	v12 =	vsub.s32 v7, v12;
	v14 =	vmul.u32 $0x7530, v14;
	[tilespmem:s26+$0x0] =	vst v15;
	s6 =	smov.u32 s20;
	s26 =	smov.u32 s30  }
0xc1: {  	v7 =	vadd.s32 s24, v3;
	v15 =	vor.u32 s0, v0;
	v16 =	vadd.s32 s3, v3;
	s0 =	sadd.s32 $0xFFFFFFE0, s6;
	s3 =	sadd.s32 $0xFFFFFF80, s16;
	s24 =	sadd.s32 $0x40, s20;
	[tilespmem:s29+$0x0] =	vst v13  }
0xc2: {  	p3 =	sne.s32 s20, $0x13F0;
	s29 =	smov.u32 s28;
	v13 =	vor.u32 s0, v0;
	v17 =	vadd.s32 s3, v3;
	s0 =	sadd.s32 $0xFFFFFFF0, s6;
	v14 =	vsub.s32 v5, v14;
	v5 =	vmovc v16  }
0xc3: {  	v19 =	vor.u32 s1, v0;
	s1 =	smov.u32 s6;
	v16 =	vmulhi.u32 $0x88888889, v15;
	v18 =	vor.u32 s0, v0  }
0xc4: {  	v11 =	vsub.s32 v6, v11;
	v21 =	vadd.s32 s31, v3;
	s31 =	smov.u32 s16;
	v20 =	vmulhi.u32 $0x88888889, v13;
	v6 =	vmovc v18  }
0xc5: {  	v16 =	vshrl.u32 v16, $0x7;
	v18 =	vadd.s32 $0x2710, v11;
	v11 =	vmulhi.u32 $0x88888889, v19  }
0xc6: {  	v10 =	vsub.s32 v4, v10;
	v22 =	vmulhi.u32 $0x45E7B273, v7;
	v4 =	vmovc v17;
	v16 =	vmul.u32 $0xF0, v16  }
0xc7: {  	v17 =	vmulhi.u32 $0x45E7B273, v5;
	v20 =	vshrl.u32 v20, $0x7;
	v11 =	vshrl.u32 v11, $0x7  }
0xc8: {  	v15 =	vsub.s32 v15, v16;
	v16 =	vmul.u32 $0xF0, v20;
	[tilespmem:s30+$0xFFFFFFD0] =	vst v12;
	v12 =	vmulhi.u32 $0x45E7B273, v21  }
0xc9: {  	v20 =	vmulhi.u32 $0x88888889, v6;
	[tilespmem:s28+$0xFFFFFFD0] =	vst v8;
	v8 =	vadd.s32 $0x2710, v15;
	v15 =	vmul.u32 $0xF0, v11  }
.Ltmp3:
0xca: {  	v11 =	vsub.s32 v13, v16;
	v13 =	vmulhi.u32 $0x45E7B273, v4;
	[tilespmem:s30+$0xFFFFFFE0] =	vst v14;
	v12 =	vshrl.u32 v12, $0xD;
	(pc) =	sbr.rel @p3 .LBB2_5-.Ltmp3, $4  }
0xcb: {  	v14 =	vshrl.u32 v22, $0xD;
	[tilespmem:s28+$0xFFFFFFE0] =	vst v9;
	v9 =	vadd.s32 $0x2710, v11;
	v16 =	vmul.u32 $0x7530, v12  }
0xcc: {  	v12 =	vmul.u32 $0x7530, v14;
	v11 =	vshrl.u32 v13, $0xD;
	v13 =	vshrl.u32 v20, $0x7;
	[tilespmem:s30+$0xFFFFFFF0] =	vst v10  }
0xcd: {  	s16 =	sadd.s32 $0x38F, s16;
	v10 =	vmul.u32 $0x7530, v11;
	v11 =	vmul.u32 $0xF0, v13;
	v13 =	vsub.s32 v19, v15;
	[tilespmem:s28+$0xFFFFFFF0] =	vst v18  }
0xce: {  	s20 =	smov.u32 s24;
	v14 =	vshrl.u32 v17, $0xD;
	s30 =	sadd.s32 $0x40, s30;
	v15 =	vsub.s32 v21, v16;
	v13 =	vadd.s32 $0x2710, v13;
	s28 =	sadd.s32 $0x80, s28  }
0xcf: {  	v7 =	vsub.s32 v7, v12;
	[tilespmem:s26+$0x0] =	vst v15;
	v58 =	vor.u32 s1, v0  }
0xd0: {  	v14 =	vmul.u32 $0x7530, v14;
	v59 =	vadd.s32 s31, v3;
	[tilespmem:s29+$0x0] =	vst v13;
	v60 =	vmulhi.u32 $0x88888889, v58  }
0xd1: {  	v61 =	vmulhi.u32 $0x45E7B273, v59;
	[tilespmem:s30+$0xFFFFFFD0] =	vst v7  }
0xd2: {  	v5 =	vsub.s32 v5, v14;
	[tilespmem:s28+$0xFFFFFFD0] =	vst v8  }
0xd3: {  	v6 =	vsub.s32 v6, v11;
	v62 =	vshrl.u32 v60, $0x7;
	[tilespmem:s30+$0xFFFFFFE0] =	vst v5;
	v5 =	vshrl.u32 v61, $0xD  }
0xd4: {  	v4 =	vsub.s32 v4, v10;
	v63 =	vmul.u32 $0xF0, v62;
	[tilespmem:s28+$0xFFFFFFE0] =	vst v9;
	v5 =	vmul.u32 $0x7530, v5  }
0xd5: {  	s3 =	stileid.u32;
	s6 =	smov.u32 s7;
	s7 =	smov.u32 s8;
	v6 =	vadd.s32 $0x2710, v6;
	[tilespmem:s30+$0xFFFFFFF0] =	vst v4  }
0xd6: {  	s8 =	smov.u32 s9;
	s9 =	smov.u32 s10;
	s10 =	smov.u32 s12;
	v4 =	vsub.s32 v58, v63;
	[tilespmem:s28+$0xFFFFFFF0] =	vst v6;
	v5 =	vsub.s32 v59, v5  }
0xd7: {  	s12 =	smov.u32 s13;
	s13 =	smov.u32 s14;
	s14 =	smov.u32 s15;
	v4 =	vadd.s32 $0x2710, v4;
	[tilespmem:s30+$0x0] =	vst v5  }
0xd8: {  	s15 =	smov.u32 s5;
	s5 =	smov.u32 s11;
	s11 =	rddreg [dreg:$0x6];
	[tilespmem:s28+$0x0] =	vst v4  }
.LBB2_7:
0xd9: {  	s0 =	simm.s32 $0x0;
	s1 =	simm.s32 $0x6400  }
0xda: {  	[hbm4b:s12+s0] =	stream.linear.scatter [tilespmem:s1], [sflag:$0x2], $0x1400, $0x38;
	[tilespmem:$0x7D80] =	vst v63  }
0xdb: {  	_ =	swait.ge [sflag:s17], $0x1400  }
0xdc: {  	[sflag:s17] =	ssyncset.done $0x0  }
0xdd: {  	[sflag:s17] =	ssyncadd.s32 $0xFFFFEC00  }
0xde: {  	[hbm4b:s13+s0] =	stream.linear.scatter [tilespmem:s21], [sflag:$0x2], $0x2800, $0x38;
	[tilespmem:$0x7D80] =	vst v63  }
.Ltmp4:
0xdf: {  	_ =	swait.ge [sflag:s17], $0x2800;
	(pc) =	sbr.rel @!p2 .LBB2_9-.Ltmp4, $4  }
0xe0: {  	[sflag:s17] =	ssyncset.done $0x0  }
0xe1: {  	[sflag:s17] =	ssyncadd.s32 $0xFFFFD800  }
0xe2: {  	_ =	swait.ge [sflag:s22], $0x40  }
0xe3: {  	s1 =	sadd.s32 $0xFFFFFFFF, s4;
	[sflag:s22] =	ssyncset.done $0x0  }
.LBB2_8:
0xe4: {  	p2 =	sne.s32 s1, $0x1;
	s1 =	sadd.s32 $0xFFFFFFFF, s1;
	[sflag:s22] =	ssyncadd.s32 $0xFFFFFFC0  }
.Ltmp5:
0xe5: {  	(pc) =	sbr.rel @p2 .LBB2_8-.Ltmp5, $3  }
0xe6: {  	_ =	sdelay $0x1  }
0xe7: {  	_ =	swait.ge [sflag:s22], $0x40  }
0xe8: {  	[sflag:s22] =	ssyncset.done $0x0  }
.LBB2_9:
0xe9: {  	[sflag:s22] =	ssyncadd.s32 $0xFFFFFFC0;
	s0 =	sshll.u32 s3, $0x6;
	s25 =	sadd.s32 $0x1, s25  }
0xea: {  	s1 =	sshrl.u32 s11, $0x3;
	s16 =	simm.s32 $0x10;
	p2 =	sne.s32 s25, s15  }
.Ltmp6:
0xeb: {  	[bflag:$0x0] =	sbarrier.arrive $0xFFFF;
	s0 =	sor.u32 $0x1C02, s0;
	(pc) =	sbr.rel @p2 .LBB2_1-.Ltmp6, $4  }
0xec: {  	[hbm:s14@s23], [sflag:s0] =	dma.strided [spmem:s1@s16], $0x50, s22, $0x10   }
0xed: {  	_ =	swait.ge [sflag:s17], $0x50  }
0xee: {  	[sflag:s17] =	ssyncset.done $0x0  }
0xef: {  	[sflag:s17] =	ssyncadd.s32 $0xFFFFFFB0  }
0xf0: {  	_ =	sfence.sel $0x180000  }
0xf1: {  	[bflag:$0x0] =	sbarrier.arrive $0xFFFF  }
0xf2: {  	_ =	strace $0x90000047  }
0xf3: {  	[bflag:$0x2] =	sbarrier.arrive $0xFFFF  }
0xf4: {  	p0 =	sne.s32 s3, $0x0;
	s0 =	rddreg [dreg:$0x5]  }
0xf5: {  	s0 =	sadd.s32 @!p0 $0x100000, s0  }
0xf6: {  	[sflag:s0] =	ssyncadd.tile.s32 @!p0 $0x1;
	_ =	shalt  }
.Lfunc_end2:
_tile_overlayer_lowered:
.L_overlay_start_2:
0xf7: {  	(tag) =	ssettag $0x2  }
0xf8: {  	s0 =	rddreg [dreg:$0x0];
	s2 =	stileid.u32  }
0xf9: {  	s1 =	rddreg [dreg:$0x1];
	p0 =	sne.s32 s2, $0x0  }
0xfa: {  	s3 =	rddreg [dreg:$0x2];
	[bflag:$0x3] =	sbarrier.arrive $0xFFFF;
	s2 =	simm.s32 @!p0 $0x1C02  }
0xfb: {  	[timem:s3], [sflag:s2] =	dma.local @!p0 [hbm:s0], s1  }
0xfc: {  	s0 =	simm.s32 @!p0 $0x2  }
0xfd: {  	_ =	swait.ge @!p0 [sflag:s0], s1  }
0xfe: {  	s1 =	ssub.s32 @!p0 $0x0, s1;
	[sflag:s0] =	ssyncset.done @!p0 $0x0  }
0xff: {  	[sflag:s0] =	ssyncadd.s32 @!p0 s1  }
0x100: {  	[bflag:$0x3] =	sbarrier.arrive $0xFFFF  }
0x101: {  	_ =	shalt  }

// kernel: kernel.20.cloned.1.call-start
scs
__scs_entry_jumppad:
0x0: {  	(pc) =	sbr.rel $0x88, $3  }
0x1: {  	(tag) =	ssettag $0x0;
	lr =	simm.s32 $0x1  }
0x2: {  	[smem:$0x3F90] =	sst lr;
	_ =	strace $0xD0000000  }
0x3: {  	_ = 	snop  }
0x4: {  	_ = 	snop  }
0x5: {  	_ = 	snop  }
0x6: {  	_ = 	snop  }
0x7: {  	_ = 	snop  }
__scs_overlays_trampoline_lowered:
0x8: {  	[smem:$0x3F9F] =	sst s0  }
0x9: {  	[smem:$0x3FA0] =	sst s1  }
0xa: {  	[smem:$0x3FA1] =	sst s2  }
0xb: {  	[smem:$0x3FA2] =	sst s3  }
0xc: {  	[smem:$0x3FA3] =	sst s4  }
0xd: {  	[smem:$0x3FA4] =	sst s5  }
0xe: {  	[smem:$0x3FA5] =	sst s6  }
0xf: {  	[smem:$0x3FA6] =	sst s7  }
0x10: {  	[smem:$0x3FA7] =	sst s8  }
0x11: {  	[smem:$0x3FA8] =	sst s9;
	s0 =	simm.s32 @!p0 $0x0  }
0x12: {  	s1 =	sld [smem:$0x3F8E];
	s0 =	simm.s32 @p0 $0x1  }
0x13: {  	[smem:$0x3FA9] =	sst s0;
	s0 =	simm.s32 @!p1 $0x0  }
0x14: {  	s2 =	sld [smem:$0x3F8D];
	s0 =	simm.s32 @p1 $0x1  }
0x15: {  	[smem:$0x3FAA] =	sst s0;
	s0 =	simm.s32 @!p2 $0x0  }
0x16: {  	s3 =	sld [smem:$0x3FDB];
	s0 =	simm.s32 @p2 $0x1  }
0x17: {  	s4 =	simm.s32 $0x1BF5;
	[smem:$0x3FAC] =	sst s0  }
0x18: {  	s0 =	sld [smem:$0x3F8F];
	_ =	swait.ge [sflag:s4], $0x0  }
0x19: {  	s7 =	sld [smem:$0x3F90]  }
0x1a: {  	s8 =	sadd.s32 $0xFFFFE003, lr  }
0x1b: {  	s9 =	sadd.s32 $0xFFFFFEF7, lr;
	s5 =	simm.s32 $0xFFFFFFFF;
	p2 =	slt.u32 s8, $0xFFFFF086  }
0x1c: {  	p1 =	slt.u32 s9, $0xF7A;
	s5 =	simm.s32 @!p2 $0x0  }
0x1d: {  	s5 =	simm.s32 @p1 $0x1;
	p0 =	seq.s32 s7, s2  }
0x1e: {  	s7 =	smul.u32 @!p0 $0xF7A, s2;
	p2 =	seq.s32 @!p0 s5, $0x0  }
0x1f: {  	s9 =	smul.u32 $0xF7A, s1;
	s8 =	simm.s32 @!p0 $0x1BF5;
	p2 =	por !p2, p0  }
0x20: {  	[sflag:s8] =	ssyncset.s32 @!p0 $0xFFFFF086;
	s6 =	sadd.s32 @!p0 s3, s7;
	s7 =	simm.s32 @!p0 $0x108  }
0x21: {  	s3 =	sadd.s32 s3, s9;
	s6 =	sadd.s32 @!p0 $0x88, s6;
	s7 =	simm.s32 @p2 $0x1082  }
0x22: {  	[simem:s7], [sflag:s8] =	dma.local @!p0 [hbm:s6], $0xF7A  }
0x23: {  	s9 =	sor.u32 $0xD0000000, s2;
	s6 =	simm.s32 $0x108;
	_ =	swait.ge @!p0 [sflag:s8], $0x0  }
0x24: {  	s3 =	sadd.s32 $0x88, s3;
	s6 =	simm.s32 @!p1 $0x1082;
	[sflag:s4] =	ssyncset.s32 $0xFFFFF086  }
0x25: {  	[simem:s6], [sflag:s4] =	dma.local [hbm:s3], $0xF7A  }
0x26: {  	[smem:$0x3F90] =	sst s1;
	(tag) =	ssettag s2;
	_ =	strace s9  }
0x27: {  	s1 =	sld [smem:$0x3FA0]  }
0x28: {  	s2 =	sld [smem:$0x3FA1]  }
0x29: {  	s4 =	sld [smem:$0x3FA3]  }
0x2a: {  	p0 =	seq.s32 s5, $0x0;
	s5 =	sld [smem:$0x3FA4]  }
0x2b: {  	s6 =	sld [smem:$0x3FA5]  }
0x2c: {  	s7 =	sld [smem:$0x3FA6]  }
0x2d: {  	s3 =	simm.s32 $0x108;
	s8 =	sld [smem:$0x3FA7]  }
0x2e: {  	s3 =	simm.s32 @!p0 $0x1082;
	s9 =	sld [smem:$0x3FA8]  }
0x2f: {  	lr =	sadd.s32 s0, s3;
	s0 =	sld [smem:$0x3F9F]  }
0x30: {  	s3 =	sld [smem:$0x3FA2]  }
0x31: {  	[smem:$0x3FAB] =	sst s10  }
0x32: {  	s10 =	sld [smem:$0x3FA9];
	_ =	sdelay $0x3  }
0x33: {  	p0 =	seq.s32 s10, $0x1;
	s10 =	sld [smem:$0x3FAB];
	_ =	sdelay $0x3  }
0x34: {  	[smem:$0x3FAB] =	sst s10  }
0x35: {  	s10 =	sld [smem:$0x3FAA];
	_ =	sdelay $0x3  }
0x36: {  	p1 =	seq.s32 s10, $0x1;
	s10 =	sld [smem:$0x3FAB];
	_ =	sdelay $0x3  }
0x37: {  	[smem:$0x3FAB] =	sst s10  }
0x38: {  	s10 =	sld [smem:$0x3FAC]  }
0x39: {  	_ = 	snop;
	(pc) =	sbr.ind lr, $3  }
0x3a: {  	_ = 	snop  }
0x3b: {  	_ = 	snop  }
0x3c: {  	p2 =	seq.s32 s10, $0x1;
	s10 =	sld [smem:$0x3FAB]  }
0x3d: {  	_ =	shalt  }
0x3e: {  	_ =	shalt  }
0x3f: {  	_ =	shalt  }
0x40: {  	_ =	shalt  }
0x41: {  	_ =	shalt  }
0x42: {  	_ =	shalt  }
0x43: {  	_ =	shalt  }
0x44: {  	_ =	shalt  }
0x45: {  	_ =	shalt  }
0x46: {  	_ =	shalt  }
0x47: {  	_ =	shalt  }
0x48: {  	_ =	shalt  }
0x49: {  	_ =	shalt  }
0x4a: {  	_ =	shalt  }
0x4b: {  	_ =	shalt  }
0x4c: {  	_ =	shalt  }
0x4d: {  	_ =	shalt  }
0x4e: {  	_ =	shalt  }
0x4f: {  	_ =	shalt  }
0x50: {  	_ =	shalt  }
0x51: {  	_ =	shalt  }
0x52: {  	_ =	shalt  }
0x53: {  	_ =	shalt  }
0x54: {  	_ =	shalt  }
0x55: {  	_ =	shalt  }
0x56: {  	_ =	shalt  }
0x57: {  	_ =	shalt  }
0x58: {  	_ =	shalt  }
0x59: {  	_ =	shalt  }
0x5a: {  	_ =	shalt  }
0x5b: {  	_ =	shalt  }
0x5c: {  	_ =	shalt  }
0x5d: {  	_ =	shalt  }
0x5e: {  	_ =	shalt  }
0x5f: {  	_ =	shalt  }
0x60: {  	_ =	shalt  }
0x61: {  	_ =	shalt  }
0x62: {  	_ =	shalt  }
0x63: {  	_ =	shalt  }
0x64: {  	_ =	shalt  }
0x65: {  	_ =	shalt  }
0x66: {  	_ =	shalt  }
0x67: {  	_ =	shalt  }
0x68: {  	_ =	shalt  }
0x69: {  	_ =	shalt  }
0x6a: {  	_ =	shalt  }
0x6b: {  	_ =	shalt  }
0x6c: {  	_ =	shalt  }
0x6d: {  	_ =	shalt  }
0x6e: {  	_ =	shalt  }
0x6f: {  	_ =	shalt  }
0x70: {  	_ =	shalt  }
0x71: {  	_ =	shalt  }
0x72: {  	_ =	shalt  }
0x73: {  	_ =	shalt  }
0x74: {  	_ =	shalt  }
0x75: {  	_ =	shalt  }
0x76: {  	_ =	shalt  }
0x77: {  	_ =	shalt  }
0x78: {  	_ =	shalt  }
0x79: {  	_ =	shalt  }
0x7a: {  	_ =	shalt  }
0x7b: {  	_ =	shalt  }
0x7c: {  	_ =	shalt  }
0x7d: {  	_ =	shalt  }
0x7e: {  	_ =	shalt  }
0x7f: {  	_ =	shalt  }
0x80: {  	_ =	shalt  }
0x81: {  	_ =	shalt  }
0x82: {  	_ =	shalt  }
0x83: {  	_ =	shalt  }
0x84: {  	_ =	shalt  }
0x85: {  	_ =	shalt  }
0x86: {  	_ =	shalt  }
0x87: {  	_ =	shalt  }
.Lfunc_end0:
.L_simem_size_0:
called_computation.1_lowered:
.L_overlay_start_0:
0x88: {  	s2 =	sld [smem:$0x3FD9]  }
0x89: {  	s3 =	sld [smem:$0x3FFE];
	_ =	sdelay $0x1  }
0x8a: {  	s1 =	srdreg.scid  }
0x8b: {  	s0 =	sand.u32 $0x1, s1  }
0x8c: {  	s17 =	sshll.u32 s0, $0xA;
	s2 =	sadd.s32 s3, s2  }
0x8d: {  	s2 =	sadd.s32 s2, s17  }
0x8e: {  	[smem:$0x3FB7] =	sst s2  }
0x8f: {  	_ = 	snop  }
0x90: {  	s2 =	sld [smem:$0x3FD0];
	(tm) =	ssettm $0x1  }
0x91: {  	s18 =	sld [smem:$0x3FFB];
	_ =	sdelay $0x3  }
0x92: {  	_ =	strace s18  }
0x93: {  	s3 =	sld [smem:$0x3FFC];
	_ =	sdelay $0x3  }
0x94: {  	_ =	strace s3  }
0x95: {  	s3 =	sld [smem:$0x3FFD];
	_ =	sdelay $0x3  }
0x96: {  	_ =	strace s3  }
0x97: {  	_ =	strace $0x8FFFFFFF  }
0x98: {  	s19 =	sld [smem:$0x3FDB];
	_ =	sdelay $0x1  }
0x99: {  	s4 =	simm.s32 $_scs_section_size  }
0x9a: {  	s5 =	simm.s32 $_size__tile_overlayer_lowered;
	s6 =	simm.s32 $_tile_overlayer_lowered  }
0x9b: {  	s22 =	simm.s32 $0x1BFF;
	s21 =	sshll.u32 s6, $0x1;
	s3 =	sadd.s32 s4, s19  }
0x9c: {  	s7 =	simm.s32 $0x0;
	s20 =	sshll.u32 s5, $0x1;
	s5 =	sadd.s32 s21, s3  }
0x9d: {  	[timem:s7], [sflag:s22] =	dma.local [hbm:s5], s20  }
0x9e: {  	_ =	swait.ge [sflag:s22], s20  }
0x9f: {  	s4 =	ssub.s32 $0x0, s20;
	[sflag:s22] =	ssyncset.done $0x0  }
0xa0: {  	[sflag:s22] =	ssyncadd.s32 s4;
	_ =	sdelay $0x1  }
0xa1: {  	s23 =	simm.s32 $0x1B8B  }
0xa2: {  	_ =	swait.ge [sflag:s23], $0x1  }
0xa3: {  	[sflag:s23] =	ssyncset.done $0x0  }
0xa4: {  	s25 =	simm.s32 $0x1B8E;
	s24 =	sld [smem:$0x3FFE];
	[sflag:s23] =	ssyncadd.s32 $0xFFFFFFFF  }
0xa5: {  	s26 =	simm.s32 $execute0_lowered;
	[smem:$0x3FD2] =	sst s25  }
0xa6: {  	s5 =	sshll.u32 s26, $0x1;
	_ =	strace $0x80000049;
	[dreg:$0x1] =	wrdreg $0xFFFFFFFF  }
0xa7: {  	s28 =	simm.s32 $_size_execute0_lowered;
	s3 =	sadd.s32 s3, s5;
	[dreg:$0x0] =	wrdreg $0x0  }
0xa8: {  	s5 =	sshll.u32 s28, $0x1;
	[dreg:$0x2] =	wrdreg s3  }
0xa9: {  	[dreg:$0x3] =	wrdreg s5  }
0xaa: {  	[dreg:$0x4] =	wrdreg $0xC0  }
0xab: {  	_ =	task [dreg:s7], $0x5FFFF  }
0xac: {  	[dreg:$0x1] =	wrdreg $0xFFFFFFFF  }
0xad: {  	[dreg:$0x0] =	wrdreg $0x60  }
0xae: {  	[dreg:$0x2] =	wrdreg s24  }
0xaf: {  	[dreg:$0x3] =	wrdreg s2  }
0xb0: {  	[dreg:$0x4] =	wrdreg $0xBC000  }
0xb1: {  	[dreg:$0x5] =	wrdreg $0x9  }
0xb2: {  	_ =	task.clear_ibuf [dreg:s7], $0x6FFFF;
	_ =	strace $0x90000049  }
0xb3: {  	s29 =	simm.s32 $0x9;
	_ =	strace $0x8000004B  }
0xb4: {  	_ =	swait.ge [sflag:s29], $0x1  }
0xb5: {  	[sflag:s29] =	ssyncadd.s32 $0xFFFFFFFF  }
0xb6: {  	_ =	strace $0x9000004B  }
0xb7: {  	_ =	sfence  }
0xb8: {  	s30 =	sld [smem:$0x0];
	_ =	sdelay $0x2  }
0xb9: {  	s31 =	sshll.u32 s1, $0xD;
	s1 =	sshrl.u32 s1, $0x2  }
0xba: {  	s3 =	sand.u32 $0x4000, s31;
	s1 =	sadd.s32 s1, s30  }
0xbb: {  	s0 =	sor.u32 s3, s0;
	s1 =	sshll.u32 s1, $0x11  }
0xbc: {  	s0 =	sor.u32 s1, s0  }
0xbd: {  	s0 =	sadd.s32 $0x8F2B, s0  }
0xbe: {  	[sflag:s0] =	ssyncadd.remote.s32 $0x1  }
0xbf: {  	_ =	sfence.sel $0xFFFF  }
0xc0: {  	[dreg:$0x0] =	wrdreg $0xFFFFFFFF;
	(pc) =	sbr.abs _section_cstart, $3  }
0xc1: {  	[dreg:$0x1] =	wrdreg $0xFFFFFFFF  }
0xc2: {  	_ =	task.clear_ibuf [dreg:s7], $0x2FFFF;
	_ =	strace $0x9FFFFFFF  }
0xc3: {  	(tm) =	ssettm $0x7FFFFFFF  }
tec
execute0_lowered:
.L_overlay_start_1:
0x0: {  	(tag) =	ssettag $0x1  }
0x1: {  	s0 =	srdreg.scid;
	s1 =	rddreg [dreg:$0x0]  }
0x2: {  	s9 =	stileid.u32;
	s3 =	rddreg [dreg:$0x1];
	s4 =	simm.s32 $0x0  }
0x3: {  	s20 =	simm.s32 $0x3C00;
	s28 =	simm.s32 $0x7C00;
	s30 =	simm.s32 $0x9C00  }
0x4: {  	s31 =	simm.s32 $0x2;
	s19 =	simm.s32 $0x4;
	s29 =	simm.s32 $0x9  }
0x5: {  	s0 =	sand.u32 $0x1, s0;
	[smem:$0x7FF] =	sst s4;
	s8 =	smul.u32 $0x14000, s9  }
0x6: {  	s4 =	sadd.s32 $0x9000, s1;
	s21 =	smul.u32 $0x50000, s9;
	s2 =	sshll.u32 s0, $0x4  }
0x7: {  	s7 =	smul.u32 $0x140000, s0;
	s0 =	ssub.s32 $0x2, s0;
	s5 =	sor.u32 s9, s2  }
0x8: {  	s2 =	rddreg [dreg:$0x2];
	_ =	strace $0x8000004A;
	s22 =	sshrl.u32 s0, $0x1  }
0x9: {  	s23 =	sshrl.u32 s21, $0x2;
	s21 =	simm.s32 $0x1;
	s6 =	smul.u32 $0x280, s5  }
0xa: {  	s7 =	sadd.s32 s8, s7;
	s5 =	smul.u32 $0x500, s5;
	s0 =	ssub.s32 s0, s22  }
0xb: {  	s22 =	simm.s32 $0x5;
	s7 =	sshrl.u32 s7, $0x3;
	s18 =	smax.u32 s0, $0x1  }
0xc: {  	s0 =	simm.s32 $0x7;
	s6 =	sadd.s32 s6, s1;
	s1 =	sadd.s32 s7, s1  }
0xd: {  	s3 =	sadd.s32 s3, s5;
	s7 =	sadd.s32 s23, s2;
	s23 =	simm.s32 $0x6  }
0xe: {  	s6 =	sadd.s32 $0x4000, s6;
	[dreg:$0x5] =	wrdreg s3;
	s24 =	sadd.s32 $0x2000, s7  }
0xf: {  	s25 =	sadd.s32 $0x4000, s7;
	s26 =	sadd.s32 $0x6000, s7;
	s11 =	sadd.s32 $0x8000, s7  }
0x10: {  	s12 =	sadd.s32 $0xA000, s7;
	s13 =	sadd.s32 $0xC000, s7;
	[dreg:$0x4] =	wrdreg s6  }
0x11: {  	s14 =	sadd.s32 $0xE000, s7;
	s15 =	sadd.s32 $0x10000, s7;
	[dreg:$0x6] =	wrdreg s24  }
0x12: {  	s16 =	sadd.s32 $0x12000, s7;
	s17 =	sadd.s32 $0x7E400, s1;
	[dreg:$0x7] =	wrdreg s25  }
0x13: {  	s1 =	simm.s32 $0x3;
	s3 =	simm.s32 $0x0;
	[dreg:$0x8] =	wrdreg s26  }
0x14: {  	v0 =	vimm.f32 $0.0e+00;
	s24 =	simm.s32 $0x40;
	s25 =	simm.s32 $0x5C00;
	s26 =	simm.s32 $0x8  }
.LBB2_1:
0x15: {  	s5 =	simm.s32 $0x0;
	s6 =	rddreg [dreg:$0x4]  }
0x16: {  	[tilespmem:s5], [sflag:$0x5] =	stream.linear.gather [hbm4b:s6+s5], $0x1400, $0x38;
	[tilespmem:$0x1FC00] =	vst v63  }
0x17: {  	s10 =	rddreg [dreg:$0x5];
	s8 =	simm.s32 $0x1400  }
0x18: {  	[tilespmem:s8], [sflag:$0x6] =	stream.linear.gather [hbm4b:s10+s5], $0x2800, $0x38;
	[tilespmem:$0x1FC00] =	vst v63  }
0x19: {  	s6 =	simm.s32 $0x200;
	s5 =	simm.s32 $0x0  }
.LBB2_2:
0x1a: {  	p0 =	sne.s32 s6, $0x7E00;
	[tilespmem:s5+$0x3C70] =	vst v0  }
0x1b: {  	[tilespmem:s5+$0x3C00] =	vst v0  }
0x1c: {  	[tilespmem:s5+$0x3C10] =	vst v0  }
.Ltmp0:
0x1d: {  	[tilespmem:s5+$0x3C20] =	vst v0;
	(pc) =	sbr.rel @p0 .LBB2_2-.Ltmp0, $4  }
0x1e: {  	[tilespmem:s5+$0x3C30] =	vst v0  }
0x1f: {  	[tilespmem:s5+$0x3C40] =	vst v0  }
0x20: {  	[tilespmem:s5+$0x3C50] =	vst v0  }
0x21: {  	[tilespmem:s5+$0x3C60] =	vst v0;
	s5 =	sshra.s32 s6, $0x2;
	s6 =	sadd.s32 $0x200, s6  }
0x22: {  	[tilespmem:s5+$0x3C70] =	vst v0  }
0x23: {  	[tilespmem:s5+$0x3C00] =	vst v0  }
0x24: {  	[tilespmem:s5+$0x3C10] =	vst v0  }
0x25: {  	[tilespmem:s5+$0x3C20] =	vst v0  }
0x26: {  	[tilespmem:s5+$0x3C30] =	vst v0  }
0x27: {  	[tilespmem:s5+$0x3C40] =	vst v0  }
0x28: {  	[tilespmem:s5+$0x3C50] =	vst v0  }
0x29: {  	[tilespmem:s5+$0x3C60] =	vst v0  }
0x2a: {  	[spmem:s7] =	stream.linear.scatter [tilespmem:s20], [sflag:$0x1], $0x2000, $0x38;
	[tilespmem:$0x1FC00] =	vst v63  }
0x2b: {  	s10 =	rddreg [dreg:$0x6]  }
0x2c: {  	[spmem:s10] =	stream.linear.scatter [tilespmem:s20], [sflag:$0x1], $0x2000, $0x38;
	[tilespmem:$0x1FC00] =	vst v63  }
0x2d: {  	s6 =	rddreg [dreg:$0x7]  }
0x2e: {  	[spmem:s6] =	stream.linear.scatter [tilespmem:s20], [sflag:$0x1], $0x2000, $0x38;
	[tilespmem:$0x1FC00] =	vst v63  }
0x2f: {  	s8 =	rddreg [dreg:$0x8]  }
0x30: {  	[spmem:s8] =	stream.linear.scatter [tilespmem:s20], [sflag:$0x1], $0x2000, $0x38;
	[tilespmem:$0x1FC00] =	vst v63  }
0x31: {  	_ = 	snop  }
0x32: {  	[spmem:s11] =	stream.linear.scatter [tilespmem:s20], [sflag:$0x1], $0x2000, $0x38;
	[tilespmem:$0x1FC00] =	vst v63  }
0x33: {  	_ = 	snop  }
0x34: {  	[spmem:s12] =	stream.linear.scatter [tilespmem:s20], [sflag:$0x1], $0x2000, $0x38;
	[tilespmem:$0x1FC00] =	vst v63  }
0x35: {  	_ = 	snop  }
0x36: {  	[spmem:s13] =	stream.linear.scatter [tilespmem:s20], [sflag:$0x1], $0x2000, $0x38;
	[tilespmem:$0x1FC00] =	vst v63  }
0x37: {  	_ = 	snop  }
0x38: {  	[spmem:s14] =	stream.linear.scatter [tilespmem:s20], [sflag:$0x1], $0x2000, $0x38;
	[tilespmem:$0x1FC00] =	vst v63  }
0x39: {  	_ = 	snop  }
0x3a: {  	[spmem:s15] =	stream.linear.scatter [tilespmem:s20], [sflag:$0x1], $0x2000, $0x38;
	[tilespmem:$0x1FC00] =	vst v63  }
0x3b: {  	_ = 	snop  }
0x3c: {  	[spmem:s16] =	stream.linear.scatter [tilespmem:s20], [sflag:$0x1], $0x2000, $0x38;
	[tilespmem:$0x1FC00] =	vst v63  }
0x3d: {  	_ =	swait.ge [sflag:s21], $0x2000  }
0x3e: {  	[sflag:s21] =	ssyncset.done $0x0  }
0x3f: {  	[sflag:s21] =	ssyncadd.s32 $0xFFFFE000  }
0x40: {  	_ =	swait.ge [sflag:s21], $0x2000  }
0x41: {  	[sflag:s21] =	ssyncset.done $0x0  }
0x42: {  	[sflag:s21] =	ssyncadd.s32 $0xFFFFE000  }
0x43: {  	_ =	swait.ge [sflag:s21], $0x2000  }
0x44: {  	[sflag:s21] =	ssyncset.done $0x0  }
0x45: {  	[sflag:s21] =	ssyncadd.s32 $0xFFFFE000  }
0x46: {  	_ =	swait.ge [sflag:s21], $0x2000  }
0x47: {  	[sflag:s21] =	ssyncset.done $0x0  }
0x48: {  	[sflag:s21] =	ssyncadd.s32 $0xFFFFE000  }
0x49: {  	_ =	swait.ge [sflag:s21], $0x2000  }
0x4a: {  	[sflag:s21] =	ssyncset.done $0x0  }
0x4b: {  	[sflag:s21] =	ssyncadd.s32 $0xFFFFE000  }
0x4c: {  	_ =	swait.ge [sflag:s21], $0x2000  }
0x4d: {  	[sflag:s21] =	ssyncset.done $0x0  }
0x4e: {  	[sflag:s21] =	ssyncadd.s32 $0xFFFFE000  }
0x4f: {  	_ =	swait.ge [sflag:s21], $0x2000  }
0x50: {  	[sflag:s21] =	ssyncset.done $0x0  }
0x51: {  	[sflag:s21] =	ssyncadd.s32 $0xFFFFE000  }
0x52: {  	_ =	swait.ge [sflag:s21], $0x2000  }
0x53: {  	[sflag:s21] =	ssyncset.done $0x0  }
0x54: {  	[sflag:s21] =	ssyncadd.s32 $0xFFFFE000  }
0x55: {  	_ =	swait.ge [sflag:s21], $0x2000  }
0x56: {  	[sflag:s21] =	ssyncset.done $0x0  }
0x57: {  	[sflag:s21] =	ssyncadd.s32 $0xFFFFE000  }
0x58: {  	_ =	swait.ge [sflag:s21], $0x2000  }
0x59: {  	[sflag:s21] =	ssyncset.done $0x0  }
0x5a: {  	[sflag:s21] =	ssyncadd.s32 $0xFFFFE000  }
0x5b: {  	_ =	swait.ge [sflag:s22], $0x1400  }
0x5c: {  	[sflag:s22] =	ssyncset.done $0x0  }
0x5d: {  	[sflag:s22] =	ssyncadd.s32 $0xFFFFEC00  }
0x5e: {  	_ =	swait.ge [sflag:s23], $0x2800  }
0x5f: {  	[sflag:s23] =	ssyncset.done $0x0  }
0x60: {  	[sflag:s23] =	ssyncadd.s32 $0xFFFFD800  }
0x61: {  	s9 =	simm.s32 $0x0;
	[bflag:$0x0] =	sbarrier.arrive $0xFFFF  }
0x62: {  	[tilespmem:s20], [sflag:$0x1] =	stream.indirect.gather [hbm4b:s4+s24], $0x80, s9, s24, $0xb8;
	[tilespmem:$0x1FC00] =	vst v63  }
0x63: {  	_ = 	snop  }
0x64: {  	[tilespmem:s25], [sflag:$0x2] =	stream.indirect.gather [hbm4b:s4+s24], $0x80, s24, s24, $0xb8;
	[tilespmem:$0x1FC00] =	vst v63  }
0x65: {  	s10 =	simm.s32 $0x80  }
0x66: {  	[tilespmem:s28], [sflag:$0x3] =	stream.indirect.gather [hbm4b:s4+s24], $0x80, s10, s24, $0xb8;
	[tilespmem:$0x1FC00] =	vst v63  }
0x67: {  	s6 =	simm.s32 $0xC0  }
0x68: {  	[tilespmem:s30], [sflag:$0x4] =	stream.indirect.gather [hbm4b:s4+s24], $0x80, s6, s24, $0xb8;
	[tilespmem:$0x1FC00] =	vst v63  }
0x69: {  	_ =	swait.ge [sflag:s21], $0x2000  }
0x6a: {  	[sflag:s21] =	ssyncset.done $0x0  }
0x6b: {  	s8 =	simm.s32 $0x1400;
	[sflag:s21] =	ssyncadd.s32 $0xFFFFE000  }
0x6c: {  	[spmem:s2] =	stream.indirect.scatter.add.f32 [tilespmem:s20], [sflag:$0x5], $0x80, s8, s24, $0xb8;
	[tilespmem:$0x1FC00] =	vst v63  }
0x6d: {  	_ =	swait.ge [sflag:s22], $0x2000  }
0x6e: {  	[sflag:s22] =	ssyncset.done $0x0  }
0x6f: {  	s9 =	simm.s32 $0x100;
	[sflag:s22] =	ssyncadd.s32 $0xFFFFE000  }
0x70: {  	[tilespmem:s20], [sflag:$0x1] =	stream.indirect.gather [hbm4b:s4+s24], $0x80, s9, s24, $0xb8;
	[tilespmem:$0x1FC00] =	vst v63  }
0x71: {  	_ =	swait.ge [sflag:s31], $0x2000  }
0x72: {  	[sflag:s31] =	ssyncset.done $0x0  }
0x73: {  	s10 =	simm.s32 $0x1480;
	[sflag:s31] =	ssyncadd.s32 $0xFFFFE000  }
0x74: {  	[spmem:s2] =	stream.indirect.scatter.add.f32 [tilespmem:s25], [sflag:$0x6], $0x80, s10, s24, $0xb8;
	[tilespmem:$0x1FC00] =	vst v63  }
0x75: {  	_ =	swait.ge [sflag:s23], $0x2000  }
0x76: {  	[sflag:s23] =	ssyncset.done $0x0  }
0x77: {  	s6 =	simm.s32 $0x140;
	[sflag:s23] =	ssyncadd.s32 $0xFFFFE000  }
0x78: {  	[tilespmem:s25], [sflag:$0x2] =	stream.indirect.gather [hbm4b:s4+s24], $0x80, s6, s24, $0xb8;
	[tilespmem:$0x1FC00] =	vst v63  }
0x79: {  	_ =	swait.ge [sflag:s1], $0x2000  }
0x7a: {  	[sflag:s1] =	ssyncset.done $0x0  }
0x7b: {  	s8 =	simm.s32 $0x1500;
	[sflag:s1] =	ssyncadd.s32 $0xFFFFE000  }
0x7c: {  	[spmem:s2] =	stream.indirect.scatter.add.f32 [tilespmem:s28], [sflag:$0x7], $0x80, s8, s24, $0xb8;
	[tilespmem:$0x1FC00] =	vst v63  }
0x7d: {  	_ =	swait.ge [sflag:s0], $0x2000  }
0x7e: {  	[sflag:s0] =	ssyncset.done $0x0  }
0x7f: {  	s9 =	simm.s32 $0x180;
	[sflag:s0] =	ssyncadd.s32 $0xFFFFE000  }
0x80: {  	[tilespmem:s28], [sflag:$0x3] =	stream.indirect.gather [hbm4b:s4+s24], $0x80, s9, s24, $0xb8;
	[tilespmem:$0x1FC00] =	vst v63  }
0x81: {  	_ =	swait.ge [sflag:s19], $0x2000  }
0x82: {  	[sflag:s19] =	ssyncset.done $0x0  }
0x83: {  	s10 =	simm.s32 $0x1580;
	[sflag:s19] =	ssyncadd.s32 $0xFFFFE000  }
0x84: {  	[spmem:s2] =	stream.indirect.scatter.add.f32 [tilespmem:s30], [sflag:$0x8], $0x80, s10, s24, $0xb8;
	[tilespmem:$0x1FC00] =	vst v63  }
0x85: {  	_ =	swait.ge [sflag:s26], $0x2000  }
0x86: {  	s5 =	simm.s32 $0x1C0;
	[sflag:s26] =	ssyncset.done $0x0  }
0x87: {  	s6 =	simm.s32 $0x800;
	s8 =	simm.s32 $0x2C0;
	[sflag:s26] =	ssyncadd.s32 $0xFFFFE000  }
.LBB2_4:
0x88: {  	[tilespmem:s30], [sflag:$0x4] =	stream.indirect.gather [hbm4b:s4+s24], $0x80, s5, s24, $0xb8;
	[tilespmem:$0x1FC00] =	vst v63  }
0x89: {  	s9 =	smov.u32 s6;
	s5 =	smov.u32 s8  }
0x8a: {  	p0 =	sne.s32 s6, $0x9000;
	s6 =	sadd.s32 $0x800, s6;
	_ =	swait.ge [sflag:s21], $0x2000  }
0x8b: {  	s9 =	sshra.s32 s9, $0x2;
	[sflag:s21] =	ssyncset.done $0x0  }
0x8c: {  	s10 =	sadd.s32 $0x1400, s9;
	[sflag:s21] =	ssyncadd.s32 $0xFFFFE000  }
0x8d: {  	[spmem:s2] =	stream.indirect.scatter.add.f32 [tilespmem:s20], [sflag:$0x5], $0x80, s10, s24, $0xb8;
	[tilespmem:$0x1FC00] =	vst v63  }
0x8e: {  	_ =	swait.ge [sflag:s22], $0x2000  }
0x8f: {  	[sflag:s22] =	ssyncset.done $0x0  }
0x90: {  	s10 =	sadd.s32 $0xFFFFFF40, s8;
	[sflag:s22] =	ssyncadd.s32 $0xFFFFE000  }
0x91: {  	[tilespmem:s20], [sflag:$0x1] =	stream.indirect.gather [hbm4b:s4+s24], $0x80, s10, s24, $0xb8;
	[tilespmem:$0x1FC00] =	vst v63  }
0x92: {  	_ =	swait.ge [sflag:s31], $0x2000  }
0x93: {  	[sflag:s31] =	ssyncset.done $0x0  }
0x94: {  	s10 =	sadd.s32 $0x1480, s9;
	[sflag:s31] =	ssyncadd.s32 $0xFFFFE000  }
0x95: {  	[spmem:s2] =	stream.indirect.scatter.add.f32 [tilespmem:s25], [sflag:$0x6], $0x80, s10, s24, $0xb8;
	[tilespmem:$0x1FC00] =	vst v63  }
0x96: {  	_ =	swait.ge [sflag:s23], $0x2000  }
0x97: {  	[sflag:s23] =	ssyncset.done $0x0  }
0x98: {  	s10 =	sadd.s32 $0xFFFFFF80, s8;
	[sflag:s23] =	ssyncadd.s32 $0xFFFFE000  }
0x99: {  	[tilespmem:s25], [sflag:$0x2] =	stream.indirect.gather [hbm4b:s4+s24], $0x80, s10, s24, $0xb8;
	[tilespmem:$0x1FC00] =	vst v63  }
0x9a: {  	_ =	swait.ge [sflag:s1], $0x2000  }
0x9b: {  	[sflag:s1] =	ssyncset.done $0x0  }
0x9c: {  	s10 =	sadd.s32 $0x1500, s9;
	[sflag:s1] =	ssyncadd.s32 $0xFFFFE000  }
0x9d: {  	[spmem:s2] =	stream.indirect.scatter.add.f32 [tilespmem:s28], [sflag:$0x7], $0x80, s10, s24, $0xb8;
	[tilespmem:$0x1FC00] =	vst v63  }
0x9e: {  	_ =	swait.ge [sflag:s0], $0x2000  }
0x9f: {  	[sflag:s0] =	ssyncset.done $0x0  }
0xa0: {  	s10 =	sadd.s32 $0xFFFFFFC0, s8;
	[sflag:s0] =	ssyncadd.s32 $0xFFFFE000  }
0xa1: {  	[tilespmem:s28], [sflag:$0x3] =	stream.indirect.gather [hbm4b:s4+s24], $0x80, s10, s24, $0xb8;
	[tilespmem:$0x1FC00] =	vst v63  }
0xa2: {  	_ =	swait.ge [sflag:s19], $0x2000  }
0xa3: {  	[sflag:s19] =	ssyncset.done $0x0  }
.Ltmp1:
0xa4: {  	s9 =	sadd.s32 $0x1580, s9;
	[sflag:s19] =	ssyncadd.s32 $0xFFFFE000;
	(pc) =	sbr.rel @p0 .LBB2_4-.Ltmp1, $4  }
0xa5: {  	[spmem:s2] =	stream.indirect.scatter.add.f32 [tilespmem:s30], [sflag:$0x8], $0x80, s9, s24, $0xb8;
	[tilespmem:$0x1FC00] =	vst v63  }
0xa6: {  	_ =	swait.ge [sflag:s26], $0x2000  }
0xa7: {  	[sflag:s26] =	ssyncset.done $0x0  }
0xa8: {  	s8 =	sadd.s32 $0x100, s8;
	[sflag:s26] =	ssyncadd.s32 $0xFFFFE000  }
0xa9: {  	[tilespmem:s30], [sflag:$0x4] =	stream.indirect.gather [hbm4b:s4+s24], $0x80, s5, s24, $0xb8;
	[tilespmem:$0x1FC00] =	vst v63  }
0xaa: {  	_ =	swait.ge [sflag:s21], $0x2000  }
0xab: {  	[sflag:s21] =	ssyncset.done $0x0  }
0xac: {  	s10 =	simm.s32 $0x3A00;
	[sflag:s21] =	ssyncadd.s32 $0xFFFFE000  }
0xad: {  	[spmem:s2] =	stream.indirect.scatter.add.f32 [tilespmem:s20], [sflag:$0x5], $0x80, s10, s24, $0xb8;
	[tilespmem:$0x1FC00] =	vst v63  }
0xae: {  	_ =	swait.ge [sflag:s31], $0x2000  }
0xaf: {  	[sflag:s31] =	ssyncset.done $0x0  }
0xb0: {  	s6 =	simm.s32 $0x3A80;
	[sflag:s31] =	ssyncadd.s32 $0xFFFFE000  }
0xb1: {  	[spmem:s2] =	stream.indirect.scatter.add.f32 [tilespmem:s25], [sflag:$0x6], $0x80, s6, s24, $0xb8;
	[tilespmem:$0x1FC00] =	vst v63  }
0xb2: {  	_ =	swait.ge [sflag:s1], $0x2000  }
0xb3: {  	[sflag:s1] =	ssyncset.done $0x0  }
0xb4: {  	s8 =	simm.s32 $0x3B00;
	[sflag:s1] =	ssyncadd.s32 $0xFFFFE000  }
0xb5: {  	[spmem:s2] =	stream.indirect.scatter.add.f32 [tilespmem:s28], [sflag:$0x7], $0x80, s8, s24, $0xb8;
	[tilespmem:$0x1FC00] =	vst v63  }
0xb6: {  	_ =	swait.ge [sflag:s19], $0x2000  }
0xb7: {  	[sflag:s19] =	ssyncset.done $0x0  }
0xb8: {  	s9 =	simm.s32 $0x3B80;
	[sflag:s19] =	ssyncadd.s32 $0xFFFFE000  }
0xb9: {  	[spmem:s2] =	stream.indirect.scatter.add.f32 [tilespmem:s30], [sflag:$0x8], $0x80, s9, s24, $0xb8;
	[tilespmem:$0x1FC00] =	vst v63  }
0xba: {  	_ =	swait.ge [sflag:s22], $0x2000  }
0xbb: {  	[sflag:s22] =	ssyncset.done $0x0  }
0xbc: {  	[sflag:s22] =	ssyncadd.s32 $0xFFFFE000  }
0xbd: {  	_ =	swait.ge [sflag:s23], $0x2000  }
0xbe: {  	[sflag:s23] =	ssyncset.done $0x0  }
0xbf: {  	[sflag:s23] =	ssyncadd.s32 $0xFFFFE000  }
0xc0: {  	_ =	swait.ge [sflag:s0], $0x2000  }
0xc1: {  	[sflag:s0] =	ssyncset.done $0x0  }
0xc2: {  	[sflag:s0] =	ssyncadd.s32 $0xFFFFE000  }
0xc3: {  	s10 =	stileid.u32;
	_ =	swait.ge [sflag:s26], $0x2000  }
0xc4: {  	s3 =	sadd.s32 $0x1, s3;
	s5 =	sshll.u32 s10, $0x6;
	[sflag:s26] =	ssyncset.done $0x0  }
0xc5: {  	p0 =	sne.s32 s3, s18;
	s5 =	sor.u32 $0x1C09, s5;
	[sflag:s26] =	ssyncadd.s32 $0xFFFFE000  }
.Ltmp2:
0xc6: {  	s6 =	sshrl.u32 s7, $0x3;
	[bflag:$0x0] =	sbarrier.arrive $0xFFFF;
	(pc) =	sbr.rel @p0 .LBB2_1-.Ltmp2, $4  }
0xc7: {  	[hbm:s17], [sflag:s5] =	dma.local [spmem:s6], $0x2800  }
0xc8: {  	_ =	swait.ge [sflag:s29], $0x2800  }
0xc9: {  	[sflag:s29] =	ssyncset.done $0x0  }
0xca: {  	[sflag:s29] =	ssyncadd.s32 $0xFFFFD800  }
0xcb: {  	_ =	sfence.sel $0x180000  }
0xcc: {  	[bflag:$0x0] =	sbarrier.arrive $0xFFFF  }
0xcd: {  	_ =	strace $0x9000004A  }
0xce: {  	s0 =	stileid.u32;
	[bflag:$0x2] =	sbarrier.arrive $0xFFFF  }
0xcf: {  	p0 =	sne.s32 s0, $0x0;
	s0 =	rddreg [dreg:$0x3]  }
0xd0: {  	s0 =	sadd.s32 @!p0 $0x100000, s0  }
0xd1: {  	[sflag:s0] =	ssyncadd.tile.s32 @!p0 $0x1;
	_ =	shalt  }
.Lfunc_end2:
_tile_overlayer_lowered:
.L_overlay_start_2:
0xd2: {  	(tag) =	ssettag $0x2  }
0xd3: {  	s0 =	rddreg [dreg:$0x0];
	s2 =	stileid.u32  }
0xd4: {  	s1 =	rddreg [dreg:$0x1];
	p0 =	sne.s32 s2, $0x0  }
0xd5: {  	s3 =	rddreg [dreg:$0x2];
	[bflag:$0x3] =	sbarrier.arrive $0xFFFF;
	s2 =	simm.s32 @!p0 $0x1C09  }
0xd6: {  	[timem:s3], [sflag:s2] =	dma.local @!p0 [hbm:s0], s1  }
0xd7: {  	s0 =	simm.s32 @!p0 $0x9  }
0xd8: {  	_ =	swait.ge @!p0 [sflag:s0], s1  }
0xd9: {  	s1 =	ssub.s32 @!p0 $0x0, s1;
	[sflag:s0] =	ssyncset.done @!p0 $0x0  }
0xda: {  	[sflag:s0] =	ssyncadd.s32 @!p0 s1  }
0xdb: {  	[bflag:$0x3] =	sbarrier.arrive $0xFFFF  }
0xdc: {  	_ =	shalt  }

// kernel: kernel.23.cloned.1.call-start
scs
__scs_entry_jumppad:
0x0: {  	(pc) =	sbr.rel $0x88, $3  }
0x1: {  	(tag) =	ssettag $0x0;
	lr =	simm.s32 $0x1  }
0x2: {  	[smem:$0x3F90] =	sst lr;
	_ =	strace $0xD0000000  }
0x3: {  	_ = 	snop  }
0x4: {  	_ = 	snop  }
0x5: {  	_ = 	snop  }
0x6: {  	_ = 	snop  }
0x7: {  	_ = 	snop  }
__scs_overlays_trampoline_lowered:
0x8: {  	[smem:$0x3F9F] =	sst s0  }
0x9: {  	[smem:$0x3FA0] =	sst s1  }
0xa: {  	[smem:$0x3FA1] =	sst s2  }
0xb: {  	[smem:$0x3FA2] =	sst s3  }
0xc: {  	[smem:$0x3FA3] =	sst s4  }
0xd: {  	[smem:$0x3FA4] =	sst s5  }
0xe: {  	[smem:$0x3FA5] =	sst s6  }
0xf: {  	[smem:$0x3FA6] =	sst s7  }
0x10: {  	[smem:$0x3FA7] =	sst s8  }
0x11: {  	[smem:$0x3FA8] =	sst s9;
	s0 =	simm.s32 @!p0 $0x0  }
0x12: {  	s1 =	sld [smem:$0x3F8E];
	s0 =	simm.s32 @p0 $0x1  }
0x13: {  	[smem:$0x3FA9] =	sst s0;
	s0 =	simm.s32 @!p1 $0x0  }
0x14: {  	s2 =	sld [smem:$0x3F8D];
	s0 =	simm.s32 @p1 $0x1  }
0x15: {  	[smem:$0x3FAA] =	sst s0;
	s0 =	simm.s32 @!p2 $0x0  }
0x16: {  	s3 =	sld [smem:$0x3FDB];
	s0 =	simm.s32 @p2 $0x1  }
0x17: {  	s4 =	simm.s32 $0x1BF5;
	[smem:$0x3FAC] =	sst s0  }
0x18: {  	s0 =	sld [smem:$0x3F8F];
	_ =	swait.ge [sflag:s4], $0x0  }
0x19: {  	s7 =	sld [smem:$0x3F90]  }
0x1a: {  	s8 =	sadd.s32 $0xFFFFE003, lr  }
0x1b: {  	s9 =	sadd.s32 $0xFFFFFEF7, lr;
	s5 =	simm.s32 $0xFFFFFFFF;
	p2 =	slt.u32 s8, $0xFFFFF086  }
0x1c: {  	p1 =	slt.u32 s9, $0xF7A;
	s5 =	simm.s32 @!p2 $0x0  }
0x1d: {  	s5 =	simm.s32 @p1 $0x1;
	p0 =	seq.s32 s7, s2  }
0x1e: {  	s7 =	smul.u32 @!p0 $0xF7A, s2;
	p2 =	seq.s32 @!p0 s5, $0x0  }
0x1f: {  	s9 =	smul.u32 $0xF7A, s1;
	s8 =	simm.s32 @!p0 $0x1BF5;
	p2 =	por !p2, p0  }
0x20: {  	[sflag:s8] =	ssyncset.s32 @!p0 $0xFFFFF086;
	s6 =	sadd.s32 @!p0 s3, s7;
	s7 =	simm.s32 @!p0 $0x108  }
0x21: {  	s3 =	sadd.s32 s3, s9;
	s6 =	sadd.s32 @!p0 $0x88, s6;
	s7 =	simm.s32 @p2 $0x1082  }
0x22: {  	[simem:s7], [sflag:s8] =	dma.local @!p0 [hbm:s6], $0xF7A  }
0x23: {  	s9 =	sor.u32 $0xD0000000, s2;
	s6 =	simm.s32 $0x108;
	_ =	swait.ge @!p0 [sflag:s8], $0x0  }
0x24: {  	s3 =	sadd.s32 $0x88, s3;
	s6 =	simm.s32 @!p1 $0x1082;
	[sflag:s4] =	ssyncset.s32 $0xFFFFF086  }
0x25: {  	[simem:s6], [sflag:s4] =	dma.local [hbm:s3], $0xF7A  }
0x26: {  	[smem:$0x3F90] =	sst s1;
	(tag) =	ssettag s2;
	_ =	strace s9  }
0x27: {  	s1 =	sld [smem:$0x3FA0]  }
0x28: {  	s2 =	sld [smem:$0x3FA1]  }
0x29: {  	s4 =	sld [smem:$0x3FA3]  }
0x2a: {  	p0 =	seq.s32 s5, $0x0;
	s5 =	sld [smem:$0x3FA4]  }
0x2b: {  	s6 =	sld [smem:$0x3FA5]  }
0x2c: {  	s7 =	sld [smem:$0x3FA6]  }
0x2d: {  	s3 =	simm.s32 $0x108;
	s8 =	sld [smem:$0x3FA7]  }
0x2e: {  	s3 =	simm.s32 @!p0 $0x1082;
	s9 =	sld [smem:$0x3FA8]  }
0x2f: {  	lr =	sadd.s32 s0, s3;
	s0 =	sld [smem:$0x3F9F]  }
0x30: {  	s3 =	sld [smem:$0x3FA2]  }
0x31: {  	[smem:$0x3FAB] =	sst s10  }
0x32: {  	s10 =	sld [smem:$0x3FA9];
	_ =	sdelay $0x3  }
0x33: {  	p0 =	seq.s32 s10, $0x1;
	s10 =	sld [smem:$0x3FAB];
	_ =	sdelay $0x3  }
0x34: {  	[smem:$0x3FAB] =	sst s10  }
0x35: {  	s10 =	sld [smem:$0x3FAA];
	_ =	sdelay $0x3  }
0x36: {  	p1 =	seq.s32 s10, $0x1;
	s10 =	sld [smem:$0x3FAB];
	_ =	sdelay $0x3  }
0x37: {  	[smem:$0x3FAB] =	sst s10  }
0x38: {  	s10 =	sld [smem:$0x3FAC]  }
0x39: {  	_ = 	snop;
	(pc) =	sbr.ind lr, $3  }
0x3a: {  	_ = 	snop  }
0x3b: {  	_ = 	snop  }
0x3c: {  	p2 =	seq.s32 s10, $0x1;
	s10 =	sld [smem:$0x3FAB]  }
0x3d: {  	_ =	shalt  }
0x3e: {  	_ =	shalt  }
0x3f: {  	_ =	shalt  }
0x40: {  	_ =	shalt  }
0x41: {  	_ =	shalt  }
0x42: {  	_ =	shalt  }
0x43: {  	_ =	shalt  }
0x44: {  	_ =	shalt  }
0x45: {  	_ =	shalt  }
0x46: {  	_ =	shalt  }
0x47: {  	_ =	shalt  }
0x48: {  	_ =	shalt  }
0x49: {  	_ =	shalt  }
0x4a: {  	_ =	shalt  }
0x4b: {  	_ =	shalt  }
0x4c: {  	_ =	shalt  }
0x4d: {  	_ =	shalt  }
0x4e: {  	_ =	shalt  }
0x4f: {  	_ =	shalt  }
0x50: {  	_ =	shalt  }
0x51: {  	_ =	shalt  }
0x52: {  	_ =	shalt  }
0x53: {  	_ =	shalt  }
0x54: {  	_ =	shalt  }
0x55: {  	_ =	shalt  }
0x56: {  	_ =	shalt  }
0x57: {  	_ =	shalt  }
0x58: {  	_ =	shalt  }
0x59: {  	_ =	shalt  }
0x5a: {  	_ =	shalt  }
0x5b: {  	_ =	shalt  }
0x5c: {  	_ =	shalt  }
0x5d: {  	_ =	shalt  }
0x5e: {  	_ =	shalt  }
0x5f: {  	_ =	shalt  }
0x60: {  	_ =	shalt  }
0x61: {  	_ =	shalt  }
0x62: {  	_ =	shalt  }
0x63: {  	_ =	shalt  }
0x64: {  	_ =	shalt  }
0x65: {  	_ =	shalt  }
0x66: {  	_ =	shalt  }
0x67: {  	_ =	shalt  }
0x68: {  	_ =	shalt  }
0x69: {  	_ =	shalt  }
0x6a: {  	_ =	shalt  }
0x6b: {  	_ =	shalt  }
0x6c: {  	_ =	shalt  }
0x6d: {  	_ =	shalt  }
0x6e: {  	_ =	shalt  }
0x6f: {  	_ =	shalt  }
0x70: {  	_ =	shalt  }
0x71: {  	_ =	shalt  }
0x72: {  	_ =	shalt  }
0x73: {  	_ =	shalt  }
0x74: {  	_ =	shalt  }
0x75: {  	_ =	shalt  }
0x76: {  	_ =	shalt  }
0x77: {  	_ =	shalt  }
0x78: {  	_ =	shalt  }
0x79: {  	_ =	shalt  }
0x7a: {  	_ =	shalt  }
0x7b: {  	_ =	shalt  }
0x7c: {  	_ =	shalt  }
0x7d: {  	_ =	shalt  }
0x7e: {  	_ =	shalt  }
0x7f: {  	_ =	shalt  }
0x80: {  	_ =	shalt  }
0x81: {  	_ =	shalt  }
0x82: {  	_ =	shalt  }
0x83: {  	_ =	shalt  }
0x84: {  	_ =	shalt  }
0x85: {  	_ =	shalt  }
0x86: {  	_ =	shalt  }
0x87: {  	_ =	shalt  }
.Lfunc_end0:
.L_simem_size_0:
called_computation.2_lowered:
.L_overlay_start_0:
0x88: {  	s2 =	sld [smem:$0x3FD9]  }
0x89: {  	s3 =	sld [smem:$0x3FFE];
	_ =	sdelay $0x1  }
0x8a: {  	s1 =	srdreg.scid  }
0x8b: {  	s0 =	sand.u32 $0x1, s1  }
0x8c: {  	s17 =	sshll.u32 s0, $0xA;
	s2 =	sadd.s32 s3, s2  }
0x8d: {  	s2 =	sadd.s32 s2, s17  }
0x8e: {  	[smem:$0x3FB7] =	sst s2  }
0x8f: {  	_ = 	snop  }
0x90: {  	s2 =	sld [smem:$0x3FD0];
	(tm) =	ssettm $0x1  }
0x91: {  	s18 =	sld [smem:$0x3FFB];
	_ =	sdelay $0x3  }
0x92: {  	_ =	strace s18  }
0x93: {  	s3 =	sld [smem:$0x3FFC];
	_ =	sdelay $0x3  }
0x94: {  	_ =	strace s3  }
0x95: {  	s3 =	sld [smem:$0x3FFD];
	_ =	sdelay $0x3  }
0x96: {  	_ =	strace s3  }
0x97: {  	_ =	strace $0x8FFFFFFF  }
0x98: {  	s19 =	sld [smem:$0x3FDB];
	_ =	sdelay $0x1  }
0x99: {  	s4 =	simm.s32 $_scs_section_size  }
0x9a: {  	s5 =	simm.s32 $_size__tile_overlayer_lowered;
	s6 =	simm.s32 $_tile_overlayer_lowered  }
0x9b: {  	s22 =	simm.s32 $0x1BFF;
	s21 =	sshll.u32 s6, $0x1;
	s3 =	sadd.s32 s4, s19  }
0x9c: {  	s7 =	simm.s32 $0x0;
	s20 =	sshll.u32 s5, $0x1;
	s5 =	sadd.s32 s21, s3  }
0x9d: {  	[timem:s7], [sflag:s22] =	dma.local [hbm:s5], s20  }
0x9e: {  	_ =	swait.ge [sflag:s22], s20  }
0x9f: {  	s4 =	ssub.s32 $0x0, s20;
	[sflag:s22] =	ssyncset.done $0x0  }
0xa0: {  	[sflag:s22] =	ssyncadd.s32 s4;
	_ =	sdelay $0x1  }
0xa1: {  	s23 =	simm.s32 $0x1B8B  }
0xa2: {  	_ =	swait.ge [sflag:s23], $0x1  }
0xa3: {  	[sflag:s23] =	ssyncset.done $0x0  }
0xa4: {  	s25 =	simm.s32 $0x1B8E;
	s24 =	sld [smem:$0x3FFE];
	[sflag:s23] =	ssyncadd.s32 $0xFFFFFFFF  }
0xa5: {  	s26 =	simm.s32 $execute0_lowered;
	[smem:$0x3FD2] =	sst s25  }
0xa6: {  	s5 =	sshll.u32 s26, $0x1;
	_ =	strace $0x8000004C;
	[dreg:$0x1] =	wrdreg $0xFFFFFFFF  }
0xa7: {  	s28 =	simm.s32 $_size_execute0_lowered;
	s3 =	sadd.s32 s3, s5;
	[dreg:$0x0] =	wrdreg $0x0  }
0xa8: {  	s5 =	sshll.u32 s28, $0x1;
	[dreg:$0x2] =	wrdreg s3  }
0xa9: {  	[dreg:$0x3] =	wrdreg s5  }
0xaa: {  	[dreg:$0x4] =	wrdreg $0xC0  }
0xab: {  	_ =	task [dreg:s7], $0x5FFFF  }
0xac: {  	[dreg:$0x1] =	wrdreg $0xFFFFFFFF  }
0xad: {  	[dreg:$0x0] =	wrdreg $0x60  }
0xae: {  	[dreg:$0x2] =	wrdreg s24  }
0xaf: {  	[dreg:$0x3] =	wrdreg s2  }
0xb0: {  	[dreg:$0x4] =	wrdreg $0xBC000  }
0xb1: {  	[dreg:$0x5] =	wrdreg $0x9  }
0xb2: {  	_ =	task.clear_ibuf [dreg:s7], $0x6FFFF;
	_ =	strace $0x9000004C  }
0xb3: {  	s29 =	simm.s32 $0x9;
	_ =	strace $0x8000004E  }
0xb4: {  	_ =	swait.ge [sflag:s29], $0x1  }
0xb5: {  	[sflag:s29] =	ssyncadd.s32 $0xFFFFFFFF  }
0xb6: {  	_ =	strace $0x9000004E  }
0xb7: {  	_ =	sfence  }
0xb8: {  	s30 =	sld [smem:$0x0];
	_ =	sdelay $0x2  }
0xb9: {  	s31 =	sshll.u32 s1, $0xD;
	s1 =	sshrl.u32 s1, $0x2  }
0xba: {  	s3 =	sand.u32 $0x4000, s31;
	s1 =	sadd.s32 s1, s30  }
0xbb: {  	s0 =	sor.u32 s3, s0;
	s1 =	sshll.u32 s1, $0x11  }
0xbc: {  	s0 =	sor.u32 s1, s0  }
0xbd: {  	s0 =	sadd.s32 $0x8F2B, s0  }
0xbe: {  	[sflag:s0] =	ssyncadd.remote.s32 $0x1  }
0xbf: {  	_ =	sfence.sel $0xFFFF  }
0xc0: {  	[dreg:$0x0] =	wrdreg $0xFFFFFFFF;
	(pc) =	sbr.abs _section_cstart, $3  }
0xc1: {  	[dreg:$0x1] =	wrdreg $0xFFFFFFFF  }
0xc2: {  	_ =	task.clear_ibuf [dreg:s7], $0x2FFFF;
	_ =	strace $0x9FFFFFFF  }
0xc3: {  	(tm) =	ssettm $0x7FFFFFFF  }
tec
execute0_lowered:
.L_overlay_start_1:
0x0: {  	(tag) =	ssettag $0x1  }
0x1: {  	s0 =	srdreg.scid;
	s1 =	rddreg [dreg:$0x0]  }
0x2: {  	s9 =	stileid.u32;
	s3 =	rddreg [dreg:$0x1];
	s4 =	simm.s32 $0x0  }
0x3: {  	s20 =	simm.s32 $0x3C00;
	s28 =	simm.s32 $0x7C00;
	s30 =	simm.s32 $0x9C00  }
0x4: {  	s31 =	simm.s32 $0x2;
	s19 =	simm.s32 $0x4;
	s29 =	simm.s32 $0x9  }
0x5: {  	s0 =	sand.u32 $0x1, s0;
	[smem:$0x7FF] =	sst s4;
	s8 =	smul.u32 $0x14000, s9  }
0x6: {  	s4 =	sadd.s32 $0x9000, s1;
	s21 =	smul.u32 $0x50000, s9;
	s2 =	sshll.u32 s0, $0x4  }
0x7: {  	s7 =	smul.u32 $0x140000, s0;
	s0 =	ssub.s32 $0x2, s0;
	s5 =	sor.u32 s9, s2  }
0x8: {  	s2 =	rddreg [dreg:$0x2];
	_ =	strace $0x8000004D;
	s22 =	sshrl.u32 s0, $0x1  }
0x9: {  	s23 =	sshrl.u32 s21, $0x2;
	s21 =	simm.s32 $0x1;
	s6 =	smul.u32 $0x280, s5  }
0xa: {  	s7 =	sadd.s32 s8, s7;
	s5 =	smul.u32 $0x500, s5;
	s0 =	ssub.s32 s0, s22  }
0xb: {  	s22 =	simm.s32 $0x5;
	s7 =	sshrl.u32 s7, $0x3;
	s18 =	smax.u32 s0, $0x1  }
0xc: {  	s0 =	simm.s32 $0x7;
	s6 =	sadd.s32 s6, s1;
	s1 =	sadd.s32 s7, s1  }
0xd: {  	s3 =	sadd.s32 s3, s5;
	s7 =	sadd.s32 s23, s2;
	s23 =	simm.s32 $0x6  }
0xe: {  	s6 =	sadd.s32 $0x4000, s6;
	[dreg:$0x5] =	wrdreg s3;
	s24 =	sadd.s32 $0x2000, s7  }
0xf: {  	s25 =	sadd.s32 $0x4000, s7;
	s26 =	sadd.s32 $0x6000, s7;
	s11 =	sadd.s32 $0x8000, s7  }
0x10: {  	s12 =	sadd.s32 $0xA000, s7;
	s13 =	sadd.s32 $0xC000, s7;
	[dreg:$0x4] =	wrdreg s6  }
0x11: {  	s14 =	sadd.s32 $0xE000, s7;
	s15 =	sadd.s32 $0x10000, s7;
	[dreg:$0x6] =	wrdreg s24  }
0x12: {  	s16 =	sadd.s32 $0x12000, s7;
	s17 =	sadd.s32 $0x7E400, s1;
	[dreg:$0x7] =	wrdreg s25  }
0x13: {  	s1 =	simm.s32 $0x3;
	s3 =	simm.s32 $0x0;
	[dreg:$0x8] =	wrdreg s26  }
0x14: {  	v0 =	vimm.f32 $0.0e+00;
	s24 =	simm.s32 $0x40;
	s25 =	simm.s32 $0x5C00;
	s26 =	simm.s32 $0x8  }
.LBB2_1:
0x15: {  	s5 =	simm.s32 $0x0;
	s6 =	rddreg [dreg:$0x4]  }
0x16: {  	[tilespmem:s5], [sflag:$0x5] =	stream.linear.gather [hbm4b:s6+s5], $0x1400, $0x38;
	[tilespmem:$0x1FC00] =	vst v63  }
0x17: {  	s10 =	rddreg [dreg:$0x5];
	s8 =	simm.s32 $0x1400  }
0x18: {  	[tilespmem:s8], [sflag:$0x6] =	stream.linear.gather [hbm4b:s10+s5], $0x2800, $0x38;
	[tilespmem:$0x1FC00] =	vst v63  }
0x19: {  	s6 =	simm.s32 $0x200;
	s5 =	simm.s32 $0x0  }
.LBB2_2:
0x1a: {  	p0 =	sne.s32 s6, $0x7E00;
	[tilespmem:s5+$0x3C70] =	vst v0  }
0x1b: {  	[tilespmem:s5+$0x3C00] =	vst v0  }
0x1c: {  	[tilespmem:s5+$0x3C10] =	vst v0  }
.Ltmp0:
0x1d: {  	[tilespmem:s5+$0x3C20] =	vst v0;
	(pc) =	sbr.rel @p0 .LBB2_2-.Ltmp0, $4  }
0x1e: {  	[tilespmem:s5+$0x3C30] =	vst v0  }
0x1f: {  	[tilespmem:s5+$0x3C40] =	vst v0  }
0x20: {  	[tilespmem:s5+$0x3C50] =	vst v0  }
0x21: {  	[tilespmem:s5+$0x3C60] =	vst v0;
	s5 =	sshra.s32 s6, $0x2;
	s6 =	sadd.s32 $0x200, s6  }
0x22: {  	[tilespmem:s5+$0x3C70] =	vst v0  }
0x23: {  	[tilespmem:s5+$0x3C00] =	vst v0  }
0x24: {  	[tilespmem:s5+$0x3C10] =	vst v0  }
0x25: {  	[tilespmem:s5+$0x3C20] =	vst v0  }
0x26: {  	[tilespmem:s5+$0x3C30] =	vst v0  }
0x27: {  	[tilespmem:s5+$0x3C40] =	vst v0  }
0x28: {  	[tilespmem:s5+$0x3C50] =	vst v0  }
0x29: {  	[tilespmem:s5+$0x3C60] =	vst v0  }
0x2a: {  	[spmem:s7] =	stream.linear.scatter [tilespmem:s20], [sflag:$0x1], $0x2000, $0x38;
	[tilespmem:$0x1FC00] =	vst v63  }
0x2b: {  	s10 =	rddreg [dreg:$0x6]  }
0x2c: {  	[spmem:s10] =	stream.linear.scatter [tilespmem:s20], [sflag:$0x1], $0x2000, $0x38;
	[tilespmem:$0x1FC00] =	vst v63  }
0x2d: {  	s6 =	rddreg [dreg:$0x7]  }
0x2e: {  	[spmem:s6] =	stream.linear.scatter [tilespmem:s20], [sflag:$0x1], $0x2000, $0x38;
	[tilespmem:$0x1FC00] =	vst v63  }
0x2f: {  	s8 =	rddreg [dreg:$0x8]  }
0x30: {  	[spmem:s8] =	stream.linear.scatter [tilespmem:s20], [sflag:$0x1], $0x2000, $0x38;
	[tilespmem:$0x1FC00] =	vst v63  }
0x31: {  	_ = 	snop  }
0x32: {  	[spmem:s11] =	stream.linear.scatter [tilespmem:s20], [sflag:$0x1], $0x2000, $0x38;
	[tilespmem:$0x1FC00] =	vst v63  }
0x33: {  	_ = 	snop  }
0x34: {  	[spmem:s12] =	stream.linear.scatter [tilespmem:s20], [sflag:$0x1], $0x2000, $0x38;
	[tilespmem:$0x1FC00] =	vst v63  }
0x35: {  	_ = 	snop  }
0x36: {  	[spmem:s13] =	stream.linear.scatter [tilespmem:s20], [sflag:$0x1], $0x2000, $0x38;
	[tilespmem:$0x1FC00] =	vst v63  }
0x37: {  	_ = 	snop  }
0x38: {  	[spmem:s14] =	stream.linear.scatter [tilespmem:s20], [sflag:$0x1], $0x2000, $0x38;
	[tilespmem:$0x1FC00] =	vst v63  }
0x39: {  	_ = 	snop  }
0x3a: {  	[spmem:s15] =	stream.linear.scatter [tilespmem:s20], [sflag:$0x1], $0x2000, $0x38;
	[tilespmem:$0x1FC00] =	vst v63  }
0x3b: {  	_ = 	snop  }
0x3c: {  	[spmem:s16] =	stream.linear.scatter [tilespmem:s20], [sflag:$0x1], $0x2000, $0x38;
	[tilespmem:$0x1FC00] =	vst v63  }
0x3d: {  	_ =	swait.ge [sflag:s21], $0x2000  }
0x3e: {  	[sflag:s21] =	ssyncset.done $0x0  }
0x3f: {  	[sflag:s21] =	ssyncadd.s32 $0xFFFFE000  }
0x40: {  	_ =	swait.ge [sflag:s21], $0x2000  }
0x41: {  	[sflag:s21] =	ssyncset.done $0x0  }
0x42: {  	[sflag:s21] =	ssyncadd.s32 $0xFFFFE000  }
0x43: {  	_ =	swait.ge [sflag:s21], $0x2000  }
0x44: {  	[sflag:s21] =	ssyncset.done $0x0  }
0x45: {  	[sflag:s21] =	ssyncadd.s32 $0xFFFFE000  }
0x46: {  	_ =	swait.ge [sflag:s21], $0x2000  }
0x47: {  	[sflag:s21] =	ssyncset.done $0x0  }
0x48: {  	[sflag:s21] =	ssyncadd.s32 $0xFFFFE000  }
0x49: {  	_ =	swait.ge [sflag:s21], $0x2000  }
0x4a: {  	[sflag:s21] =	ssyncset.done $0x0  }
0x4b: {  	[sflag:s21] =	ssyncadd.s32 $0xFFFFE000  }
0x4c: {  	_ =	swait.ge [sflag:s21], $0x2000  }
0x4d: {  	[sflag:s21] =	ssyncset.done $0x0  }
0x4e: {  	[sflag:s21] =	ssyncadd.s32 $0xFFFFE000  }
0x4f: {  	_ =	swait.ge [sflag:s21], $0x2000  }
0x50: {  	[sflag:s21] =	ssyncset.done $0x0  }
0x51: {  	[sflag:s21] =	ssyncadd.s32 $0xFFFFE000  }
0x52: {  	_ =	swait.ge [sflag:s21], $0x2000  }
0x53: {  	[sflag:s21] =	ssyncset.done $0x0  }
0x54: {  	[sflag:s21] =	ssyncadd.s32 $0xFFFFE000  }
0x55: {  	_ =	swait.ge [sflag:s21], $0x2000  }
0x56: {  	[sflag:s21] =	ssyncset.done $0x0  }
0x57: {  	[sflag:s21] =	ssyncadd.s32 $0xFFFFE000  }
0x58: {  	_ =	swait.ge [sflag:s21], $0x2000  }
0x59: {  	[sflag:s21] =	ssyncset.done $0x0  }
0x5a: {  	[sflag:s21] =	ssyncadd.s32 $0xFFFFE000  }
0x5b: {  	_ =	swait.ge [sflag:s22], $0x1400  }
0x5c: {  	[sflag:s22] =	ssyncset.done $0x0  }
0x5d: {  	[sflag:s22] =	ssyncadd.s32 $0xFFFFEC00  }
0x5e: {  	_ =	swait.ge [sflag:s23], $0x2800  }
0x5f: {  	[sflag:s23] =	ssyncset.done $0x0  }
0x60: {  	[sflag:s23] =	ssyncadd.s32 $0xFFFFD800  }
0x61: {  	s9 =	simm.s32 $0x0;
	[bflag:$0x0] =	sbarrier.arrive $0xFFFF  }
0x62: {  	[tilespmem:s20], [sflag:$0x1] =	stream.indirect.gather [hbm4b:s4+s24], $0x80, s9, s24, $0xb8;
	[tilespmem:$0x1FC00] =	vst v63  }
0x63: {  	_ = 	snop  }
0x64: {  	[tilespmem:s25], [sflag:$0x2] =	stream.indirect.gather [hbm4b:s4+s24], $0x80, s24, s24, $0xb8;
	[tilespmem:$0x1FC00] =	vst v63  }
0x65: {  	s10 =	simm.s32 $0x80  }
0x66: {  	[tilespmem:s28], [sflag:$0x3] =	stream.indirect.gather [hbm4b:s4+s24], $0x80, s10, s24, $0xb8;
	[tilespmem:$0x1FC00] =	vst v63  }
0x67: {  	s6 =	simm.s32 $0xC0  }
0x68: {  	[tilespmem:s30], [sflag:$0x4] =	stream.indirect.gather [hbm4b:s4+s24], $0x80, s6, s24, $0xb8;
	[tilespmem:$0x1FC00] =	vst v63  }
0x69: {  	_ =	swait.ge [sflag:s21], $0x2000  }
0x6a: {  	[sflag:s21] =	ssyncset.done $0x0  }
0x6b: {  	s8 =	simm.s32 $0x1400;
	[sflag:s21] =	ssyncadd.s32 $0xFFFFE000  }
0x6c: {  	[spmem:s2] =	stream.indirect.scatter.add.f32 [tilespmem:s20], [sflag:$0x5], $0x80, s8, s24, $0xb8;
	[tilespmem:$0x1FC00] =	vst v63  }
0x6d: {  	_ =	swait.ge [sflag:s22], $0x2000  }
0x6e: {  	[sflag:s22] =	ssyncset.done $0x0  }
0x6f: {  	s9 =	simm.s32 $0x100;
	[sflag:s22] =	ssyncadd.s32 $0xFFFFE000  }
0x70: {  	[tilespmem:s20], [sflag:$0x1] =	stream.indirect.gather [hbm4b:s4+s24], $0x80, s9, s24, $0xb8;
	[tilespmem:$0x1FC00] =	vst v63  }
0x71: {  	_ =	swait.ge [sflag:s31], $0x2000  }
0x72: {  	[sflag:s31] =	ssyncset.done $0x0  }
0x73: {  	s10 =	simm.s32 $0x1480;
	[sflag:s31] =	ssyncadd.s32 $0xFFFFE000  }
0x74: {  	[spmem:s2] =	stream.indirect.scatter.add.f32 [tilespmem:s25], [sflag:$0x6], $0x80, s10, s24, $0xb8;
	[tilespmem:$0x1FC00] =	vst v63  }
0x75: {  	_ =	swait.ge [sflag:s23], $0x2000  }
0x76: {  	[sflag:s23] =	ssyncset.done $0x0  }
0x77: {  	s6 =	simm.s32 $0x140;
	[sflag:s23] =	ssyncadd.s32 $0xFFFFE000  }
0x78: {  	[tilespmem:s25], [sflag:$0x2] =	stream.indirect.gather [hbm4b:s4+s24], $0x80, s6, s24, $0xb8;
	[tilespmem:$0x1FC00] =	vst v63  }
0x79: {  	_ =	swait.ge [sflag:s1], $0x2000  }
0x7a: {  	[sflag:s1] =	ssyncset.done $0x0  }
0x7b: {  	s8 =	simm.s32 $0x1500;
	[sflag:s1] =	ssyncadd.s32 $0xFFFFE000  }
0x7c: {  	[spmem:s2] =	stream.indirect.scatter.add.f32 [tilespmem:s28], [sflag:$0x7], $0x80, s8, s24, $0xb8;
	[tilespmem:$0x1FC00] =	vst v63  }
0x7d: {  	_ =	swait.ge [sflag:s0], $0x2000  }
0x7e: {  	[sflag:s0] =	ssyncset.done $0x0  }
0x7f: {  	s9 =	simm.s32 $0x180;
	[sflag:s0] =	ssyncadd.s32 $0xFFFFE000  }
0x80: {  	[tilespmem:s28], [sflag:$0x3] =	stream.indirect.gather [hbm4b:s4+s24], $0x80, s9, s24, $0xb8;
	[tilespmem:$0x1FC00] =	vst v63  }
0x81: {  	_ =	swait.ge [sflag:s19], $0x2000  }
0x82: {  	[sflag:s19] =	ssyncset.done $0x0  }
0x83: {  	s10 =	simm.s32 $0x1580;
	[sflag:s19] =	ssyncadd.s32 $0xFFFFE000  }
0x84: {  	[spmem:s2] =	stream.indirect.scatter.add.f32 [tilespmem:s30], [sflag:$0x8], $0x80, s10, s24, $0xb8;
	[tilespmem:$0x1FC00] =	vst v63  }
0x85: {  	_ =	swait.ge [sflag:s26], $0x2000  }
0x86: {  	s5 =	simm.s32 $0x1C0;
	[sflag:s26] =	ssyncset.done $0x0  }
0x87: {  	s6 =	simm.s32 $0x800;
	s8 =	simm.s32 $0x2C0;
	[sflag:s26] =	ssyncadd.s32 $0xFFFFE000  }
.LBB2_4:
0x88: {  	[tilespmem:s30], [sflag:$0x4] =	stream.indirect.gather [hbm4b:s4+s24], $0x80, s5, s24, $0xb8;
	[tilespmem:$0x1FC00] =	vst v63  }
0x89: {  	s9 =	smov.u32 s6;
	s5 =	smov.u32 s8  }
0x8a: {  	p0 =	sne.s32 s6, $0x9000;
	s6 =	sadd.s32 $0x800, s6;
	_ =	swait.ge [sflag:s21], $0x2000  }
0x8b: {  	s9 =	sshra.s32 s9, $0x2;
	[sflag:s21] =	ssyncset.done $0x0  }
0x8c: {  	s10 =	sadd.s32 $0x1400, s9;
	[sflag:s21] =	ssyncadd.s32 $0xFFFFE000  }
0x8d: {  	[spmem:s2] =	stream.indirect.scatter.add.f32 [tilespmem:s20], [sflag:$0x5], $0x80, s10, s24, $0xb8;
	[tilespmem:$0x1FC00] =	vst v63  }
0x8e: {  	_ =	swait.ge [sflag:s22], $0x2000  }
0x8f: {  	[sflag:s22] =	ssyncset.done $0x0  }
0x90: {  	s10 =	sadd.s32 $0xFFFFFF40, s8;
	[sflag:s22] =	ssyncadd.s32 $0xFFFFE000  }
0x91: {  	[tilespmem:s20], [sflag:$0x1] =	stream.indirect.gather [hbm4b:s4+s24], $0x80, s10, s24, $0xb8;
	[tilespmem:$0x1FC00] =	vst v63  }
0x92: {  	_ =	swait.ge [sflag:s31], $0x2000  }
0x93: {  	[sflag:s31] =	ssyncset.done $0x0  }
0x94: {  	s10 =	sadd.s32 $0x1480, s9;
	[sflag:s31] =	ssyncadd.s32 $0xFFFFE000  }
0x95: {  	[spmem:s2] =	stream.indirect.scatter.add.f32 [tilespmem:s25], [sflag:$0x6], $0x80, s10, s24, $0xb8;
	[tilespmem:$0x1FC00] =	vst v63  }
0x96: {  	_ =	swait.ge [sflag:s23], $0x2000  }
0x97: {  	[sflag:s23] =	ssyncset.done $0x0  }
0x98: {  	s10 =	sadd.s32 $0xFFFFFF80, s8;
	[sflag:s23] =	ssyncadd.s32 $0xFFFFE000  }
0x99: {  	[tilespmem:s25], [sflag:$0x2] =	stream.indirect.gather [hbm4b:s4+s24], $0x80, s10, s24, $0xb8;
	[tilespmem:$0x1FC00] =	vst v63  }
0x9a: {  	_ =	swait.ge [sflag:s1], $0x2000  }
0x9b: {  	[sflag:s1] =	ssyncset.done $0x0  }
0x9c: {  	s10 =	sadd.s32 $0x1500, s9;
	[sflag:s1] =	ssyncadd.s32 $0xFFFFE000  }
0x9d: {  	[spmem:s2] =	stream.indirect.scatter.add.f32 [tilespmem:s28], [sflag:$0x7], $0x80, s10, s24, $0xb8;
	[tilespmem:$0x1FC00] =	vst v63  }
0x9e: {  	_ =	swait.ge [sflag:s0], $0x2000  }
0x9f: {  	[sflag:s0] =	ssyncset.done $0x0  }
0xa0: {  	s10 =	sadd.s32 $0xFFFFFFC0, s8;
	[sflag:s0] =	ssyncadd.s32 $0xFFFFE000  }
0xa1: {  	[tilespmem:s28], [sflag:$0x3] =	stream.indirect.gather [hbm4b:s4+s24], $0x80, s10, s24, $0xb8;
	[tilespmem:$0x1FC00] =	vst v63  }
0xa2: {  	_ =	swait.ge [sflag:s19], $0x2000  }
0xa3: {  	[sflag:s19] =	ssyncset.done $0x0  }
.Ltmp1:
0xa4: {  	s9 =	sadd.s32 $0x1580, s9;
	[sflag:s19] =	ssyncadd.s32 $0xFFFFE000;
	(pc) =	sbr.rel @p0 .LBB2_4-.Ltmp1, $4  }
0xa5: {  	[spmem:s2] =	stream.indirect.scatter.add.f32 [tilespmem:s30], [sflag:$0x8], $0x80, s9, s24, $0xb8;
	[tilespmem:$0x1FC00] =	vst v63  }
0xa6: {  	_ =	swait.ge [sflag:s26], $0x2000  }
0xa7: {  	[sflag:s26] =	ssyncset.done $0x0  }
0xa8: {  	s8 =	sadd.s32 $0x100, s8;
	[sflag:s26] =	ssyncadd.s32 $0xFFFFE000  }
0xa9: {  	[tilespmem:s30], [sflag:$0x4] =	stream.indirect.gather [hbm4b:s4+s24], $0x80, s5, s24, $0xb8;
	[tilespmem:$0x1FC00] =	vst v63  }
0xaa: {  	_ =	swait.ge [sflag:s21], $0x2000  }
0xab: {  	[sflag:s21] =	ssyncset.done $0x0  }
0xac: {  	s10 =	simm.s32 $0x3A00;
	[sflag:s21] =	ssyncadd.s32 $0xFFFFE000  }
0xad: {  	[spmem:s2] =	stream.indirect.scatter.add.f32 [tilespmem:s20], [sflag:$0x5], $0x80, s10, s24, $0xb8;
	[tilespmem:$0x1FC00] =	vst v63  }
0xae: {  	_ =	swait.ge [sflag:s31], $0x2000  }
0xaf: {  	[sflag:s31] =	ssyncset.done $0x0  }
0xb0: {  	s6 =	simm.s32 $0x3A80;
	[sflag:s31] =	ssyncadd.s32 $0xFFFFE000  }
0xb1: {  	[spmem:s2] =	stream.indirect.scatter.add.f32 [tilespmem:s25], [sflag:$0x6], $0x80, s6, s24, $0xb8;
	[tilespmem:$0x1FC00] =	vst v63  }
0xb2: {  	_ =	swait.ge [sflag:s1], $0x2000  }
0xb3: {  	[sflag:s1] =	ssyncset.done $0x0  }
0xb4: {  	s8 =	simm.s32 $0x3B00;
	[sflag:s1] =	ssyncadd.s32 $0xFFFFE000  }
0xb5: {  	[spmem:s2] =	stream.indirect.scatter.add.f32 [tilespmem:s28], [sflag:$0x7], $0x80, s8, s24, $0xb8;
	[tilespmem:$0x1FC00] =	vst v63  }
0xb6: {  	_ =	swait.ge [sflag:s19], $0x2000  }
0xb7: {  	[sflag:s19] =	ssyncset.done $0x0  }
0xb8: {  	s9 =	simm.s32 $0x3B80;
	[sflag:s19] =	ssyncadd.s32 $0xFFFFE000  }
0xb9: {  	[spmem:s2] =	stream.indirect.scatter.add.f32 [tilespmem:s30], [sflag:$0x8], $0x80, s9, s24, $0xb8;
	[tilespmem:$0x1FC00] =	vst v63  }
0xba: {  	_ =	swait.ge [sflag:s22], $0x2000  }
0xbb: {  	[sflag:s22] =	ssyncset.done $0x0  }
0xbc: {  	[sflag:s22] =	ssyncadd.s32 $0xFFFFE000  }
0xbd: {  	_ =	swait.ge [sflag:s23], $0x2000  }
0xbe: {  	[sflag:s23] =	ssyncset.done $0x0  }
0xbf: {  	[sflag:s23] =	ssyncadd.s32 $0xFFFFE000  }
0xc0: {  	_ =	swait.ge [sflag:s0], $0x2000  }
0xc1: {  	[sflag:s0] =	ssyncset.done $0x0  }
0xc2: {  	[sflag:s0] =	ssyncadd.s32 $0xFFFFE000  }
0xc3: {  	s10 =	stileid.u32;
	_ =	swait.ge [sflag:s26], $0x2000  }
0xc4: {  	s3 =	sadd.s32 $0x1, s3;
	s5 =	sshll.u32 s10, $0x6;
	[sflag:s26] =	ssyncset.done $0x0  }
0xc5: {  	p0 =	sne.s32 s3, s18;
	s5 =	sor.u32 $0x1C09, s5;
	[sflag:s26] =	ssyncadd.s32 $0xFFFFE000  }
.Ltmp2:
0xc6: {  	s6 =	sshrl.u32 s7, $0x3;
	[bflag:$0x0] =	sbarrier.arrive $0xFFFF;
	(pc) =	sbr.rel @p0 .LBB2_1-.Ltmp2, $4  }
0xc7: {  	[hbm:s17], [sflag:s5] =	dma.local [spmem:s6], $0x2800  }
0xc8: {  	_ =	swait.ge [sflag:s29], $0x2800  }
0xc9: {  	[sflag:s29] =	ssyncset.done $0x0  }
0xca: {  	[sflag:s29] =	ssyncadd.s32 $0xFFFFD800  }
0xcb: {  	_ =	sfence.sel $0x180000  }
0xcc: {  	[bflag:$0x0] =	sbarrier.arrive $0xFFFF  }
0xcd: {  	_ =	strace $0x9000004D  }
0xce: {  	s0 =	stileid.u32;
	[bflag:$0x2] =	sbarrier.arrive $0xFFFF  }
0xcf: {  	p0 =	sne.s32 s0, $0x0;
	s0 =	rddreg [dreg:$0x3]  }
0xd0: {  	s0 =	sadd.s32 @!p0 $0x100000, s0  }
0xd1: {  	[sflag:s0] =	ssyncadd.tile.s32 @!p0 $0x1;
	_ =	shalt  }
.Lfunc_end2:
_tile_overlayer_lowered:
.L_overlay_start_2:
0xd2: {  	(tag) =	ssettag $0x2  }
0xd3: {  	s0 =	rddreg [dreg:$0x0];
	s2 =	stileid.u32  }
0xd4: {  	s1 =	rddreg [dreg:$0x1];
	p0 =	sne.s32 s2, $0x0  }
0xd5: {  	s3 =	rddreg [dreg:$0x2];
	[bflag:$0x3] =	sbarrier.arrive $0xFFFF;
	s2 =	simm.s32 @!p0 $0x1C09  }
0xd6: {  	[timem:s3], [sflag:s2] =	dma.local @!p0 [hbm:s0], s1  }
0xd7: {  	s0 =	simm.s32 @!p0 $0x9  }
0xd8: {  	_ =	swait.ge @!p0 [sflag:s0], s1  }
0xd9: {  	s1 =	ssub.s32 @!p0 $0x0, s1;
	[sflag:s0] =	ssyncset.done @!p0 $0x0  }
0xda: {  	[sflag:s0] =	ssyncadd.s32 @!p0 s1  }
0xdb: {  	[bflag:$0x3] =	sbarrier.arrive $0xFFFF  }
0xdc: {  	_ =	shalt  }

// kernel: kernel.26.cloned.1.call-start
scs
__scs_entry_jumppad:
0x0: {  	(pc) =	sbr.rel $0x88, $3  }
0x1: {  	(tag) =	ssettag $0x0;
	lr =	simm.s32 $0x1  }
0x2: {  	[smem:$0x3F90] =	sst lr;
	_ =	strace $0xD0000000  }
0x3: {  	_ = 	snop  }
0x4: {  	_ = 	snop  }
0x5: {  	_ = 	snop  }
0x6: {  	_ = 	snop  }
0x7: {  	_ = 	snop  }
__scs_overlays_trampoline_lowered:
0x8: {  	[smem:$0x3F9F] =	sst s0  }
0x9: {  	[smem:$0x3FA0] =	sst s1  }
0xa: {  	[smem:$0x3FA1] =	sst s2  }
0xb: {  	[smem:$0x3FA2] =	sst s3  }
0xc: {  	[smem:$0x3FA3] =	sst s4  }
0xd: {  	[smem:$0x3FA4] =	sst s5  }
0xe: {  	[smem:$0x3FA5] =	sst s6  }
0xf: {  	[smem:$0x3FA6] =	sst s7  }
0x10: {  	[smem:$0x3FA7] =	sst s8  }
0x11: {  	[smem:$0x3FA8] =	sst s9;
	s0 =	simm.s32 @!p0 $0x0  }
0x12: {  	s1 =	sld [smem:$0x3F8E];
	s0 =	simm.s32 @p0 $0x1  }
0x13: {  	[smem:$0x3FA9] =	sst s0;
	s0 =	simm.s32 @!p1 $0x0  }
0x14: {  	s2 =	sld [smem:$0x3F8D];
	s0 =	simm.s32 @p1 $0x1  }
0x15: {  	[smem:$0x3FAA] =	sst s0;
	s0 =	simm.s32 @!p2 $0x0  }
0x16: {  	s3 =	sld [smem:$0x3FDB];
	s0 =	simm.s32 @p2 $0x1  }
0x17: {  	s4 =	simm.s32 $0x1BF5;
	[smem:$0x3FAC] =	sst s0  }
0x18: {  	s0 =	sld [smem:$0x3F8F];
	_ =	swait.ge [sflag:s4], $0x0  }
0x19: {  	s7 =	sld [smem:$0x3F90]  }
0x1a: {  	s8 =	sadd.s32 $0xFFFFE003, lr  }
0x1b: {  	s9 =	sadd.s32 $0xFFFFFEF7, lr;
	s5 =	simm.s32 $0xFFFFFFFF;
	p2 =	slt.u32 s8, $0xFFFFF086  }
0x1c: {  	p1 =	slt.u32 s9, $0xF7A;
	s5 =	simm.s32 @!p2 $0x0  }
0x1d: {  	s5 =	simm.s32 @p1 $0x1;
	p0 =	seq.s32 s7, s2  }
0x1e: {  	s7 =	smul.u32 @!p0 $0xF7A, s2;
	p2 =	seq.s32 @!p0 s5, $0x0  }
0x1f: {  	s9 =	smul.u32 $0xF7A, s1;
	s8 =	simm.s32 @!p0 $0x1BF5;
	p2 =	por !p2, p0  }
0x20: {  	[sflag:s8] =	ssyncset.s32 @!p0 $0xFFFFF086;
	s6 =	sadd.s32 @!p0 s3, s7;
	s7 =	simm.s32 @!p0 $0x108  }
0x21: {  	s3 =	sadd.s32 s3, s9;
	s6 =	sadd.s32 @!p0 $0x88, s6;
	s7 =	simm.s32 @p2 $0x1082  }
0x22: {  	[simem:s7], [sflag:s8] =	dma.local @!p0 [hbm:s6], $0xF7A  }
0x23: {  	s9 =	sor.u32 $0xD0000000, s2;
	s6 =	simm.s32 $0x108;
	_ =	swait.ge @!p0 [sflag:s8], $0x0  }
0x24: {  	s3 =	sadd.s32 $0x88, s3;
	s6 =	simm.s32 @!p1 $0x1082;
	[sflag:s4] =	ssyncset.s32 $0xFFFFF086  }
0x25: {  	[simem:s6], [sflag:s4] =	dma.local [hbm:s3], $0xF7A  }
0x26: {  	[smem:$0x3F90] =	sst s1;
	(tag) =	ssettag s2;
	_ =	strace s9  }
0x27: {  	s1 =	sld [smem:$0x3FA0]  }
0x28: {  	s2 =	sld [smem:$0x3FA1]  }
0x29: {  	s4 =	sld [smem:$0x3FA3]  }
0x2a: {  	p0 =	seq.s32 s5, $0x0;
	s5 =	sld [smem:$0x3FA4]  }
0x2b: {  	s6 =	sld [smem:$0x3FA5]  }
0x2c: {  	s7 =	sld [smem:$0x3FA6]  }
0x2d: {  	s3 =	simm.s32 $0x108;
	s8 =	sld [smem:$0x3FA7]  }
0x2e: {  	s3 =	simm.s32 @!p0 $0x1082;
	s9 =	sld [smem:$0x3FA8]  }
0x2f: {  	lr =	sadd.s32 s0, s3;
	s0 =	sld [smem:$0x3F9F]  }
0x30: {  	s3 =	sld [smem:$0x3FA2]  }
0x31: {  	[smem:$0x3FAB] =	sst s10  }
0x32: {  	s10 =	sld [smem:$0x3FA9];
	_ =	sdelay $0x3  }
0x33: {  	p0 =	seq.s32 s10, $0x1;
	s10 =	sld [smem:$0x3FAB];
	_ =	sdelay $0x3  }
0x34: {  	[smem:$0x3FAB] =	sst s10  }
0x35: {  	s10 =	sld [smem:$0x3FAA];
	_ =	sdelay $0x3  }
0x36: {  	p1 =	seq.s32 s10, $0x1;
	s10 =	sld [smem:$0x3FAB];
	_ =	sdelay $0x3  }
0x37: {  	[smem:$0x3FAB] =	sst s10  }
0x38: {  	s10 =	sld [smem:$0x3FAC]  }
0x39: {  	_ = 	snop;
	(pc) =	sbr.ind lr, $3  }
0x3a: {  	_ = 	snop  }
0x3b: {  	_ = 	snop  }
0x3c: {  	p2 =	seq.s32 s10, $0x1;
	s10 =	sld [smem:$0x3FAB]  }
0x3d: {  	_ =	shalt  }
0x3e: {  	_ =	shalt  }
0x3f: {  	_ =	shalt  }
0x40: {  	_ =	shalt  }
0x41: {  	_ =	shalt  }
0x42: {  	_ =	shalt  }
0x43: {  	_ =	shalt  }
0x44: {  	_ =	shalt  }
0x45: {  	_ =	shalt  }
0x46: {  	_ =	shalt  }
0x47: {  	_ =	shalt  }
0x48: {  	_ =	shalt  }
0x49: {  	_ =	shalt  }
0x4a: {  	_ =	shalt  }
0x4b: {  	_ =	shalt  }
0x4c: {  	_ =	shalt  }
0x4d: {  	_ =	shalt  }
0x4e: {  	_ =	shalt  }
0x4f: {  	_ =	shalt  }
0x50: {  	_ =	shalt  }
0x51: {  	_ =	shalt  }
0x52: {  	_ =	shalt  }
0x53: {  	_ =	shalt  }
0x54: {  	_ =	shalt  }
0x55: {  	_ =	shalt  }
0x56: {  	_ =	shalt  }
0x57: {  	_ =	shalt  }
0x58: {  	_ =	shalt  }
0x59: {  	_ =	shalt  }
0x5a: {  	_ =	shalt  }
0x5b: {  	_ =	shalt  }
0x5c: {  	_ =	shalt  }
0x5d: {  	_ =	shalt  }
0x5e: {  	_ =	shalt  }
0x5f: {  	_ =	shalt  }
0x60: {  	_ =	shalt  }
0x61: {  	_ =	shalt  }
0x62: {  	_ =	shalt  }
0x63: {  	_ =	shalt  }
0x64: {  	_ =	shalt  }
0x65: {  	_ =	shalt  }
0x66: {  	_ =	shalt  }
0x67: {  	_ =	shalt  }
0x68: {  	_ =	shalt  }
0x69: {  	_ =	shalt  }
0x6a: {  	_ =	shalt  }
0x6b: {  	_ =	shalt  }
0x6c: {  	_ =	shalt  }
0x6d: {  	_ =	shalt  }
0x6e: {  	_ =	shalt  }
0x6f: {  	_ =	shalt  }
0x70: {  	_ =	shalt  }
0x71: {  	_ =	shalt  }
0x72: {  	_ =	shalt  }
0x73: {  	_ =	shalt  }
0x74: {  	_ =	shalt  }
0x75: {  	_ =	shalt  }
0x76: {  	_ =	shalt  }
0x77: {  	_ =	shalt  }
0x78: {  	_ =	shalt  }
0x79: {  	_ =	shalt  }
0x7a: {  	_ =	shalt  }
0x7b: {  	_ =	shalt  }
0x7c: {  	_ =	shalt  }
0x7d: {  	_ =	shalt  }
0x7e: {  	_ =	shalt  }
0x7f: {  	_ =	shalt  }
0x80: {  	_ =	shalt  }
0x81: {  	_ =	shalt  }
0x82: {  	_ =	shalt  }
0x83: {  	_ =	shalt  }
0x84: {  	_ =	shalt  }
0x85: {  	_ =	shalt  }
0x86: {  	_ =	shalt  }
0x87: {  	_ =	shalt  }
.Lfunc_end0:
.L_simem_size_0:
called_computation.3_lowered:
.L_overlay_start_0:
0x88: {  	s2 =	sld [smem:$0x3FD9]  }
0x89: {  	s3 =	sld [smem:$0x3FFE];
	_ =	sdelay $0x1  }
0x8a: {  	s1 =	srdreg.scid  }
0x8b: {  	s0 =	sand.u32 $0x1, s1  }
0x8c: {  	s17 =	sshll.u32 s0, $0xA;
	s2 =	sadd.s32 s3, s2  }
0x8d: {  	s2 =	sadd.s32 s2, s17  }
0x8e: {  	[smem:$0x3FB7] =	sst s2  }
0x8f: {  	_ = 	snop  }
0x90: {  	s2 =	sld [smem:$0x3FD0];
	(tm) =	ssettm $0x1  }
0x91: {  	s18 =	sld [smem:$0x3FFB];
	_ =	sdelay $0x3  }
0x92: {  	_ =	strace s18  }
0x93: {  	s3 =	sld [smem:$0x3FFC];
	_ =	sdelay $0x3  }
0x94: {  	_ =	strace s3  }
0x95: {  	s3 =	sld [smem:$0x3FFD];
	_ =	sdelay $0x3  }
0x96: {  	_ =	strace s3  }
0x97: {  	_ =	strace $0x8FFFFFFF  }
0x98: {  	s19 =	sld [smem:$0x3FDB];
	_ =	sdelay $0x1  }
0x99: {  	s4 =	simm.s32 $_scs_section_size  }
0x9a: {  	s5 =	simm.s32 $_size__tile_overlayer_lowered;
	s6 =	simm.s32 $_tile_overlayer_lowered  }
0x9b: {  	s22 =	simm.s32 $0x1BFF;
	s21 =	sshll.u32 s6, $0x1;
	s3 =	sadd.s32 s4, s19  }
0x9c: {  	s7 =	simm.s32 $0x0;
	s20 =	sshll.u32 s5, $0x1;
	s5 =	sadd.s32 s21, s3  }
0x9d: {  	[timem:s7], [sflag:s22] =	dma.local [hbm:s5], s20  }
0x9e: {  	_ =	swait.ge [sflag:s22], s20  }
0x9f: {  	s4 =	ssub.s32 $0x0, s20;
	[sflag:s22] =	ssyncset.done $0x0  }
0xa0: {  	[sflag:s22] =	ssyncadd.s32 s4;
	_ =	sdelay $0x1  }
0xa1: {  	s23 =	simm.s32 $0x1B8B  }
0xa2: {  	_ =	swait.ge [sflag:s23], $0x1  }
0xa3: {  	[sflag:s23] =	ssyncset.done $0x0  }
0xa4: {  	s25 =	simm.s32 $0x1B8E;
	s24 =	sld [smem:$0x3FFE];
	[sflag:s23] =	ssyncadd.s32 $0xFFFFFFFF  }
0xa5: {  	s26 =	simm.s32 $execute0_lowered;
	[smem:$0x3FD2] =	sst s25  }
0xa6: {  	s5 =	sshll.u32 s26, $0x1;
	_ =	strace $0x8000004F;
	[dreg:$0x1] =	wrdreg $0xFFFFFFFF  }
0xa7: {  	s28 =	simm.s32 $_size_execute0_lowered;
	s3 =	sadd.s32 s3, s5;
	[dreg:$0x0] =	wrdreg $0x0  }
0xa8: {  	s5 =	sshll.u32 s28, $0x1;
	[dreg:$0x2] =	wrdreg s3  }
0xa9: {  	[dreg:$0x3] =	wrdreg s5  }
0xaa: {  	[dreg:$0x4] =	wrdreg $0xC0  }
0xab: {  	_ =	task [dreg:s7], $0x5FFFF  }
0xac: {  	[dreg:$0x1] =	wrdreg $0xFFFFFFFF  }
0xad: {  	[dreg:$0x0] =	wrdreg $0x60  }
0xae: {  	[dreg:$0x2] =	wrdreg s24  }
0xaf: {  	[dreg:$0x3] =	wrdreg s2  }
0xb0: {  	[dreg:$0x4] =	wrdreg $0xBC000  }
0xb1: {  	[dreg:$0x5] =	wrdreg $0x9  }
0xb2: {  	_ =	task.clear_ibuf [dreg:s7], $0x6FFFF;
	_ =	strace $0x9000004F  }
0xb3: {  	s29 =	simm.s32 $0x9;
	_ =	strace $0x80000051  }
0xb4: {  	_ =	swait.ge [sflag:s29], $0x1  }
0xb5: {  	[sflag:s29] =	ssyncadd.s32 $0xFFFFFFFF  }
0xb6: {  	_ =	strace $0x90000051  }
0xb7: {  	_ =	sfence  }
0xb8: {  	s30 =	sld [smem:$0x0];
	_ =	sdelay $0x2  }
0xb9: {  	s31 =	sshll.u32 s1, $0xD;
	s1 =	sshrl.u32 s1, $0x2  }
0xba: {  	s3 =	sand.u32 $0x4000, s31;
	s1 =	sadd.s32 s1, s30  }
0xbb: {  	s0 =	sor.u32 s3, s0;
	s1 =	sshll.u32 s1, $0x11  }
0xbc: {  	s0 =	sor.u32 s1, s0  }
0xbd: {  	s0 =	sadd.s32 $0x8F2B, s0  }
0xbe: {  	[sflag:s0] =	ssyncadd.remote.s32 $0x1  }
0xbf: {  	_ =	sfence.sel $0xFFFF  }
0xc0: {  	[dreg:$0x0] =	wrdreg $0xFFFFFFFF;
	(pc) =	sbr.abs _section_cstart, $3  }
0xc1: {  	[dreg:$0x1] =	wrdreg $0xFFFFFFFF  }
0xc2: {  	_ =	task.clear_ibuf [dreg:s7], $0x2FFFF;
	_ =	strace $0x9FFFFFFF  }
0xc3: {  	(tm) =	ssettm $0x7FFFFFFF  }
tec
execute0_lowered:
.L_overlay_start_1:
0x0: {  	(tag) =	ssettag $0x1  }
0x1: {  	s0 =	srdreg.scid;
	s1 =	rddreg [dreg:$0x0]  }
0x2: {  	s9 =	stileid.u32;
	s3 =	rddreg [dreg:$0x1];
	s4 =	simm.s32 $0x0  }
0x3: {  	s20 =	simm.s32 $0x3C00;
	s28 =	simm.s32 $0x7C00;
	s30 =	simm.s32 $0x9C00  }
0x4: {  	s31 =	simm.s32 $0x2;
	s19 =	simm.s32 $0x4;
	s29 =	simm.s32 $0x9  }
0x5: {  	s0 =	sand.u32 $0x1, s0;
	[smem:$0x7FF] =	sst s4;
	s8 =	smul.u32 $0x14000, s9  }
0x6: {  	s4 =	sadd.s32 $0x9000, s1;
	s21 =	smul.u32 $0x50000, s9;
	s2 =	sshll.u32 s0, $0x4  }
0x7: {  	s7 =	smul.u32 $0x140000, s0;
	s0 =	ssub.s32 $0x2, s0;
	s5 =	sor.u32 s9, s2  }
0x8: {  	s2 =	rddreg [dreg:$0x2];
	_ =	strace $0x80000050;
	s22 =	sshrl.u32 s0, $0x1  }
0x9: {  	s23 =	sshrl.u32 s21, $0x2;
	s21 =	simm.s32 $0x1;
	s6 =	smul.u32 $0x280, s5  }
0xa: {  	s7 =	sadd.s32 s8, s7;
	s5 =	smul.u32 $0x500, s5;
	s0 =	ssub.s32 s0, s22  }
0xb: {  	s22 =	simm.s32 $0x5;
	s7 =	sshrl.u32 s7, $0x3;
	s18 =	smax.u32 s0, $0x1  }
0xc: {  	s0 =	simm.s32 $0x7;
	s6 =	sadd.s32 s6, s1;
	s1 =	sadd.s32 s7, s1  }
0xd: {  	s3 =	sadd.s32 s3, s5;
	s7 =	sadd.s32 s23, s2;
	s23 =	simm.s32 $0x6  }
0xe: {  	s6 =	sadd.s32 $0x4000, s6;
	[dreg:$0x5] =	wrdreg s3;
	s24 =	sadd.s32 $0x2000, s7  }
0xf: {  	s25 =	sadd.s32 $0x4000, s7;
	s26 =	sadd.s32 $0x6000, s7;
	s11 =	sadd.s32 $0x8000, s7  }
0x10: {  	s12 =	sadd.s32 $0xA000, s7;
	s13 =	sadd.s32 $0xC000, s7;
	[dreg:$0x4] =	wrdreg s6  }
0x11: {  	s14 =	sadd.s32 $0xE000, s7;
	s15 =	sadd.s32 $0x10000, s7;
	[dreg:$0x6] =	wrdreg s24  }
0x12: {  	s16 =	sadd.s32 $0x12000, s7;
	s17 =	sadd.s32 $0x7E400, s1;
	[dreg:$0x7] =	wrdreg s25  }
0x13: {  	s1 =	simm.s32 $0x3;
	s3 =	simm.s32 $0x0;
	[dreg:$0x8] =	wrdreg s26  }
0x14: {  	v0 =	vimm.f32 $0.0e+00;
	s24 =	simm.s32 $0x40;
	s25 =	simm.s32 $0x5C00;
	s26 =	simm.s32 $0x8  }
.LBB2_1:
0x15: {  	s5 =	simm.s32 $0x0;
	s6 =	rddreg [dreg:$0x4]  }
0x16: {  	[tilespmem:s5], [sflag:$0x5] =	stream.linear.gather [hbm4b:s6+s5], $0x1400, $0x38;
	[tilespmem:$0x1FC00] =	vst v63  }
0x17: {  	s10 =	rddreg [dreg:$0x5];
	s8 =	simm.s32 $0x1400  }
0x18: {  	[tilespmem:s8], [sflag:$0x6] =	stream.linear.gather [hbm4b:s10+s5], $0x2800, $0x38;
	[tilespmem:$0x1FC00] =	vst v63  }
0x19: {  	s6 =	simm.s32 $0x200;
	s5 =	simm.s32 $0x0  }
.LBB2_2:
0x1a: {  	p0 =	sne.s32 s6, $0x7E00;
	[tilespmem:s5+$0x3C70] =	vst v0  }
0x1b: {  	[tilespmem:s5+$0x3C00] =	vst v0  }
0x1c: {  	[tilespmem:s5+$0x3C10] =	vst v0  }
.Ltmp0:
0x1d: {  	[tilespmem:s5+$0x3C20] =	vst v0;
	(pc) =	sbr.rel @p0 .LBB2_2-.Ltmp0, $4  }
0x1e: {  	[tilespmem:s5+$0x3C30] =	vst v0  }
0x1f: {  	[tilespmem:s5+$0x3C40] =	vst v0  }
0x20: {  	[tilespmem:s5+$0x3C50] =	vst v0  }
0x21: {  	[tilespmem:s5+$0x3C60] =	vst v0;
	s5 =	sshra.s32 s6, $0x2;
	s6 =	sadd.s32 $0x200, s6  }
0x22: {  	[tilespmem:s5+$0x3C70] =	vst v0  }
0x23: {  	[tilespmem:s5+$0x3C00] =	vst v0  }
0x24: {  	[tilespmem:s5+$0x3C10] =	vst v0  }
0x25: {  	[tilespmem:s5+$0x3C20] =	vst v0  }
0x26: {  	[tilespmem:s5+$0x3C30] =	vst v0  }
0x27: {  	[tilespmem:s5+$0x3C40] =	vst v0  }
0x28: {  	[tilespmem:s5+$0x3C50] =	vst v0  }
0x29: {  	[tilespmem:s5+$0x3C60] =	vst v0  }
0x2a: {  	[spmem:s7] =	stream.linear.scatter [tilespmem:s20], [sflag:$0x1], $0x2000, $0x38;
	[tilespmem:$0x1FC00] =	vst v63  }
0x2b: {  	s10 =	rddreg [dreg:$0x6]  }
0x2c: {  	[spmem:s10] =	stream.linear.scatter [tilespmem:s20], [sflag:$0x1], $0x2000, $0x38;
	[tilespmem:$0x1FC00] =	vst v63  }
0x2d: {  	s6 =	rddreg [dreg:$0x7]  }
0x2e: {  	[spmem:s6] =	stream.linear.scatter [tilespmem:s20], [sflag:$0x1], $0x2000, $0x38;
	[tilespmem:$0x1FC00] =	vst v63  }
0x2f: {  	s8 =	rddreg [dreg:$0x8]  }
0x30: {  	[spmem:s8] =	stream.linear.scatter [tilespmem:s20], [sflag:$0x1], $0x2000, $0x38;
	[tilespmem:$0x1FC00] =	vst v63  }
0x31: {  	_ = 	snop  }
0x32: {  	[spmem:s11] =	stream.linear.scatter [tilespmem:s20], [sflag:$0x1], $0x2000, $0x38;
	[tilespmem:$0x1FC00] =	vst v63  }
0x33: {  	_ = 	snop  }
0x34: {  	[spmem:s12] =	stream.linear.scatter [tilespmem:s20], [sflag:$0x1], $0x2000, $0x38;
	[tilespmem:$0x1FC00] =	vst v63  }
0x35: {  	_ = 	snop  }
0x36: {  	[spmem:s13] =	stream.linear.scatter [tilespmem:s20], [sflag:$0x1], $0x2000, $0x38;
	[tilespmem:$0x1FC00] =	vst v63  }
0x37: {  	_ = 	snop  }
0x38: {  	[spmem:s14] =	stream.linear.scatter [tilespmem:s20], [sflag:$0x1], $0x2000, $0x38;
	[tilespmem:$0x1FC00] =	vst v63  }
0x39: {  	_ = 	snop  }
0x3a: {  	[spmem:s15] =	stream.linear.scatter [tilespmem:s20], [sflag:$0x1], $0x2000, $0x38;
	[tilespmem:$0x1FC00] =	vst v63  }
0x3b: {  	_ = 	snop  }
0x3c: {  	[spmem:s16] =	stream.linear.scatter [tilespmem:s20], [sflag:$0x1], $0x2000, $0x38;
	[tilespmem:$0x1FC00] =	vst v63  }
0x3d: {  	_ =	swait.ge [sflag:s21], $0x2000  }
0x3e: {  	[sflag:s21] =	ssyncset.done $0x0  }
0x3f: {  	[sflag:s21] =	ssyncadd.s32 $0xFFFFE000  }
0x40: {  	_ =	swait.ge [sflag:s21], $0x2000  }
0x41: {  	[sflag:s21] =	ssyncset.done $0x0  }
0x42: {  	[sflag:s21] =	ssyncadd.s32 $0xFFFFE000  }
0x43: {  	_ =	swait.ge [sflag:s21], $0x2000  }
0x44: {  	[sflag:s21] =	ssyncset.done $0x0  }
0x45: {  	[sflag:s21] =	ssyncadd.s32 $0xFFFFE000  }
0x46: {  	_ =	swait.ge [sflag:s21], $0x2000  }
0x47: {  	[sflag:s21] =	ssyncset.done $0x0  }
0x48: {  	[sflag:s21] =	ssyncadd.s32 $0xFFFFE000  }
0x49: {  	_ =	swait.ge [sflag:s21], $0x2000  }
0x4a: {  	[sflag:s21] =	ssyncset.done $0x0  }
0x4b: {  	[sflag:s21] =	ssyncadd.s32 $0xFFFFE000  }
0x4c: {  	_ =	swait.ge [sflag:s21], $0x2000  }
0x4d: {  	[sflag:s21] =	ssyncset.done $0x0  }
0x4e: {  	[sflag:s21] =	ssyncadd.s32 $0xFFFFE000  }
0x4f: {  	_ =	swait.ge [sflag:s21], $0x2000  }
0x50: {  	[sflag:s21] =	ssyncset.done $0x0  }
0x51: {  	[sflag:s21] =	ssyncadd.s32 $0xFFFFE000  }
0x52: {  	_ =	swait.ge [sflag:s21], $0x2000  }
0x53: {  	[sflag:s21] =	ssyncset.done $0x0  }
0x54: {  	[sflag:s21] =	ssyncadd.s32 $0xFFFFE000  }
0x55: {  	_ =	swait.ge [sflag:s21], $0x2000  }
0x56: {  	[sflag:s21] =	ssyncset.done $0x0  }
0x57: {  	[sflag:s21] =	ssyncadd.s32 $0xFFFFE000  }
0x58: {  	_ =	swait.ge [sflag:s21], $0x2000  }
0x59: {  	[sflag:s21] =	ssyncset.done $0x0  }
0x5a: {  	[sflag:s21] =	ssyncadd.s32 $0xFFFFE000  }
0x5b: {  	_ =	swait.ge [sflag:s22], $0x1400  }
0x5c: {  	[sflag:s22] =	ssyncset.done $0x0  }
0x5d: {  	[sflag:s22] =	ssyncadd.s32 $0xFFFFEC00  }
0x5e: {  	_ =	swait.ge [sflag:s23], $0x2800  }
0x5f: {  	[sflag:s23] =	ssyncset.done $0x0  }
0x60: {  	[sflag:s23] =	ssyncadd.s32 $0xFFFFD800  }
0x61: {  	s9 =	simm.s32 $0x0;
	[bflag:$0x0] =	sbarrier.arrive $0xFFFF  }
0x62: {  	[tilespmem:s20], [sflag:$0x1] =	stream.indirect.gather [hbm4b:s4+s24], $0x80, s9, s24, $0xb8;
	[tilespmem:$0x1FC00] =	vst v63  }
0x63: {  	_ = 	snop  }
0x64: {  	[tilespmem:s25], [sflag:$0x2] =	stream.indirect.gather [hbm4b:s4+s24], $0x80, s24, s24, $0xb8;
	[tilespmem:$0x1FC00] =	vst v63  }
0x65: {  	s10 =	simm.s32 $0x80  }
0x66: {  	[tilespmem:s28], [sflag:$0x3] =	stream.indirect.gather [hbm4b:s4+s24], $0x80, s10, s24, $0xb8;
	[tilespmem:$0x1FC00] =	vst v63  }
0x67: {  	s6 =	simm.s32 $0xC0  }
0x68: {  	[tilespmem:s30], [sflag:$0x4] =	stream.indirect.gather [hbm4b:s4+s24], $0x80, s6, s24, $0xb8;
	[tilespmem:$0x1FC00] =	vst v63  }
0x69: {  	_ =	swait.ge [sflag:s21], $0x2000  }
0x6a: {  	[sflag:s21] =	ssyncset.done $0x0  }
0x6b: {  	s8 =	simm.s32 $0x1400;
	[sflag:s21] =	ssyncadd.s32 $0xFFFFE000  }
0x6c: {  	[spmem:s2] =	stream.indirect.scatter.add.f32 [tilespmem:s20], [sflag:$0x5], $0x80, s8, s24, $0xb8;
	[tilespmem:$0x1FC00] =	vst v63  }
0x6d: {  	_ =	swait.ge [sflag:s22], $0x2000  }
0x6e: {  	[sflag:s22] =	ssyncset.done $0x0  }
0x6f: {  	s9 =	simm.s32 $0x100;
	[sflag:s22] =	ssyncadd.s32 $0xFFFFE000  }
0x70: {  	[tilespmem:s20], [sflag:$0x1] =	stream.indirect.gather [hbm4b:s4+s24], $0x80, s9, s24, $0xb8;
	[tilespmem:$0x1FC00] =	vst v63  }
0x71: {  	_ =	swait.ge [sflag:s31], $0x2000  }
0x72: {  	[sflag:s31] =	ssyncset.done $0x0  }
0x73: {  	s10 =	simm.s32 $0x1480;
	[sflag:s31] =	ssyncadd.s32 $0xFFFFE000  }
0x74: {  	[spmem:s2] =	stream.indirect.scatter.add.f32 [tilespmem:s25], [sflag:$0x6], $0x80, s10, s24, $0xb8;
	[tilespmem:$0x1FC00] =	vst v63  }
0x75: {  	_ =	swait.ge [sflag:s23], $0x2000  }
0x76: {  	[sflag:s23] =	ssyncset.done $0x0  }
0x77: {  	s6 =	simm.s32 $0x140;
	[sflag:s23] =	ssyncadd.s32 $0xFFFFE000  }
0x78: {  	[tilespmem:s25], [sflag:$0x2] =	stream.indirect.gather [hbm4b:s4+s24], $0x80, s6, s24, $0xb8;
	[tilespmem:$0x1FC00] =	vst v63  }
0x79: {  	_ =	swait.ge [sflag:s1], $0x2000  }
0x7a: {  	[sflag:s1] =	ssyncset.done $0x0  }
0x7b: {  	s8 =	simm.s32 $0x1500;
	[sflag:s1] =	ssyncadd.s32 $0xFFFFE000  }
0x7c: {  	[spmem:s2] =	stream.indirect.scatter.add.f32 [tilespmem:s28], [sflag:$0x7], $0x80, s8, s24, $0xb8;
	[tilespmem:$0x1FC00] =	vst v63  }
0x7d: {  	_ =	swait.ge [sflag:s0], $0x2000  }
0x7e: {  	[sflag:s0] =	ssyncset.done $0x0  }
0x7f: {  	s9 =	simm.s32 $0x180;
	[sflag:s0] =	ssyncadd.s32 $0xFFFFE000  }
0x80: {  	[tilespmem:s28], [sflag:$0x3] =	stream.indirect.gather [hbm4b:s4+s24], $0x80, s9, s24, $0xb8;
	[tilespmem:$0x1FC00] =	vst v63  }
0x81: {  	_ =	swait.ge [sflag:s19], $0x2000  }
0x82: {  	[sflag:s19] =	ssyncset.done $0x0  }
0x83: {  	s10 =	simm.s32 $0x1580;
	[sflag:s19] =	ssyncadd.s32 $0xFFFFE000  }
0x84: {  	[spmem:s2] =	stream.indirect.scatter.add.f32 [tilespmem:s30], [sflag:$0x8], $0x80, s10, s24, $0xb8;
	[tilespmem:$0x1FC00] =	vst v63  }
0x85: {  	_ =	swait.ge [sflag:s26], $0x2000  }
0x86: {  	s5 =	simm.s32 $0x1C0;
	[sflag:s26] =	ssyncset.done $0x0  }
0x87: {  	s6 =	simm.s32 $0x800;
	s8 =	simm.s32 $0x2C0;
	[sflag:s26] =	ssyncadd.s32 $0xFFFFE000  }
.LBB2_4:
0x88: {  	[tilespmem:s30], [sflag:$0x4] =	stream.indirect.gather [hbm4b:s4+s24], $0x80, s5, s24, $0xb8;
	[tilespmem:$0x1FC00] =	vst v63  }
0x89: {  	s9 =	smov.u32 s6;
	s5 =	smov.u32 s8  }
0x8a: {  	p0 =	sne.s32 s6, $0x9000;
	s6 =	sadd.s32 $0x800, s6;
	_ =	swait.ge [sflag:s21], $0x2000  }
0x8b: {  	s9 =	sshra.s32 s9, $0x2;
	[sflag:s21] =	ssyncset.done $0x0  }
0x8c: {  	s10 =	sadd.s32 $0x1400, s9;
	[sflag:s21] =	ssyncadd.s32 $0xFFFFE000  }
0x8d: {  	[spmem:s2] =	stream.indirect.scatter.add.f32 [tilespmem:s20], [sflag:$0x5], $0x80, s10, s24, $0xb8;
	[tilespmem:$0x1FC00] =	vst v63  }
0x8e: {  	_ =	swait.ge [sflag:s22], $0x2000  }
0x8f: {  	[sflag:s22] =	ssyncset.done $0x0  }
0x90: {  	s10 =	sadd.s32 $0xFFFFFF40, s8;
	[sflag:s22] =	ssyncadd.s32 $0xFFFFE000  }
0x91: {  	[tilespmem:s20], [sflag:$0x1] =	stream.indirect.gather [hbm4b:s4+s24], $0x80, s10, s24, $0xb8;
	[tilespmem:$0x1FC00] =	vst v63  }
0x92: {  	_ =	swait.ge [sflag:s31], $0x2000  }
0x93: {  	[sflag:s31] =	ssyncset.done $0x0  }
0x94: {  	s10 =	sadd.s32 $0x1480, s9;
	[sflag:s31] =	ssyncadd.s32 $0xFFFFE000  }
0x95: {  	[spmem:s2] =	stream.indirect.scatter.add.f32 [tilespmem:s25], [sflag:$0x6], $0x80, s10, s24, $0xb8;
	[tilespmem:$0x1FC00] =	vst v63  }
0x96: {  	_ =	swait.ge [sflag:s23], $0x2000  }
0x97: {  	[sflag:s23] =	ssyncset.done $0x0  }
0x98: {  	s10 =	sadd.s32 $0xFFFFFF80, s8;
	[sflag:s23] =	ssyncadd.s32 $0xFFFFE000  }
0x99: {  	[tilespmem:s25], [sflag:$0x2] =	stream.indirect.gather [hbm4b:s4+s24], $0x80, s10, s24, $0xb8;
	[tilespmem:$0x1FC00] =	vst v63  }
0x9a: {  	_ =	swait.ge [sflag:s1], $0x2000  }
0x9b: {  	[sflag:s1] =	ssyncset.done $0x0  }
0x9c: {  	s10 =	sadd.s32 $0x1500, s9;
	[sflag:s1] =	ssyncadd.s32 $0xFFFFE000  }
0x9d: {  	[spmem:s2] =	stream.indirect.scatter.add.f32 [tilespmem:s28], [sflag:$0x7], $0x80, s10, s24, $0xb8;
	[tilespmem:$0x1FC00] =	vst v63  }
0x9e: {  	_ =	swait.ge [sflag:s0], $0x2000  }
0x9f: {  	[sflag:s0] =	ssyncset.done $0x0  }
0xa0: {  	s10 =	sadd.s32 $0xFFFFFFC0, s8;
	[sflag:s0] =	ssyncadd.s32 $0xFFFFE000  }
0xa1: {  	[tilespmem:s28], [sflag:$0x3] =	stream.indirect.gather [hbm4b:s4+s24], $0x80, s10, s24, $0xb8;
	[tilespmem:$0x1FC00] =	vst v63  }
0xa2: {  	_ =	swait.ge [sflag:s19], $0x2000  }
0xa3: {  	[sflag:s19] =	ssyncset.done $0x0  }
.Ltmp1:
0xa4: {  	s9 =	sadd.s32 $0x1580, s9;
	[sflag:s19] =	ssyncadd.s32 $0xFFFFE000;
	(pc) =	sbr.rel @p0 .LBB2_4-.Ltmp1, $4  }
0xa5: {  	[spmem:s2] =	stream.indirect.scatter.add.f32 [tilespmem:s30], [sflag:$0x8], $0x80, s9, s24, $0xb8;
	[tilespmem:$0x1FC00] =	vst v63  }
0xa6: {  	_ =	swait.ge [sflag:s26], $0x2000  }
0xa7: {  	[sflag:s26] =	ssyncset.done $0x0  }
0xa8: {  	s8 =	sadd.s32 $0x100, s8;
	[sflag:s26] =	ssyncadd.s32 $0xFFFFE000  }
0xa9: {  	[tilespmem:s30], [sflag:$0x4] =	stream.indirect.gather [hbm4b:s4+s24], $0x80, s5, s24, $0xb8;
	[tilespmem:$0x1FC00] =	vst v63  }
0xaa: {  	_ =	swait.ge [sflag:s21], $0x2000  }
0xab: {  	[sflag:s21] =	ssyncset.done $0x0  }
0xac: {  	s10 =	simm.s32 $0x3A00;
	[sflag:s21] =	ssyncadd.s32 $0xFFFFE000  }
0xad: {  	[spmem:s2] =	stream.indirect.scatter.add.f32 [tilespmem:s20], [sflag:$0x5], $0x80, s10, s24, $0xb8;
	[tilespmem:$0x1FC00] =	vst v63  }
0xae: {  	_ =	swait.ge [sflag:s31], $0x2000  }
0xaf: {  	[sflag:s31] =	ssyncset.done $0x0  }
0xb0: {  	s6 =	simm.s32 $0x3A80;
	[sflag:s31] =	ssyncadd.s32 $0xFFFFE000  }
0xb1: {  	[spmem:s2] =	stream.indirect.scatter.add.f32 [tilespmem:s25], [sflag:$0x6], $0x80, s6, s24, $0xb8;
	[tilespmem:$0x1FC00] =	vst v63  }
0xb2: {  	_ =	swait.ge [sflag:s1], $0x2000  }
0xb3: {  	[sflag:s1] =	ssyncset.done $0x0  }
0xb4: {  	s8 =	simm.s32 $0x3B00;
	[sflag:s1] =	ssyncadd.s32 $0xFFFFE000  }
0xb5: {  	[spmem:s2] =	stream.indirect.scatter.add.f32 [tilespmem:s28], [sflag:$0x7], $0x80, s8, s24, $0xb8;
	[tilespmem:$0x1FC00] =	vst v63  }
0xb6: {  	_ =	swait.ge [sflag:s19], $0x2000  }
0xb7: {  	[sflag:s19] =	ssyncset.done $0x0  }
0xb8: {  	s9 =	simm.s32 $0x3B80;
	[sflag:s19] =	ssyncadd.s32 $0xFFFFE000  }
0xb9: {  	[spmem:s2] =	stream.indirect.scatter.add.f32 [tilespmem:s30], [sflag:$0x8], $0x80, s9, s24, $0xb8;
	[tilespmem:$0x1FC00] =	vst v63  }
0xba: {  	_ =	swait.ge [sflag:s22], $0x2000  }
0xbb: {  	[sflag:s22] =	ssyncset.done $0x0  }
0xbc: {  	[sflag:s22] =	ssyncadd.s32 $0xFFFFE000  }
0xbd: {  	_ =	swait.ge [sflag:s23], $0x2000  }
0xbe: {  	[sflag:s23] =	ssyncset.done $0x0  }
0xbf: {  	[sflag:s23] =	ssyncadd.s32 $0xFFFFE000  }
0xc0: {  	_ =	swait.ge [sflag:s0], $0x2000  }
0xc1: {  	[sflag:s0] =	ssyncset.done $0x0  }
0xc2: {  	[sflag:s0] =	ssyncadd.s32 $0xFFFFE000  }
0xc3: {  	s10 =	stileid.u32;
	_ =	swait.ge [sflag:s26], $0x2000  }
0xc4: {  	s3 =	sadd.s32 $0x1, s3;
	s5 =	sshll.u32 s10, $0x6;
	[sflag:s26] =	ssyncset.done $0x0  }
0xc5: {  	p0 =	sne.s32 s3, s18;
	s5 =	sor.u32 $0x1C09, s5;
	[sflag:s26] =	ssyncadd.s32 $0xFFFFE000  }
.Ltmp2:
0xc6: {  	s6 =	sshrl.u32 s7, $0x3;
	[bflag:$0x0] =	sbarrier.arrive $0xFFFF;
	(pc) =	sbr.rel @p0 .LBB2_1-.Ltmp2, $4  }
0xc7: {  	[hbm:s17], [sflag:s5] =	dma.local [spmem:s6], $0x2800  }
0xc8: {  	_ =	swait.ge [sflag:s29], $0x2800  }
0xc9: {  	[sflag:s29] =	ssyncset.done $0x0  }
0xca: {  	[sflag:s29] =	ssyncadd.s32 $0xFFFFD800  }
0xcb: {  	_ =	sfence.sel $0x180000  }
0xcc: {  	[bflag:$0x0] =	sbarrier.arrive $0xFFFF  }
0xcd: {  	_ =	strace $0x90000050  }
0xce: {  	s0 =	stileid.u32;
	[bflag:$0x2] =	sbarrier.arrive $0xFFFF  }
0xcf: {  	p0 =	sne.s32 s0, $0x0;
	s0 =	rddreg [dreg:$0x3]  }
0xd0: {  	s0 =	sadd.s32 @!p0 $0x100000, s0  }
0xd1: {  	[sflag:s0] =	ssyncadd.tile.s32 @!p0 $0x1;
	_ =	shalt  }
.Lfunc_end2:
_tile_overlayer_lowered:
.L_overlay_start_2:
0xd2: {  	(tag) =	ssettag $0x2  }
0xd3: {  	s0 =	rddreg [dreg:$0x0];
	s2 =	stileid.u32  }
0xd4: {  	s1 =	rddreg [dreg:$0x1];
	p0 =	sne.s32 s2, $0x0  }
0xd5: {  	s3 =	rddreg [dreg:$0x2];
	[bflag:$0x3] =	sbarrier.arrive $0xFFFF;
	s2 =	simm.s32 @!p0 $0x1C09  }
0xd6: {  	[timem:s3], [sflag:s2] =	dma.local @!p0 [hbm:s0], s1  }
0xd7: {  	s0 =	simm.s32 @!p0 $0x9  }
0xd8: {  	_ =	swait.ge @!p0 [sflag:s0], s1  }
0xd9: {  	s1 =	ssub.s32 @!p0 $0x0, s1;
	[sflag:s0] =	ssyncset.done @!p0 $0x0  }
0xda: {  	[sflag:s0] =	ssyncadd.s32 @!p0 s1  }
0xdb: {  	[bflag:$0x3] =	sbarrier.arrive $0xFFFF  }
0xdc: {  	_ =	shalt  }

</sc_bundles>
